<compile_context>
chip_gen: v7x
topology: tpu7x:2x2x1
jax: 0.10.2.dev20260603
libtpu: 0.0.44.dev20260713+nightly
codegen_flags: <defaults>
</compile_context>

<pallas_src>
import functools

import jax
import jax.numpy as jnp
from jax import lax
from jax.experimental import pallas as pl
from jax.experimental.pallas import tpu as pltpu
from jax.experimental.pallas import tpu_sc as plsc

N = 10000
E = 320000
HID = 100
HP = 128
G = 128
L = 5

NC = 2
NS = 16
NW = NC * NS
EPW = E // NW
K = 125
NCH = EPW // K
NSEG = 2
CPS = NCH // NSEG
NP = 10112
RPS = NP // NS

BR = 2000

_mesh = plsc.VectorSubcoreMesh(
    core_axis_name="c", subcore_axis_name="s", num_cores=NC, num_subcores=NS)


@functools.cache
def _make_seg_sum(width):
    return functools.partial(
        pl.kernel,
        out_type=jax.ShapeDtypeStruct((NC, NP, width), jnp.float32),
        mesh=_mesh,
        scratch_types=[
            pltpu.VMEM((CPS, K), jnp.int32),
            pltpu.VMEM((CPS, K), jnp.int32),
            [pltpu.VMEM((K, width), jnp.float32) for _ in range(2)],
            pltpu.VMEM_SHARED((NP, width), jnp.float32),
            [pltpu.SemaphoreType.DMA for _ in range(2)],
        ],
    )(_seg_sum_body)


def _seg_sum(h, src, dst, zeros):
    return _make_seg_sum(h.shape[1])(h, src, dst, zeros)


def _seg_sum_body(h_hbm, src_hbm, dst_hbm, zero_hbm, out_hbm,
                  src_v, dst_v, bufs, acc_sh, gsem):
    c = lax.axis_index("c")
    s = lax.axis_index("s")
    w = s * NC + c
    pltpu.sync_copy(src_hbm.at[w, 0], src_v)
    pltpu.sync_copy(dst_hbm.at[w, 0], dst_v)
    for b in range(2):
        pltpu.async_copy(h_hbm.at[src_v.at[b]], bufs[b], gsem[b])

    @pl.when(c == 0)
    def _seed_h():
        @pl.when(s < NS - 1)
        def _full():
            pltpu.sync_copy(h_hbm.at[pl.ds(s * RPS, RPS)],
                            acc_sh.at[pl.ds(s * RPS, RPS)])

        @pl.when(s == NS - 1)
        def _tail():
            pltpu.sync_copy(h_hbm.at[pl.ds((NS - 1) * RPS, N - (NS - 1) * RPS)],
                            acc_sh.at[pl.ds((NS - 1) * RPS, N - (NS - 1) * RPS)])
            pltpu.sync_copy(zero_hbm.at[pl.ds(0, NP - N)],
                            acc_sh.at[pl.ds(N, NP - N)])

    @pl.when(c == 1)
    def _seed_zero():
        pltpu.sync_copy(zero_hbm, acc_sh.at[pl.ds(s * RPS, RPS)])

    plsc.subcore_barrier()

    for seg in range(NSEG):
        if seg > 0:
            pltpu.sync_copy(src_hbm.at[w, seg], src_v)
            pltpu.sync_copy(dst_hbm.at[w, seg], dst_v)
            for b in range(2):
                pltpu.async_copy(h_hbm.at[src_v.at[b]], bufs[b], gsem[b])

        def pair(j2, _):
            for b in range(2):
                j = j2 * 2 + b
                pltpu.make_async_copy(
                    h_hbm.at[src_v.at[j]], bufs[b], gsem[b]).wait()
                pltpu.sync_copy(bufs[b], acc_sh.at[dst_v.at[j]], add=True)

                @pl.when(j + 2 < CPS)
                def _next_gather():
                    pltpu.async_copy(
                        h_hbm.at[src_v.at[j + 2]], bufs[b], gsem[b])
            return ()

        lax.fori_loop(0, CPS // 2, pair, (), unroll=False)

    plsc.subcore_barrier()
    pltpu.sync_copy(acc_sh.at[pl.ds(s * RPS, RPS)],
                    out_hbm.at[c, pl.ds(s * RPS, RPS)])


def _gin_z(p0_ref, p1_ref, w1_ref, b1_ref, w2_ref, b2_ref):
    z = p0_ref[0] + p1_ref[0]
    z = jnp.dot(z, w1_ref[...], preferred_element_type=jnp.float32) + b1_ref[...]
    z = jnp.maximum(z, 0.0)
    return jnp.dot(z, w2_ref[...], preferred_element_type=jnp.float32) + b2_ref[...]


def _mlp_body(p0_ref, p1_ref, w1_ref, b1_ref, w2_ref, b2_ref, o_ref):
    z = _gin_z(p0_ref, p1_ref, w1_ref, b1_ref, w2_ref, b2_ref)
    o_ref[...] = jnp.maximum(z, 0.0)


def _mlp_specs():
    return [
        pl.BlockSpec((1, BR, HP), lambda i: (0, i, 0)),
        pl.BlockSpec((1, BR, HP), lambda i: (1, i, 0)),
        pl.BlockSpec((HP, HP), lambda i: (0, 0)),
        pl.BlockSpec((1, HP), lambda i: (0, 0)),
        pl.BlockSpec((HP, HP), lambda i: (0, 0)),
        pl.BlockSpec((1, HP), lambda i: (0, 0)),
    ]


def _mlp(parts, w1, b1, w2, b2):
    return pl.pallas_call(
        _mlp_body,
        grid=(N // BR,),
        in_specs=_mlp_specs(),
        out_specs=pl.BlockSpec((BR, HP), lambda i: (i, 0)),
        out_shape=jax.ShapeDtypeStruct((N, HP), jnp.float32),
    )(parts, parts, w1, b1, w2, b2)


def _mlp_pool_body(p0_ref, p1_ref, w1_ref, b1_ref, w2_ref, b2_ref,
                   lw_ref, lb_ref, bt_ref, o_ref, s_acc, c_acc):
    i = pl.program_id(0)

    @pl.when(i == 0)
    def _init():
        s_acc[...] = jnp.zeros_like(s_acc)
        c_acc[...] = jnp.zeros_like(c_acc)

    h = _gin_z(p0_ref, p1_ref, w1_ref, b1_ref, w2_ref, b2_ref)
    hl = jnp.dot(h, lw_ref[...], preferred_element_type=jnp.float32) + lb_ref[...]
    gid = lax.broadcasted_iota(jnp.int32, (BR, G), 1)
    p = jnp.where(bt_ref[...] == gid, 1.0, 0.0)
    dims = (((0,), (0,)), ((), ()))
    s_acc[...] += lax.dot_general(p, hl, dims,
                                  preferred_element_type=jnp.float32)
    c_acc[...] += lax.dot_general(p, jnp.ones((BR, G), jnp.float32), dims,
                                  preferred_element_type=jnp.float32)

    @pl.when(i == pl.num_programs(0) - 1)
    def _fin():
        o_ref[...] = s_acc[...] / jnp.maximum(c_acc[...], 1.0)


def _mlp_pool(parts, w1, b1, w2, b2, lw, lb, bt):
    return pl.pallas_call(
        _mlp_pool_body,
        grid=(N // BR,),
        in_specs=_mlp_specs() + [
            pl.BlockSpec((HP, G), lambda i: (0, 0)),
            pl.BlockSpec((1, G), lambda i: (0, 0)),
            pl.BlockSpec((BR, 1), lambda i: (i, 0)),
        ],
        out_specs=pl.BlockSpec((G, G), lambda i: (0, 0)),
        out_shape=jax.ShapeDtypeStruct((G, G), jnp.float32),
        scratch_shapes=[
            pltpu.VMEM((G, G), jnp.float32),
            pltpu.VMEM((G, G), jnp.float32),
        ],
    )(parts, parts, w1, b1, w2, b2, lw, lb, bt)


def kernel(x, edge_index, batch, W1_0, W1_r, b1, W2, b2, lin_W, lin_b):
    src = edge_index[0].reshape(NW, NSEG, CPS, K)
    dst = edge_index[1].reshape(NW, NSEG, CPS, K)
    zeros = jnp.zeros((RPS, HP), jnp.float32)

    pad_c = HP - HID
    w1s = [jnp.pad(W1_0, ((0, 0), (0, pad_c)))] + [
        jnp.pad(W1_r[i], ((0, pad_c), (0, pad_c))) for i in range(L - 1)]
    w2s = [jnp.pad(W2[i], ((0, pad_c), (0, pad_c))) for i in range(L)]
    b1s = [jnp.pad(b1[i], (0, pad_c)).reshape(1, HP) for i in range(L)]
    b2s = [jnp.pad(b2[i], (0, pad_c)).reshape(1, HP) for i in range(L)]
    lwp = jnp.pad(lin_W, ((0, pad_c), (0, 0)))
    lbp = lin_b.reshape(1, G)
    bt = batch.reshape(N, 1)

    h = x
    for i in range(L - 1):
        parts = _seg_sum(h, src, dst, zeros)
        h = _mlp(parts, w1s[i], b1s[i], w2s[i], b2s[i])
    parts = _seg_sum(h, src, dst, zeros)
    return _mlp_pool(parts, w1s[L - 1], b1s[L - 1], w2s[L - 1], b2s[L - 1],
                     lwp, lbp, bt)

# --- scband reference (transcript-rebuilt; emitter-appended) ---
"""Pipeline reference for scband-ginencoder-30133490549166 (READ-ONLY COPY).

The authoritative reference and input builder live on the scoring server;
editing this copy changes nothing except your own understanding.
"""

import jax, jax.numpy as jnp
import numpy as np

N_NODES = 10000
N_EDGES = 320000
D_IN = 128
HID = 100
NOUT = 128
N_GRAPHS = 128
N_LAYERS = 5


def setup_inputs(seed: int = 0) -> dict:
    key = jax.random.key(seed)
    ks = jax.random.split(key, 16)
    inp = {}
    inp["x"] = jax.random.normal(ks[0], (N_NODES, D_IN), dtype=jnp.float32)
    inp["edge_index"] = jax.random.randint(ks[1], (2, N_EDGES), 0, N_NODES, dtype=jnp.int32)
    inp["batch"] = jnp.sort(jax.random.randint(ks[2], (N_NODES,), 0, N_GRAPHS, dtype=jnp.int32))
    # GINConv MLP params: layer 0 maps D_IN->HID, layers 1..4 map HID->HID; all second linears HID->HID
    inp["W1_0"] = jax.random.normal(ks[3], (D_IN, HID), dtype=jnp.float32) * (1.0 / np.sqrt(D_IN))
    inp["W1_r"] = jax.random.normal(ks[4], (N_LAYERS - 1, HID, HID), dtype=jnp.float32) * (1.0 / np.sqrt(HID))
    inp["b1"] = jnp.zeros((N_LAYERS, HID), dtype=jnp.float32)
    inp["W2"] = jax.random.normal(ks[5], (N_LAYERS, HID, HID), dtype=jnp.float32) * (1.0 / np.sqrt(HID))
    inp["b2"] = jnp.zeros((N_LAYERS, HID), dtype=jnp.float32)
    inp["lin_W"] = jax.random.normal(ks[6], (HID, NOUT), dtype=jnp.float32) * (1.0 / np.sqrt(HID))
    inp["lin_b"] = jnp.zeros((NOUT,), dtype=jnp.float32)
    return inp


def reference(x, edge_index, batch, W1_0, W1_r, b1, W2, b2, lin_W, lin_b):
    src = edge_index[0]
    dst = edge_index[1]
    h = x
    for i in range(N_LAYERS):
        # GINConv: h' = MLP((1 + eps) * h + sum_{j in N(i)} h_j), eps = 0 initially
        agg = jax.ops.segment_sum(h[src], dst, num_segments=N_NODES)
        z = h + agg
        if i == 0:
            z = jnp.dot(z, W1_0) + b1[0]
        else:
            z = jnp.dot(z, W1_r[i - 1]) + b1[i]
        z = jax.nn.relu(z)
        z = jnp.dot(z, W2[i]) + b2[i]
        h = z
        if i < N_LAYERS - 1:
            h = jax.nn.relu(h)  # inter-layer activation; dropout=0 (eval) is identity
    # final linear hidden -> nout
    h = jnp.dot(h, lin_W) + lin_b
    # global_mean_pool over graph ids
    sums = jax.ops.segment_sum(h, batch, num_segments=N_GRAPHS)
    ones = jnp.ones((N_NODES, 1), dtype=h.dtype)
    counts = jax.ops.segment_sum(ones, batch, num_segments=N_GRAPHS)
    return sums / jnp.maximum(counts, 1.0)

if __name__ == "__main__":
    import jax
    _d = setup_inputs()
    print(jax.jit(kernel)(*tuple(_d.values())))

</pallas_src>

<mosaic_0001>
#map = affine_map<(d0, d1) -> (0, 0)>
#map1 = affine_map<(d0, d1) -> (0, 0, 0, 0)>
#map2 = affine_map<(d0, d1) -> (0, 0, 0)>
module attributes {stable_mosaic.version = 14 : i64} {
  func.func @_seg_sum_body(%arg0: i32, %arg1: i32, %arg2: memref<10000x128xf32, #tpu.memory_space<hbm>>, %arg3: memref<32x2x40x125xi32, #tpu.memory_space<hbm>>, %arg4: memref<32x2x40x125xi32, #tpu.memory_space<hbm>>, %arg5: memref<632x128xf32, #tpu.memory_space<hbm>>, %arg6: memref<2x10112x128xf32, #tpu.memory_space<hbm>>, %arg7: memref<40x125xi32, #tpu.memory_space<vmem>>, %arg8: memref<40x125xi32, #tpu.memory_space<vmem>>, %arg9: memref<125x128xf32, #tpu.memory_space<vmem>>, %arg10: memref<125x128xf32, #tpu.memory_space<vmem>>, %arg11: memref<10112x128xf32, #tpu.memory_space<vmem_shared>>, %arg12: memref<!tpu.dma_semaphore, #tpu.memory_space<semaphore_mem>>, %arg13: memref<!tpu.dma_semaphore, #tpu.memory_space<semaphore_mem>>) attributes {dimension_semantics = [#tpu.dimension_semantics<core_parallel>, #tpu.dimension_semantics<subcore_parallel>], iteration_bounds = array<i64: 2, 16>, scalar_prefetch = 0 : i64, scratch_operands = 7 : i64, tpu.core_type = #tpu.core_type<sc_vector_subcore>, window_params = [{transform_indices = #map}, {transform_indices = #map1}, {transform_indices = #map1}, {transform_indices = #map}, {transform_indices = #map2}]} {
    %mul3A = arith.constant 2 : i32
    %mul3A_0 = arith.muli %arg1, %mul3A : i32
    %add3A = arith.addi %mul3A_0, %arg0 : i32
    %run_scoped3A = arith.constant 0 : i32
    "tpu.region"() ({
      %run_scoped3A_52 = tpu.sem_alloc : memref<!tpu.dma_semaphore, #tpu.memory_space<semaphore_mem>>
      %dma_start3A_53 = arith.constant 0 : i32
      %dma_start3A_54 = arith.constant 0 : i32
      %dma_start3A_55 = tpu.memref_slice %arg3[%add3A, %run_scoped3A, %dma_start3A_53, %dma_start3A_54] : memref<32x2x40x125xi32, #tpu.memory_space<hbm>> -> memref<1x1x40x125xi32, #tpu.memory_space<hbm>>
      %dma_start3A_56 = tpu.memref_squeeze %dma_start3A_55 : memref<1x1x40x125xi32, #tpu.memory_space<hbm>> -> memref<40x125xi32, #tpu.memory_space<hbm>>
      %dma_start3A_57 = arith.constant 0 : i32
      %dma_start3A_58 = arith.constant 0 : i32
      %dma_start3A_59 = tpu.memref_slice %arg3[%add3A, %run_scoped3A, %dma_start3A_57, %dma_start3A_58] : memref<32x2x40x125xi32, #tpu.memory_space<hbm>> -> memref<1x1x40x125xi32, #tpu.memory_space<hbm>>
      %dma_start3A_60 = tpu.memref_squeeze %dma_start3A_59 : memref<1x1x40x125xi32, #tpu.memory_space<hbm>> -> memref<40x125xi32, #tpu.memory_space<hbm>>
      tpu.enqueue_dma source(%dma_start3A_60 : memref<40x125xi32, #tpu.memory_space<hbm>>) target(%arg7 : memref<40x125xi32, #tpu.memory_space<vmem>>) target_semaphore(%run_scoped3A_52 : memref<!tpu.dma_semaphore, #tpu.memory_space<semaphore_mem>>)
      %dma_wait3A = arith.constant 0 : i32
      %dma_wait3A_61 = arith.constant 0 : i32
      %dma_wait3A_62 = tpu.memref_slice %arg3[%add3A, %run_scoped3A, %dma_wait3A, %dma_wait3A_61] : memref<32x2x40x125xi32, #tpu.memory_space<hbm>> -> memref<1x1x40x125xi32, #tpu.memory_space<hbm>>
      %dma_wait3A_63 = tpu.memref_squeeze %dma_wait3A_62 : memref<1x1x40x125xi32, #tpu.memory_space<hbm>> -> memref<40x125xi32, #tpu.memory_space<hbm>>
      %dma_wait3A_64 = arith.constant 0 : i32
      %dma_wait3A_65 = arith.constant 0 : i32
      %dma_wait3A_66 = tpu.memref_slice %arg3[%add3A, %run_scoped3A, %dma_wait3A_64, %dma_wait3A_65] : memref<32x2x40x125xi32, #tpu.memory_space<hbm>> -> memref<1x1x40x125xi32, #tpu.memory_space<hbm>>
      %dma_wait3A_67 = tpu.memref_squeeze %dma_wait3A_66 : memref<1x1x40x125xi32, #tpu.memory_space<hbm>> -> memref<40x125xi32, #tpu.memory_space<hbm>>
      tpu.wait_dma2 semaphore(%run_scoped3A_52 : memref<!tpu.dma_semaphore, #tpu.memory_space<semaphore_mem>>) src(%dma_wait3A_67 : memref<40x125xi32, #tpu.memory_space<hbm>>) dst(%arg7 : memref<40x125xi32, #tpu.memory_space<vmem>>)
      tpu.yield
    }) : () -> ()
    %run_scoped3A_1 = arith.constant 0 : i32
    "tpu.region"() ({
      %run_scoped3A_52 = tpu.sem_alloc : memref<!tpu.dma_semaphore, #tpu.memory_space<semaphore_mem>>
      %dma_start3A_53 = arith.constant 0 : i32
      %dma_start3A_54 = arith.constant 0 : i32
      %dma_start3A_55 = tpu.memref_slice %arg4[%add3A, %run_scoped3A_1, %dma_start3A_53, %dma_start3A_54] : memref<32x2x40x125xi32, #tpu.memory_space<hbm>> -> memref<1x1x40x125xi32, #tpu.memory_space<hbm>>
      %dma_start3A_56 = tpu.memref_squeeze %dma_start3A_55 : memref<1x1x40x125xi32, #tpu.memory_space<hbm>> -> memref<40x125xi32, #tpu.memory_space<hbm>>
      %dma_start3A_57 = arith.constant 0 : i32
      %dma_start3A_58 = arith.constant 0 : i32
      %dma_start3A_59 = tpu.memref_slice %arg4[%add3A, %run_scoped3A_1, %dma_start3A_57, %dma_start3A_58] : memref<32x2x40x125xi32, #tpu.memory_space<hbm>> -> memref<1x1x40x125xi32, #tpu.memory_space<hbm>>
      %dma_start3A_60 = tpu.memref_squeeze %dma_start3A_59 : memref<1x1x40x125xi32, #tpu.memory_space<hbm>> -> memref<40x125xi32, #tpu.memory_space<hbm>>
      tpu.enqueue_dma source(%dma_start3A_60 : memref<40x125xi32, #tpu.memory_space<hbm>>) target(%arg8 : memref<40x125xi32, #tpu.memory_space<vmem>>) target_semaphore(%run_scoped3A_52 : memref<!tpu.dma_semaphore, #tpu.memory_space<semaphore_mem>>)
      %dma_wait3A = arith.constant 0 : i32
      %dma_wait3A_61 = arith.constant 0 : i32
      %dma_wait3A_62 = tpu.memref_slice %arg4[%add3A, %run_scoped3A_1, %dma_wait3A, %dma_wait3A_61] : memref<32x2x40x125xi32, #tpu.memory_space<hbm>> -> memref<1x1x40x125xi32, #tpu.memory_space<hbm>>
      %dma_wait3A_63 = tpu.memref_squeeze %dma_wait3A_62 : memref<1x1x40x125xi32, #tpu.memory_space<hbm>> -> memref<40x125xi32, #tpu.memory_space<hbm>>
      %dma_wait3A_64 = arith.constant 0 : i32
      %dma_wait3A_65 = arith.constant 0 : i32
      %dma_wait3A_66 = tpu.memref_slice %arg4[%add3A, %run_scoped3A_1, %dma_wait3A_64, %dma_wait3A_65] : memref<32x2x40x125xi32, #tpu.memory_space<hbm>> -> memref<1x1x40x125xi32, #tpu.memory_space<hbm>>
      %dma_wait3A_67 = tpu.memref_squeeze %dma_wait3A_66 : memref<1x1x40x125xi32, #tpu.memory_space<hbm>> -> memref<40x125xi32, #tpu.memory_space<hbm>>
      tpu.wait_dma2 semaphore(%run_scoped3A_52 : memref<!tpu.dma_semaphore, #tpu.memory_space<semaphore_mem>>) src(%dma_wait3A_67 : memref<40x125xi32, #tpu.memory_space<hbm>>) dst(%arg8 : memref<40x125xi32, #tpu.memory_space<vmem>>)
      tpu.yield
    }) : () -> ()
    %dma_start3A = arith.constant 0 : i32
    %dma_start3A_2 = arith.constant 0 : i32
    %dma_start3A_3 = tpu.memref_slice %arg7[%dma_start3A, %dma_start3A_2] : memref<40x125xi32, #tpu.memory_space<vmem>> -> memref<1x125xi32, #tpu.memory_space<vmem>>
    %dma_start3A_4 = tpu.memref_squeeze %dma_start3A_3 : memref<1x125xi32, #tpu.memory_space<vmem>> -> memref<125xi32, #tpu.memory_space<vmem>>
    %dma_start3A_5 = arith.constant 0 : i32
    %dma_start3A_6 = arith.constant 0 : i32
    %dma_start3A_7 = tpu.memref_slice %arg2[%dma_start3A_5, %dma_start3A_6] : memref<10000x128xf32, #tpu.memory_space<hbm>> -> memref<10000x128xf32, #tpu.memory_space<hbm>>
    tpu.enqueue_indirect_dma source(%dma_start3A_7 : memref<10000x128xf32, #tpu.memory_space<hbm>>) target(%arg9 : memref<125x128xf32, #tpu.memory_space<vmem>>) offsets(%dma_start3A_4 : memref<125xi32, #tpu.memory_space<vmem>>) semaphore(%arg12 : memref<!tpu.dma_semaphore, #tpu.memory_space<semaphore_mem>>)
    %dma_start3A_8 = arith.constant 1 : i32
    %dma_start3A_9 = arith.constant 0 : i32
    %dma_start3A_10 = tpu.memref_slice %arg7[%dma_start3A_8, %dma_start3A_9] : memref<40x125xi32, #tpu.memory_space<vmem>> -> memref<1x125xi32, #tpu.memory_space<vmem>>
    %dma_start3A_11 = tpu.memref_squeeze %dma_start3A_10 : memref<1x125xi32, #tpu.memory_space<vmem>> -> memref<125xi32, #tpu.memory_space<vmem>>
    %dma_start3A_12 = arith.constant 0 : i32
    %dma_start3A_13 = arith.constant 0 : i32
    %dma_start3A_14 = tpu.memref_slice %arg2[%dma_start3A_12, %dma_start3A_13] : memref<10000x128xf32, #tpu.memory_space<hbm>> -> memref<10000x128xf32, #tpu.memory_space<hbm>>
    tpu.enqueue_indirect_dma source(%dma_start3A_14 : memref<10000x128xf32, #tpu.memory_space<hbm>>) target(%arg10 : memref<125x128xf32, #tpu.memory_space<vmem>>) offsets(%dma_start3A_11 : memref<125xi32, #tpu.memory_space<vmem>>) semaphore(%arg13 : memref<!tpu.dma_semaphore, #tpu.memory_space<semaphore_mem>>)
    %eq3A = arith.constant 0 : i32
    %eq3A_15 = arith.cmpi eq, %arg0, %eq3A : i32
    %convert_element_type3A = arith.extui %eq3A_15 : i1 to i32
    %cond3A = arith.constant 0 : i32
    %cond3A_16 = arith.cmpi ne, %convert_element_type3A, %cond3A : i32
    scf.if %cond3A_16 {
      %lt3A = arith.constant 15 : i32
      %lt3A_52 = arith.cmpi slt, %arg1, %lt3A : i32
      %convert_element_type3A_53 = arith.extui %lt3A_52 : i1 to i32
      %cond3A_54 = arith.constant 0 : i32
      %cond3A_55 = arith.cmpi ne, %convert_element_type3A_53, %cond3A_54 : i32
      scf.if %cond3A_55 {
        %mul3A_61 = arith.constant 632 : i32
        %mul3A_62 = arith.muli %arg1, %mul3A_61 : i32
        %mul3A_63 = arith.constant 632 : i32
        %mul3A_64 = arith.muli %arg1, %mul3A_63 : i32
        "tpu.region"() ({
          %run_scoped3A_65 = tpu.sem_alloc : memref<!tpu.dma_semaphore, #tpu.memory_space<semaphore_mem>>
          %dma_start3A_66 = arith.constant 0 : i32
          %dma_start3A_67 = tpu.memref_slice %arg11[%mul3A_64, %dma_start3A_66] : memref<10112x128xf32, #tpu.memory_space<vmem_shared>> -> memref<632x128xf32, #tpu.memory_space<vmem_shared>>
          %dma_start3A_68 = arith.constant 0 : i32
          %dma_start3A_69 = tpu.memref_slice %arg2[%mul3A_62, %dma_start3A_68] : memref<10000x128xf32, #tpu.memory_space<hbm>> -> memref<632x128xf32, #tpu.memory_space<hbm>>
          tpu.enqueue_dma source(%dma_start3A_69 : memref<632x128xf32, #tpu.memory_space<hbm>>) target(%dma_start3A_67 : memref<632x128xf32, #tpu.memory_space<vmem_shared>>) target_semaphore(%run_scoped3A_65 : memref<!tpu.dma_semaphore, #tpu.memory_space<semaphore_mem>>)
          %dma_wait3A = arith.constant 0 : i32
          %dma_wait3A_70 = tpu.memref_slice %arg11[%mul3A_64, %dma_wait3A] : memref<10112x128xf32, #tpu.memory_space<vmem_shared>> -> memref<632x128xf32, #tpu.memory_space<vmem_shared>>
          %dma_wait3A_71 = arith.constant 0 : i32
          %dma_wait3A_72 = tpu.memref_slice %arg2[%mul3A_62, %dma_wait3A_71] : memref<10000x128xf32, #tpu.memory_space<hbm>> -> memref<632x128xf32, #tpu.memory_space<hbm>>
          tpu.wait_dma2 semaphore(%run_scoped3A_65 : memref<!tpu.dma_semaphore, #tpu.memory_space<semaphore_mem>>) src(%dma_wait3A_72 : memref<632x128xf32, #tpu.memory_space<hbm>>) dst(%dma_wait3A_70 : memref<632x128xf32, #tpu.memory_space<vmem_shared>>)
          tpu.yield
        }) : () -> ()
      } else {
      }
      %eq3A_56 = arith.constant 15 : i32
      %eq3A_57 = arith.cmpi eq, %arg1, %eq3A_56 : i32
      %convert_element_type3A_58 = arith.extui %eq3A_57 : i1 to i32
      %cond3A_59 = arith.constant 0 : i32
      %cond3A_60 = arith.cmpi ne, %convert_element_type3A_58, %cond3A_59 : i32
      scf.if %cond3A_60 {
        "tpu.region"() ({
          %run_scoped3A_61 = tpu.sem_alloc : memref<!tpu.dma_semaphore, #tpu.memory_space<semaphore_mem>>
          %dma_start3A_62 = arith.constant 9480 : i32
          %dma_start3A_63 = arith.constant 0 : i32
          %dma_start3A_64 = tpu.memref_slice %arg11[%dma_start3A_62, %dma_start3A_63] : memref<10112x128xf32, #tpu.memory_space<vmem_shared>> -> memref<520x128xf32, #tpu.memory_space<vmem_shared>>
          %dma_start3A_65 = arith.constant 9480 : i32
          %dma_start3A_66 = arith.constant 0 : i32
          %dma_start3A_67 = tpu.memref_slice %arg2[%dma_start3A_65, %dma_start3A_66] : memref<10000x128xf32, #tpu.memory_space<hbm>> -> memref<520x128xf32, #tpu.memory_space<hbm>>
          tpu.enqueue_dma source(%dma_start3A_67 : memref<520x128xf32, #tpu.memory_space<hbm>>) target(%dma_start3A_64 : memref<520x128xf32, #tpu.memory_space<vmem_shared>>) target_semaphore(%run_scoped3A_61 : memref<!tpu.dma_semaphore, #tpu.memory_space<semaphore_mem>>)
          %dma_wait3A = arith.constant 9480 : i32
          %dma_wait3A_68 = arith.constant 0 : i32
          %dma_wait3A_69 = tpu.memref_slice %arg11[%dma_wait3A, %dma_wait3A_68] : memref<10112x128xf32, #tpu.memory_space<vmem_shared>> -> memref<520x128xf32, #tpu.memory_space<vmem_shared>>
          %dma_wait3A_70 = arith.constant 9480 : i32
          %dma_wait3A_71 = arith.constant 0 : i32
          %dma_wait3A_72 = tpu.memref_slice %arg2[%dma_wait3A_70, %dma_wait3A_71] : memref<10000x128xf32, #tpu.memory_space<hbm>> -> memref<520x128xf32, #tpu.memory_space<hbm>>
          tpu.wait_dma2 semaphore(%run_scoped3A_61 : memref<!tpu.dma_semaphore, #tpu.memory_space<semaphore_mem>>) src(%dma_wait3A_72 : memref<520x128xf32, #tpu.memory_space<hbm>>) dst(%dma_wait3A_69 : memref<520x128xf32, #tpu.memory_space<vmem_shared>>)
          tpu.yield
        }) : () -> ()
        "tpu.region"() ({
          %run_scoped3A_61 = tpu.sem_alloc : memref<!tpu.dma_semaphore, #tpu.memory_space<semaphore_mem>>
          %dma_start3A_62 = arith.constant 10000 : i32
          %dma_start3A_63 = arith.constant 0 : i32
          %dma_start3A_64 = tpu.memref_slice %arg11[%dma_start3A_62, %dma_start3A_63] : memref<10112x128xf32, #tpu.memory_space<vmem_shared>> -> memref<112x128xf32, #tpu.memory_space<vmem_shared>>
          %dma_start3A_65 = arith.constant 0 : i32
          %dma_start3A_66 = arith.constant 0 : i32
          %dma_start3A_67 = tpu.memref_slice %arg5[%dma_start3A_65, %dma_start3A_66] : memref<632x128xf32, #tpu.memory_space<hbm>> -> memref<112x128xf32, #tpu.memory_space<hbm>>
          tpu.enqueue_dma source(%dma_start3A_67 : memref<112x128xf32, #tpu.memory_space<hbm>>) target(%dma_start3A_64 : memref<112x128xf32, #tpu.memory_space<vmem_shared>>) target_semaphore(%run_scoped3A_61 : memref<!tpu.dma_semaphore, #tpu.memory_space<semaphore_mem>>)
          %dma_wait3A = arith.constant 10000 : i32
          %dma_wait3A_68 = arith.constant 0 : i32
          %dma_wait3A_69 = tpu.memref_slice %arg11[%dma_wait3A, %dma_wait3A_68] : memref<10112x128xf32, #tpu.memory_space<vmem_shared>> -> memref<112x128xf32, #tpu.memory_space<vmem_shared>>
          %dma_wait3A_70 = arith.constant 0 : i32
          %dma_wait3A_71 = arith.constant 0 : i32
          %dma_wait3A_72 = tpu.memref_slice %arg5[%dma_wait3A_70, %dma_wait3A_71] : memref<632x128xf32, #tpu.memory_space<hbm>> -> memref<112x128xf32, #tpu.memory_space<hbm>>
          tpu.wait_dma2 semaphore(%run_scoped3A_61 : memref<!tpu.dma_semaphore, #tpu.memory_space<semaphore_mem>>) src(%dma_wait3A_72 : memref<112x128xf32, #tpu.memory_space<hbm>>) dst(%dma_wait3A_69 : memref<112x128xf32, #tpu.memory_space<vmem_shared>>)
          tpu.yield
        }) : () -> ()
      } else {
      }
    } else {
    }
    %eq3A_17 = arith.constant 1 : i32
    %eq3A_18 = arith.cmpi eq, %arg0, %eq3A_17 : i32
    %convert_element_type3A_19 = arith.extui %eq3A_18 : i1 to i32
    %cond3A_20 = arith.constant 0 : i32
    %cond3A_21 = arith.cmpi ne, %convert_element_type3A_19, %cond3A_20 : i32
    scf.if %cond3A_21 {
      %mul3A_52 = arith.constant 632 : i32
      %mul3A_53 = arith.muli %arg1, %mul3A_52 : i32
      "tpu.region"() ({
        %run_scoped3A_54 = tpu.sem_alloc : memref<!tpu.dma_semaphore, #tpu.memory_space<semaphore_mem>>
        %dma_start3A_55 = arith.constant 0 : i32
        %dma_start3A_56 = tpu.memref_slice %arg11[%mul3A_53, %dma_start3A_55] : memref<10112x128xf32, #tpu.memory_space<vmem_shared>> -> memref<632x128xf32, #tpu.memory_space<vmem_shared>>
        tpu.enqueue_dma source(%arg5 : memref<632x128xf32, #tpu.memory_space<hbm>>) target(%dma_start3A_56 : memref<632x128xf32, #tpu.memory_space<vmem_shared>>) target_semaphore(%run_scoped3A_54 : memref<!tpu.dma_semaphore, #tpu.memory_space<semaphore_mem>>)
        %dma_wait3A = arith.constant 0 : i32
        %dma_wait3A_57 = tpu.memref_slice %arg11[%mul3A_53, %dma_wait3A] : memref<10112x128xf32, #tpu.memory_space<vmem_shared>> -> memref<632x128xf32, #tpu.memory_space<vmem_shared>>
        tpu.wait_dma2 semaphore(%run_scoped3A_54 : memref<!tpu.dma_semaphore, #tpu.memory_space<semaphore_mem>>) src(%arg5 : memref<632x128xf32, #tpu.memory_space<hbm>>) dst(%dma_wait3A_57 : memref<632x128xf32, #tpu.memory_space<vmem_shared>>)
        tpu.yield
      }) : () -> ()
    } else {
    }
    %barrier3A = arith.constant 0 : index
    tpu.barrier barrier_id(%barrier3A)
    %scan3A = arith.constant 0 : i32
    %scan3A_22 = arith.constant 20 : i32
    %scan3A_23 = arith.addi %scan3A, %scan3A_22 : i32
    %scan3A_24 = arith.constant 1 : i32
    scf.for %scan3A_52 = %scan3A to %scan3A_23 step %scan3A_24  : i32 {
      %mul3A_53 = arith.constant 2 : i32
      %mul3A_54 = arith.muli %scan3A_52, %mul3A_53 : i32
      %add3A_55 = arith.constant 0 : i32
      %add3A_56 = arith.addi %mul3A_54, %add3A_55 : i32
      %dma_wait3A = arith.constant 0 : i32
      %dma_wait3A_57 = tpu.memref_slice %arg7[%add3A_56, %dma_wait3A] : memref<40x125xi32, #tpu.memory_space<vmem>> -> memref<1x125xi32, #tpu.memory_space<vmem>>
      %dma_wait3A_58 = tpu.memref_squeeze %dma_wait3A_57 : memref<1x125xi32, #tpu.memory_space<vmem>> -> memref<125xi32, #tpu.memory_space<vmem>>
      %dma_wait3A_59 = arith.constant 0 : i32
      %dma_wait3A_60 = arith.constant 0 : i32
      %dma_wait3A_61 = tpu.memref_slice %arg2[%dma_wait3A_59, %dma_wait3A_60] : memref<10000x128xf32, #tpu.memory_space<hbm>> -> memref<10000x128xf32, #tpu.memory_space<hbm>>
      tpu.wait_indirect_dma semaphore(%arg12 : memref<!tpu.dma_semaphore, #tpu.memory_space<semaphore_mem>>) src(%dma_wait3A_61 : memref<10000x128xf32, #tpu.memory_space<hbm>>) dst(%arg9 : memref<125x128xf32, #tpu.memory_space<vmem>>)
      "tpu.region"() ({
        %run_scoped3A_85 = tpu.sem_alloc : memref<!tpu.dma_semaphore, #tpu.memory_space<semaphore_mem>>
        %dma_start3A_86 = arith.constant 0 : i32
        %dma_start3A_87 = tpu.memref_slice %arg8[%add3A_56, %dma_start3A_86] : memref<40x125xi32, #tpu.memory_space<vmem>> -> memref<1x125xi32, #tpu.memory_space<vmem>>
        %dma_start3A_88 = tpu.memref_squeeze %dma_start3A_87 : memref<1x125xi32, #tpu.memory_space<vmem>> -> memref<125xi32, #tpu.memory_space<vmem>>
        %dma_start3A_89 = arith.constant 0 : i32
        %dma_start3A_90 = arith.constant 0 : i32
        %dma_start3A_91 = tpu.memref_slice %arg11[%dma_start3A_89, %dma_start3A_90] : memref<10112x128xf32, #tpu.memory_space<vmem_shared>> -> memref<10112x128xf32, #tpu.memory_space<vmem_shared>>
        tpu.enqueue_indirect_dma source(%arg9 : memref<125x128xf32, #tpu.memory_space<vmem>>) target(%dma_start3A_91 : memref<10112x128xf32, #tpu.memory_space<vmem_shared>>) offsets(%dma_start3A_88 : memref<125xi32, #tpu.memory_space<vmem>>) semaphore(%run_scoped3A_85 : memref<!tpu.dma_semaphore, #tpu.memory_space<semaphore_mem>>) {add = true}
        %dma_wait3A_92 = arith.constant 0 : i32
        %dma_wait3A_93 = tpu.memref_slice %arg8[%add3A_56, %dma_wait3A_92] : memref<40x125xi32, #tpu.memory_space<vmem>> -> memref<1x125xi32, #tpu.memory_space<vmem>>
        %dma_wait3A_94 = tpu.memref_squeeze %dma_wait3A_93 : memref<1x125xi32, #tpu.memory_space<vmem>> -> memref<125xi32, #tpu.memory_space<vmem>>
        %dma_wait3A_95 = arith.constant 0 : i32
        %dma_wait3A_96 = arith.constant 0 : i32
        %dma_wait3A_97 = tpu.memref_slice %arg11[%dma_wait3A_95, %dma_wait3A_96] : memref<10112x128xf32, #tpu.memory_space<vmem_shared>> -> memref<10112x128xf32, #tpu.memory_space<vmem_shared>>
        tpu.wait_indirect_dma semaphore(%run_scoped3A_85 : memref<!tpu.dma_semaphore, #tpu.memory_space<semaphore_mem>>) src(%arg9 : memref<125x128xf32, #tpu.memory_space<vmem>>) dst(%dma_wait3A_97 : memref<10112x128xf32, #tpu.memory_space<vmem_shared>>)
        tpu.yield
      }) : () -> ()
      %add3A_62 = arith.constant 2 : i32
      %add3A_63 = arith.addi %add3A_56, %add3A_62 : i32
      %lt3A = arith.constant 40 : i32
      %lt3A_64 = arith.cmpi slt, %add3A_63, %lt3A : i32
      %convert_element_type3A_65 = arith.extui %lt3A_64 : i1 to i32
      %cond3A_66 = arith.constant 0 : i32
      %cond3A_67 = arith.cmpi ne, %convert_element_type3A_65, %cond3A_66 : i32
      scf.if %cond3A_67 {
        %add3A_85 = arith.constant 2 : i32
        %add3A_86 = arith.addi %add3A_56, %add3A_85 : i32
        %dma_start3A_87 = arith.constant 0 : i32
        %dma_start3A_88 = tpu.memref_slice %arg7[%add3A_86, %dma_start3A_87] : memref<40x125xi32, #tpu.memory_space<vmem>> -> memref<1x125xi32, #tpu.memory_space<vmem>>
        %dma_start3A_89 = tpu.memref_squeeze %dma_start3A_88 : memref<1x125xi32, #tpu.memory_space<vmem>> -> memref<125xi32, #tpu.memory_space<vmem>>
        %dma_start3A_90 = arith.constant 0 : i32
        %dma_start3A_91 = arith.constant 0 : i32
        %dma_start3A_92 = tpu.memref_slice %arg2[%dma_start3A_90, %dma_start3A_91] : memref<10000x128xf32, #tpu.memory_space<hbm>> -> memref<10000x128xf32, #tpu.memory_space<hbm>>
        tpu.enqueue_indirect_dma source(%dma_start3A_92 : memref<10000x128xf32, #tpu.memory_space<hbm>>) target(%arg9 : memref<125x128xf32, #tpu.memory_space<vmem>>) offsets(%dma_start3A_89 : memref<125xi32, #tpu.memory_space<vmem>>) semaphore(%arg12 : memref<!tpu.dma_semaphore, #tpu.memory_space<semaphore_mem>>)
      } else {
      }
      %mul3A_68 = arith.constant 2 : i32
      %mul3A_69 = arith.muli %scan3A_52, %mul3A_68 : i32
      %add3A_70 = arith.constant 1 : i32
      %add3A_71 = arith.addi %mul3A_69, %add3A_70 : i32
      %dma_wait3A_72 = arith.constant 0 : i32
      %dma_wait3A_73 = tpu.memref_slice %arg7[%add3A_71, %dma_wait3A_72] : memref<40x125xi32, #tpu.memory_space<vmem>> -> memref<1x125xi32, #tpu.memory_space<vmem>>
      %dma_wait3A_74 = tpu.memref_squeeze %dma_wait3A_73 : memref<1x125xi32, #tpu.memory_space<vmem>> -> memref<125xi32, #tpu.memory_space<vmem>>
      %dma_wait3A_75 = arith.constant 0 : i32
      %dma_wait3A_76 = arith.constant 0 : i32
      %dma_wait3A_77 = tpu.memref_slice %arg2[%dma_wait3A_75, %dma_wait3A_76] : memref<10000x128xf32, #tpu.memory_space<hbm>> -> memref<10000x128xf32, #tpu.memory_space<hbm>>
      tpu.wait_indirect_dma semaphore(%arg13 : memref<!tpu.dma_semaphore, #tpu.memory_space<semaphore_mem>>) src(%dma_wait3A_77 : memref<10000x128xf32, #tpu.memory_space<hbm>>) dst(%arg10 : memref<125x128xf32, #tpu.memory_space<vmem>>)
      "tpu.region"() ({
        %run_scoped3A_85 = tpu.sem_alloc : memref<!tpu.dma_semaphore, #tpu.memory_space<semaphore_mem>>
        %dma_start3A_86 = arith.constant 0 : i32
        %dma_start3A_87 = tpu.memref_slice %arg8[%add3A_71, %dma_start3A_86] : memref<40x125xi32, #tpu.memory_space<vmem>> -> memref<1x125xi32, #tpu.memory_space<vmem>>
        %dma_start3A_88 = tpu.memref_squeeze %dma_start3A_87 : memref<1x125xi32, #tpu.memory_space<vmem>> -> memref<125xi32, #tpu.memory_space<vmem>>
        %dma_start3A_89 = arith.constant 0 : i32
        %dma_start3A_90 = arith.constant 0 : i32
        %dma_start3A_91 = tpu.memref_slice %arg11[%dma_start3A_89, %dma_start3A_90] : memref<10112x128xf32, #tpu.memory_space<vmem_shared>> -> memref<10112x128xf32, #tpu.memory_space<vmem_shared>>
        tpu.enqueue_indirect_dma source(%arg10 : memref<125x128xf32, #tpu.memory_space<vmem>>) target(%dma_start3A_91 : memref<10112x128xf32, #tpu.memory_space<vmem_shared>>) offsets(%dma_start3A_88 : memref<125xi32, #tpu.memory_space<vmem>>) semaphore(%run_scoped3A_85 : memref<!tpu.dma_semaphore, #tpu.memory_space<semaphore_mem>>) {add = true}
        %dma_wait3A_92 = arith.constant 0 : i32
        %dma_wait3A_93 = tpu.memref_slice %arg8[%add3A_71, %dma_wait3A_92] : memref<40x125xi32, #tpu.memory_space<vmem>> -> memref<1x125xi32, #tpu.memory_space<vmem>>
        %dma_wait3A_94 = tpu.memref_squeeze %dma_wait3A_93 : memref<1x125xi32, #tpu.memory_space<vmem>> -> memref<125xi32, #tpu.memory_space<vmem>>
        %dma_wait3A_95 = arith.constant 0 : i32
        %dma_wait3A_96 = arith.constant 0 : i32
        %dma_wait3A_97 = tpu.memref_slice %arg11[%dma_wait3A_95, %dma_wait3A_96] : memref<10112x128xf32, #tpu.memory_space<vmem_shared>> -> memref<10112x128xf32, #tpu.memory_space<vmem_shared>>
        tpu.wait_indirect_dma semaphore(%run_scoped3A_85 : memref<!tpu.dma_semaphore, #tpu.memory_space<semaphore_mem>>) src(%arg10 : memref<125x128xf32, #tpu.memory_space<vmem>>) dst(%dma_wait3A_97 : memref<10112x128xf32, #tpu.memory_space<vmem_shared>>)
        tpu.yield
      }) : () -> ()
      %add3A_78 = arith.constant 2 : i32
      %add3A_79 = arith.addi %add3A_71, %add3A_78 : i32
      %lt3A_80 = arith.constant 40 : i32
      %lt3A_81 = arith.cmpi slt, %add3A_79, %lt3A_80 : i32
      %convert_element_type3A_82 = arith.extui %lt3A_81 : i1 to i32
      %cond3A_83 = arith.constant 0 : i32
      %cond3A_84 = arith.cmpi ne, %convert_element_type3A_82, %cond3A_83 : i32
      scf.if %cond3A_84 {
        %add3A_85 = arith.constant 2 : i32
        %add3A_86 = arith.addi %add3A_71, %add3A_85 : i32
        %dma_start3A_87 = arith.constant 0 : i32
        %dma_start3A_88 = tpu.memref_slice %arg7[%add3A_86, %dma_start3A_87] : memref<40x125xi32, #tpu.memory_space<vmem>> -> memref<1x125xi32, #tpu.memory_space<vmem>>
        %dma_start3A_89 = tpu.memref_squeeze %dma_start3A_88 : memref<1x125xi32, #tpu.memory_space<vmem>> -> memref<125xi32, #tpu.memory_space<vmem>>
        %dma_start3A_90 = arith.constant 0 : i32
        %dma_start3A_91 = arith.constant 0 : i32
        %dma_start3A_92 = tpu.memref_slice %arg2[%dma_start3A_90, %dma_start3A_91] : memref<10000x128xf32, #tpu.memory_space<hbm>> -> memref<10000x128xf32, #tpu.memory_space<hbm>>
        tpu.enqueue_indirect_dma source(%dma_start3A_92 : memref<10000x128xf32, #tpu.memory_space<hbm>>) target(%arg10 : memref<125x128xf32, #tpu.memory_space<vmem>>) offsets(%dma_start3A_89 : memref<125xi32, #tpu.memory_space<vmem>>) semaphore(%arg13 : memref<!tpu.dma_semaphore, #tpu.memory_space<semaphore_mem>>)
      } else {
      }
    }
    %scan3A_25 = arith.constant 20 : i32
    %run_scoped3A_26 = arith.constant 1 : i32
    "tpu.region"() ({
      %run_scoped3A_52 = tpu.sem_alloc : memref<!tpu.dma_semaphore, #tpu.memory_space<semaphore_mem>>
      %dma_start3A_53 = arith.constant 0 : i32
      %dma_start3A_54 = arith.constant 0 : i32
      %dma_start3A_55 = tpu.memref_slice %arg3[%add3A, %run_scoped3A_26, %dma_start3A_53, %dma_start3A_54] : memref<32x2x40x125xi32, #tpu.memory_space<hbm>> -> memref<1x1x40x125xi32, #tpu.memory_space<hbm>>
      %dma_start3A_56 = tpu.memref_squeeze %dma_start3A_55 : memref<1x1x40x125xi32, #tpu.memory_space<hbm>> -> memref<40x125xi32, #tpu.memory_space<hbm>>
      %dma_start3A_57 = arith.constant 0 : i32
      %dma_start3A_58 = arith.constant 0 : i32
      %dma_start3A_59 = tpu.memref_slice %arg3[%add3A, %run_scoped3A_26, %dma_start3A_57, %dma_start3A_58] : memref<32x2x40x125xi32, #tpu.memory_space<hbm>> -> memref<1x1x40x125xi32, #tpu.memory_space<hbm>>
      %dma_start3A_60 = tpu.memref_squeeze %dma_start3A_59 : memref<1x1x40x125xi32, #tpu.memory_space<hbm>> -> memref<40x125xi32, #tpu.memory_space<hbm>>
      tpu.enqueue_dma source(%dma_start3A_60 : memref<40x125xi32, #tpu.memory_space<hbm>>) target(%arg7 : memref<40x125xi32, #tpu.memory_space<vmem>>) target_semaphore(%run_scoped3A_52 : memref<!tpu.dma_semaphore, #tpu.memory_space<semaphore_mem>>)
      %dma_wait3A = arith.constant 0 : i32
      %dma_wait3A_61 = arith.constant 0 : i32
      %dma_wait3A_62 = tpu.memref_slice %arg3[%add3A, %run_scoped3A_26, %dma_wait3A, %dma_wait3A_61] : memref<32x2x40x125xi32, #tpu.memory_space<hbm>> -> memref<1x1x40x125xi32, #tpu.memory_space<hbm>>
      %dma_wait3A_63 = tpu.memref_squeeze %dma_wait3A_62 : memref<1x1x40x125xi32, #tpu.memory_space<hbm>> -> memref<40x125xi32, #tpu.memory_space<hbm>>
      %dma_wait3A_64 = arith.constant 0 : i32
      %dma_wait3A_65 = arith.constant 0 : i32
      %dma_wait3A_66 = tpu.memref_slice %arg3[%add3A, %run_scoped3A_26, %dma_wait3A_64, %dma_wait3A_65] : memref<32x2x40x125xi32, #tpu.memory_space<hbm>> -> memref<1x1x40x125xi32, #tpu.memory_space<hbm>>
      %dma_wait3A_67 = tpu.memref_squeeze %dma_wait3A_66 : memref<1x1x40x125xi32, #tpu.memory_space<hbm>> -> memref<40x125xi32, #tpu.memory_space<hbm>>
      tpu.wait_dma2 semaphore(%run_scoped3A_52 : memref<!tpu.dma_semaphore, #tpu.memory_space<semaphore_mem>>) src(%dma_wait3A_67 : memref<40x125xi32, #tpu.memory_space<hbm>>) dst(%arg7 : memref<40x125xi32, #tpu.memory_space<vmem>>)
      tpu.yield
    }) : () -> ()
    %run_scoped3A_27 = arith.constant 1 : i32
    "tpu.region"() ({
      %run_scoped3A_52 = tpu.sem_alloc : memref<!tpu.dma_semaphore, #tpu.memory_space<semaphore_mem>>
      %dma_start3A_53 = arith.constant 0 : i32
      %dma_start3A_54 = arith.constant 0 : i32
      %dma_start3A_55 = tpu.memref_slice %arg4[%add3A, %run_scoped3A_27, %dma_start3A_53, %dma_start3A_54] : memref<32x2x40x125xi32, #tpu.memory_space<hbm>> -> memref<1x1x40x125xi32, #tpu.memory_space<hbm>>
      %dma_start3A_56 = tpu.memref_squeeze %dma_start3A_55 : memref<1x1x40x125xi32, #tpu.memory_space<hbm>> -> memref<40x125xi32, #tpu.memory_space<hbm>>
      %dma_start3A_57 = arith.constant 0 : i32
      %dma_start3A_58 = arith.constant 0 : i32
      %dma_start3A_59 = tpu.memref_slice %arg4[%add3A, %run_scoped3A_27, %dma_start3A_57, %dma_start3A_58] : memref<32x2x40x125xi32, #tpu.memory_space<hbm>> -> memref<1x1x40x125xi32, #tpu.memory_space<hbm>>
      %dma_start3A_60 = tpu.memref_squeeze %dma_start3A_59 : memref<1x1x40x125xi32, #tpu.memory_space<hbm>> -> memref<40x125xi32, #tpu.memory_space<hbm>>
      tpu.enqueue_dma source(%dma_start3A_60 : memref<40x125xi32, #tpu.memory_space<hbm>>) target(%arg8 : memref<40x125xi32, #tpu.memory_space<vmem>>) target_semaphore(%run_scoped3A_52 : memref<!tpu.dma_semaphore, #tpu.memory_space<semaphore_mem>>)
      %dma_wait3A = arith.constant 0 : i32
      %dma_wait3A_61 = arith.constant 0 : i32
      %dma_wait3A_62 = tpu.memref_slice %arg4[%add3A, %run_scoped3A_27, %dma_wait3A, %dma_wait3A_61] : memref<32x2x40x125xi32, #tpu.memory_space<hbm>> -> memref<1x1x40x125xi32, #tpu.memory_space<hbm>>
      %dma_wait3A_63 = tpu.memref_squeeze %dma_wait3A_62 : memref<1x1x40x125xi32, #tpu.memory_space<hbm>> -> memref<40x125xi32, #tpu.memory_space<hbm>>
      %dma_wait3A_64 = arith.constant 0 : i32
      %dma_wait3A_65 = arith.constant 0 : i32
      %dma_wait3A_66 = tpu.memref_slice %arg4[%add3A, %run_scoped3A_27, %dma_wait3A_64, %dma_wait3A_65] : memref<32x2x40x125xi32, #tpu.memory_space<hbm>> -> memref<1x1x40x125xi32, #tpu.memory_space<hbm>>
      %dma_wait3A_67 = tpu.memref_squeeze %dma_wait3A_66 : memref<1x1x40x125xi32, #tpu.memory_space<hbm>> -> memref<40x125xi32, #tpu.memory_space<hbm>>
      tpu.wait_dma2 semaphore(%run_scoped3A_52 : memref<!tpu.dma_semaphore, #tpu.memory_space<semaphore_mem>>) src(%dma_wait3A_67 : memref<40x125xi32, #tpu.memory_space<hbm>>) dst(%arg8 : memref<40x125xi32, #tpu.memory_space<vmem>>)
      tpu.yield
    }) : () -> ()
    %dma_start3A_28 = arith.constant 0 : i32
    %dma_start3A_29 = arith.constant 0 : i32
    %dma_start3A_30 = tpu.memref_slice %arg7[%dma_start3A_28, %dma_start3A_29] : memref<40x125xi32, #tpu.memory_space<vmem>> -> memref<1x125xi32, #tpu.memory_space<vmem>>
    %dma_start3A_31 = tpu.memref_squeeze %dma_start3A_30 : memref<1x125xi32, #tpu.memory_space<vmem>> -> memref<125xi32, #tpu.memory_space<vmem>>
    %dma_start3A_32 = arith.constant 0 : i32
    %dma_start3A_33 = arith.constant 0 : i32
    %dma_start3A_34 = tpu.memref_slice %arg2[%dma_start3A_32, %dma_start3A_33] : memref<10000x128xf32, #tpu.memory_space<hbm>> -> memref<10000x128xf32, #tpu.memory_space<hbm>>
    tpu.enqueue_indirect_dma source(%dma_start3A_34 : memref<10000x128xf32, #tpu.memory_space<hbm>>) target(%arg9 : memref<125x128xf32, #tpu.memory_space<vmem>>) offsets(%dma_start3A_31 : memref<125xi32, #tpu.memory_space<vmem>>) semaphore(%arg12 : memref<!tpu.dma_semaphore, #tpu.memory_space<semaphore_mem>>)
    %dma_start3A_35 = arith.constant 1 : i32
    %dma_start3A_36 = arith.constant 0 : i32
    %dma_start3A_37 = tpu.memref_slice %arg7[%dma_start3A_35, %dma_start3A_36] : memref<40x125xi32, #tpu.memory_space<vmem>> -> memref<1x125xi32, #tpu.memory_space<vmem>>
    %dma_start3A_38 = tpu.memref_squeeze %dma_start3A_37 : memref<1x125xi32, #tpu.memory_space<vmem>> -> memref<125xi32, #tpu.memory_space<vmem>>
    %dma_start3A_39 = arith.constant 0 : i32
    %dma_start3A_40 = arith.constant 0 : i32
    %dma_start3A_41 = tpu.memref_slice %arg2[%dma_start3A_39, %dma_start3A_40] : memref<10000x128xf32, #tpu.memory_space<hbm>> -> memref<10000x128xf32, #tpu.memory_space<hbm>>
    tpu.enqueue_indirect_dma source(%dma_start3A_41 : memref<10000x128xf32, #tpu.memory_space<hbm>>) target(%arg10 : memref<125x128xf32, #tpu.memory_space<vmem>>) offsets(%dma_start3A_38 : memref<125xi32, #tpu.memory_space<vmem>>) semaphore(%arg13 : memref<!tpu.dma_semaphore, #tpu.memory_space<semaphore_mem>>)
    %scan3A_42 = arith.constant 0 : i32
    %scan3A_43 = arith.constant 20 : i32
    %scan3A_44 = arith.addi %scan3A_42, %scan3A_43 : i32
    %scan3A_45 = arith.constant 1 : i32
    scf.for %scan3A_52 = %scan3A_42 to %scan3A_44 step %scan3A_45  : i32 {
      %mul3A_53 = arith.constant 2 : i32
      %mul3A_54 = arith.muli %scan3A_52, %mul3A_53 : i32
      %add3A_55 = arith.constant 0 : i32
      %add3A_56 = arith.addi %mul3A_54, %add3A_55 : i32
      %dma_wait3A = arith.constant 0 : i32
      %dma_wait3A_57 = tpu.memref_slice %arg7[%add3A_56, %dma_wait3A] : memref<40x125xi32, #tpu.memory_space<vmem>> -> memref<1x125xi32, #tpu.memory_space<vmem>>
      %dma_wait3A_58 = tpu.memref_squeeze %dma_wait3A_57 : memref<1x125xi32, #tpu.memory_space<vmem>> -> memref<125xi32, #tpu.memory_space<vmem>>
      %dma_wait3A_59 = arith.constant 0 : i32
      %dma_wait3A_60 = arith.constant 0 : i32
      %dma_wait3A_61 = tpu.memref_slice %arg2[%dma_wait3A_59, %dma_wait3A_60] : memref<10000x128xf32, #tpu.memory_space<hbm>> -> memref<10000x128xf32, #tpu.memory_space<hbm>>
      tpu.wait_indirect_dma semaphore(%arg12 : memref<!tpu.dma_semaphore, #tpu.memory_space<semaphore_mem>>) src(%dma_wait3A_61 : memref<10000x128xf32, #tpu.memory_space<hbm>>) dst(%arg9 : memref<125x128xf32, #tpu.memory_space<vmem>>)
      "tpu.region"() ({
        %run_scoped3A_85 = tpu.sem_alloc : memref<!tpu.dma_semaphore, #tpu.memory_space<semaphore_mem>>
        %dma_start3A_86 = arith.constant 0 : i32
        %dma_start3A_87 = tpu.memref_slice %arg8[%add3A_56, %dma_start3A_86] : memref<40x125xi32, #tpu.memory_space<vmem>> -> memref<1x125xi32, #tpu.memory_space<vmem>>
        %dma_start3A_88 = tpu.memref_squeeze %dma_start3A_87 : memref<1x125xi32, #tpu.memory_space<vmem>> -> memref<125xi32, #tpu.memory_space<vmem>>
        %dma_start3A_89 = arith.constant 0 : i32
        %dma_start3A_90 = arith.constant 0 : i32
        %dma_start3A_91 = tpu.memref_slice %arg11[%dma_start3A_89, %dma_start3A_90] : memref<10112x128xf32, #tpu.memory_space<vmem_shared>> -> memref<10112x128xf32, #tpu.memory_space<vmem_shared>>
        tpu.enqueue_indirect_dma source(%arg9 : memref<125x128xf32, #tpu.memory_space<vmem>>) target(%dma_start3A_91 : memref<10112x128xf32, #tpu.memory_space<vmem_shared>>) offsets(%dma_start3A_88 : memref<125xi32, #tpu.memory_space<vmem>>) semaphore(%run_scoped3A_85 : memref<!tpu.dma_semaphore, #tpu.memory_space<semaphore_mem>>) {add = true}
        %dma_wait3A_92 = arith.constant 0 : i32
        %dma_wait3A_93 = tpu.memref_slice %arg8[%add3A_56, %dma_wait3A_92] : memref<40x125xi32, #tpu.memory_space<vmem>> -> memref<1x125xi32, #tpu.memory_space<vmem>>
        %dma_wait3A_94 = tpu.memref_squeeze %dma_wait3A_93 : memref<1x125xi32, #tpu.memory_space<vmem>> -> memref<125xi32, #tpu.memory_space<vmem>>
        %dma_wait3A_95 = arith.constant 0 : i32
        %dma_wait3A_96 = arith.constant 0 : i32
        %dma_wait3A_97 = tpu.memref_slice %arg11[%dma_wait3A_95, %dma_wait3A_96] : memref<10112x128xf32, #tpu.memory_space<vmem_shared>> -> memref<10112x128xf32, #tpu.memory_space<vmem_shared>>
        tpu.wait_indirect_dma semaphore(%run_scoped3A_85 : memref<!tpu.dma_semaphore, #tpu.memory_space<semaphore_mem>>) src(%arg9 : memref<125x128xf32, #tpu.memory_space<vmem>>) dst(%dma_wait3A_97 : memref<10112x128xf32, #tpu.memory_space<vmem_shared>>)
        tpu.yield
      }) : () -> ()
      %add3A_62 = arith.constant 2 : i32
      %add3A_63 = arith.addi %add3A_56, %add3A_62 : i32
      %lt3A = arith.constant 40 : i32
      %lt3A_64 = arith.cmpi slt, %add3A_63, %lt3A : i32
      %convert_element_type3A_65 = arith.extui %lt3A_64 : i1 to i32
      %cond3A_66 = arith.constant 0 : i32
      %cond3A_67 = arith.cmpi ne, %convert_element_type3A_65, %cond3A_66 : i32
      scf.if %cond3A_67 {
        %add3A_85 = arith.constant 2 : i32
        %add3A_86 = arith.addi %add3A_56, %add3A_85 : i32
        %dma_start3A_87 = arith.constant 0 : i32
        %dma_start3A_88 = tpu.memref_slice %arg7[%add3A_86, %dma_start3A_87] : memref<40x125xi32, #tpu.memory_space<vmem>> -> memref<1x125xi32, #tpu.memory_space<vmem>>
        %dma_start3A_89 = tpu.memref_squeeze %dma_start3A_88 : memref<1x125xi32, #tpu.memory_space<vmem>> -> memref<125xi32, #tpu.memory_space<vmem>>
        %dma_start3A_90 = arith.constant 0 : i32
        %dma_start3A_91 = arith.constant 0 : i32
        %dma_start3A_92 = tpu.memref_slice %arg2[%dma_start3A_90, %dma_start3A_91] : memref<10000x128xf32, #tpu.memory_space<hbm>> -> memref<10000x128xf32, #tpu.memory_space<hbm>>
        tpu.enqueue_indirect_dma source(%dma_start3A_92 : memref<10000x128xf32, #tpu.memory_space<hbm>>) target(%arg9 : memref<125x128xf32, #tpu.memory_space<vmem>>) offsets(%dma_start3A_89 : memref<125xi32, #tpu.memory_space<vmem>>) semaphore(%arg12 : memref<!tpu.dma_semaphore, #tpu.memory_space<semaphore_mem>>)
      } else {
      }
      %mul3A_68 = arith.constant 2 : i32
      %mul3A_69 = arith.muli %scan3A_52, %mul3A_68 : i32
      %add3A_70 = arith.constant 1 : i32
      %add3A_71 = arith.addi %mul3A_69, %add3A_70 : i32
      %dma_wait3A_72 = arith.constant 0 : i32
      %dma_wait3A_73 = tpu.memref_slice %arg7[%add3A_71, %dma_wait3A_72] : memref<40x125xi32, #tpu.memory_space<vmem>> -> memref<1x125xi32, #tpu.memory_space<vmem>>
      %dma_wait3A_74 = tpu.memref_squeeze %dma_wait3A_73 : memref<1x125xi32, #tpu.memory_space<vmem>> -> memref<125xi32, #tpu.memory_space<vmem>>
      %dma_wait3A_75 = arith.constant 0 : i32
      %dma_wait3A_76 = arith.constant 0 : i32
      %dma_wait3A_77 = tpu.memref_slice %arg2[%dma_wait3A_75, %dma_wait3A_76] : memref<10000x128xf32, #tpu.memory_space<hbm>> -> memref<10000x128xf32, #tpu.memory_space<hbm>>
      tpu.wait_indirect_dma semaphore(%arg13 : memref<!tpu.dma_semaphore, #tpu.memory_space<semaphore_mem>>) src(%dma_wait3A_77 : memref<10000x128xf32, #tpu.memory_space<hbm>>) dst(%arg10 : memref<125x128xf32, #tpu.memory_space<vmem>>)
      "tpu.region"() ({
        %run_scoped3A_85 = tpu.sem_alloc : memref<!tpu.dma_semaphore, #tpu.memory_space<semaphore_mem>>
        %dma_start3A_86 = arith.constant 0 : i32
        %dma_start3A_87 = tpu.memref_slice %arg8[%add3A_71, %dma_start3A_86] : memref<40x125xi32, #tpu.memory_space<vmem>> -> memref<1x125xi32, #tpu.memory_space<vmem>>
        %dma_start3A_88 = tpu.memref_squeeze %dma_start3A_87 : memref<1x125xi32, #tpu.memory_space<vmem>> -> memref<125xi32, #tpu.memory_space<vmem>>
        %dma_start3A_89 = arith.constant 0 : i32
        %dma_start3A_90 = arith.constant 0 : i32
        %dma_start3A_91 = tpu.memref_slice %arg11[%dma_start3A_89, %dma_start3A_90] : memref<10112x128xf32, #tpu.memory_space<vmem_shared>> -> memref<10112x128xf32, #tpu.memory_space<vmem_shared>>
        tpu.enqueue_indirect_dma source(%arg10 : memref<125x128xf32, #tpu.memory_space<vmem>>) target(%dma_start3A_91 : memref<10112x128xf32, #tpu.memory_space<vmem_shared>>) offsets(%dma_start3A_88 : memref<125xi32, #tpu.memory_space<vmem>>) semaphore(%run_scoped3A_85 : memref<!tpu.dma_semaphore, #tpu.memory_space<semaphore_mem>>) {add = true}
        %dma_wait3A_92 = arith.constant 0 : i32
        %dma_wait3A_93 = tpu.memref_slice %arg8[%add3A_71, %dma_wait3A_92] : memref<40x125xi32, #tpu.memory_space<vmem>> -> memref<1x125xi32, #tpu.memory_space<vmem>>
        %dma_wait3A_94 = tpu.memref_squeeze %dma_wait3A_93 : memref<1x125xi32, #tpu.memory_space<vmem>> -> memref<125xi32, #tpu.memory_space<vmem>>
        %dma_wait3A_95 = arith.constant 0 : i32
        %dma_wait3A_96 = arith.constant 0 : i32
        %dma_wait3A_97 = tpu.memref_slice %arg11[%dma_wait3A_95, %dma_wait3A_96] : memref<10112x128xf32, #tpu.memory_space<vmem_shared>> -> memref<10112x128xf32, #tpu.memory_space<vmem_shared>>
        tpu.wait_indirect_dma semaphore(%run_scoped3A_85 : memref<!tpu.dma_semaphore, #tpu.memory_space<semaphore_mem>>) src(%arg10 : memref<125x128xf32, #tpu.memory_space<vmem>>) dst(%dma_wait3A_97 : memref<10112x128xf32, #tpu.memory_space<vmem_shared>>)
        tpu.yield
      }) : () -> ()
      %add3A_78 = arith.constant 2 : i32
      %add3A_79 = arith.addi %add3A_71, %add3A_78 : i32
      %lt3A_80 = arith.constant 40 : i32
      %lt3A_81 = arith.cmpi slt, %add3A_79, %lt3A_80 : i32
      %convert_element_type3A_82 = arith.extui %lt3A_81 : i1 to i32
      %cond3A_83 = arith.constant 0 : i32
      %cond3A_84 = arith.cmpi ne, %convert_element_type3A_82, %cond3A_83 : i32
      scf.if %cond3A_84 {
        %add3A_85 = arith.constant 2 : i32
        %add3A_86 = arith.addi %add3A_71, %add3A_85 : i32
        %dma_start3A_87 = arith.constant 0 : i32
        %dma_start3A_88 = tpu.memref_slice %arg7[%add3A_86, %dma_start3A_87] : memref<40x125xi32, #tpu.memory_space<vmem>> -> memref<1x125xi32, #tpu.memory_space<vmem>>
        %dma_start3A_89 = tpu.memref_squeeze %dma_start3A_88 : memref<1x125xi32, #tpu.memory_space<vmem>> -> memref<125xi32, #tpu.memory_space<vmem>>
        %dma_start3A_90 = arith.constant 0 : i32
        %dma_start3A_91 = arith.constant 0 : i32
        %dma_start3A_92 = tpu.memref_slice %arg2[%dma_start3A_90, %dma_start3A_91] : memref<10000x128xf32, #tpu.memory_space<hbm>> -> memref<10000x128xf32, #tpu.memory_space<hbm>>
        tpu.enqueue_indirect_dma source(%dma_start3A_92 : memref<10000x128xf32, #tpu.memory_space<hbm>>) target(%arg10 : memref<125x128xf32, #tpu.memory_space<vmem>>) offsets(%dma_start3A_89 : memref<125xi32, #tpu.memory_space<vmem>>) semaphore(%arg13 : memref<!tpu.dma_semaphore, #tpu.memory_space<semaphore_mem>>)
      } else {
      }
    }
    %scan3A_46 = arith.constant 20 : i32
    %barrier3A_47 = arith.constant 0 : index
    tpu.barrier barrier_id(%barrier3A_47)
    %mul3A_48 = arith.constant 632 : i32
    %mul3A_49 = arith.muli %arg1, %mul3A_48 : i32
    %mul3A_50 = arith.constant 632 : i32
    %mul3A_51 = arith.muli %arg1, %mul3A_50 : i32
    "tpu.region"() ({
      %run_scoped3A_52 = tpu.sem_alloc : memref<!tpu.dma_semaphore, #tpu.memory_space<semaphore_mem>>
      %dma_start3A_53 = arith.constant 0 : i32
      %dma_start3A_54 = tpu.memref_slice %arg6[%arg0, %mul3A_51, %dma_start3A_53] : memref<2x10112x128xf32, #tpu.memory_space<hbm>> -> memref<1x632x128xf32, #tpu.memory_space<hbm>>
      %dma_start3A_55 = tpu.memref_squeeze %dma_start3A_54 : memref<1x632x128xf32, #tpu.memory_space<hbm>> -> memref<632x128xf32, #tpu.memory_space<hbm>>
      %dma_start3A_56 = arith.constant 0 : i32
      %dma_start3A_57 = tpu.memref_slice %arg11[%mul3A_49, %dma_start3A_56] : memref<10112x128xf32, #tpu.memory_space<vmem_shared>> -> memref<632x128xf32, #tpu.memory_space<vmem_shared>>
      tpu.enqueue_dma source(%dma_start3A_57 : memref<632x128xf32, #tpu.memory_space<vmem_shared>>) target(%dma_start3A_55 : memref<632x128xf32, #tpu.memory_space<hbm>>) target_semaphore(%run_scoped3A_52 : memref<!tpu.dma_semaphore, #tpu.memory_space<semaphore_mem>>)
      %dma_wait3A = arith.constant 0 : i32
      %dma_wait3A_58 = tpu.memref_slice %arg6[%arg0, %mul3A_51, %dma_wait3A] : memref<2x10112x128xf32, #tpu.memory_space<hbm>> -> memref<1x632x128xf32, #tpu.memory_space<hbm>>
      %dma_wait3A_59 = tpu.memref_squeeze %dma_wait3A_58 : memref<1x632x128xf32, #tpu.memory_space<hbm>> -> memref<632x128xf32, #tpu.memory_space<hbm>>
      %dma_wait3A_60 = arith.constant 0 : i32
      %dma_wait3A_61 = tpu.memref_slice %arg11[%mul3A_49, %dma_wait3A_60] : memref<10112x128xf32, #tpu.memory_space<vmem_shared>> -> memref<632x128xf32, #tpu.memory_space<vmem_shared>>
      tpu.wait_dma2 semaphore(%run_scoped3A_52 : memref<!tpu.dma_semaphore, #tpu.memory_space<semaphore_mem>>) src(%dma_wait3A_61 : memref<632x128xf32, #tpu.memory_space<vmem_shared>>) dst(%dma_wait3A_59 : memref<632x128xf32, #tpu.memory_space<hbm>>)
      tpu.yield
    }) : () -> ()
    return
  }
}

#map = affine_map<(d0, d1) -> (0, 0)>
#map1 = affine_map<(d0, d1) -> (0, 0, 0, 0)>
#map2 = affine_map<(d0, d1) -> (0, 0, 0)>
module attributes {stable_mosaic.version = 14 : i64} {
  func.func @_seg_sum_body(%arg0: i32, %arg1: i32, %arg2: memref<10000x128xf32, #tpu.memory_space<hbm>>, %arg3: memref<32x2x40x125xi32, #tpu.memory_space<hbm>>, %arg4: memref<32x2x40x125xi32, #tpu.memory_space<hbm>>, %arg5: memref<632x128xf32, #tpu.memory_space<hbm>>, %arg6: memref<2x10112x128xf32, #tpu.memory_space<hbm>>, %arg7: memref<40x125xi32, #tpu.memory_space<vmem>>, %arg8: memref<40x125xi32, #tpu.memory_space<vmem>>, %arg9: memref<125x128xf32, #tpu.memory_space<vmem>>, %arg10: memref<125x128xf32, #tpu.memory_space<vmem>>, %arg11: memref<10112x128xf32, #tpu.memory_space<vmem_shared>>, %arg12: memref<!tpu.dma_semaphore, #tpu.memory_space<semaphore_mem>>, %arg13: memref<!tpu.dma_semaphore, #tpu.memory_space<semaphore_mem>>) attributes {dimension_semantics = [#tpu.dimension_semantics<core_parallel>, #tpu.dimension_semantics<subcore_parallel>], iteration_bounds = array<i64: 2, 16>, scalar_prefetch = 0 : i64, scratch_operands = 7 : i64, tpu.core_type = #tpu.core_type<sc_vector_subcore>, window_params = [{transform_indices = #map}, {transform_indices = #map1}, {transform_indices = #map1}, {transform_indices = #map}, {transform_indices = #map2}]} {
    %mul3A = arith.constant 2 : i32
    %mul3A_0 = arith.muli %arg1, %mul3A : i32
    %add3A = arith.addi %mul3A_0, %arg0 : i32
    %run_scoped3A = arith.constant 0 : i32
    "tpu.region"() ({
      %run_scoped3A_52 = tpu.sem_alloc : memref<!tpu.dma_semaphore, #tpu.memory_space<semaphore_mem>>
      %dma_start3A_53 = arith.constant 0 : i32
      %dma_start3A_54 = arith.constant 0 : i32
      %dma_start3A_55 = tpu.memref_slice %arg3[%add3A, %run_scoped3A, %dma_start3A_53, %dma_start3A_54] : memref<32x2x40x125xi32, #tpu.memory_space<hbm>> -> memref<1x1x40x125xi32, #tpu.memory_space<hbm>>
      %dma_start3A_56 = tpu.memref_squeeze %dma_start3A_55 : memref<1x1x40x125xi32, #tpu.memory_space<hbm>> -> memref<40x125xi32, #tpu.memory_space<hbm>>
      %dma_start3A_57 = arith.constant 0 : i32
      %dma_start3A_58 = arith.constant 0 : i32
      %dma_start3A_59 = tpu.memref_slice %arg3[%add3A, %run_scoped3A, %dma_start3A_57, %dma_start3A_58] : memref<32x2x40x125xi32, #tpu.memory_space<hbm>> -> memref<1x1x40x125xi32, #tpu.memory_space<hbm>>
      %dma_start3A_60 = tpu.memref_squeeze %dma_start3A_59 : memref<1x1x40x125xi32, #tpu.memory_space<hbm>> -> memref<40x125xi32, #tpu.memory_space<hbm>>
      tpu.enqueue_dma source(%dma_start3A_60 : memref<40x125xi32, #tpu.memory_space<hbm>>) target(%arg7 : memref<40x125xi32, #tpu.memory_space<vmem>>) target_semaphore(%run_scoped3A_52 : memref<!tpu.dma_semaphore, #tpu.memory_space<semaphore_mem>>)
      %dma_wait3A = arith.constant 0 : i32
      %dma_wait3A_61 = arith.constant 0 : i32
      %dma_wait3A_62 = tpu.memref_slice %arg3[%add3A, %run_scoped3A, %dma_wait3A, %dma_wait3A_61] : memref<32x2x40x125xi32, #tpu.memory_space<hbm>> -> memref<1x1x40x125xi32, #tpu.memory_space<hbm>>
      %dma_wait3A_63 = tpu.memref_squeeze %dma_wait3A_62 : memref<1x1x40x125xi32, #tpu.memory_space<hbm>> -> memref<40x125xi32, #tpu.memory_space<hbm>>
      %dma_wait3A_64 = arith.constant 0 : i32
      %dma_wait3A_65 = arith.constant 0 : i32
      %dma_wait3A_66 = tpu.memref_slice %arg3[%add3A, %run_scoped3A, %dma_wait3A_64, %dma_wait3A_65] : memref<32x2x40x125xi32, #tpu.memory_space<hbm>> -> memref<1x1x40x125xi32, #tpu.memory_space<hbm>>
      %dma_wait3A_67 = tpu.memref_squeeze %dma_wait3A_66 : memref<1x1x40x125xi32, #tpu.memory_space<hbm>> -> memref<40x125xi32, #tpu.memory_space<hbm>>
      tpu.wait_dma2 semaphore(%run_scoped3A_52 : memref<!tpu.dma_semaphore, #tpu.memory_space<semaphore_mem>>) src(%dma_wait3A_67 : memref<40x125xi32, #tpu.memory_space<hbm>>) dst(%arg7 : memref<40x125xi32, #tpu.memory_space<vmem>>)
      tpu.yield
    }) : () -> ()
    %run_scoped3A_1 = arith.constant 0 : i32
    "tpu.region"() ({
      %run_scoped3A_52 = tpu.sem_alloc : memref<!tpu.dma_semaphore, #tpu.memory_space<semaphore_mem>>
      %dma_start3A_53 = arith.constant 0 : i32
      %dma_start3A_54 = arith.constant 0 : i32
      %dma_start3A_55 = tpu.memref_slice %arg4[%add3A, %run_scoped3A_1, %dma_start3A_53, %dma_start3A_54] : memref<32x2x40x125xi32, #tpu.memory_space<hbm>> -> memref<1x1x40x125xi32, #tpu.memory_space<hbm>>
      %dma_start3A_56 = tpu.memref_squeeze %dma_start3A_55 : memref<1x1x40x125xi32, #tpu.memory_space<hbm>> -> memref<40x125xi32, #tpu.memory_space<hbm>>
      %dma_start3A_57 = arith.constant 0 : i32
      %dma_start3A_58 = arith.constant 0 : i32
      %dma_start3A_59 = tpu.memref_slice %arg4[%add3A, %run_scoped3A_1, %dma_start3A_57, %dma_start3A_58] : memref<32x2x40x125xi32, #tpu.memory_space<hbm>> -> memref<1x1x40x125xi32, #tpu.memory_space<hbm>>
      %dma_start3A_60 = tpu.memref_squeeze %dma_start3A_59 : memref<1x1x40x125xi32, #tpu.memory_space<hbm>> -> memref<40x125xi32, #tpu.memory_space<hbm>>
      tpu.enqueue_dma source(%dma_start3A_60 : memref<40x125xi32, #tpu.memory_space<hbm>>) target(%arg8 : memref<40x125xi32, #tpu.memory_space<vmem>>) target_semaphore(%run_scoped3A_52 : memref<!tpu.dma_semaphore, #tpu.memory_space<semaphore_mem>>)
      %dma_wait3A = arith.constant 0 : i32
      %dma_wait3A_61 = arith.constant 0 : i32
      %dma_wait3A_62 = tpu.memref_slice %arg4[%add3A, %run_scoped3A_1, %dma_wait3A, %dma_wait3A_61] : memref<32x2x40x125xi32, #tpu.memory_space<hbm>> -> memref<1x1x40x125xi32, #tpu.memory_space<hbm>>
      %dma_wait3A_63 = tpu.memref_squeeze %dma_wait3A_62 : memref<1x1x40x125xi32, #tpu.memory_space<hbm>> -> memref<40x125xi32, #tpu.memory_space<hbm>>
      %dma_wait3A_64 = arith.constant 0 : i32
      %dma_wait3A_65 = arith.constant 0 : i32
      %dma_wait3A_66 = tpu.memref_slice %arg4[%add3A, %run_scoped3A_1, %dma_wait3A_64, %dma_wait3A_65] : memref<32x2x40x125xi32, #tpu.memory_space<hbm>> -> memref<1x1x40x125xi32, #tpu.memory_space<hbm>>
      %dma_wait3A_67 = tpu.memref_squeeze %dma_wait3A_66 : memref<1x1x40x125xi32, #tpu.memory_space<hbm>> -> memref<40x125xi32, #tpu.memory_space<hbm>>
      tpu.wait_dma2 semaphore(%run_scoped3A_52 : memref<!tpu.dma_semaphore, #tpu.memory_space<semaphore_mem>>) src(%dma_wait3A_67 : memref<40x125xi32, #tpu.memory_space<hbm>>) dst(%arg8 : memref<40x125xi32, #tpu.memory_space<vmem>>)
      tpu.yield
    }) : () -> ()
    %dma_start3A = arith.constant 0 : i32
    %dma_start3A_2 = arith.constant 0 : i32
    %dma_start3A_3 = tpu.memref_slice %arg7[%dma_start3A, %dma_start3A_2] : memref<40x125xi32, #tpu.memory_space<vmem>> -> memref<1x125xi32, #tpu.memory_space<vmem>>
    %dma_start3A_4 = tpu.memref_squeeze %dma_start3A_3 : memref<1x125xi32, #tpu.memory_space<vmem>> -> memref<125xi32, #tpu.memory_space<vmem>>
    %dma_start3A_5 = arith.constant 0 : i32
    %dma_start3A_6 = arith.constant 0 : i32
    %dma_start3A_7 = tpu.memref_slice %arg2[%dma_start3A_5, %dma_start3A_6] : memref<10000x128xf32, #tpu.memory_space<hbm>> -> memref<10000x128xf32, #tpu.memory_space<hbm>>
    tpu.enqueue_indirect_dma source(%dma_start3A_7 : memref<10000x128xf32, #tpu.memory_space<hbm>>) target(%arg9 : memref<125x128xf32, #tpu.memory_space<vmem>>) offsets(%dma_start3A_4 : memref<125xi32, #tpu.memory_space<vmem>>) semaphore(%arg12 : memref<!tpu.dma_semaphore, #tpu.memory_space<semaphore_mem>>)
    %dma_start3A_8 = arith.constant 1 : i32
    %dma_start3A_9 = arith.constant 0 : i32
    %dma_start3A_10 = tpu.memref_slice %arg7[%dma_start3A_8, %dma_start3A_9] : memref<40x125xi32, #tpu.memory_space<vmem>> -> memref<1x125xi32, #tpu.memory_space<vmem>>
    %dma_start3A_11 = tpu.memref_squeeze %dma_start3A_10 : memref<1x125xi32, #tpu.memory_space<vmem>> -> memref<125xi32, #tpu.memory_space<vmem>>
    %dma_start3A_12 = arith.constant 0 : i32
    %dma_start3A_13 = arith.constant 0 : i32
    %dma_start3A_14 = tpu.memref_slice %arg2[%dma_start3A_12, %dma_start3A_13] : memref<10000x128xf32, #tpu.memory_space<hbm>> -> memref<10000x128xf32, #tpu.memory_space<hbm>>
    tpu.enqueue_indirect_dma source(%dma_start3A_14 : memref<10000x128xf32, #tpu.memory_space<hbm>>) target(%arg10 : memref<125x128xf32, #tpu.memory_space<vmem>>) offsets(%dma_start3A_11 : memref<125xi32, #tpu.memory_space<vmem>>) semaphore(%arg13 : memref<!tpu.dma_semaphore, #tpu.memory_space<semaphore_mem>>)
    %eq3A = arith.constant 0 : i32
    %eq3A_15 = arith.cmpi eq, %arg0, %eq3A : i32
    %convert_element_type3A = arith.extui %eq3A_15 : i1 to i32
    %cond3A = arith.constant 0 : i32
    %cond3A_16 = arith.cmpi ne, %convert_element_type3A, %cond3A : i32
    scf.if %cond3A_16 {
      %lt3A = arith.constant 15 : i32
      %lt3A_52 = arith.cmpi slt, %arg1, %lt3A : i32
      %convert_element_type3A_53 = arith.extui %lt3A_52 : i1 to i32
      %cond3A_54 = arith.constant 0 : i32
      %cond3A_55 = arith.cmpi ne, %convert_element_type3A_53, %cond3A_54 : i32
      scf.if %cond3A_55 {
        %mul3A_61 = arith.constant 632 : i32
        %mul3A_62 = arith.muli %arg1, %mul3A_61 : i32
        %mul3A_63 = arith.constant 632 : i32
        %mul3A_64 = arith.muli %arg1, %mul3A_63 : i32
        "tpu.region"() ({
          %run_scoped3A_65 = tpu.sem_alloc : memref<!tpu.dma_semaphore, #tpu.memory_space<semaphore_mem>>
          %dma_start3A_66 = arith.constant 0 : i32
          %dma_start3A_67 = tpu.memref_slice %arg11[%mul3A_64, %dma_start3A_66] : memref<10112x128xf32, #tpu.memory_space<vmem_shared>> -> memref<632x128xf32, #tpu.memory_space<vmem_shared>>
          %dma_start3A_68 = arith.constant 0 : i32
          %dma_start3A_69 = tpu.memref_slice %arg2[%mul3A_62, %dma_start3A_68] : memref<10000x128xf32, #tpu.memory_space<hbm>> -> memref<632x128xf32, #tpu.memory_space<hbm>>
          tpu.enqueue_dma source(%dma_start3A_69 : memref<632x128xf32, #tpu.memory_space<hbm>>) target(%dma_start3A_67 : memref<632x128xf32, #tpu.memory_space<vmem_shared>>) target_semaphore(%run_scoped3A_65 : memref<!tpu.dma_semaphore, #tpu.memory_space<semaphore_mem>>)
          %dma_wait3A = arith.constant 0 : i32
          %dma_wait3A_70 = tpu.memref_slice %arg11[%mul3A_64, %dma_wait3A] : memref<10112x128xf32, #tpu.memory_space<vmem_shared>> -> memref<632x128xf32, #tpu.memory_space<vmem_shared>>
          %dma_wait3A_71 = arith.constant 0 : i32
          %dma_wait3A_72 = tpu.memref_slice %arg2[%mul3A_62, %dma_wait3A_71] : memref<10000x128xf32, #tpu.memory_space<hbm>> -> memref<632x128xf32, #tpu.memory_space<hbm>>
          tpu.wait_dma2 semaphore(%run_scoped3A_65 : memref<!tpu.dma_semaphore, #tpu.memory_space<semaphore_mem>>) src(%dma_wait3A_72 : memref<632x128xf32, #tpu.memory_space<hbm>>) dst(%dma_wait3A_70 : memref<632x128xf32, #tpu.memory_space<vmem_shared>>)
          tpu.yield
        }) : () -> ()
      } else {
      }
      %eq3A_56 = arith.constant 15 : i32
      %eq3A_57 = arith.cmpi eq, %arg1, %eq3A_56 : i32
      %convert_element_type3A_58 = arith.extui %eq3A_57 : i1 to i32
      %cond3A_59 = arith.constant 0 : i32
      %cond3A_60 = arith.cmpi ne, %convert_element_type3A_58, %cond3A_59 : i32
      scf.if %cond3A_60 {
        "tpu.region"() ({
          %run_scoped3A_61 = tpu.sem_alloc : memref<!tpu.dma_semaphore, #tpu.memory_space<semaphore_mem>>
          %dma_start3A_62 = arith.constant 9480 : i32
          %dma_start3A_63 = arith.constant 0 : i32
          %dma_start3A_64 = tpu.memref_slice %arg11[%dma_start3A_62, %dma_start3A_63] : memref<10112x128xf32, #tpu.memory_space<vmem_shared>> -> memref<520x128xf32, #tpu.memory_space<vmem_shared>>
          %dma_start3A_65 = arith.constant 9480 : i32
          %dma_start3A_66 = arith.constant 0 : i32
          %dma_start3A_67 = tpu.memref_slice %arg2[%dma_start3A_65, %dma_start3A_66] : memref<10000x128xf32, #tpu.memory_space<hbm>> -> memref<520x128xf32, #tpu.memory_space<hbm>>
          tpu.enqueue_dma source(%dma_start3A_67 : memref<520x128xf32, #tpu.memory_space<hbm>>) target(%dma_start3A_64 : memref<520x128xf32, #tpu.memory_space<vmem_shared>>) target_semaphore(%run_scoped3A_61 : memref<!tpu.dma_semaphore, #tpu.memory_space<semaphore_mem>>)
          %dma_wait3A = arith.constant 9480 : i32
          %dma_wait3A_68 = arith.constant 0 : i32
          %dma_wait3A_69 = tpu.memref_slice %arg11[%dma_wait3A, %dma_wait3A_68] : memref<10112x128xf32, #tpu.memory_space<vmem_shared>> -> memref<520x128xf32, #tpu.memory_space<vmem_shared>>
          %dma_wait3A_70 = arith.constant 9480 : i32
          %dma_wait3A_71 = arith.constant 0 : i32
          %dma_wait3A_72 = tpu.memref_slice %arg2[%dma_wait3A_70, %dma_wait3A_71] : memref<10000x128xf32, #tpu.memory_space<hbm>> -> memref<520x128xf32, #tpu.memory_space<hbm>>
          tpu.wait_dma2 semaphore(%run_scoped3A_61 : memref<!tpu.dma_semaphore, #tpu.memory_space<semaphore_mem>>) src(%dma_wait3A_72 : memref<520x128xf32, #tpu.memory_space<hbm>>) dst(%dma_wait3A_69 : memref<520x128xf32, #tpu.memory_space<vmem_shared>>)
          tpu.yield
        }) : () -> ()
        "tpu.region"() ({
          %run_scoped3A_61 = tpu.sem_alloc : memref<!tpu.dma_semaphore, #tpu.memory_space<semaphore_mem>>
          %dma_start3A_62 = arith.constant 10000 : i32
          %dma_start3A_63 = arith.constant 0 : i32
          %dma_start3A_64 = tpu.memref_slice %arg11[%dma_start3A_62, %dma_start3A_63] : memref<10112x128xf32, #tpu.memory_space<vmem_shared>> -> memref<112x128xf32, #tpu.memory_space<vmem_shared>>
          %dma_start3A_65 = arith.constant 0 : i32
          %dma_start3A_66 = arith.constant 0 : i32
          %dma_start3A_67 = tpu.memref_slice %arg5[%dma_start3A_65, %dma_start3A_66] : memref<632x128xf32, #tpu.memory_space<hbm>> -> memref<112x128xf32, #tpu.memory_space<hbm>>
          tpu.enqueue_dma source(%dma_start3A_67 : memref<112x128xf32, #tpu.memory_space<hbm>>) target(%dma_start3A_64 : memref<112x128xf32, #tpu.memory_space<vmem_shared>>) target_semaphore(%run_scoped3A_61 : memref<!tpu.dma_semaphore, #tpu.memory_space<semaphore_mem>>)
          %dma_wait3A = arith.constant 10000 : i32
          %dma_wait3A_68 = arith.constant 0 : i32
          %dma_wait3A_69 = tpu.memref_slice %arg11[%dma_wait3A, %dma_wait3A_68] : memref<10112x128xf32, #tpu.memory_space<vmem_shared>> -> memref<112x128xf32, #tpu.memory_space<vmem_shared>>
          %dma_wait3A_70 = arith.constant 0 : i32
          %dma_wait3A_71 = arith.constant 0 : i32
          %dma_wait3A_72 = tpu.memref_slice %arg5[%dma_wait3A_70, %dma_wait3A_71] : memref<632x128xf32, #tpu.memory_space<hbm>> -> memref<112x128xf32, #tpu.memory_space<hbm>>
          tpu.wait_dma2 semaphore(%run_scoped3A_61 : memref<!tpu.dma_semaphore, #tpu.memory_space<semaphore_mem>>) src(%dma_wait3A_72 : memref<112x128xf32, #tpu.memory_space<hbm>>) dst(%dma_wait3A_69 : memref<112x128xf32, #tpu.memory_space<vmem_shared>>)
          tpu.yield
        }) : () -> ()
      } else {
      }
    } else {
    }
    %eq3A_17 = arith.constant 1 : i32
    %eq3A_18 = arith.cmpi eq, %arg0, %eq3A_17 : i32
    %convert_element_type3A_19 = arith.extui %eq3A_18 : i1 to i32
    %cond3A_20 = arith.constant 0 : i32
    %cond3A_21 = arith.cmpi ne, %convert_element_type3A_19, %cond3A_20 : i32
    scf.if %cond3A_21 {
      %mul3A_52 = arith.constant 632 : i32
      %mul3A_53 = arith.muli %arg1, %mul3A_52 : i32
      "tpu.region"() ({
        %run_scoped3A_54 = tpu.sem_alloc : memref<!tpu.dma_semaphore, #tpu.memory_space<semaphore_mem>>
        %dma_start3A_55 = arith.constant 0 : i32
        %dma_start3A_56 = tpu.memref_slice %arg11[%mul3A_53, %dma_start3A_55] : memref<10112x128xf32, #tpu.memory_space<vmem_shared>> -> memref<632x128xf32, #tpu.memory_space<vmem_shared>>
        tpu.enqueue_dma source(%arg5 : memref<632x128xf32, #tpu.memory_space<hbm>>) target(%dma_start3A_56 : memref<632x128xf32, #tpu.memory_space<vmem_shared>>) target_semaphore(%run_scoped3A_54 : memref<!tpu.dma_semaphore, #tpu.memory_space<semaphore_mem>>)
        %dma_wait3A = arith.constant 0 : i32
        %dma_wait3A_57 = tpu.memref_slice %arg11[%mul3A_53, %dma_wait3A] : memref<10112x128xf32, #tpu.memory_space<vmem_shared>> -> memref<632x128xf32, #tpu.memory_space<vmem_shared>>
        tpu.wait_dma2 semaphore(%run_scoped3A_54 : memref<!tpu.dma_semaphore, #tpu.memory_space<semaphore_mem>>) src(%arg5 : memref<632x128xf32, #tpu.memory_space<hbm>>) dst(%dma_wait3A_57 : memref<632x128xf32, #tpu.memory_space<vmem_shared>>)
        tpu.yield
      }) : () -> ()
    } else {
    }
    %barrier3A = arith.constant 0 : index
    tpu.barrier barrier_id(%barrier3A)
    %scan3A = arith.constant 0 : i32
    %scan3A_22 = arith.constant 20 : i32
    %scan3A_23 = arith.addi %scan3A, %scan3A_22 : i32
    %scan3A_24 = arith.constant 1 : i32
    scf.for %scan3A_52 = %scan3A to %scan3A_23 step %scan3A_24  : i32 {
      %mul3A_53 = arith.constant 2 : i32
      %mul3A_54 = arith.muli %scan3A_52, %mul3A_53 : i32
      %add3A_55 = arith.constant 0 : i32
      %add3A_56 = arith.addi %mul3A_54, %add3A_55 : i32
      %dma_wait3A = arith.constant 0 : i32
      %dma_wait3A_57 = tpu.memref_slice %arg7[%add3A_56, %dma_wait3A] : memref<40x125xi32, #tpu.memory_space<vmem>> -> memref<1x125xi32, #tpu.memory_space<vmem>>
      %dma_wait3A_58 = tpu.memref_squeeze %dma_wait3A_57 : memref<1x125xi32, #tpu.memory_space<vmem>> -> memref<125xi32, #tpu.memory_space<vmem>>
      %dma_wait3A_59 = arith.constant 0 : i32
      %dma_wait3A_60 = arith.constant 0 : i32
      %dma_wait3A_61 = tpu.memref_slice %arg2[%dma_wait3A_59, %dma_wait3A_60] : memref<10000x128xf32, #tpu.memory_space<hbm>> -> memref<10000x128xf32, #tpu.memory_space<hbm>>
      tpu.wait_indirect_dma semaphore(%arg12 : memref<!tpu.dma_semaphore, #tpu.memory_space<semaphore_mem>>) src(%dma_wait3A_61 : memref<10000x128xf32, #tpu.memory_space<hbm>>) dst(%arg9 : memref<125x128xf32, #tpu.memory_space<vmem>>)
      "tpu.region"() ({
        %run_scoped3A_85 = tpu.sem_alloc : memref<!tpu.dma_semaphore, #tpu.memory_space<semaphore_mem>>
        %dma_start3A_86 = arith.constant 0 : i32
        %dma_start3A_87 = tpu.memref_slice %arg8[%add3A_56, %dma_start3A_86] : memref<40x125xi32, #tpu.memory_space<vmem>> -> memref<1x125xi32, #tpu.memory_space<vmem>>
        %dma_start3A_88 = tpu.memref_squeeze %dma_start3A_87 : memref<1x125xi32, #tpu.memory_space<vmem>> -> memref<125xi32, #tpu.memory_space<vmem>>
        %dma_start3A_89 = arith.constant 0 : i32
        %dma_start3A_90 = arith.constant 0 : i32
        %dma_start3A_91 = tpu.memref_slice %arg11[%dma_start3A_89, %dma_start3A_90] : memref<10112x128xf32, #tpu.memory_space<vmem_shared>> -> memref<10112x128xf32, #tpu.memory_space<vmem_shared>>
        tpu.enqueue_indirect_dma source(%arg9 : memref<125x128xf32, #tpu.memory_space<vmem>>) target(%dma_start3A_91 : memref<10112x128xf32, #tpu.memory_space<vmem_shared>>) offsets(%dma_start3A_88 : memref<125xi32, #tpu.memory_space<vmem>>) semaphore(%run_scoped3A_85 : memref<!tpu.dma_semaphore, #tpu.memory_space<semaphore_mem>>) {add = true}
        %dma_wait3A_92 = arith.constant 0 : i32
        %dma_wait3A_93 = tpu.memref_slice %arg8[%add3A_56, %dma_wait3A_92] : memref<40x125xi32, #tpu.memory_space<vmem>> -> memref<1x125xi32, #tpu.memory_space<vmem>>
        %dma_wait3A_94 = tpu.memref_squeeze %dma_wait3A_93 : memref<1x125xi32, #tpu.memory_space<vmem>> -> memref<125xi32, #tpu.memory_space<vmem>>
        %dma_wait3A_95 = arith.constant 0 : i32
        %dma_wait3A_96 = arith.constant 0 : i32
        %dma_wait3A_97 = tpu.memref_slice %arg11[%dma_wait3A_95, %dma_wait3A_96] : memref<10112x128xf32, #tpu.memory_space<vmem_shared>> -> memref<10112x128xf32, #tpu.memory_space<vmem_shared>>
        tpu.wait_indirect_dma semaphore(%run_scoped3A_85 : memref<!tpu.dma_semaphore, #tpu.memory_space<semaphore_mem>>) src(%arg9 : memref<125x128xf32, #tpu.memory_space<vmem>>) dst(%dma_wait3A_97 : memref<10112x128xf32, #tpu.memory_space<vmem_shared>>)
        tpu.yield
      }) : () -> ()
      %add3A_62 = arith.constant 2 : i32
      %add3A_63 = arith.addi %add3A_56, %add3A_62 : i32
      %lt3A = arith.constant 40 : i32
      %lt3A_64 = arith.cmpi slt, %add3A_63, %lt3A : i32
      %convert_element_type3A_65 = arith.extui %lt3A_64 : i1 to i32
      %cond3A_66 = arith.constant 0 : i32
      %cond3A_67 = arith.cmpi ne, %convert_element_type3A_65, %cond3A_66 : i32
      scf.if %cond3A_67 {
        %add3A_85 = arith.constant 2 : i32
        %add3A_86 = arith.addi %add3A_56, %add3A_85 : i32
        %dma_start3A_87 = arith.constant 0 : i32
        %dma_start3A_88 = tpu.memref_slice %arg7[%add3A_86, %dma_start3A_87] : memref<40x125xi32, #tpu.memory_space<vmem>> -> memref<1x125xi32, #tpu.memory_space<vmem>>
        %dma_start3A_89 = tpu.memref_squeeze %dma_start3A_88 : memref<1x125xi32, #tpu.memory_space<vmem>> -> memref<125xi32, #tpu.memory_space<vmem>>
        %dma_start3A_90 = arith.constant 0 : i32
        %dma_start3A_91 = arith.constant 0 : i32
        %dma_start3A_92 = tpu.memref_slice %arg2[%dma_start3A_90, %dma_start3A_91] : memref<10000x128xf32, #tpu.memory_space<hbm>> -> memref<10000x128xf32, #tpu.memory_space<hbm>>
        tpu.enqueue_indirect_dma source(%dma_start3A_92 : memref<10000x128xf32, #tpu.memory_space<hbm>>) target(%arg9 : memref<125x128xf32, #tpu.memory_space<vmem>>) offsets(%dma_start3A_89 : memref<125xi32, #tpu.memory_space<vmem>>) semaphore(%arg12 : memref<!tpu.dma_semaphore, #tpu.memory_space<semaphore_mem>>)
      } else {
      }
      %mul3A_68 = arith.constant 2 : i32
      %mul3A_69 = arith.muli %scan3A_52, %mul3A_68 : i32
      %add3A_70 = arith.constant 1 : i32
      %add3A_71 = arith.addi %mul3A_69, %add3A_70 : i32
      %dma_wait3A_72 = arith.constant 0 : i32
      %dma_wait3A_73 = tpu.memref_slice %arg7[%add3A_71, %dma_wait3A_72] : memref<40x125xi32, #tpu.memory_space<vmem>> -> memref<1x125xi32, #tpu.memory_space<vmem>>
      %dma_wait3A_74 = tpu.memref_squeeze %dma_wait3A_73 : memref<1x125xi32, #tpu.memory_space<vmem>> -> memref<125xi32, #tpu.memory_space<vmem>>
      %dma_wait3A_75 = arith.constant 0 : i32
      %dma_wait3A_76 = arith.constant 0 : i32
      %dma_wait3A_77 = tpu.memref_slice %arg2[%dma_wait3A_75, %dma_wait3A_76] : memref<10000x128xf32, #tpu.memory_space<hbm>> -> memref<10000x128xf32, #tpu.memory_space<hbm>>
      tpu.wait_indirect_dma semaphore(%arg13 : memref<!tpu.dma_semaphore, #tpu.memory_space<semaphore_mem>>) src(%dma_wait3A_77 : memref<10000x128xf32, #tpu.memory_space<hbm>>) dst(%arg10 : memref<125x128xf32, #tpu.memory_space<vmem>>)
      "tpu.region"() ({
        %run_scoped3A_85 = tpu.sem_alloc : memref<!tpu.dma_semaphore, #tpu.memory_space<semaphore_mem>>
        %dma_start3A_86 = arith.constant 0 : i32
        %dma_start3A_87 = tpu.memref_slice %arg8[%add3A_71, %dma_start3A_86] : memref<40x125xi32, #tpu.memory_space<vmem>> -> memref<1x125xi32, #tpu.memory_space<vmem>>
        %dma_start3A_88 = tpu.memref_squeeze %dma_start3A_87 : memref<1x125xi32, #tpu.memory_space<vmem>> -> memref<125xi32, #tpu.memory_space<vmem>>
        %dma_start3A_89 = arith.constant 0 : i32
        %dma_start3A_90 = arith.constant 0 : i32
        %dma_start3A_91 = tpu.memref_slice %arg11[%dma_start3A_89, %dma_start3A_90] : memref<10112x128xf32, #tpu.memory_space<vmem_shared>> -> memref<10112x128xf32, #tpu.memory_space<vmem_shared>>
        tpu.enqueue_indirect_dma source(%arg10 : memref<125x128xf32, #tpu.memory_space<vmem>>) target(%dma_start3A_91 : memref<10112x128xf32, #tpu.memory_space<vmem_shared>>) offsets(%dma_start3A_88 : memref<125xi32, #tpu.memory_space<vmem>>) semaphore(%run_scoped3A_85 : memref<!tpu.dma_semaphore, #tpu.memory_space<semaphore_mem>>) {add = true}
        %dma_wait3A_92 = arith.constant 0 : i32
        %dma_wait3A_93 = tpu.memref_slice %arg8[%add3A_71, %dma_wait3A_92] : memref<40x125xi32, #tpu.memory_space<vmem>> -> memref<1x125xi32, #tpu.memory_space<vmem>>
        %dma_wait3A_94 = tpu.memref_squeeze %dma_wait3A_93 : memref<1x125xi32, #tpu.memory_space<vmem>> -> memref<125xi32, #tpu.memory_space<vmem>>
        %dma_wait3A_95 = arith.constant 0 : i32
        %dma_wait3A_96 = arith.constant 0 : i32
        %dma_wait3A_97 = tpu.memref_slice %arg11[%dma_wait3A_95, %dma_wait3A_96] : memref<10112x128xf32, #tpu.memory_space<vmem_shared>> -> memref<10112x128xf32, #tpu.memory_space<vmem_shared>>
        tpu.wait_indirect_dma semaphore(%run_scoped3A_85 : memref<!tpu.dma_semaphore, #tpu.memory_space<semaphore_mem>>) src(%arg10 : memref<125x128xf32, #tpu.memory_space<vmem>>) dst(%dma_wait3A_97 : memref<10112x128xf32, #tpu.memory_space<vmem_shared>>)
        tpu.yield
      }) : () -> ()
      %add3A_78 = arith.constant 2 : i32
      %add3A_79 = arith.addi %add3A_71, %add3A_78 : i32
      %lt3A_80 = arith.constant 40 : i32
      %lt3A_81 = arith.cmpi slt, %add3A_79, %lt3A_80 : i32
      %convert_element_type3A_82 = arith.extui %lt3A_81 : i1 to i32
      %cond3A_83 = arith.constant 0 : i32
      %cond3A_84 = arith.cmpi ne, %convert_element_type3A_82, %cond3A_83 : i32
      scf.if %cond3A_84 {
        %add3A_85 = arith.constant 2 : i32
        %add3A_86 = arith.addi %add3A_71, %add3A_85 : i32
        %dma_start3A_87 = arith.constant 0 : i32
        %dma_start3A_88 = tpu.memref_slice %arg7[%add3A_86, %dma_start3A_87] : memref<40x125xi32, #tpu.memory_space<vmem>> -> memref<1x125xi32, #tpu.memory_space<vmem>>
        %dma_start3A_89 = tpu.memref_squeeze %dma_start3A_88 : memref<1x125xi32, #tpu.memory_space<vmem>> -> memref<125xi32, #tpu.memory_space<vmem>>
        %dma_start3A_90 = arith.constant 0 : i32
        %dma_start3A_91 = arith.constant 0 : i32
        %dma_start3A_92 = tpu.memref_slice %arg2[%dma_start3A_90, %dma_start3A_91] : memref<10000x128xf32, #tpu.memory_space<hbm>> -> memref<10000x128xf32, #tpu.memory_space<hbm>>
        tpu.enqueue_indirect_dma source(%dma_start3A_92 : memref<10000x128xf32, #tpu.memory_space<hbm>>) target(%arg10 : memref<125x128xf32, #tpu.memory_space<vmem>>) offsets(%dma_start3A_89 : memref<125xi32, #tpu.memory_space<vmem>>) semaphore(%arg13 : memref<!tpu.dma_semaphore, #tpu.memory_space<semaphore_mem>>)
      } else {
      }
    }
    %scan3A_25 = arith.constant 20 : i32
    %run_scoped3A_26 = arith.constant 1 : i32
    "tpu.region"() ({
      %run_scoped3A_52 = tpu.sem_alloc : memref<!tpu.dma_semaphore, #tpu.memory_space<semaphore_mem>>
      %dma_start3A_53 = arith.constant 0 : i32
      %dma_start3A_54 = arith.constant 0 : i32
      %dma_start3A_55 = tpu.memref_slice %arg3[%add3A, %run_scoped3A_26, %dma_start3A_53, %dma_start3A_54] : memref<32x2x40x125xi32, #tpu.memory_space<hbm>> -> memref<1x1x40x125xi32, #tpu.memory_space<hbm>>
      %dma_start3A_56 = tpu.memref_squeeze %dma_start3A_55 : memref<1x1x40x125xi32, #tpu.memory_space<hbm>> -> memref<40x125xi32, #tpu.memory_space<hbm>>
      %dma_start3A_57 = arith.constant 0 : i32
      %dma_start3A_58 = arith.constant 0 : i32
      %dma_start3A_59 = tpu.memref_slice %arg3[%add3A, %run_scoped3A_26, %dma_start3A_57, %dma_start3A_58] : memref<32x2x40x125xi32, #tpu.memory_space<hbm>> -> memref<1x1x40x125xi32, #tpu.memory_space<hbm>>
      %dma_start3A_60 = tpu.memref_squeeze %dma_start3A_59 : memref<1x1x40x125xi32, #tpu.memory_space<hbm>> -> memref<40x125xi32, #tpu.memory_space<hbm>>
      tpu.enqueue_dma source(%dma_start3A_60 : memref<40x125xi32, #tpu.memory_space<hbm>>) target(%arg7 : memref<40x125xi32, #tpu.memory_space<vmem>>) target_semaphore(%run_scoped3A_52 : memref<!tpu.dma_semaphore, #tpu.memory_space<semaphore_mem>>)
      %dma_wait3A = arith.constant 0 : i32
      %dma_wait3A_61 = arith.constant 0 : i32
      %dma_wait3A_62 = tpu.memref_slice %arg3[%add3A, %run_scoped3A_26, %dma_wait3A, %dma_wait3A_61] : memref<32x2x40x125xi32, #tpu.memory_space<hbm>> -> memref<1x1x40x125xi32, #tpu.memory_space<hbm>>
      %dma_wait3A_63 = tpu.memref_squeeze %dma_wait3A_62 : memref<1x1x40x125xi32, #tpu.memory_space<hbm>> -> memref<40x125xi32, #tpu.memory_space<hbm>>
      %dma_wait3A_64 = arith.constant 0 : i32
      %dma_wait3A_65 = arith.constant 0 : i32
      %dma_wait3A_66 = tpu.memref_slice %arg3[%add3A, %run_scoped3A_26, %dma_wait3A_64, %dma_wait3A_65] : memref<32x2x40x125xi32, #tpu.memory_space<hbm>> -> memref<1x1x40x125xi32, #tpu.memory_space<hbm>>
      %dma_wait3A_67 = tpu.memref_squeeze %dma_wait3A_66 : memref<1x1x40x125xi32, #tpu.memory_space<hbm>> -> memref<40x125xi32, #tpu.memory_space<hbm>>
      tpu.wait_dma2 semaphore(%run_scoped3A_52 : memref<!tpu.dma_semaphore, #tpu.memory_space<semaphore_mem>>) src(%dma_wait3A_67 : memref<40x125xi32, #tpu.memory_space<hbm>>) dst(%arg7 : memref<40x125xi32, #tpu.memory_space<vmem>>)
      tpu.yield
    }) : () -> ()
    %run_scoped3A_27 = arith.constant 1 : i32
    "tpu.region"() ({
      %run_scoped3A_52 = tpu.sem_alloc : memref<!tpu.dma_semaphore, #tpu.memory_space<semaphore_mem>>
      %dma_start3A_53 = arith.constant 0 : i32
      %dma_start3A_54 = arith.constant 0 : i32
      %dma_start3A_55 = tpu.memref_slice %arg4[%add3A, %run_scoped3A_27, %dma_start3A_53, %dma_start3A_54] : memref<32x2x40x125xi32, #tpu.memory_space<hbm>> -> memref<1x1x40x125xi32, #tpu.memory_space<hbm>>
      %dma_start3A_56 = tpu.memref_squeeze %dma_start3A_55 : memref<1x1x40x125xi32, #tpu.memory_space<hbm>> -> memref<40x125xi32, #tpu.memory_space<hbm>>
      %dma_start3A_57 = arith.constant 0 : i32
      %dma_start3A_58 = arith.constant 0 : i32
      %dma_start3A_59 = tpu.memref_slice %arg4[%add3A, %run_scoped3A_27, %dma_start3A_57, %dma_start3A_58] : memref<32x2x40x125xi32, #tpu.memory_space<hbm>> -> memref<1x1x40x125xi32, #tpu.memory_space<hbm>>
      %dma_start3A_60 = tpu.memref_squeeze %dma_start3A_59 : memref<1x1x40x125xi32, #tpu.memory_space<hbm>> -> memref<40x125xi32, #tpu.memory_space<hbm>>
      tpu.enqueue_dma source(%dma_start3A_60 : memref<40x125xi32, #tpu.memory_space<hbm>>) target(%arg8 : memref<40x125xi32, #tpu.memory_space<vmem>>) target_semaphore(%run_scoped3A_52 : memref<!tpu.dma_semaphore, #tpu.memory_space<semaphore_mem>>)
      %dma_wait3A = arith.constant 0 : i32
      %dma_wait3A_61 = arith.constant 0 : i32
      %dma_wait3A_62 = tpu.memref_slice %arg4[%add3A, %run_scoped3A_27, %dma_wait3A, %dma_wait3A_61] : memref<32x2x40x125xi32, #tpu.memory_space<hbm>> -> memref<1x1x40x125xi32, #tpu.memory_space<hbm>>
      %dma_wait3A_63 = tpu.memref_squeeze %dma_wait3A_62 : memref<1x1x40x125xi32, #tpu.memory_space<hbm>> -> memref<40x125xi32, #tpu.memory_space<hbm>>
      %dma_wait3A_64 = arith.constant 0 : i32
      %dma_wait3A_65 = arith.constant 0 : i32
      %dma_wait3A_66 = tpu.memref_slice %arg4[%add3A, %run_scoped3A_27, %dma_wait3A_64, %dma_wait3A_65] : memref<32x2x40x125xi32, #tpu.memory_space<hbm>> -> memref<1x1x40x125xi32, #tpu.memory_space<hbm>>
      %dma_wait3A_67 = tpu.memref_squeeze %dma_wait3A_66 : memref<1x1x40x125xi32, #tpu.memory_space<hbm>> -> memref<40x125xi32, #tpu.memory_space<hbm>>
      tpu.wait_dma2 semaphore(%run_scoped3A_52 : memref<!tpu.dma_semaphore, #tpu.memory_space<semaphore_mem>>) src(%dma_wait3A_67 : memref<40x125xi32, #tpu.memory_space<hbm>>) dst(%arg8 : memref<40x125xi32, #tpu.memory_space<vmem>>)
      tpu.yield
    }) : () -> ()
    %dma_start3A_28 = arith.constant 0 : i32
    %dma_start3A_29 = arith.constant 0 : i32
    %dma_start3A_30 = tpu.memref_slice %arg7[%dma_start3A_28, %dma_start3A_29] : memref<40x125xi32, #tpu.memory_space<vmem>> -> memref<1x125xi32, #tpu.memory_space<vmem>>
    %dma_start3A_31 = tpu.memref_squeeze %dma_start3A_30 : memref<1x125xi32, #tpu.memory_space<vmem>> -> memref<125xi32, #tpu.memory_space<vmem>>
    %dma_start3A_32 = arith.constant 0 : i32
    %dma_start3A_33 = arith.constant 0 : i32
    %dma_start3A_34 = tpu.memref_slice %arg2[%dma_start3A_32, %dma_start3A_33] : memref<10000x128xf32, #tpu.memory_space<hbm>> -> memref<10000x128xf32, #tpu.memory_space<hbm>>
    tpu.enqueue_indirect_dma source(%dma_start3A_34 : memref<10000x128xf32, #tpu.memory_space<hbm>>) target(%arg9 : memref<125x128xf32, #tpu.memory_space<vmem>>) offsets(%dma_start3A_31 : memref<125xi32, #tpu.memory_space<vmem>>) semaphore(%arg12 : memref<!tpu.dma_semaphore, #tpu.memory_space<semaphore_mem>>)
    %dma_start3A_35 = arith.constant 1 : i32
    %dma_start3A_36 = arith.constant 0 : i32
    %dma_start3A_37 = tpu.memref_slice %arg7[%dma_start3A_35, %dma_start3A_36] : memref<40x125xi32, #tpu.memory_space<vmem>> -> memref<1x125xi32, #tpu.memory_space<vmem>>
    %dma_start3A_38 = tpu.memref_squeeze %dma_start3A_37 : memref<1x125xi32, #tpu.memory_space<vmem>> -> memref<125xi32, #tpu.memory_space<vmem>>
    %dma_start3A_39 = arith.constant 0 : i32
    %dma_start3A_40 = arith.constant 0 : i32
    %dma_start3A_41 = tpu.memref_slice %arg2[%dma_start3A_39, %dma_start3A_40] : memref<10000x128xf32, #tpu.memory_space<hbm>> -> memref<10000x128xf32, #tpu.memory_space<hbm>>
    tpu.enqueue_indirect_dma source(%dma_start3A_41 : memref<10000x128xf32, #tpu.memory_space<hbm>>) target(%arg10 : memref<125x128xf32, #tpu.memory_space<vmem>>) offsets(%dma_start3A_38 : memref<125xi32, #tpu.memory_space<vmem>>) semaphore(%arg13 : memref<!tpu.dma_semaphore, #tpu.memory_space<semaphore_mem>>)
    %scan3A_42 = arith.constant 0 : i32
    %scan3A_43 = arith.constant 20 : i32
    %scan3A_44 = arith.addi %scan3A_42, %scan3A_43 : i32
    %scan3A_45 = arith.constant 1 : i32
    scf.for %scan3A_52 = %scan3A_42 to %scan3A_44 step %scan3A_45  : i32 {
      %mul3A_53 = arith.constant 2 : i32
      %mul3A_54 = arith.muli %scan3A_52, %mul3A_53 : i32
      %add3A_55 = arith.constant 0 : i32
      %add3A_56 = arith.addi %mul3A_54, %add3A_55 : i32
      %dma_wait3A = arith.constant 0 : i32
      %dma_wait3A_57 = tpu.memref_slice %arg7[%add3A_56, %dma_wait3A] : memref<40x125xi32, #tpu.memory_space<vmem>> -> memref<1x125xi32, #tpu.memory_space<vmem>>
      %dma_wait3A_58 = tpu.memref_squeeze %dma_wait3A_57 : memref<1x125xi32, #tpu.memory_space<vmem>> -> memref<125xi32, #tpu.memory_space<vmem>>
      %dma_wait3A_59 = arith.constant 0 : i32
      %dma_wait3A_60 = arith.constant 0 : i32
      %dma_wait3A_61 = tpu.memref_slice %arg2[%dma_wait3A_59, %dma_wait3A_60] : memref<10000x128xf32, #tpu.memory_space<hbm>> -> memref<10000x128xf32, #tpu.memory_space<hbm>>
      tpu.wait_indirect_dma semaphore(%arg12 : memref<!tpu.dma_semaphore, #tpu.memory_space<semaphore_mem>>) src(%dma_wait3A_61 : memref<10000x128xf32, #tpu.memory_space<hbm>>) dst(%arg9 : memref<125x128xf32, #tpu.memory_space<vmem>>)
      "tpu.region"() ({
        %run_scoped3A_85 = tpu.sem_alloc : memref<!tpu.dma_semaphore, #tpu.memory_space<semaphore_mem>>
        %dma_start3A_86 = arith.constant 0 : i32
        %dma_start3A_87 = tpu.memref_slice %arg8[%add3A_56, %dma_start3A_86] : memref<40x125xi32, #tpu.memory_space<vmem>> -> memref<1x125xi32, #tpu.memory_space<vmem>>
        %dma_start3A_88 = tpu.memref_squeeze %dma_start3A_87 : memref<1x125xi32, #tpu.memory_space<vmem>> -> memref<125xi32, #tpu.memory_space<vmem>>
        %dma_start3A_89 = arith.constant 0 : i32
        %dma_start3A_90 = arith.constant 0 : i32
        %dma_start3A_91 = tpu.memref_slice %arg11[%dma_start3A_89, %dma_start3A_90] : memref<10112x128xf32, #tpu.memory_space<vmem_shared>> -> memref<10112x128xf32, #tpu.memory_space<vmem_shared>>
        tpu.enqueue_indirect_dma source(%arg9 : memref<125x128xf32, #tpu.memory_space<vmem>>) target(%dma_start3A_91 : memref<10112x128xf32, #tpu.memory_space<vmem_shared>>) offsets(%dma_start3A_88 : memref<125xi32, #tpu.memory_space<vmem>>) semaphore(%run_scoped3A_85 : memref<!tpu.dma_semaphore, #tpu.memory_space<semaphore_mem>>) {add = true}
        %dma_wait3A_92 = arith.constant 0 : i32
        %dma_wait3A_93 = tpu.memref_slice %arg8[%add3A_56, %dma_wait3A_92] : memref<40x125xi32, #tpu.memory_space<vmem>> -> memref<1x125xi32, #tpu.memory_space<vmem>>
        %dma_wait3A_94 = tpu.memref_squeeze %dma_wait3A_93 : memref<1x125xi32, #tpu.memory_space<vmem>> -> memref<125xi32, #tpu.memory_space<vmem>>
        %dma_wait3A_95 = arith.constant 0 : i32
        %dma_wait3A_96 = arith.constant 0 : i32
        %dma_wait3A_97 = tpu.memref_slice %arg11[%dma_wait3A_95, %dma_wait3A_96] : memref<10112x128xf32, #tpu.memory_space<vmem_shared>> -> memref<10112x128xf32, #tpu.memory_space<vmem_shared>>
        tpu.wait_indirect_dma semaphore(%run_scoped3A_85 : memref<!tpu.dma_semaphore, #tpu.memory_space<semaphore_mem>>) src(%arg9 : memref<125x128xf32, #tpu.memory_space<vmem>>) dst(%dma_wait3A_97 : memref<10112x128xf32, #tpu.memory_space<vmem_shared>>)
        tpu.yield
      }) : () -> ()
      %add3A_62 = arith.constant 2 : i32
      %add3A_63 = arith.addi %add3A_56, %add3A_62 : i32
      %lt3A = arith.constant 40 : i32
      %lt3A_64 = arith.cmpi slt, %add3A_63, %lt3A : i32
      %convert_element_type3A_65 = arith.extui %lt3A_64 : i1 to i32
      %cond3A_66 = arith.constant 0 : i32
      %cond3A_67 = arith.cmpi ne, %convert_element_type3A_65, %cond3A_66 : i32
      scf.if %cond3A_67 {
        %add3A_85 = arith.constant 2 : i32
        %add3A_86 = arith.addi %add3A_56, %add3A_85 : i32
        %dma_start3A_87 = arith.constant 0 : i32
        %dma_start3A_88 = tpu.memref_slice %arg7[%add3A_86, %dma_start3A_87] : memref<40x125xi32, #tpu.memory_space<vmem>> -> memref<1x125xi32, #tpu.memory_space<vmem>>
        %dma_start3A_89 = tpu.memref_squeeze %dma_start3A_88 : memref<1x125xi32, #tpu.memory_space<vmem>> -> memref<125xi32, #tpu.memory_space<vmem>>
        %dma_start3A_90 = arith.constant 0 : i32
        %dma_start3A_91 = arith.constant 0 : i32
        %dma_start3A_92 = tpu.memref_slice %arg2[%dma_start3A_90, %dma_start3A_91] : memref<10000x128xf32, #tpu.memory_space<hbm>> -> memref<10000x128xf32, #tpu.memory_space<hbm>>
        tpu.enqueue_indirect_dma source(%dma_start3A_92 : memref<10000x128xf32, #tpu.memory_space<hbm>>) target(%arg9 : memref<125x128xf32, #tpu.memory_space<vmem>>) offsets(%dma_start3A_89 : memref<125xi32, #tpu.memory_space<vmem>>) semaphore(%arg12 : memref<!tpu.dma_semaphore, #tpu.memory_space<semaphore_mem>>)
      } else {
      }
      %mul3A_68 = arith.constant 2 : i32
      %mul3A_69 = arith.muli %scan3A_52, %mul3A_68 : i32
      %add3A_70 = arith.constant 1 : i32
      %add3A_71 = arith.addi %mul3A_69, %add3A_70 : i32
      %dma_wait3A_72 = arith.constant 0 : i32
      %dma_wait3A_73 = tpu.memref_slice %arg7[%add3A_71, %dma_wait3A_72] : memref<40x125xi32, #tpu.memory_space<vmem>> -> memref<1x125xi32, #tpu.memory_space<vmem>>
      %dma_wait3A_74 = tpu.memref_squeeze %dma_wait3A_73 : memref<1x125xi32, #tpu.memory_space<vmem>> -> memref<125xi32, #tpu.memory_space<vmem>>
      %dma_wait3A_75 = arith.constant 0 : i32
      %dma_wait3A_76 = arith.constant 0 : i32
      %dma_wait3A_77 = tpu.memref_slice %arg2[%dma_wait3A_75, %dma_wait3A_76] : memref<10000x128xf32, #tpu.memory_space<hbm>> -> memref<10000x128xf32, #tpu.memory_space<hbm>>
      tpu.wait_indirect_dma semaphore(%arg13 : memref<!tpu.dma_semaphore, #tpu.memory_space<semaphore_mem>>) src(%dma_wait3A_77 : memref<10000x128xf32, #tpu.memory_space<hbm>>) dst(%arg10 : memref<125x128xf32, #tpu.memory_space<vmem>>)
      "tpu.region"() ({
        %run_scoped3A_85 = tpu.sem_alloc : memref<!tpu.dma_semaphore, #tpu.memory_space<semaphore_mem>>
        %dma_start3A_86 = arith.constant 0 : i32
        %dma_start3A_87 = tpu.memref_slice %arg8[%add3A_71, %dma_start3A_86] : memref<40x125xi32, #tpu.memory_space<vmem>> -> memref<1x125xi32, #tpu.memory_space<vmem>>
        %dma_start3A_88 = tpu.memref_squeeze %dma_start3A_87 : memref<1x125xi32, #tpu.memory_space<vmem>> -> memref<125xi32, #tpu.memory_space<vmem>>
        %dma_start3A_89 = arith.constant 0 : i32
        %dma_start3A_90 = arith.constant 0 : i32
        %dma_start3A_91 = tpu.memref_slice %arg11[%dma_start3A_89, %dma_start3A_90] : memref<10112x128xf32, #tpu.memory_space<vmem_shared>> -> memref<10112x128xf32, #tpu.memory_space<vmem_shared>>
        tpu.enqueue_indirect_dma source(%arg10 : memref<125x128xf32, #tpu.memory_space<vmem>>) target(%dma_start3A_91 : memref<10112x128xf32, #tpu.memory_space<vmem_shared>>) offsets(%dma_start3A_88 : memref<125xi32, #tpu.memory_space<vmem>>) semaphore(%run_scoped3A_85 : memref<!tpu.dma_semaphore, #tpu.memory_space<semaphore_mem>>) {add = true}
        %dma_wait3A_92 = arith.constant 0 : i32
        %dma_wait3A_93 = tpu.memref_slice %arg8[%add3A_71, %dma_wait3A_92] : memref<40x125xi32, #tpu.memory_space<vmem>> -> memref<1x125xi32, #tpu.memory_space<vmem>>
        %dma_wait3A_94 = tpu.memref_squeeze %dma_wait3A_93 : memref<1x125xi32, #tpu.memory_space<vmem>> -> memref<125xi32, #tpu.memory_space<vmem>>
        %dma_wait3A_95 = arith.constant 0 : i32
        %dma_wait3A_96 = arith.constant 0 : i32
        %dma_wait3A_97 = tpu.memref_slice %arg11[%dma_wait3A_95, %dma_wait3A_96] : memref<10112x128xf32, #tpu.memory_space<vmem_shared>> -> memref<10112x128xf32, #tpu.memory_space<vmem_shared>>
        tpu.wait_indirect_dma semaphore(%run_scoped3A_85 : memref<!tpu.dma_semaphore, #tpu.memory_space<semaphore_mem>>) src(%arg10 : memref<125x128xf32, #tpu.memory_space<vmem>>) dst(%dma_wait3A_97 : memref<10112x128xf32, #tpu.memory_space<vmem_shared>>)
        tpu.yield
      }) : () -> ()
      %add3A_78 = arith.constant 2 : i32
      %add3A_79 = arith.addi %add3A_71, %add3A_78 : i32
      %lt3A_80 = arith.constant 40 : i32
      %lt3A_81 = arith.cmpi slt, %add3A_79, %lt3A_80 : i32
      %convert_element_type3A_82 = arith.extui %lt3A_81 : i1 to i32
      %cond3A_83 = arith.constant 0 : i32
      %cond3A_84 = arith.cmpi ne, %convert_element_type3A_82, %cond3A_83 : i32
      scf.if %cond3A_84 {
        %add3A_85 = arith.constant 2 : i32
        %add3A_86 = arith.addi %add3A_71, %add3A_85 : i32
        %dma_start3A_87 = arith.constant 0 : i32
        %dma_start3A_88 = tpu.memref_slice %arg7[%add3A_86, %dma_start3A_87] : memref<40x125xi32, #tpu.memory_space<vmem>> -> memref<1x125xi32, #tpu.memory_space<vmem>>
        %dma_start3A_89 = tpu.memref_squeeze %dma_start3A_88 : memref<1x125xi32, #tpu.memory_space<vmem>> -> memref<125xi32, #tpu.memory_space<vmem>>
        %dma_start3A_90 = arith.constant 0 : i32
        %dma_start3A_91 = arith.constant 0 : i32
        %dma_start3A_92 = tpu.memref_slice %arg2[%dma_start3A_90, %dma_start3A_91] : memref<10000x128xf32, #tpu.memory_space<hbm>> -> memref<10000x128xf32, #tpu.memory_space<hbm>>
        tpu.enqueue_indirect_dma source(%dma_start3A_92 : memref<10000x128xf32, #tpu.memory_space<hbm>>) target(%arg10 : memref<125x128xf32, #tpu.memory_space<vmem>>) offsets(%dma_start3A_89 : memref<125xi32, #tpu.memory_space<vmem>>) semaphore(%arg13 : memref<!tpu.dma_semaphore, #tpu.memory_space<semaphore_mem>>)
      } else {
      }
    }
    %scan3A_46 = arith.constant 20 : i32
    %barrier3A_47 = arith.constant 0 : index
    tpu.barrier barrier_id(%barrier3A_47)
    %mul3A_48 = arith.constant 632 : i32
    %mul3A_49 = arith.muli %arg1, %mul3A_48 : i32
    %mul3A_50 = arith.constant 632 : i32
    %mul3A_51 = arith.muli %arg1, %mul3A_50 : i32
    "tpu.region"() ({
      %run_scoped3A_52 = tpu.sem_alloc : memref<!tpu.dma_semaphore, #tpu.memory_space<semaphore_mem>>
      %dma_start3A_53 = arith.constant 0 : i32
      %dma_start3A_54 = tpu.memref_slice %arg6[%arg0, %mul3A_51, %dma_start3A_53] : memref<2x10112x128xf32, #tpu.memory_space<hbm>> -> memref<1x632x128xf32, #tpu.memory_space<hbm>>
      %dma_start3A_55 = tpu.memref_squeeze %dma_start3A_54 : memref<1x632x128xf32, #tpu.memory_space<hbm>> -> memref<632x128xf32, #tpu.memory_space<hbm>>
      %dma_start3A_56 = arith.constant 0 : i32
      %dma_start3A_57 = tpu.memref_slice %arg11[%mul3A_49, %dma_start3A_56] : memref<10112x128xf32, #tpu.memory_space<vmem_shared>> -> memref<632x128xf32, #tpu.memory_space<vmem_shared>>
      tpu.enqueue_dma source(%dma_start3A_57 : memref<632x128xf32, #tpu.memory_space<vmem_shared>>) target(%dma_start3A_55 : memref<632x128xf32, #tpu.memory_space<hbm>>) target_semaphore(%run_scoped3A_52 : memref<!tpu.dma_semaphore, #tpu.memory_space<semaphore_mem>>)
      %dma_wait3A = arith.constant 0 : i32
      %dma_wait3A_58 = tpu.memref_slice %arg6[%arg0, %mul3A_51, %dma_wait3A] : memref<2x10112x128xf32, #tpu.memory_space<hbm>> -> memref<1x632x128xf32, #tpu.memory_space<hbm>>
      %dma_wait3A_59 = tpu.memref_squeeze %dma_wait3A_58 : memref<1x632x128xf32, #tpu.memory_space<hbm>> -> memref<632x128xf32, #tpu.memory_space<hbm>>
      %dma_wait3A_60 = arith.constant 0 : i32
      %dma_wait3A_61 = tpu.memref_slice %arg11[%mul3A_49, %dma_wait3A_60] : memref<10112x128xf32, #tpu.memory_space<vmem_shared>> -> memref<632x128xf32, #tpu.memory_space<vmem_shared>>
      tpu.wait_dma2 semaphore(%run_scoped3A_52 : memref<!tpu.dma_semaphore, #tpu.memory_space<semaphore_mem>>) src(%dma_wait3A_61 : memref<632x128xf32, #tpu.memory_space<vmem_shared>>) dst(%dma_wait3A_59 : memref<632x128xf32, #tpu.memory_space<hbm>>)
      tpu.yield
    }) : () -> ()
    return
  }
}

#map = affine_map<(d0, d1) -> (0, 0)>
#map1 = affine_map<(d0, d1) -> (0, 0, 0, 0)>
#map2 = affine_map<(d0, d1) -> (0, 0, 0)>
module attributes {stable_mosaic.version = 14 : i64} {
  func.func @_seg_sum_body(%arg0: i32, %arg1: i32, %arg2: memref<10000x128xf32, #tpu.memory_space<hbm>>, %arg3: memref<32x2x40x125xi32, #tpu.memory_space<hbm>>, %arg4: memref<32x2x40x125xi32, #tpu.memory_space<hbm>>, %arg5: memref<632x128xf32, #tpu.memory_space<hbm>>, %arg6: memref<2x10112x128xf32, #tpu.memory_space<hbm>>, %arg7: memref<40x125xi32, #tpu.memory_space<vmem>>, %arg8: memref<40x125xi32, #tpu.memory_space<vmem>>, %arg9: memref<125x128xf32, #tpu.memory_space<vmem>>, %arg10: memref<125x128xf32, #tpu.memory_space<vmem>>, %arg11: memref<10112x128xf32, #tpu.memory_space<vmem_shared>>, %arg12: memref<!tpu.dma_semaphore, #tpu.memory_space<semaphore_mem>>, %arg13: memref<!tpu.dma_semaphore, #tpu.memory_space<semaphore_mem>>) attributes {dimension_semantics = [#tpu.dimension_semantics<core_parallel>, #tpu.dimension_semantics<subcore_parallel>], iteration_bounds = array<i64: 2, 16>, scalar_prefetch = 0 : i64, scratch_operands = 7 : i64, tpu.core_type = #tpu.core_type<sc_vector_subcore>, window_params = [{transform_indices = #map}, {transform_indices = #map1}, {transform_indices = #map1}, {transform_indices = #map}, {transform_indices = #map2}]} {
    %mul3A = arith.constant 2 : i32
    %mul3A_0 = arith.muli %arg1, %mul3A : i32
    %add3A = arith.addi %mul3A_0, %arg0 : i32
    %run_scoped3A = arith.constant 0 : i32
    "tpu.region"() ({
      %run_scoped3A_52 = tpu.sem_alloc : memref<!tpu.dma_semaphore, #tpu.memory_space<semaphore_mem>>
      %dma_start3A_53 = arith.constant 0 : i32
      %dma_start3A_54 = arith.constant 0 : i32
      %dma_start3A_55 = tpu.memref_slice %arg3[%add3A, %run_scoped3A, %dma_start3A_53, %dma_start3A_54] : memref<32x2x40x125xi32, #tpu.memory_space<hbm>> -> memref<1x1x40x125xi32, #tpu.memory_space<hbm>>
      %dma_start3A_56 = tpu.memref_squeeze %dma_start3A_55 : memref<1x1x40x125xi32, #tpu.memory_space<hbm>> -> memref<40x125xi32, #tpu.memory_space<hbm>>
      %dma_start3A_57 = arith.constant 0 : i32
      %dma_start3A_58 = arith.constant 0 : i32
      %dma_start3A_59 = tpu.memref_slice %arg3[%add3A, %run_scoped3A, %dma_start3A_57, %dma_start3A_58] : memref<32x2x40x125xi32, #tpu.memory_space<hbm>> -> memref<1x1x40x125xi32, #tpu.memory_space<hbm>>
      %dma_start3A_60 = tpu.memref_squeeze %dma_start3A_59 : memref<1x1x40x125xi32, #tpu.memory_space<hbm>> -> memref<40x125xi32, #tpu.memory_space<hbm>>
      tpu.enqueue_dma source(%dma_start3A_60 : memref<40x125xi32, #tpu.memory_space<hbm>>) target(%arg7 : memref<40x125xi32, #tpu.memory_space<vmem>>) target_semaphore(%run_scoped3A_52 : memref<!tpu.dma_semaphore, #tpu.memory_space<semaphore_mem>>)
      %dma_wait3A = arith.constant 0 : i32
      %dma_wait3A_61 = arith.constant 0 : i32
      %dma_wait3A_62 = tpu.memref_slice %arg3[%add3A, %run_scoped3A, %dma_wait3A, %dma_wait3A_61] : memref<32x2x40x125xi32, #tpu.memory_space<hbm>> -> memref<1x1x40x125xi32, #tpu.memory_space<hbm>>
      %dma_wait3A_63 = tpu.memref_squeeze %dma_wait3A_62 : memref<1x1x40x125xi32, #tpu.memory_space<hbm>> -> memref<40x125xi32, #tpu.memory_space<hbm>>
      %dma_wait3A_64 = arith.constant 0 : i32
      %dma_wait3A_65 = arith.constant 0 : i32
      %dma_wait3A_66 = tpu.memref_slice %arg3[%add3A, %run_scoped3A, %dma_wait3A_64, %dma_wait3A_65] : memref<32x2x40x125xi32, #tpu.memory_space<hbm>> -> memref<1x1x40x125xi32, #tpu.memory_space<hbm>>
      %dma_wait3A_67 = tpu.memref_squeeze %dma_wait3A_66 : memref<1x1x40x125xi32, #tpu.memory_space<hbm>> -> memref<40x125xi32, #tpu.memory_space<hbm>>
      tpu.wait_dma2 semaphore(%run_scoped3A_52 : memref<!tpu.dma_semaphore, #tpu.memory_space<semaphore_mem>>) src(%dma_wait3A_67 : memref<40x125xi32, #tpu.memory_space<hbm>>) dst(%arg7 : memref<40x125xi32, #tpu.memory_space<vmem>>)
      tpu.yield
    }) : () -> ()
    %run_scoped3A_1 = arith.constant 0 : i32
    "tpu.region"() ({
      %run_scoped3A_52 = tpu.sem_alloc : memref<!tpu.dma_semaphore, #tpu.memory_space<semaphore_mem>>
      %dma_start3A_53 = arith.constant 0 : i32
      %dma_start3A_54 = arith.constant 0 : i32
      %dma_start3A_55 = tpu.memref_slice %arg4[%add3A, %run_scoped3A_1, %dma_start3A_53, %dma_start3A_54] : memref<32x2x40x125xi32, #tpu.memory_space<hbm>> -> memref<1x1x40x125xi32, #tpu.memory_space<hbm>>
      %dma_start3A_56 = tpu.memref_squeeze %dma_start3A_55 : memref<1x1x40x125xi32, #tpu.memory_space<hbm>> -> memref<40x125xi32, #tpu.memory_space<hbm>>
      %dma_start3A_57 = arith.constant 0 : i32
      %dma_start3A_58 = arith.constant 0 : i32
      %dma_start3A_59 = tpu.memref_slice %arg4[%add3A, %run_scoped3A_1, %dma_start3A_57, %dma_start3A_58] : memref<32x2x40x125xi32, #tpu.memory_space<hbm>> -> memref<1x1x40x125xi32, #tpu.memory_space<hbm>>
      %dma_start3A_60 = tpu.memref_squeeze %dma_start3A_59 : memref<1x1x40x125xi32, #tpu.memory_space<hbm>> -> memref<40x125xi32, #tpu.memory_space<hbm>>
      tpu.enqueue_dma source(%dma_start3A_60 : memref<40x125xi32, #tpu.memory_space<hbm>>) target(%arg8 : memref<40x125xi32, #tpu.memory_space<vmem>>) target_semaphore(%run_scoped3A_52 : memref<!tpu.dma_semaphore, #tpu.memory_space<semaphore_mem>>)
      %dma_wait3A = arith.constant 0 : i32
      %dma_wait3A_61 = arith.constant 0 : i32
      %dma_wait3A_62 = tpu.memref_slice %arg4[%add3A, %run_scoped3A_1, %dma_wait3A, %dma_wait3A_61] : memref<32x2x40x125xi32, #tpu.memory_space<hbm>> -> memref<1x1x40x125xi32, #tpu.memory_space<hbm>>
      %dma_wait3A_63 = tpu.memref_squeeze %dma_wait3A_62 : memref<1x1x40x125xi32, #tpu.memory_space<hbm>> -> memref<40x125xi32, #tpu.memory_space<hbm>>
      %dma_wait3A_64 = arith.constant 0 : i32
      %dma_wait3A_65 = arith.constant 0 : i32
      %dma_wait3A_66 = tpu.memref_slice %arg4[%add3A, %run_scoped3A_1, %dma_wait3A_64, %dma_wait3A_65] : memref<32x2x40x125xi32, #tpu.memory_space<hbm>> -> memref<1x1x40x125xi32, #tpu.memory_space<hbm>>
      %dma_wait3A_67 = tpu.memref_squeeze %dma_wait3A_66 : memref<1x1x40x125xi32, #tpu.memory_space<hbm>> -> memref<40x125xi32, #tpu.memory_space<hbm>>
      tpu.wait_dma2 semaphore(%run_scoped3A_52 : memref<!tpu.dma_semaphore, #tpu.memory_space<semaphore_mem>>) src(%dma_wait3A_67 : memref<40x125xi32, #tpu.memory_space<hbm>>) dst(%arg8 : memref<40x125xi32, #tpu.memory_space<vmem>>)
      tpu.yield
    }) : () -> ()
    %dma_start3A = arith.constant 0 : i32
    %dma_start3A_2 = arith.constant 0 : i32
    %dma_start3A_3 = tpu.memref_slice %arg7[%dma_start3A, %dma_start3A_2] : memref<40x125xi32, #tpu.memory_space<vmem>> -> memref<1x125xi32, #tpu.memory_space<vmem>>
    %dma_start3A_4 = tpu.memref_squeeze %dma_start3A_3 : memref<1x125xi32, #tpu.memory_space<vmem>> -> memref<125xi32, #tpu.memory_space<vmem>>
    %dma_start3A_5 = arith.constant 0 : i32
    %dma_start3A_6 = arith.constant 0 : i32
    %dma_start3A_7 = tpu.memref_slice %arg2[%dma_start3A_5, %dma_start3A_6] : memref<10000x128xf32, #tpu.memory_space<hbm>> -> memref<10000x128xf32, #tpu.memory_space<hbm>>
    tpu.enqueue_indirect_dma source(%dma_start3A_7 : memref<10000x128xf32, #tpu.memory_space<hbm>>) target(%arg9 : memref<125x128xf32, #tpu.memory_space<vmem>>) offsets(%dma_start3A_4 : memref<125xi32, #tpu.memory_space<vmem>>) semaphore(%arg12 : memref<!tpu.dma_semaphore, #tpu.memory_space<semaphore_mem>>)
    %dma_start3A_8 = arith.constant 1 : i32
    %dma_start3A_9 = arith.constant 0 : i32
    %dma_start3A_10 = tpu.memref_slice %arg7[%dma_start3A_8, %dma_start3A_9] : memref<40x125xi32, #tpu.memory_space<vmem>> -> memref<1x125xi32, #tpu.memory_space<vmem>>
    %dma_start3A_11 = tpu.memref_squeeze %dma_start3A_10 : memref<1x125xi32, #tpu.memory_space<vmem>> -> memref<125xi32, #tpu.memory_space<vmem>>
    %dma_start3A_12 = arith.constant 0 : i32
    %dma_start3A_13 = arith.constant 0 : i32
    %dma_start3A_14 = tpu.memref_slice %arg2[%dma_start3A_12, %dma_start3A_13] : memref<10000x128xf32, #tpu.memory_space<hbm>> -> memref<10000x128xf32, #tpu.memory_space<hbm>>
    tpu.enqueue_indirect_dma source(%dma_start3A_14 : memref<10000x128xf32, #tpu.memory_space<hbm>>) target(%arg10 : memref<125x128xf32, #tpu.memory_space<vmem>>) offsets(%dma_start3A_11 : memref<125xi32, #tpu.memory_space<vmem>>) semaphore(%arg13 : memref<!tpu.dma_semaphore, #tpu.memory_space<semaphore_mem>>)
    %eq3A = arith.constant 0 : i32
    %eq3A_15 = arith.cmpi eq, %arg0, %eq3A : i32
    %convert_element_type3A = arith.extui %eq3A_15 : i1 to i32
    %cond3A = arith.constant 0 : i32
    %cond3A_16 = arith.cmpi ne, %convert_element_type3A, %cond3A : i32
    scf.if %cond3A_16 {
      %lt3A = arith.constant 15 : i32
      %lt3A_52 = arith.cmpi slt, %arg1, %lt3A : i32
      %convert_element_type3A_53 = arith.extui %lt3A_52 : i1 to i32
      %cond3A_54 = arith.constant 0 : i32
      %cond3A_55 = arith.cmpi ne, %convert_element_type3A_53, %cond3A_54 : i32
      scf.if %cond3A_55 {
        %mul3A_61 = arith.constant 632 : i32
        %mul3A_62 = arith.muli %arg1, %mul3A_61 : i32
        %mul3A_63 = arith.constant 632 : i32
        %mul3A_64 = arith.muli %arg1, %mul3A_63 : i32
        "tpu.region"() ({
          %run_scoped3A_65 = tpu.sem_alloc : memref<!tpu.dma_semaphore, #tpu.memory_space<semaphore_mem>>
          %dma_start3A_66 = arith.constant 0 : i32
          %dma_start3A_67 = tpu.memref_slice %arg11[%mul3A_64, %dma_start3A_66] : memref<10112x128xf32, #tpu.memory_space<vmem_shared>> -> memref<632x128xf32, #tpu.memory_space<vmem_shared>>
          %dma_start3A_68 = arith.constant 0 : i32
          %dma_start3A_69 = tpu.memref_slice %arg2[%mul3A_62, %dma_start3A_68] : memref<10000x128xf32, #tpu.memory_space<hbm>> -> memref<632x128xf32, #tpu.memory_space<hbm>>
          tpu.enqueue_dma source(%dma_start3A_69 : memref<632x128xf32, #tpu.memory_space<hbm>>) target(%dma_start3A_67 : memref<632x128xf32, #tpu.memory_space<vmem_shared>>) target_semaphore(%run_scoped3A_65 : memref<!tpu.dma_semaphore, #tpu.memory_space<semaphore_mem>>)
          %dma_wait3A = arith.constant 0 : i32
          %dma_wait3A_70 = tpu.memref_slice %arg11[%mul3A_64, %dma_wait3A] : memref<10112x128xf32, #tpu.memory_space<vmem_shared>> -> memref<632x128xf32, #tpu.memory_space<vmem_shared>>
          %dma_wait3A_71 = arith.constant 0 : i32
          %dma_wait3A_72 = tpu.memref_slice %arg2[%mul3A_62, %dma_wait3A_71] : memref<10000x128xf32, #tpu.memory_space<hbm>> -> memref<632x128xf32, #tpu.memory_space<hbm>>
          tpu.wait_dma2 semaphore(%run_scoped3A_65 : memref<!tpu.dma_semaphore, #tpu.memory_space<semaphore_mem>>) src(%dma_wait3A_72 : memref<632x128xf32, #tpu.memory_space<hbm>>) dst(%dma_wait3A_70 : memref<632x128xf32, #tpu.memory_space<vmem_shared>>)
          tpu.yield
        }) : () -> ()
      } else {
      }
      %eq3A_56 = arith.constant 15 : i32
      %eq3A_57 = arith.cmpi eq, %arg1, %eq3A_56 : i32
      %convert_element_type3A_58 = arith.extui %eq3A_57 : i1 to i32
      %cond3A_59 = arith.constant 0 : i32
      %cond3A_60 = arith.cmpi ne, %convert_element_type3A_58, %cond3A_59 : i32
      scf.if %cond3A_60 {
        "tpu.region"() ({
          %run_scoped3A_61 = tpu.sem_alloc : memref<!tpu.dma_semaphore, #tpu.memory_space<semaphore_mem>>
          %dma_start3A_62 = arith.constant 9480 : i32
          %dma_start3A_63 = arith.constant 0 : i32
          %dma_start3A_64 = tpu.memref_slice %arg11[%dma_start3A_62, %dma_start3A_63] : memref<10112x128xf32, #tpu.memory_space<vmem_shared>> -> memref<520x128xf32, #tpu.memory_space<vmem_shared>>
          %dma_start3A_65 = arith.constant 9480 : i32
          %dma_start3A_66 = arith.constant 0 : i32
          %dma_start3A_67 = tpu.memref_slice %arg2[%dma_start3A_65, %dma_start3A_66] : memref<10000x128xf32, #tpu.memory_space<hbm>> -> memref<520x128xf32, #tpu.memory_space<hbm>>
          tpu.enqueue_dma source(%dma_start3A_67 : memref<520x128xf32, #tpu.memory_space<hbm>>) target(%dma_start3A_64 : memref<520x128xf32, #tpu.memory_space<vmem_shared>>) target_semaphore(%run_scoped3A_61 : memref<!tpu.dma_semaphore, #tpu.memory_space<semaphore_mem>>)
          %dma_wait3A = arith.constant 9480 : i32
          %dma_wait3A_68 = arith.constant 0 : i32
          %dma_wait3A_69 = tpu.memref_slice %arg11[%dma_wait3A, %dma_wait3A_68] : memref<10112x128xf32, #tpu.memory_space<vmem_shared>> -> memref<520x128xf32, #tpu.memory_space<vmem_shared>>
          %dma_wait3A_70 = arith.constant 9480 : i32
          %dma_wait3A_71 = arith.constant 0 : i32
          %dma_wait3A_72 = tpu.memref_slice %arg2[%dma_wait3A_70, %dma_wait3A_71] : memref<10000x128xf32, #tpu.memory_space<hbm>> -> memref<520x128xf32, #tpu.memory_space<hbm>>
          tpu.wait_dma2 semaphore(%run_scoped3A_61 : memref<!tpu.dma_semaphore, #tpu.memory_space<semaphore_mem>>) src(%dma_wait3A_72 : memref<520x128xf32, #tpu.memory_space<hbm>>) dst(%dma_wait3A_69 : memref<520x128xf32, #tpu.memory_space<vmem_shared>>)
          tpu.yield
        }) : () -> ()
        "tpu.region"() ({
          %run_scoped3A_61 = tpu.sem_alloc : memref<!tpu.dma_semaphore, #tpu.memory_space<semaphore_mem>>
          %dma_start3A_62 = arith.constant 10000 : i32
          %dma_start3A_63 = arith.constant 0 : i32
          %dma_start3A_64 = tpu.memref_slice %arg11[%dma_start3A_62, %dma_start3A_63] : memref<10112x128xf32, #tpu.memory_space<vmem_shared>> -> memref<112x128xf32, #tpu.memory_space<vmem_shared>>
          %dma_start3A_65 = arith.constant 0 : i32
          %dma_start3A_66 = arith.constant 0 : i32
          %dma_start3A_67 = tpu.memref_slice %arg5[%dma_start3A_65, %dma_start3A_66] : memref<632x128xf32, #tpu.memory_space<hbm>> -> memref<112x128xf32, #tpu.memory_space<hbm>>
          tpu.enqueue_dma source(%dma_start3A_67 : memref<112x128xf32, #tpu.memory_space<hbm>>) target(%dma_start3A_64 : memref<112x128xf32, #tpu.memory_space<vmem_shared>>) target_semaphore(%run_scoped3A_61 : memref<!tpu.dma_semaphore, #tpu.memory_space<semaphore_mem>>)
          %dma_wait3A = arith.constant 10000 : i32
          %dma_wait3A_68 = arith.constant 0 : i32
          %dma_wait3A_69 = tpu.memref_slice %arg11[%dma_wait3A, %dma_wait3A_68] : memref<10112x128xf32, #tpu.memory_space<vmem_shared>> -> memref<112x128xf32, #tpu.memory_space<vmem_shared>>
          %dma_wait3A_70 = arith.constant 0 : i32
          %dma_wait3A_71 = arith.constant 0 : i32
          %dma_wait3A_72 = tpu.memref_slice %arg5[%dma_wait3A_70, %dma_wait3A_71] : memref<632x128xf32, #tpu.memory_space<hbm>> -> memref<112x128xf32, #tpu.memory_space<hbm>>
          tpu.wait_dma2 semaphore(%run_scoped3A_61 : memref<!tpu.dma_semaphore, #tpu.memory_space<semaphore_mem>>) src(%dma_wait3A_72 : memref<112x128xf32, #tpu.memory_space<hbm>>) dst(%dma_wait3A_69 : memref<112x128xf32, #tpu.memory_space<vmem_shared>>)
          tpu.yield
        }) : () -> ()
      } else {
      }
    } else {
    }
    %eq3A_17 = arith.constant 1 : i32
    %eq3A_18 = arith.cmpi eq, %arg0, %eq3A_17 : i32
    %convert_element_type3A_19 = arith.extui %eq3A_18 : i1 to i32
    %cond3A_20 = arith.constant 0 : i32
    %cond3A_21 = arith.cmpi ne, %convert_element_type3A_19, %cond3A_20 : i32
    scf.if %cond3A_21 {
      %mul3A_52 = arith.constant 632 : i32
      %mul3A_53 = arith.muli %arg1, %mul3A_52 : i32
      "tpu.region"() ({
        %run_scoped3A_54 = tpu.sem_alloc : memref<!tpu.dma_semaphore, #tpu.memory_space<semaphore_mem>>
        %dma_start3A_55 = arith.constant 0 : i32
        %dma_start3A_56 = tpu.memref_slice %arg11[%mul3A_53, %dma_start3A_55] : memref<10112x128xf32, #tpu.memory_space<vmem_shared>> -> memref<632x128xf32, #tpu.memory_space<vmem_shared>>
        tpu.enqueue_dma source(%arg5 : memref<632x128xf32, #tpu.memory_space<hbm>>) target(%dma_start3A_56 : memref<632x128xf32, #tpu.memory_space<vmem_shared>>) target_semaphore(%run_scoped3A_54 : memref<!tpu.dma_semaphore, #tpu.memory_space<semaphore_mem>>)
        %dma_wait3A = arith.constant 0 : i32
        %dma_wait3A_57 = tpu.memref_slice %arg11[%mul3A_53, %dma_wait3A] : memref<10112x128xf32, #tpu.memory_space<vmem_shared>> -> memref<632x128xf32, #tpu.memory_space<vmem_shared>>
        tpu.wait_dma2 semaphore(%run_scoped3A_54 : memref<!tpu.dma_semaphore, #tpu.memory_space<semaphore_mem>>) src(%arg5 : memref<632x128xf32, #tpu.memory_space<hbm>>) dst(%dma_wait3A_57 : memref<632x128xf32, #tpu.memory_space<vmem_shared>>)
        tpu.yield
      }) : () -> ()
    } else {
    }
    %barrier3A = arith.constant 0 : index
    tpu.barrier barrier_id(%barrier3A)
    %scan3A = arith.constant 0 : i32
    %scan3A_22 = arith.constant 20 : i32
    %scan3A_23 = arith.addi %scan3A, %scan3A_22 : i32
    %scan3A_24 = arith.constant 1 : i32
    scf.for %scan3A_52 = %scan3A to %scan3A_23 step %scan3A_24  : i32 {
      %mul3A_53 = arith.constant 2 : i32
      %mul3A_54 = arith.muli %scan3A_52, %mul3A_53 : i32
      %add3A_55 = arith.constant 0 : i32
      %add3A_56 = arith.addi %mul3A_54, %add3A_55 : i32
      %dma_wait3A = arith.constant 0 : i32
      %dma_wait3A_57 = tpu.memref_slice %arg7[%add3A_56, %dma_wait3A] : memref<40x125xi32, #tpu.memory_space<vmem>> -> memref<1x125xi32, #tpu.memory_space<vmem>>
      %dma_wait3A_58 = tpu.memref_squeeze %dma_wait3A_57 : memref<1x125xi32, #tpu.memory_space<vmem>> -> memref<125xi32, #tpu.memory_space<vmem>>
      %dma_wait3A_59 = arith.constant 0 : i32
      %dma_wait3A_60 = arith.constant 0 : i32
      %dma_wait3A_61 = tpu.memref_slice %arg2[%dma_wait3A_59, %dma_wait3A_60] : memref<10000x128xf32, #tpu.memory_space<hbm>> -> memref<10000x128xf32, #tpu.memory_space<hbm>>
      tpu.wait_indirect_dma semaphore(%arg12 : memref<!tpu.dma_semaphore, #tpu.memory_space<semaphore_mem>>) src(%dma_wait3A_61 : memref<10000x128xf32, #tpu.memory_space<hbm>>) dst(%arg9 : memref<125x128xf32, #tpu.memory_space<vmem>>)
      "tpu.region"() ({
        %run_scoped3A_85 = tpu.sem_alloc : memref<!tpu.dma_semaphore, #tpu.memory_space<semaphore_mem>>
        %dma_start3A_86 = arith.constant 0 : i32
        %dma_start3A_87 = tpu.memref_slice %arg8[%add3A_56, %dma_start3A_86] : memref<40x125xi32, #tpu.memory_space<vmem>> -> memref<1x125xi32, #tpu.memory_space<vmem>>
        %dma_start3A_88 = tpu.memref_squeeze %dma_start3A_87 : memref<1x125xi32, #tpu.memory_space<vmem>> -> memref<125xi32, #tpu.memory_space<vmem>>
        %dma_start3A_89 = arith.constant 0 : i32
        %dma_start3A_90 = arith.constant 0 : i32
        %dma_start3A_91 = tpu.memref_slice %arg11[%dma_start3A_89, %dma_start3A_90] : memref<10112x128xf32, #tpu.memory_space<vmem_shared>> -> memref<10112x128xf32, #tpu.memory_space<vmem_shared>>
        tpu.enqueue_indirect_dma source(%arg9 : memref<125x128xf32, #tpu.memory_space<vmem>>) target(%dma_start3A_91 : memref<10112x128xf32, #tpu.memory_space<vmem_shared>>) offsets(%dma_start3A_88 : memref<125xi32, #tpu.memory_space<vmem>>) semaphore(%run_scoped3A_85 : memref<!tpu.dma_semaphore, #tpu.memory_space<semaphore_mem>>) {add = true}
        %dma_wait3A_92 = arith.constant 0 : i32
        %dma_wait3A_93 = tpu.memref_slice %arg8[%add3A_56, %dma_wait3A_92] : memref<40x125xi32, #tpu.memory_space<vmem>> -> memref<1x125xi32, #tpu.memory_space<vmem>>
        %dma_wait3A_94 = tpu.memref_squeeze %dma_wait3A_93 : memref<1x125xi32, #tpu.memory_space<vmem>> -> memref<125xi32, #tpu.memory_space<vmem>>
        %dma_wait3A_95 = arith.constant 0 : i32
        %dma_wait3A_96 = arith.constant 0 : i32
        %dma_wait3A_97 = tpu.memref_slice %arg11[%dma_wait3A_95, %dma_wait3A_96] : memref<10112x128xf32, #tpu.memory_space<vmem_shared>> -> memref<10112x128xf32, #tpu.memory_space<vmem_shared>>
        tpu.wait_indirect_dma semaphore(%run_scoped3A_85 : memref<!tpu.dma_semaphore, #tpu.memory_space<semaphore_mem>>) src(%arg9 : memref<125x128xf32, #tpu.memory_space<vmem>>) dst(%dma_wait3A_97 : memref<10112x128xf32, #tpu.memory_space<vmem_shared>>)
        tpu.yield
      }) : () -> ()
      %add3A_62 = arith.constant 2 : i32
      %add3A_63 = arith.addi %add3A_56, %add3A_62 : i32
      %lt3A = arith.constant 40 : i32
      %lt3A_64 = arith.cmpi slt, %add3A_63, %lt3A : i32
      %convert_element_type3A_65 = arith.extui %lt3A_64 : i1 to i32
      %cond3A_66 = arith.constant 0 : i32
      %cond3A_67 = arith.cmpi ne, %convert_element_type3A_65, %cond3A_66 : i32
      scf.if %cond3A_67 {
        %add3A_85 = arith.constant 2 : i32
        %add3A_86 = arith.addi %add3A_56, %add3A_85 : i32
        %dma_start3A_87 = arith.constant 0 : i32
        %dma_start3A_88 = tpu.memref_slice %arg7[%add3A_86, %dma_start3A_87] : memref<40x125xi32, #tpu.memory_space<vmem>> -> memref<1x125xi32, #tpu.memory_space<vmem>>
        %dma_start3A_89 = tpu.memref_squeeze %dma_start3A_88 : memref<1x125xi32, #tpu.memory_space<vmem>> -> memref<125xi32, #tpu.memory_space<vmem>>
        %dma_start3A_90 = arith.constant 0 : i32
        %dma_start3A_91 = arith.constant 0 : i32
        %dma_start3A_92 = tpu.memref_slice %arg2[%dma_start3A_90, %dma_start3A_91] : memref<10000x128xf32, #tpu.memory_space<hbm>> -> memref<10000x128xf32, #tpu.memory_space<hbm>>
        tpu.enqueue_indirect_dma source(%dma_start3A_92 : memref<10000x128xf32, #tpu.memory_space<hbm>>) target(%arg9 : memref<125x128xf32, #tpu.memory_space<vmem>>) offsets(%dma_start3A_89 : memref<125xi32, #tpu.memory_space<vmem>>) semaphore(%arg12 : memref<!tpu.dma_semaphore, #tpu.memory_space<semaphore_mem>>)
      } else {
      }
      %mul3A_68 = arith.constant 2 : i32
      %mul3A_69 = arith.muli %scan3A_52, %mul3A_68 : i32
      %add3A_70 = arith.constant 1 : i32
      %add3A_71 = arith.addi %mul3A_69, %add3A_70 : i32
      %dma_wait3A_72 = arith.constant 0 : i32
      %dma_wait3A_73 = tpu.memref_slice %arg7[%add3A_71, %dma_wait3A_72] : memref<40x125xi32, #tpu.memory_space<vmem>> -> memref<1x125xi32, #tpu.memory_space<vmem>>
      %dma_wait3A_74 = tpu.memref_squeeze %dma_wait3A_73 : memref<1x125xi32, #tpu.memory_space<vmem>> -> memref<125xi32, #tpu.memory_space<vmem>>
      %dma_wait3A_75 = arith.constant 0 : i32
      %dma_wait3A_76 = arith.constant 0 : i32
      %dma_wait3A_77 = tpu.memref_slice %arg2[%dma_wait3A_75, %dma_wait3A_76] : memref<10000x128xf32, #tpu.memory_space<hbm>> -> memref<10000x128xf32, #tpu.memory_space<hbm>>
      tpu.wait_indirect_dma semaphore(%arg13 : memref<!tpu.dma_semaphore, #tpu.memory_space<semaphore_mem>>) src(%dma_wait3A_77 : memref<10000x128xf32, #tpu.memory_space<hbm>>) dst(%arg10 : memref<125x128xf32, #tpu.memory_space<vmem>>)
      "tpu.region"() ({
        %run_scoped3A_85 = tpu.sem_alloc : memref<!tpu.dma_semaphore, #tpu.memory_space<semaphore_mem>>
        %dma_start3A_86 = arith.constant 0 : i32
        %dma_start3A_87 = tpu.memref_slice %arg8[%add3A_71, %dma_start3A_86] : memref<40x125xi32, #tpu.memory_space<vmem>> -> memref<1x125xi32, #tpu.memory_space<vmem>>
        %dma_start3A_88 = tpu.memref_squeeze %dma_start3A_87 : memref<1x125xi32, #tpu.memory_space<vmem>> -> memref<125xi32, #tpu.memory_space<vmem>>
        %dma_start3A_89 = arith.constant 0 : i32
        %dma_start3A_90 = arith.constant 0 : i32
        %dma_start3A_91 = tpu.memref_slice %arg11[%dma_start3A_89, %dma_start3A_90] : memref<10112x128xf32, #tpu.memory_space<vmem_shared>> -> memref<10112x128xf32, #tpu.memory_space<vmem_shared>>
        tpu.enqueue_indirect_dma source(%arg10 : memref<125x128xf32, #tpu.memory_space<vmem>>) target(%dma_start3A_91 : memref<10112x128xf32, #tpu.memory_space<vmem_shared>>) offsets(%dma_start3A_88 : memref<125xi32, #tpu.memory_space<vmem>>) semaphore(%run_scoped3A_85 : memref<!tpu.dma_semaphore, #tpu.memory_space<semaphore_mem>>) {add = true}
        %dma_wait3A_92 = arith.constant 0 : i32
        %dma_wait3A_93 = tpu.memref_slice %arg8[%add3A_71, %dma_wait3A_92] : memref<40x125xi32, #tpu.memory_space<vmem>> -> memref<1x125xi32, #tpu.memory_space<vmem>>
        %dma_wait3A_94 = tpu.memref_squeeze %dma_wait3A_93 : memref<1x125xi32, #tpu.memory_space<vmem>> -> memref<125xi32, #tpu.memory_space<vmem>>
        %dma_wait3A_95 = arith.constant 0 : i32
        %dma_wait3A_96 = arith.constant 0 : i32
        %dma_wait3A_97 = tpu.memref_slice %arg11[%dma_wait3A_95, %dma_wait3A_96] : memref<10112x128xf32, #tpu.memory_space<vmem_shared>> -> memref<10112x128xf32, #tpu.memory_space<vmem_shared>>
        tpu.wait_indirect_dma semaphore(%run_scoped3A_85 : memref<!tpu.dma_semaphore, #tpu.memory_space<semaphore_mem>>) src(%arg10 : memref<125x128xf32, #tpu.memory_space<vmem>>) dst(%dma_wait3A_97 : memref<10112x128xf32, #tpu.memory_space<vmem_shared>>)
        tpu.yield
      }) : () -> ()
      %add3A_78 = arith.constant 2 : i32
      %add3A_79 = arith.addi %add3A_71, %add3A_78 : i32
      %lt3A_80 = arith.constant 40 : i32
      %lt3A_81 = arith.cmpi slt, %add3A_79, %lt3A_80 : i32
      %convert_element_type3A_82 = arith.extui %lt3A_81 : i1 to i32
      %cond3A_83 = arith.constant 0 : i32
      %cond3A_84 = arith.cmpi ne, %convert_element_type3A_82, %cond3A_83 : i32
      scf.if %cond3A_84 {
        %add3A_85 = arith.constant 2 : i32
        %add3A_86 = arith.addi %add3A_71, %add3A_85 : i32
        %dma_start3A_87 = arith.constant 0 : i32
        %dma_start3A_88 = tpu.memref_slice %arg7[%add3A_86, %dma_start3A_87] : memref<40x125xi32, #tpu.memory_space<vmem>> -> memref<1x125xi32, #tpu.memory_space<vmem>>
        %dma_start3A_89 = tpu.memref_squeeze %dma_start3A_88 : memref<1x125xi32, #tpu.memory_space<vmem>> -> memref<125xi32, #tpu.memory_space<vmem>>
        %dma_start3A_90 = arith.constant 0 : i32
        %dma_start3A_91 = arith.constant 0 : i32
        %dma_start3A_92 = tpu.memref_slice %arg2[%dma_start3A_90, %dma_start3A_91] : memref<10000x128xf32, #tpu.memory_space<hbm>> -> memref<10000x128xf32, #tpu.memory_space<hbm>>
        tpu.enqueue_indirect_dma source(%dma_start3A_92 : memref<10000x128xf32, #tpu.memory_space<hbm>>) target(%arg10 : memref<125x128xf32, #tpu.memory_space<vmem>>) offsets(%dma_start3A_89 : memref<125xi32, #tpu.memory_space<vmem>>) semaphore(%arg13 : memref<!tpu.dma_semaphore, #tpu.memory_space<semaphore_mem>>)
      } else {
      }
    }
    %scan3A_25 = arith.constant 20 : i32
    %run_scoped3A_26 = arith.constant 1 : i32
    "tpu.region"() ({
      %run_scoped3A_52 = tpu.sem_alloc : memref<!tpu.dma_semaphore, #tpu.memory_space<semaphore_mem>>
      %dma_start3A_53 = arith.constant 0 : i32
      %dma_start3A_54 = arith.constant 0 : i32
      %dma_start3A_55 = tpu.memref_slice %arg3[%add3A, %run_scoped3A_26, %dma_start3A_53, %dma_start3A_54] : memref<32x2x40x125xi32, #tpu.memory_space<hbm>> -> memref<1x1x40x125xi32, #tpu.memory_space<hbm>>
      %dma_start3A_56 = tpu.memref_squeeze %dma_start3A_55 : memref<1x1x40x125xi32, #tpu.memory_space<hbm>> -> memref<40x125xi32, #tpu.memory_space<hbm>>
      %dma_start3A_57 = arith.constant 0 : i32
      %dma_start3A_58 = arith.constant 0 : i32
      %dma_start3A_59 = tpu.memref_slice %arg3[%add3A, %run_scoped3A_26, %dma_start3A_57, %dma_start3A_58] : memref<32x2x40x125xi32, #tpu.memory_space<hbm>> -> memref<1x1x40x125xi32, #tpu.memory_space<hbm>>
      %dma_start3A_60 = tpu.memref_squeeze %dma_start3A_59 : memref<1x1x40x125xi32, #tpu.memory_space<hbm>> -> memref<40x125xi32, #tpu.memory_space<hbm>>
      tpu.enqueue_dma source(%dma_start3A_60 : memref<40x125xi32, #tpu.memory_space<hbm>>) target(%arg7 : memref<40x125xi32, #tpu.memory_space<vmem>>) target_semaphore(%run_scoped3A_52 : memref<!tpu.dma_semaphore, #tpu.memory_space<semaphore_mem>>)
      %dma_wait3A = arith.constant 0 : i32
      %dma_wait3A_61 = arith.constant 0 : i32
      %dma_wait3A_62 = tpu.memref_slice %arg3[%add3A, %run_scoped3A_26, %dma_wait3A, %dma_wait3A_61] : memref<32x2x40x125xi32, #tpu.memory_space<hbm>> -> memref<1x1x40x125xi32, #tpu.memory_space<hbm>>
      %dma_wait3A_63 = tpu.memref_squeeze %dma_wait3A_62 : memref<1x1x40x125xi32, #tpu.memory_space<hbm>> -> memref<40x125xi32, #tpu.memory_space<hbm>>
      %dma_wait3A_64 = arith.constant 0 : i32
      %dma_wait3A_65 = arith.constant 0 : i32
      %dma_wait3A_66 = tpu.memref_slice %arg3[%add3A, %run_scoped3A_26, %dma_wait3A_64, %dma_wait3A_65] : memref<32x2x40x125xi32, #tpu.memory_space<hbm>> -> memref<1x1x40x125xi32, #tpu.memory_space<hbm>>
      %dma_wait3A_67 = tpu.memref_squeeze %dma_wait3A_66 : memref<1x1x40x125xi32, #tpu.memory_space<hbm>> -> memref<40x125xi32, #tpu.memory_space<hbm>>
      tpu.wait_dma2 semaphore(%run_scoped3A_52 : memref<!tpu.dma_semaphore, #tpu.memory_space<semaphore_mem>>) src(%dma_wait3A_67 : memref<40x125xi32, #tpu.memory_space<hbm>>) dst(%arg7 : memref<40x125xi32, #tpu.memory_space<vmem>>)
      tpu.yield
    }) : () -> ()
    %run_scoped3A_27 = arith.constant 1 : i32
    "tpu.region"() ({
      %run_scoped3A_52 = tpu.sem_alloc : memref<!tpu.dma_semaphore, #tpu.memory_space<semaphore_mem>>
      %dma_start3A_53 = arith.constant 0 : i32
      %dma_start3A_54 = arith.constant 0 : i32
      %dma_start3A_55 = tpu.memref_slice %arg4[%add3A, %run_scoped3A_27, %dma_start3A_53, %dma_start3A_54] : memref<32x2x40x125xi32, #tpu.memory_space<hbm>> -> memref<1x1x40x125xi32, #tpu.memory_space<hbm>>
      %dma_start3A_56 = tpu.memref_squeeze %dma_start3A_55 : memref<1x1x40x125xi32, #tpu.memory_space<hbm>> -> memref<40x125xi32, #tpu.memory_space<hbm>>
      %dma_start3A_57 = arith.constant 0 : i32
      %dma_start3A_58 = arith.constant 0 : i32
      %dma_start3A_59 = tpu.memref_slice %arg4[%add3A, %run_scoped3A_27, %dma_start3A_57, %dma_start3A_58] : memref<32x2x40x125xi32, #tpu.memory_space<hbm>> -> memref<1x1x40x125xi32, #tpu.memory_space<hbm>>
      %dma_start3A_60 = tpu.memref_squeeze %dma_start3A_59 : memref<1x1x40x125xi32, #tpu.memory_space<hbm>> -> memref<40x125xi32, #tpu.memory_space<hbm>>
      tpu.enqueue_dma source(%dma_start3A_60 : memref<40x125xi32, #tpu.memory_space<hbm>>) target(%arg8 : memref<40x125xi32, #tpu.memory_space<vmem>>) target_semaphore(%run_scoped3A_52 : memref<!tpu.dma_semaphore, #tpu.memory_space<semaphore_mem>>)
      %dma_wait3A = arith.constant 0 : i32
      %dma_wait3A_61 = arith.constant 0 : i32
      %dma_wait3A_62 = tpu.memref_slice %arg4[%add3A, %run_scoped3A_27, %dma_wait3A, %dma_wait3A_61] : memref<32x2x40x125xi32, #tpu.memory_space<hbm>> -> memref<1x1x40x125xi32, #tpu.memory_space<hbm>>
      %dma_wait3A_63 = tpu.memref_squeeze %dma_wait3A_62 : memref<1x1x40x125xi32, #tpu.memory_space<hbm>> -> memref<40x125xi32, #tpu.memory_space<hbm>>
      %dma_wait3A_64 = arith.constant 0 : i32
      %dma_wait3A_65 = arith.constant 0 : i32
      %dma_wait3A_66 = tpu.memref_slice %arg4[%add3A, %run_scoped3A_27, %dma_wait3A_64, %dma_wait3A_65] : memref<32x2x40x125xi32, #tpu.memory_space<hbm>> -> memref<1x1x40x125xi32, #tpu.memory_space<hbm>>
      %dma_wait3A_67 = tpu.memref_squeeze %dma_wait3A_66 : memref<1x1x40x125xi32, #tpu.memory_space<hbm>> -> memref<40x125xi32, #tpu.memory_space<hbm>>
      tpu.wait_dma2 semaphore(%run_scoped3A_52 : memref<!tpu.dma_semaphore, #tpu.memory_space<semaphore_mem>>) src(%dma_wait3A_67 : memref<40x125xi32, #tpu.memory_space<hbm>>) dst(%arg8 : memref<40x125xi32, #tpu.memory_space<vmem>>)
      tpu.yield
    }) : () -> ()
    %dma_start3A_28 = arith.constant 0 : i32
    %dma_start3A_29 = arith.constant 0 : i32
    %dma_start3A_30 = tpu.memref_slice %arg7[%dma_start3A_28, %dma_start3A_29] : memref<40x125xi32, #tpu.memory_space<vmem>> -> memref<1x125xi32, #tpu.memory_space<vmem>>
    %dma_start3A_31 = tpu.memref_squeeze %dma_start3A_30 : memref<1x125xi32, #tpu.memory_space<vmem>> -> memref<125xi32, #tpu.memory_space<vmem>>
    %dma_start3A_32 = arith.constant 0 : i32
    %dma_start3A_33 = arith.constant 0 : i32
    %dma_start3A_34 = tpu.memref_slice %arg2[%dma_start3A_32, %dma_start3A_33] : memref<10000x128xf32, #tpu.memory_space<hbm>> -> memref<10000x128xf32, #tpu.memory_space<hbm>>
    tpu.enqueue_indirect_dma source(%dma_start3A_34 : memref<10000x128xf32, #tpu.memory_space<hbm>>) target(%arg9 : memref<125x128xf32, #tpu.memory_space<vmem>>) offsets(%dma_start3A_31 : memref<125xi32, #tpu.memory_space<vmem>>) semaphore(%arg12 : memref<!tpu.dma_semaphore, #tpu.memory_space<semaphore_mem>>)
    %dma_start3A_35 = arith.constant 1 : i32
    %dma_start3A_36 = arith.constant 0 : i32
    %dma_start3A_37 = tpu.memref_slice %arg7[%dma_start3A_35, %dma_start3A_36] : memref<40x125xi32, #tpu.memory_space<vmem>> -> memref<1x125xi32, #tpu.memory_space<vmem>>
    %dma_start3A_38 = tpu.memref_squeeze %dma_start3A_37 : memref<1x125xi32, #tpu.memory_space<vmem>> -> memref<125xi32, #tpu.memory_space<vmem>>
    %dma_start3A_39 = arith.constant 0 : i32
    %dma_start3A_40 = arith.constant 0 : i32
    %dma_start3A_41 = tpu.memref_slice %arg2[%dma_start3A_39, %dma_start3A_40] : memref<10000x128xf32, #tpu.memory_space<hbm>> -> memref<10000x128xf32, #tpu.memory_space<hbm>>
    tpu.enqueue_indirect_dma source(%dma_start3A_41 : memref<10000x128xf32, #tpu.memory_space<hbm>>) target(%arg10 : memref<125x128xf32, #tpu.memory_space<vmem>>) offsets(%dma_start3A_38 : memref<125xi32, #tpu.memory_space<vmem>>) semaphore(%arg13 : memref<!tpu.dma_semaphore, #tpu.memory_space<semaphore_mem>>)
    %scan3A_42 = arith.constant 0 : i32
    %scan3A_43 = arith.constant 20 : i32
    %scan3A_44 = arith.addi %scan3A_42, %scan3A_43 : i32
    %scan3A_45 = arith.constant 1 : i32
    scf.for %scan3A_52 = %scan3A_42 to %scan3A_44 step %scan3A_45  : i32 {
      %mul3A_53 = arith.constant 2 : i32
      %mul3A_54 = arith.muli %scan3A_52, %mul3A_53 : i32
      %add3A_55 = arith.constant 0 : i32
      %add3A_56 = arith.addi %mul3A_54, %add3A_55 : i32
      %dma_wait3A = arith.constant 0 : i32
      %dma_wait3A_57 = tpu.memref_slice %arg7[%add3A_56, %dma_wait3A] : memref<40x125xi32, #tpu.memory_space<vmem>> -> memref<1x125xi32, #tpu.memory_space<vmem>>
      %dma_wait3A_58 = tpu.memref_squeeze %dma_wait3A_57 : memref<1x125xi32, #tpu.memory_space<vmem>> -> memref<125xi32, #tpu.memory_space<vmem>>
      %dma_wait3A_59 = arith.constant 0 : i32
      %dma_wait3A_60 = arith.constant 0 : i32
      %dma_wait3A_61 = tpu.memref_slice %arg2[%dma_wait3A_59, %dma_wait3A_60] : memref<10000x128xf32, #tpu.memory_space<hbm>> -> memref<10000x128xf32, #tpu.memory_space<hbm>>
      tpu.wait_indirect_dma semaphore(%arg12 : memref<!tpu.dma_semaphore, #tpu.memory_space<semaphore_mem>>) src(%dma_wait3A_61 : memref<10000x128xf32, #tpu.memory_space<hbm>>) dst(%arg9 : memref<125x128xf32, #tpu.memory_space<vmem>>)
      "tpu.region"() ({
        %run_scoped3A_85 = tpu.sem_alloc : memref<!tpu.dma_semaphore, #tpu.memory_space<semaphore_mem>>
        %dma_start3A_86 = arith.constant 0 : i32
        %dma_start3A_87 = tpu.memref_slice %arg8[%add3A_56, %dma_start3A_86] : memref<40x125xi32, #tpu.memory_space<vmem>> -> memref<1x125xi32, #tpu.memory_space<vmem>>
        %dma_start3A_88 = tpu.memref_squeeze %dma_start3A_87 : memref<1x125xi32, #tpu.memory_space<vmem>> -> memref<125xi32, #tpu.memory_space<vmem>>
        %dma_start3A_89 = arith.constant 0 : i32
        %dma_start3A_90 = arith.constant 0 : i32
        %dma_start3A_91 = tpu.memref_slice %arg11[%dma_start3A_89, %dma_start3A_90] : memref<10112x128xf32, #tpu.memory_space<vmem_shared>> -> memref<10112x128xf32, #tpu.memory_space<vmem_shared>>
        tpu.enqueue_indirect_dma source(%arg9 : memref<125x128xf32, #tpu.memory_space<vmem>>) target(%dma_start3A_91 : memref<10112x128xf32, #tpu.memory_space<vmem_shared>>) offsets(%dma_start3A_88 : memref<125xi32, #tpu.memory_space<vmem>>) semaphore(%run_scoped3A_85 : memref<!tpu.dma_semaphore, #tpu.memory_space<semaphore_mem>>) {add = true}
        %dma_wait3A_92 = arith.constant 0 : i32
        %dma_wait3A_93 = tpu.memref_slice %arg8[%add3A_56, %dma_wait3A_92] : memref<40x125xi32, #tpu.memory_space<vmem>> -> memref<1x125xi32, #tpu.memory_space<vmem>>
        %dma_wait3A_94 = tpu.memref_squeeze %dma_wait3A_93 : memref<1x125xi32, #tpu.memory_space<vmem>> -> memref<125xi32, #tpu.memory_space<vmem>>
        %dma_wait3A_95 = arith.constant 0 : i32
        %dma_wait3A_96 = arith.constant 0 : i32
        %dma_wait3A_97 = tpu.memref_slice %arg11[%dma_wait3A_95, %dma_wait3A_96] : memref<10112x128xf32, #tpu.memory_space<vmem_shared>> -> memref<10112x128xf32, #tpu.memory_space<vmem_shared>>
        tpu.wait_indirect_dma semaphore(%run_scoped3A_85 : memref<!tpu.dma_semaphore, #tpu.memory_space<semaphore_mem>>) src(%arg9 : memref<125x128xf32, #tpu.memory_space<vmem>>) dst(%dma_wait3A_97 : memref<10112x128xf32, #tpu.memory_space<vmem_shared>>)
        tpu.yield
      }) : () -> ()
      %add3A_62 = arith.constant 2 : i32
      %add3A_63 = arith.addi %add3A_56, %add3A_62 : i32
      %lt3A = arith.constant 40 : i32
      %lt3A_64 = arith.cmpi slt, %add3A_63, %lt3A : i32
      %convert_element_type3A_65 = arith.extui %lt3A_64 : i1 to i32
      %cond3A_66 = arith.constant 0 : i32
      %cond3A_67 = arith.cmpi ne, %convert_element_type3A_65, %cond3A_66 : i32
      scf.if %cond3A_67 {
        %add3A_85 = arith.constant 2 : i32
        %add3A_86 = arith.addi %add3A_56, %add3A_85 : i32
        %dma_start3A_87 = arith.constant 0 : i32
        %dma_start3A_88 = tpu.memref_slice %arg7[%add3A_86, %dma_start3A_87] : memref<40x125xi32, #tpu.memory_space<vmem>> -> memref<1x125xi32, #tpu.memory_space<vmem>>
        %dma_start3A_89 = tpu.memref_squeeze %dma_start3A_88 : memref<1x125xi32, #tpu.memory_space<vmem>> -> memref<125xi32, #tpu.memory_space<vmem>>
        %dma_start3A_90 = arith.constant 0 : i32
        %dma_start3A_91 = arith.constant 0 : i32
        %dma_start3A_92 = tpu.memref_slice %arg2[%dma_start3A_90, %dma_start3A_91] : memref<10000x128xf32, #tpu.memory_space<hbm>> -> memref<10000x128xf32, #tpu.memory_space<hbm>>
        tpu.enqueue_indirect_dma source(%dma_start3A_92 : memref<10000x128xf32, #tpu.memory_space<hbm>>) target(%arg9 : memref<125x128xf32, #tpu.memory_space<vmem>>) offsets(%dma_start3A_89 : memref<125xi32, #tpu.memory_space<vmem>>) semaphore(%arg12 : memref<!tpu.dma_semaphore, #tpu.memory_space<semaphore_mem>>)
      } else {
      }
      %mul3A_68 = arith.constant 2 : i32
      %mul3A_69 = arith.muli %scan3A_52, %mul3A_68 : i32
      %add3A_70 = arith.constant 1 : i32
      %add3A_71 = arith.addi %mul3A_69, %add3A_70 : i32
      %dma_wait3A_72 = arith.constant 0 : i32
      %dma_wait3A_73 = tpu.memref_slice %arg7[%add3A_71, %dma_wait3A_72] : memref<40x125xi32, #tpu.memory_space<vmem>> -> memref<1x125xi32, #tpu.memory_space<vmem>>
      %dma_wait3A_74 = tpu.memref_squeeze %dma_wait3A_73 : memref<1x125xi32, #tpu.memory_space<vmem>> -> memref<125xi32, #tpu.memory_space<vmem>>
      %dma_wait3A_75 = arith.constant 0 : i32
      %dma_wait3A_76 = arith.constant 0 : i32
      %dma_wait3A_77 = tpu.memref_slice %arg2[%dma_wait3A_75, %dma_wait3A_76] : memref<10000x128xf32, #tpu.memory_space<hbm>> -> memref<10000x128xf32, #tpu.memory_space<hbm>>
      tpu.wait_indirect_dma semaphore(%arg13 : memref<!tpu.dma_semaphore, #tpu.memory_space<semaphore_mem>>) src(%dma_wait3A_77 : memref<10000x128xf32, #tpu.memory_space<hbm>>) dst(%arg10 : memref<125x128xf32, #tpu.memory_space<vmem>>)
      "tpu.region"() ({
        %run_scoped3A_85 = tpu.sem_alloc : memref<!tpu.dma_semaphore, #tpu.memory_space<semaphore_mem>>
        %dma_start3A_86 = arith.constant 0 : i32
        %dma_start3A_87 = tpu.memref_slice %arg8[%add3A_71, %dma_start3A_86] : memref<40x125xi32, #tpu.memory_space<vmem>> -> memref<1x125xi32, #tpu.memory_space<vmem>>
        %dma_start3A_88 = tpu.memref_squeeze %dma_start3A_87 : memref<1x125xi32, #tpu.memory_space<vmem>> -> memref<125xi32, #tpu.memory_space<vmem>>
        %dma_start3A_89 = arith.constant 0 : i32
        %dma_start3A_90 = arith.constant 0 : i32
        %dma_start3A_91 = tpu.memref_slice %arg11[%dma_start3A_89, %dma_start3A_90] : memref<10112x128xf32, #tpu.memory_space<vmem_shared>> -> memref<10112x128xf32, #tpu.memory_space<vmem_shared>>
        tpu.enqueue_indirect_dma source(%arg10 : memref<125x128xf32, #tpu.memory_space<vmem>>) target(%dma_start3A_91 : memref<10112x128xf32, #tpu.memory_space<vmem_shared>>) offsets(%dma_start3A_88 : memref<125xi32, #tpu.memory_space<vmem>>) semaphore(%run_scoped3A_85 : memref<!tpu.dma_semaphore, #tpu.memory_space<semaphore_mem>>) {add = true}
        %dma_wait3A_92 = arith.constant 0 : i32
        %dma_wait3A_93 = tpu.memref_slice %arg8[%add3A_71, %dma_wait3A_92] : memref<40x125xi32, #tpu.memory_space<vmem>> -> memref<1x125xi32, #tpu.memory_space<vmem>>
        %dma_wait3A_94 = tpu.memref_squeeze %dma_wait3A_93 : memref<1x125xi32, #tpu.memory_space<vmem>> -> memref<125xi32, #tpu.memory_space<vmem>>
        %dma_wait3A_95 = arith.constant 0 : i32
        %dma_wait3A_96 = arith.constant 0 : i32
        %dma_wait3A_97 = tpu.memref_slice %arg11[%dma_wait3A_95, %dma_wait3A_96] : memref<10112x128xf32, #tpu.memory_space<vmem_shared>> -> memref<10112x128xf32, #tpu.memory_space<vmem_shared>>
        tpu.wait_indirect_dma semaphore(%run_scoped3A_85 : memref<!tpu.dma_semaphore, #tpu.memory_space<semaphore_mem>>) src(%arg10 : memref<125x128xf32, #tpu.memory_space<vmem>>) dst(%dma_wait3A_97 : memref<10112x128xf32, #tpu.memory_space<vmem_shared>>)
        tpu.yield
      }) : () -> ()
      %add3A_78 = arith.constant 2 : i32
      %add3A_79 = arith.addi %add3A_71, %add3A_78 : i32
      %lt3A_80 = arith.constant 40 : i32
      %lt3A_81 = arith.cmpi slt, %add3A_79, %lt3A_80 : i32
      %convert_element_type3A_82 = arith.extui %lt3A_81 : i1 to i32
      %cond3A_83 = arith.constant 0 : i32
      %cond3A_84 = arith.cmpi ne, %convert_element_type3A_82, %cond3A_83 : i32
      scf.if %cond3A_84 {
        %add3A_85 = arith.constant 2 : i32
        %add3A_86 = arith.addi %add3A_71, %add3A_85 : i32
        %dma_start3A_87 = arith.constant 0 : i32
        %dma_start3A_88 = tpu.memref_slice %arg7[%add3A_86, %dma_start3A_87] : memref<40x125xi32, #tpu.memory_space<vmem>> -> memref<1x125xi32, #tpu.memory_space<vmem>>
        %dma_start3A_89 = tpu.memref_squeeze %dma_start3A_88 : memref<1x125xi32, #tpu.memory_space<vmem>> -> memref<125xi32, #tpu.memory_space<vmem>>
        %dma_start3A_90 = arith.constant 0 : i32
        %dma_start3A_91 = arith.constant 0 : i32
        %dma_start3A_92 = tpu.memref_slice %arg2[%dma_start3A_90, %dma_start3A_91] : memref<10000x128xf32, #tpu.memory_space<hbm>> -> memref<10000x128xf32, #tpu.memory_space<hbm>>
        tpu.enqueue_indirect_dma source(%dma_start3A_92 : memref<10000x128xf32, #tpu.memory_space<hbm>>) target(%arg10 : memref<125x128xf32, #tpu.memory_space<vmem>>) offsets(%dma_start3A_89 : memref<125xi32, #tpu.memory_space<vmem>>) semaphore(%arg13 : memref<!tpu.dma_semaphore, #tpu.memory_space<semaphore_mem>>)
      } else {
      }
    }
    %scan3A_46 = arith.constant 20 : i32
    %barrier3A_47 = arith.constant 0 : index
    tpu.barrier barrier_id(%barrier3A_47)
    %mul3A_48 = arith.constant 632 : i32
    %mul3A_49 = arith.muli %arg1, %mul3A_48 : i32
    %mul3A_50 = arith.constant 632 : i32
    %mul3A_51 = arith.muli %arg1, %mul3A_50 : i32
    "tpu.region"() ({
      %run_scoped3A_52 = tpu.sem_alloc : memref<!tpu.dma_semaphore, #tpu.memory_space<semaphore_mem>>
      %dma_start3A_53 = arith.constant 0 : i32
      %dma_start3A_54 = tpu.memref_slice %arg6[%arg0, %mul3A_51, %dma_start3A_53] : memref<2x10112x128xf32, #tpu.memory_space<hbm>> -> memref<1x632x128xf32, #tpu.memory_space<hbm>>
      %dma_start3A_55 = tpu.memref_squeeze %dma_start3A_54 : memref<1x632x128xf32, #tpu.memory_space<hbm>> -> memref<632x128xf32, #tpu.memory_space<hbm>>
      %dma_start3A_56 = arith.constant 0 : i32
      %dma_start3A_57 = tpu.memref_slice %arg11[%mul3A_49, %dma_start3A_56] : memref<10112x128xf32, #tpu.memory_space<vmem_shared>> -> memref<632x128xf32, #tpu.memory_space<vmem_shared>>
      tpu.enqueue_dma source(%dma_start3A_57 : memref<632x128xf32, #tpu.memory_space<vmem_shared>>) target(%dma_start3A_55 : memref<632x128xf32, #tpu.memory_space<hbm>>) target_semaphore(%run_scoped3A_52 : memref<!tpu.dma_semaphore, #tpu.memory_space<semaphore_mem>>)
      %dma_wait3A = arith.constant 0 : i32
      %dma_wait3A_58 = tpu.memref_slice %arg6[%arg0, %mul3A_51, %dma_wait3A] : memref<2x10112x128xf32, #tpu.memory_space<hbm>> -> memref<1x632x128xf32, #tpu.memory_space<hbm>>
      %dma_wait3A_59 = tpu.memref_squeeze %dma_wait3A_58 : memref<1x632x128xf32, #tpu.memory_space<hbm>> -> memref<632x128xf32, #tpu.memory_space<hbm>>
      %dma_wait3A_60 = arith.constant 0 : i32
      %dma_wait3A_61 = tpu.memref_slice %arg11[%mul3A_49, %dma_wait3A_60] : memref<10112x128xf32, #tpu.memory_space<vmem_shared>> -> memref<632x128xf32, #tpu.memory_space<vmem_shared>>
      tpu.wait_dma2 semaphore(%run_scoped3A_52 : memref<!tpu.dma_semaphore, #tpu.memory_space<semaphore_mem>>) src(%dma_wait3A_61 : memref<632x128xf32, #tpu.memory_space<vmem_shared>>) dst(%dma_wait3A_59 : memref<632x128xf32, #tpu.memory_space<hbm>>)
      tpu.yield
    }) : () -> ()
    return
  }
}

#map = affine_map<(d0, d1) -> (0, 0)>
#map1 = affine_map<(d0, d1) -> (0, 0, 0, 0)>
#map2 = affine_map<(d0, d1) -> (0, 0, 0)>
module attributes {stable_mosaic.version = 14 : i64} {
  func.func @_seg_sum_body(%arg0: i32, %arg1: i32, %arg2: memref<10000x128xf32, #tpu.memory_space<hbm>>, %arg3: memref<32x2x40x125xi32, #tpu.memory_space<hbm>>, %arg4: memref<32x2x40x125xi32, #tpu.memory_space<hbm>>, %arg5: memref<632x128xf32, #tpu.memory_space<hbm>>, %arg6: memref<2x10112x128xf32, #tpu.memory_space<hbm>>, %arg7: memref<40x125xi32, #tpu.memory_space<vmem>>, %arg8: memref<40x125xi32, #tpu.memory_space<vmem>>, %arg9: memref<125x128xf32, #tpu.memory_space<vmem>>, %arg10: memref<125x128xf32, #tpu.memory_space<vmem>>, %arg11: memref<10112x128xf32, #tpu.memory_space<vmem_shared>>, %arg12: memref<!tpu.dma_semaphore, #tpu.memory_space<semaphore_mem>>, %arg13: memref<!tpu.dma_semaphore, #tpu.memory_space<semaphore_mem>>) attributes {dimension_semantics = [#tpu.dimension_semantics<core_parallel>, #tpu.dimension_semantics<subcore_parallel>], iteration_bounds = array<i64: 2, 16>, scalar_prefetch = 0 : i64, scratch_operands = 7 : i64, tpu.core_type = #tpu.core_type<sc_vector_subcore>, window_params = [{transform_indices = #map}, {transform_indices = #map1}, {transform_indices = #map1}, {transform_indices = #map}, {transform_indices = #map2}]} {
    %mul3A = arith.constant 2 : i32
    %mul3A_0 = arith.muli %arg1, %mul3A : i32
    %add3A = arith.addi %mul3A_0, %arg0 : i32
    %run_scoped3A = arith.constant 0 : i32
    "tpu.region"() ({
      %run_scoped3A_52 = tpu.sem_alloc : memref<!tpu.dma_semaphore, #tpu.memory_space<semaphore_mem>>
      %dma_start3A_53 = arith.constant 0 : i32
      %dma_start3A_54 = arith.constant 0 : i32
      %dma_start3A_55 = tpu.memref_slice %arg3[%add3A, %run_scoped3A, %dma_start3A_53, %dma_start3A_54] : memref<32x2x40x125xi32, #tpu.memory_space<hbm>> -> memref<1x1x40x125xi32, #tpu.memory_space<hbm>>
      %dma_start3A_56 = tpu.memref_squeeze %dma_start3A_55 : memref<1x1x40x125xi32, #tpu.memory_space<hbm>> -> memref<40x125xi32, #tpu.memory_space<hbm>>
      %dma_start3A_57 = arith.constant 0 : i32
      %dma_start3A_58 = arith.constant 0 : i32
      %dma_start3A_59 = tpu.memref_slice %arg3[%add3A, %run_scoped3A, %dma_start3A_57, %dma_start3A_58] : memref<32x2x40x125xi32, #tpu.memory_space<hbm>> -> memref<1x1x40x125xi32, #tpu.memory_space<hbm>>
      %dma_start3A_60 = tpu.memref_squeeze %dma_start3A_59 : memref<1x1x40x125xi32, #tpu.memory_space<hbm>> -> memref<40x125xi32, #tpu.memory_space<hbm>>
      tpu.enqueue_dma source(%dma_start3A_60 : memref<40x125xi32, #tpu.memory_space<hbm>>) target(%arg7 : memref<40x125xi32, #tpu.memory_space<vmem>>) target_semaphore(%run_scoped3A_52 : memref<!tpu.dma_semaphore, #tpu.memory_space<semaphore_mem>>)
      %dma_wait3A = arith.constant 0 : i32
      %dma_wait3A_61 = arith.constant 0 : i32
      %dma_wait3A_62 = tpu.memref_slice %arg3[%add3A, %run_scoped3A, %dma_wait3A, %dma_wait3A_61] : memref<32x2x40x125xi32, #tpu.memory_space<hbm>> -> memref<1x1x40x125xi32, #tpu.memory_space<hbm>>
      %dma_wait3A_63 = tpu.memref_squeeze %dma_wait3A_62 : memref<1x1x40x125xi32, #tpu.memory_space<hbm>> -> memref<40x125xi32, #tpu.memory_space<hbm>>
      %dma_wait3A_64 = arith.constant 0 : i32
      %dma_wait3A_65 = arith.constant 0 : i32
      %dma_wait3A_66 = tpu.memref_slice %arg3[%add3A, %run_scoped3A, %dma_wait3A_64, %dma_wait3A_65] : memref<32x2x40x125xi32, #tpu.memory_space<hbm>> -> memref<1x1x40x125xi32, #tpu.memory_space<hbm>>
      %dma_wait3A_67 = tpu.memref_squeeze %dma_wait3A_66 : memref<1x1x40x125xi32, #tpu.memory_space<hbm>> -> memref<40x125xi32, #tpu.memory_space<hbm>>
      tpu.wait_dma2 semaphore(%run_scoped3A_52 : memref<!tpu.dma_semaphore, #tpu.memory_space<semaphore_mem>>) src(%dma_wait3A_67 : memref<40x125xi32, #tpu.memory_space<hbm>>) dst(%arg7 : memref<40x125xi32, #tpu.memory_space<vmem>>)
      tpu.yield
    }) : () -> ()
    %run_scoped3A_1 = arith.constant 0 : i32
    "tpu.region"() ({
      %run_scoped3A_52 = tpu.sem_alloc : memref<!tpu.dma_semaphore, #tpu.memory_space<semaphore_mem>>
      %dma_start3A_53 = arith.constant 0 : i32
      %dma_start3A_54 = arith.constant 0 : i32
      %dma_start3A_55 = tpu.memref_slice %arg4[%add3A, %run_scoped3A_1, %dma_start3A_53, %dma_start3A_54] : memref<32x2x40x125xi32, #tpu.memory_space<hbm>> -> memref<1x1x40x125xi32, #tpu.memory_space<hbm>>
      %dma_start3A_56 = tpu.memref_squeeze %dma_start3A_55 : memref<1x1x40x125xi32, #tpu.memory_space<hbm>> -> memref<40x125xi32, #tpu.memory_space<hbm>>
      %dma_start3A_57 = arith.constant 0 : i32
      %dma_start3A_58 = arith.constant 0 : i32
      %dma_start3A_59 = tpu.memref_slice %arg4[%add3A, %run_scoped3A_1, %dma_start3A_57, %dma_start3A_58] : memref<32x2x40x125xi32, #tpu.memory_space<hbm>> -> memref<1x1x40x125xi32, #tpu.memory_space<hbm>>
      %dma_start3A_60 = tpu.memref_squeeze %dma_start3A_59 : memref<1x1x40x125xi32, #tpu.memory_space<hbm>> -> memref<40x125xi32, #tpu.memory_space<hbm>>
      tpu.enqueue_dma source(%dma_start3A_60 : memref<40x125xi32, #tpu.memory_space<hbm>>) target(%arg8 : memref<40x125xi32, #tpu.memory_space<vmem>>) target_semaphore(%run_scoped3A_52 : memref<!tpu.dma_semaphore, #tpu.memory_space<semaphore_mem>>)
      %dma_wait3A = arith.constant 0 : i32
      %dma_wait3A_61 = arith.constant 0 : i32
      %dma_wait3A_62 = tpu.memref_slice %arg4[%add3A, %run_scoped3A_1, %dma_wait3A, %dma_wait3A_61] : memref<32x2x40x125xi32, #tpu.memory_space<hbm>> -> memref<1x1x40x125xi32, #tpu.memory_space<hbm>>
      %dma_wait3A_63 = tpu.memref_squeeze %dma_wait3A_62 : memref<1x1x40x125xi32, #tpu.memory_space<hbm>> -> memref<40x125xi32, #tpu.memory_space<hbm>>
      %dma_wait3A_64 = arith.constant 0 : i32
      %dma_wait3A_65 = arith.constant 0 : i32
      %dma_wait3A_66 = tpu.memref_slice %arg4[%add3A, %run_scoped3A_1, %dma_wait3A_64, %dma_wait3A_65] : memref<32x2x40x125xi32, #tpu.memory_space<hbm>> -> memref<1x1x40x125xi32, #tpu.memory_space<hbm>>
      %dma_wait3A_67 = tpu.memref_squeeze %dma_wait3A_66 : memref<1x1x40x125xi32, #tpu.memory_space<hbm>> -> memref<40x125xi32, #tpu.memory_space<hbm>>
      tpu.wait_dma2 semaphore(%run_scoped3A_52 : memref<!tpu.dma_semaphore, #tpu.memory_space<semaphore_mem>>) src(%dma_wait3A_67 : memref<40x125xi32, #tpu.memory_space<hbm>>) dst(%arg8 : memref<40x125xi32, #tpu.memory_space<vmem>>)
      tpu.yield
    }) : () -> ()
    %dma_start3A = arith.constant 0 : i32
    %dma_start3A_2 = arith.constant 0 : i32
    %dma_start3A_3 = tpu.memref_slice %arg7[%dma_start3A, %dma_start3A_2] : memref<40x125xi32, #tpu.memory_space<vmem>> -> memref<1x125xi32, #tpu.memory_space<vmem>>
    %dma_start3A_4 = tpu.memref_squeeze %dma_start3A_3 : memref<1x125xi32, #tpu.memory_space<vmem>> -> memref<125xi32, #tpu.memory_space<vmem>>
    %dma_start3A_5 = arith.constant 0 : i32
    %dma_start3A_6 = arith.constant 0 : i32
    %dma_start3A_7 = tpu.memref_slice %arg2[%dma_start3A_5, %dma_start3A_6] : memref<10000x128xf32, #tpu.memory_space<hbm>> -> memref<10000x128xf32, #tpu.memory_space<hbm>>
    tpu.enqueue_indirect_dma source(%dma_start3A_7 : memref<10000x128xf32, #tpu.memory_space<hbm>>) target(%arg9 : memref<125x128xf32, #tpu.memory_space<vmem>>) offsets(%dma_start3A_4 : memref<125xi32, #tpu.memory_space<vmem>>) semaphore(%arg12 : memref<!tpu.dma_semaphore, #tpu.memory_space<semaphore_mem>>)
    %dma_start3A_8 = arith.constant 1 : i32
    %dma_start3A_9 = arith.constant 0 : i32
    %dma_start3A_10 = tpu.memref_slice %arg7[%dma_start3A_8, %dma_start3A_9] : memref<40x125xi32, #tpu.memory_space<vmem>> -> memref<1x125xi32, #tpu.memory_space<vmem>>
    %dma_start3A_11 = tpu.memref_squeeze %dma_start3A_10 : memref<1x125xi32, #tpu.memory_space<vmem>> -> memref<125xi32, #tpu.memory_space<vmem>>
    %dma_start3A_12 = arith.constant 0 : i32
    %dma_start3A_13 = arith.constant 0 : i32
    %dma_start3A_14 = tpu.memref_slice %arg2[%dma_start3A_12, %dma_start3A_13] : memref<10000x128xf32, #tpu.memory_space<hbm>> -> memref<10000x128xf32, #tpu.memory_space<hbm>>
    tpu.enqueue_indirect_dma source(%dma_start3A_14 : memref<10000x128xf32, #tpu.memory_space<hbm>>) target(%arg10 : memref<125x128xf32, #tpu.memory_space<vmem>>) offsets(%dma_start3A_11 : memref<125xi32, #tpu.memory_space<vmem>>) semaphore(%arg13 : memref<!tpu.dma_semaphore, #tpu.memory_space<semaphore_mem>>)
    %eq3A = arith.constant 0 : i32
    %eq3A_15 = arith.cmpi eq, %arg0, %eq3A : i32
    %convert_element_type3A = arith.extui %eq3A_15 : i1 to i32
    %cond3A = arith.constant 0 : i32
    %cond3A_16 = arith.cmpi ne, %convert_element_type3A, %cond3A : i32
    scf.if %cond3A_16 {
      %lt3A = arith.constant 15 : i32
      %lt3A_52 = arith.cmpi slt, %arg1, %lt3A : i32
      %convert_element_type3A_53 = arith.extui %lt3A_52 : i1 to i32
      %cond3A_54 = arith.constant 0 : i32
      %cond3A_55 = arith.cmpi ne, %convert_element_type3A_53, %cond3A_54 : i32
      scf.if %cond3A_55 {
        %mul3A_61 = arith.constant 632 : i32
        %mul3A_62 = arith.muli %arg1, %mul3A_61 : i32
        %mul3A_63 = arith.constant 632 : i32
        %mul3A_64 = arith.muli %arg1, %mul3A_63 : i32
        "tpu.region"() ({
          %run_scoped3A_65 = tpu.sem_alloc : memref<!tpu.dma_semaphore, #tpu.memory_space<semaphore_mem>>
          %dma_start3A_66 = arith.constant 0 : i32
          %dma_start3A_67 = tpu.memref_slice %arg11[%mul3A_64, %dma_start3A_66] : memref<10112x128xf32, #tpu.memory_space<vmem_shared>> -> memref<632x128xf32, #tpu.memory_space<vmem_shared>>
          %dma_start3A_68 = arith.constant 0 : i32
          %dma_start3A_69 = tpu.memref_slice %arg2[%mul3A_62, %dma_start3A_68] : memref<10000x128xf32, #tpu.memory_space<hbm>> -> memref<632x128xf32, #tpu.memory_space<hbm>>
          tpu.enqueue_dma source(%dma_start3A_69 : memref<632x128xf32, #tpu.memory_space<hbm>>) target(%dma_start3A_67 : memref<632x128xf32, #tpu.memory_space<vmem_shared>>) target_semaphore(%run_scoped3A_65 : memref<!tpu.dma_semaphore, #tpu.memory_space<semaphore_mem>>)
          %dma_wait3A = arith.constant 0 : i32
          %dma_wait3A_70 = tpu.memref_slice %arg11[%mul3A_64, %dma_wait3A] : memref<10112x128xf32, #tpu.memory_space<vmem_shared>> -> memref<632x128xf32, #tpu.memory_space<vmem_shared>>
          %dma_wait3A_71 = arith.constant 0 : i32
          %dma_wait3A_72 = tpu.memref_slice %arg2[%mul3A_62, %dma_wait3A_71] : memref<10000x128xf32, #tpu.memory_space<hbm>> -> memref<632x128xf32, #tpu.memory_space<hbm>>
          tpu.wait_dma2 semaphore(%run_scoped3A_65 : memref<!tpu.dma_semaphore, #tpu.memory_space<semaphore_mem>>) src(%dma_wait3A_72 : memref<632x128xf32, #tpu.memory_space<hbm>>) dst(%dma_wait3A_70 : memref<632x128xf32, #tpu.memory_space<vmem_shared>>)
          tpu.yield
        }) : () -> ()
      } else {
      }
      %eq3A_56 = arith.constant 15 : i32
      %eq3A_57 = arith.cmpi eq, %arg1, %eq3A_56 : i32
      %convert_element_type3A_58 = arith.extui %eq3A_57 : i1 to i32
      %cond3A_59 = arith.constant 0 : i32
      %cond3A_60 = arith.cmpi ne, %convert_element_type3A_58, %cond3A_59 : i32
      scf.if %cond3A_60 {
        "tpu.region"() ({
          %run_scoped3A_61 = tpu.sem_alloc : memref<!tpu.dma_semaphore, #tpu.memory_space<semaphore_mem>>
          %dma_start3A_62 = arith.constant 9480 : i32
          %dma_start3A_63 = arith.constant 0 : i32
          %dma_start3A_64 = tpu.memref_slice %arg11[%dma_start3A_62, %dma_start3A_63] : memref<10112x128xf32, #tpu.memory_space<vmem_shared>> -> memref<520x128xf32, #tpu.memory_space<vmem_shared>>
          %dma_start3A_65 = arith.constant 9480 : i32
          %dma_start3A_66 = arith.constant 0 : i32
          %dma_start3A_67 = tpu.memref_slice %arg2[%dma_start3A_65, %dma_start3A_66] : memref<10000x128xf32, #tpu.memory_space<hbm>> -> memref<520x128xf32, #tpu.memory_space<hbm>>
          tpu.enqueue_dma source(%dma_start3A_67 : memref<520x128xf32, #tpu.memory_space<hbm>>) target(%dma_start3A_64 : memref<520x128xf32, #tpu.memory_space<vmem_shared>>) target_semaphore(%run_scoped3A_61 : memref<!tpu.dma_semaphore, #tpu.memory_space<semaphore_mem>>)
          %dma_wait3A = arith.constant 9480 : i32
          %dma_wait3A_68 = arith.constant 0 : i32
          %dma_wait3A_69 = tpu.memref_slice %arg11[%dma_wait3A, %dma_wait3A_68] : memref<10112x128xf32, #tpu.memory_space<vmem_shared>> -> memref<520x128xf32, #tpu.memory_space<vmem_shared>>
          %dma_wait3A_70 = arith.constant 9480 : i32
          %dma_wait3A_71 = arith.constant 0 : i32
          %dma_wait3A_72 = tpu.memref_slice %arg2[%dma_wait3A_70, %dma_wait3A_71] : memref<10000x128xf32, #tpu.memory_space<hbm>> -> memref<520x128xf32, #tpu.memory_space<hbm>>
          tpu.wait_dma2 semaphore(%run_scoped3A_61 : memref<!tpu.dma_semaphore, #tpu.memory_space<semaphore_mem>>) src(%dma_wait3A_72 : memref<520x128xf32, #tpu.memory_space<hbm>>) dst(%dma_wait3A_69 : memref<520x128xf32, #tpu.memory_space<vmem_shared>>)
          tpu.yield
        }) : () -> ()
        "tpu.region"() ({
          %run_scoped3A_61 = tpu.sem_alloc : memref<!tpu.dma_semaphore, #tpu.memory_space<semaphore_mem>>
          %dma_start3A_62 = arith.constant 10000 : i32
          %dma_start3A_63 = arith.constant 0 : i32
          %dma_start3A_64 = tpu.memref_slice %arg11[%dma_start3A_62, %dma_start3A_63] : memref<10112x128xf32, #tpu.memory_space<vmem_shared>> -> memref<112x128xf32, #tpu.memory_space<vmem_shared>>
          %dma_start3A_65 = arith.constant 0 : i32
          %dma_start3A_66 = arith.constant 0 : i32
          %dma_start3A_67 = tpu.memref_slice %arg5[%dma_start3A_65, %dma_start3A_66] : memref<632x128xf32, #tpu.memory_space<hbm>> -> memref<112x128xf32, #tpu.memory_space<hbm>>
          tpu.enqueue_dma source(%dma_start3A_67 : memref<112x128xf32, #tpu.memory_space<hbm>>) target(%dma_start3A_64 : memref<112x128xf32, #tpu.memory_space<vmem_shared>>) target_semaphore(%run_scoped3A_61 : memref<!tpu.dma_semaphore, #tpu.memory_space<semaphore_mem>>)
          %dma_wait3A = arith.constant 10000 : i32
          %dma_wait3A_68 = arith.constant 0 : i32
          %dma_wait3A_69 = tpu.memref_slice %arg11[%dma_wait3A, %dma_wait3A_68] : memref<10112x128xf32, #tpu.memory_space<vmem_shared>> -> memref<112x128xf32, #tpu.memory_space<vmem_shared>>
          %dma_wait3A_70 = arith.constant 0 : i32
          %dma_wait3A_71 = arith.constant 0 : i32
          %dma_wait3A_72 = tpu.memref_slice %arg5[%dma_wait3A_70, %dma_wait3A_71] : memref<632x128xf32, #tpu.memory_space<hbm>> -> memref<112x128xf32, #tpu.memory_space<hbm>>
          tpu.wait_dma2 semaphore(%run_scoped3A_61 : memref<!tpu.dma_semaphore, #tpu.memory_space<semaphore_mem>>) src(%dma_wait3A_72 : memref<112x128xf32, #tpu.memory_space<hbm>>) dst(%dma_wait3A_69 : memref<112x128xf32, #tpu.memory_space<vmem_shared>>)
          tpu.yield
        }) : () -> ()
      } else {
      }
    } else {
    }
    %eq3A_17 = arith.constant 1 : i32
    %eq3A_18 = arith.cmpi eq, %arg0, %eq3A_17 : i32
    %convert_element_type3A_19 = arith.extui %eq3A_18 : i1 to i32
    %cond3A_20 = arith.constant 0 : i32
    %cond3A_21 = arith.cmpi ne, %convert_element_type3A_19, %cond3A_20 : i32
    scf.if %cond3A_21 {
      %mul3A_52 = arith.constant 632 : i32
      %mul3A_53 = arith.muli %arg1, %mul3A_52 : i32
      "tpu.region"() ({
        %run_scoped3A_54 = tpu.sem_alloc : memref<!tpu.dma_semaphore, #tpu.memory_space<semaphore_mem>>
        %dma_start3A_55 = arith.constant 0 : i32
        %dma_start3A_56 = tpu.memref_slice %arg11[%mul3A_53, %dma_start3A_55] : memref<10112x128xf32, #tpu.memory_space<vmem_shared>> -> memref<632x128xf32, #tpu.memory_space<vmem_shared>>
        tpu.enqueue_dma source(%arg5 : memref<632x128xf32, #tpu.memory_space<hbm>>) target(%dma_start3A_56 : memref<632x128xf32, #tpu.memory_space<vmem_shared>>) target_semaphore(%run_scoped3A_54 : memref<!tpu.dma_semaphore, #tpu.memory_space<semaphore_mem>>)
        %dma_wait3A = arith.constant 0 : i32
        %dma_wait3A_57 = tpu.memref_slice %arg11[%mul3A_53, %dma_wait3A] : memref<10112x128xf32, #tpu.memory_space<vmem_shared>> -> memref<632x128xf32, #tpu.memory_space<vmem_shared>>
        tpu.wait_dma2 semaphore(%run_scoped3A_54 : memref<!tpu.dma_semaphore, #tpu.memory_space<semaphore_mem>>) src(%arg5 : memref<632x128xf32, #tpu.memory_space<hbm>>) dst(%dma_wait3A_57 : memref<632x128xf32, #tpu.memory_space<vmem_shared>>)
        tpu.yield
      }) : () -> ()
    } else {
    }
    %barrier3A = arith.constant 0 : index
    tpu.barrier barrier_id(%barrier3A)
    %scan3A = arith.constant 0 : i32
    %scan3A_22 = arith.constant 20 : i32
    %scan3A_23 = arith.addi %scan3A, %scan3A_22 : i32
    %scan3A_24 = arith.constant 1 : i32
    scf.for %scan3A_52 = %scan3A to %scan3A_23 step %scan3A_24  : i32 {
      %mul3A_53 = arith.constant 2 : i32
      %mul3A_54 = arith.muli %scan3A_52, %mul3A_53 : i32
      %add3A_55 = arith.constant 0 : i32
      %add3A_56 = arith.addi %mul3A_54, %add3A_55 : i32
      %dma_wait3A = arith.constant 0 : i32
      %dma_wait3A_57 = tpu.memref_slice %arg7[%add3A_56, %dma_wait3A] : memref<40x125xi32, #tpu.memory_space<vmem>> -> memref<1x125xi32, #tpu.memory_space<vmem>>
      %dma_wait3A_58 = tpu.memref_squeeze %dma_wait3A_57 : memref<1x125xi32, #tpu.memory_space<vmem>> -> memref<125xi32, #tpu.memory_space<vmem>>
      %dma_wait3A_59 = arith.constant 0 : i32
      %dma_wait3A_60 = arith.constant 0 : i32
      %dma_wait3A_61 = tpu.memref_slice %arg2[%dma_wait3A_59, %dma_wait3A_60] : memref<10000x128xf32, #tpu.memory_space<hbm>> -> memref<10000x128xf32, #tpu.memory_space<hbm>>
      tpu.wait_indirect_dma semaphore(%arg12 : memref<!tpu.dma_semaphore, #tpu.memory_space<semaphore_mem>>) src(%dma_wait3A_61 : memref<10000x128xf32, #tpu.memory_space<hbm>>) dst(%arg9 : memref<125x128xf32, #tpu.memory_space<vmem>>)
      "tpu.region"() ({
        %run_scoped3A_85 = tpu.sem_alloc : memref<!tpu.dma_semaphore, #tpu.memory_space<semaphore_mem>>
        %dma_start3A_86 = arith.constant 0 : i32
        %dma_start3A_87 = tpu.memref_slice %arg8[%add3A_56, %dma_start3A_86] : memref<40x125xi32, #tpu.memory_space<vmem>> -> memref<1x125xi32, #tpu.memory_space<vmem>>
        %dma_start3A_88 = tpu.memref_squeeze %dma_start3A_87 : memref<1x125xi32, #tpu.memory_space<vmem>> -> memref<125xi32, #tpu.memory_space<vmem>>
        %dma_start3A_89 = arith.constant 0 : i32
        %dma_start3A_90 = arith.constant 0 : i32
        %dma_start3A_91 = tpu.memref_slice %arg11[%dma_start3A_89, %dma_start3A_90] : memref<10112x128xf32, #tpu.memory_space<vmem_shared>> -> memref<10112x128xf32, #tpu.memory_space<vmem_shared>>
        tpu.enqueue_indirect_dma source(%arg9 : memref<125x128xf32, #tpu.memory_space<vmem>>) target(%dma_start3A_91 : memref<10112x128xf32, #tpu.memory_space<vmem_shared>>) offsets(%dma_start3A_88 : memref<125xi32, #tpu.memory_space<vmem>>) semaphore(%run_scoped3A_85 : memref<!tpu.dma_semaphore, #tpu.memory_space<semaphore_mem>>) {add = true}
        %dma_wait3A_92 = arith.constant 0 : i32
        %dma_wait3A_93 = tpu.memref_slice %arg8[%add3A_56, %dma_wait3A_92] : memref<40x125xi32, #tpu.memory_space<vmem>> -> memref<1x125xi32, #tpu.memory_space<vmem>>
        %dma_wait3A_94 = tpu.memref_squeeze %dma_wait3A_93 : memref<1x125xi32, #tpu.memory_space<vmem>> -> memref<125xi32, #tpu.memory_space<vmem>>
        %dma_wait3A_95 = arith.constant 0 : i32
        %dma_wait3A_96 = arith.constant 0 : i32
        %dma_wait3A_97 = tpu.memref_slice %arg11[%dma_wait3A_95, %dma_wait3A_96] : memref<10112x128xf32, #tpu.memory_space<vmem_shared>> -> memref<10112x128xf32, #tpu.memory_space<vmem_shared>>
        tpu.wait_indirect_dma semaphore(%run_scoped3A_85 : memref<!tpu.dma_semaphore, #tpu.memory_space<semaphore_mem>>) src(%arg9 : memref<125x128xf32, #tpu.memory_space<vmem>>) dst(%dma_wait3A_97 : memref<10112x128xf32, #tpu.memory_space<vmem_shared>>)
        tpu.yield
      }) : () -> ()
      %add3A_62 = arith.constant 2 : i32
      %add3A_63 = arith.addi %add3A_56, %add3A_62 : i32
      %lt3A = arith.constant 40 : i32
      %lt3A_64 = arith.cmpi slt, %add3A_63, %lt3A : i32
      %convert_element_type3A_65 = arith.extui %lt3A_64 : i1 to i32
      %cond3A_66 = arith.constant 0 : i32
      %cond3A_67 = arith.cmpi ne, %convert_element_type3A_65, %cond3A_66 : i32
      scf.if %cond3A_67 {
        %add3A_85 = arith.constant 2 : i32
        %add3A_86 = arith.addi %add3A_56, %add3A_85 : i32
        %dma_start3A_87 = arith.constant 0 : i32
        %dma_start3A_88 = tpu.memref_slice %arg7[%add3A_86, %dma_start3A_87] : memref<40x125xi32, #tpu.memory_space<vmem>> -> memref<1x125xi32, #tpu.memory_space<vmem>>
        %dma_start3A_89 = tpu.memref_squeeze %dma_start3A_88 : memref<1x125xi32, #tpu.memory_space<vmem>> -> memref<125xi32, #tpu.memory_space<vmem>>
        %dma_start3A_90 = arith.constant 0 : i32
        %dma_start3A_91 = arith.constant 0 : i32
        %dma_start3A_92 = tpu.memref_slice %arg2[%dma_start3A_90, %dma_start3A_91] : memref<10000x128xf32, #tpu.memory_space<hbm>> -> memref<10000x128xf32, #tpu.memory_space<hbm>>
        tpu.enqueue_indirect_dma source(%dma_start3A_92 : memref<10000x128xf32, #tpu.memory_space<hbm>>) target(%arg9 : memref<125x128xf32, #tpu.memory_space<vmem>>) offsets(%dma_start3A_89 : memref<125xi32, #tpu.memory_space<vmem>>) semaphore(%arg12 : memref<!tpu.dma_semaphore, #tpu.memory_space<semaphore_mem>>)
      } else {
      }
      %mul3A_68 = arith.constant 2 : i32
      %mul3A_69 = arith.muli %scan3A_52, %mul3A_68 : i32
      %add3A_70 = arith.constant 1 : i32
      %add3A_71 = arith.addi %mul3A_69, %add3A_70 : i32
      %dma_wait3A_72 = arith.constant 0 : i32
      %dma_wait3A_73 = tpu.memref_slice %arg7[%add3A_71, %dma_wait3A_72] : memref<40x125xi32, #tpu.memory_space<vmem>> -> memref<1x125xi32, #tpu.memory_space<vmem>>
      %dma_wait3A_74 = tpu.memref_squeeze %dma_wait3A_73 : memref<1x125xi32, #tpu.memory_space<vmem>> -> memref<125xi32, #tpu.memory_space<vmem>>
      %dma_wait3A_75 = arith.constant 0 : i32
      %dma_wait3A_76 = arith.constant 0 : i32
      %dma_wait3A_77 = tpu.memref_slice %arg2[%dma_wait3A_75, %dma_wait3A_76] : memref<10000x128xf32, #tpu.memory_space<hbm>> -> memref<10000x128xf32, #tpu.memory_space<hbm>>
      tpu.wait_indirect_dma semaphore(%arg13 : memref<!tpu.dma_semaphore, #tpu.memory_space<semaphore_mem>>) src(%dma_wait3A_77 : memref<10000x128xf32, #tpu.memory_space<hbm>>) dst(%arg10 : memref<125x128xf32, #tpu.memory_space<vmem>>)
      "tpu.region"() ({
        %run_scoped3A_85 = tpu.sem_alloc : memref<!tpu.dma_semaphore, #tpu.memory_space<semaphore_mem>>
        %dma_start3A_86 = arith.constant 0 : i32
        %dma_start3A_87 = tpu.memref_slice %arg8[%add3A_71, %dma_start3A_86] : memref<40x125xi32, #tpu.memory_space<vmem>> -> memref<1x125xi32, #tpu.memory_space<vmem>>
        %dma_start3A_88 = tpu.memref_squeeze %dma_start3A_87 : memref<1x125xi32, #tpu.memory_space<vmem>> -> memref<125xi32, #tpu.memory_space<vmem>>
        %dma_start3A_89 = arith.constant 0 : i32
        %dma_start3A_90 = arith.constant 0 : i32
        %dma_start3A_91 = tpu.memref_slice %arg11[%dma_start3A_89, %dma_start3A_90] : memref<10112x128xf32, #tpu.memory_space<vmem_shared>> -> memref<10112x128xf32, #tpu.memory_space<vmem_shared>>
        tpu.enqueue_indirect_dma source(%arg10 : memref<125x128xf32, #tpu.memory_space<vmem>>) target(%dma_start3A_91 : memref<10112x128xf32, #tpu.memory_space<vmem_shared>>) offsets(%dma_start3A_88 : memref<125xi32, #tpu.memory_space<vmem>>) semaphore(%run_scoped3A_85 : memref<!tpu.dma_semaphore, #tpu.memory_space<semaphore_mem>>) {add = true}
        %dma_wait3A_92 = arith.constant 0 : i32
        %dma_wait3A_93 = tpu.memref_slice %arg8[%add3A_71, %dma_wait3A_92] : memref<40x125xi32, #tpu.memory_space<vmem>> -> memref<1x125xi32, #tpu.memory_space<vmem>>
        %dma_wait3A_94 = tpu.memref_squeeze %dma_wait3A_93 : memref<1x125xi32, #tpu.memory_space<vmem>> -> memref<125xi32, #tpu.memory_space<vmem>>
        %dma_wait3A_95 = arith.constant 0 : i32
        %dma_wait3A_96 = arith.constant 0 : i32
        %dma_wait3A_97 = tpu.memref_slice %arg11[%dma_wait3A_95, %dma_wait3A_96] : memref<10112x128xf32, #tpu.memory_space<vmem_shared>> -> memref<10112x128xf32, #tpu.memory_space<vmem_shared>>
        tpu.wait_indirect_dma semaphore(%run_scoped3A_85 : memref<!tpu.dma_semaphore, #tpu.memory_space<semaphore_mem>>) src(%arg10 : memref<125x128xf32, #tpu.memory_space<vmem>>) dst(%dma_wait3A_97 : memref<10112x128xf32, #tpu.memory_space<vmem_shared>>)
        tpu.yield
      }) : () -> ()
      %add3A_78 = arith.constant 2 : i32
      %add3A_79 = arith.addi %add3A_71, %add3A_78 : i32
      %lt3A_80 = arith.constant 40 : i32
      %lt3A_81 = arith.cmpi slt, %add3A_79, %lt3A_80 : i32
      %convert_element_type3A_82 = arith.extui %lt3A_81 : i1 to i32
      %cond3A_83 = arith.constant 0 : i32
      %cond3A_84 = arith.cmpi ne, %convert_element_type3A_82, %cond3A_83 : i32
      scf.if %cond3A_84 {
        %add3A_85 = arith.constant 2 : i32
        %add3A_86 = arith.addi %add3A_71, %add3A_85 : i32
        %dma_start3A_87 = arith.constant 0 : i32
        %dma_start3A_88 = tpu.memref_slice %arg7[%add3A_86, %dma_start3A_87] : memref<40x125xi32, #tpu.memory_space<vmem>> -> memref<1x125xi32, #tpu.memory_space<vmem>>
        %dma_start3A_89 = tpu.memref_squeeze %dma_start3A_88 : memref<1x125xi32, #tpu.memory_space<vmem>> -> memref<125xi32, #tpu.memory_space<vmem>>
        %dma_start3A_90 = arith.constant 0 : i32
        %dma_start3A_91 = arith.constant 0 : i32
        %dma_start3A_92 = tpu.memref_slice %arg2[%dma_start3A_90, %dma_start3A_91] : memref<10000x128xf32, #tpu.memory_space<hbm>> -> memref<10000x128xf32, #tpu.memory_space<hbm>>
        tpu.enqueue_indirect_dma source(%dma_start3A_92 : memref<10000x128xf32, #tpu.memory_space<hbm>>) target(%arg10 : memref<125x128xf32, #tpu.memory_space<vmem>>) offsets(%dma_start3A_89 : memref<125xi32, #tpu.memory_space<vmem>>) semaphore(%arg13 : memref<!tpu.dma_semaphore, #tpu.memory_space<semaphore_mem>>)
      } else {
      }
    }
    %scan3A_25 = arith.constant 20 : i32
    %run_scoped3A_26 = arith.constant 1 : i32
    "tpu.region"() ({
      %run_scoped3A_52 = tpu.sem_alloc : memref<!tpu.dma_semaphore, #tpu.memory_space<semaphore_mem>>
      %dma_start3A_53 = arith.constant 0 : i32
      %dma_start3A_54 = arith.constant 0 : i32
      %dma_start3A_55 = tpu.memref_slice %arg3[%add3A, %run_scoped3A_26, %dma_start3A_53, %dma_start3A_54] : memref<32x2x40x125xi32, #tpu.memory_space<hbm>> -> memref<1x1x40x125xi32, #tpu.memory_space<hbm>>
      %dma_start3A_56 = tpu.memref_squeeze %dma_start3A_55 : memref<1x1x40x125xi32, #tpu.memory_space<hbm>> -> memref<40x125xi32, #tpu.memory_space<hbm>>
      %dma_start3A_57 = arith.constant 0 : i32
      %dma_start3A_58 = arith.constant 0 : i32
      %dma_start3A_59 = tpu.memref_slice %arg3[%add3A, %run_scoped3A_26, %dma_start3A_57, %dma_start3A_58] : memref<32x2x40x125xi32, #tpu.memory_space<hbm>> -> memref<1x1x40x125xi32, #tpu.memory_space<hbm>>
      %dma_start3A_60 = tpu.memref_squeeze %dma_start3A_59 : memref<1x1x40x125xi32, #tpu.memory_space<hbm>> -> memref<40x125xi32, #tpu.memory_space<hbm>>
      tpu.enqueue_dma source(%dma_start3A_60 : memref<40x125xi32, #tpu.memory_space<hbm>>) target(%arg7 : memref<40x125xi32, #tpu.memory_space<vmem>>) target_semaphore(%run_scoped3A_52 : memref<!tpu.dma_semaphore, #tpu.memory_space<semaphore_mem>>)
      %dma_wait3A = arith.constant 0 : i32
      %dma_wait3A_61 = arith.constant 0 : i32
      %dma_wait3A_62 = tpu.memref_slice %arg3[%add3A, %run_scoped3A_26, %dma_wait3A, %dma_wait3A_61] : memref<32x2x40x125xi32, #tpu.memory_space<hbm>> -> memref<1x1x40x125xi32, #tpu.memory_space<hbm>>
      %dma_wait3A_63 = tpu.memref_squeeze %dma_wait3A_62 : memref<1x1x40x125xi32, #tpu.memory_space<hbm>> -> memref<40x125xi32, #tpu.memory_space<hbm>>
      %dma_wait3A_64 = arith.constant 0 : i32
      %dma_wait3A_65 = arith.constant 0 : i32
      %dma_wait3A_66 = tpu.memref_slice %arg3[%add3A, %run_scoped3A_26, %dma_wait3A_64, %dma_wait3A_65] : memref<32x2x40x125xi32, #tpu.memory_space<hbm>> -> memref<1x1x40x125xi32, #tpu.memory_space<hbm>>
      %dma_wait3A_67 = tpu.memref_squeeze %dma_wait3A_66 : memref<1x1x40x125xi32, #tpu.memory_space<hbm>> -> memref<40x125xi32, #tpu.memory_space<hbm>>
      tpu.wait_dma2 semaphore(%run_scoped3A_52 : memref<!tpu.dma_semaphore, #tpu.memory_space<semaphore_mem>>) src(%dma_wait3A_67 : memref<40x125xi32, #tpu.memory_space<hbm>>) dst(%arg7 : memref<40x125xi32, #tpu.memory_space<vmem>>)
      tpu.yield
    }) : () -> ()
    %run_scoped3A_27 = arith.constant 1 : i32
    "tpu.region"() ({
      %run_scoped3A_52 = tpu.sem_alloc : memref<!tpu.dma_semaphore, #tpu.memory_space<semaphore_mem>>
      %dma_start3A_53 = arith.constant 0 : i32
      %dma_start3A_54 = arith.constant 0 : i32
      %dma_start3A_55 = tpu.memref_slice %arg4[%add3A, %run_scoped3A_27, %dma_start3A_53, %dma_start3A_54] : memref<32x2x40x125xi32, #tpu.memory_space<hbm>> -> memref<1x1x40x125xi32, #tpu.memory_space<hbm>>
      %dma_start3A_56 = tpu.memref_squeeze %dma_start3A_55 : memref<1x1x40x125xi32, #tpu.memory_space<hbm>> -> memref<40x125xi32, #tpu.memory_space<hbm>>
      %dma_start3A_57 = arith.constant 0 : i32
      %dma_start3A_58 = arith.constant 0 : i32
      %dma_start3A_59 = tpu.memref_slice %arg4[%add3A, %run_scoped3A_27, %dma_start3A_57, %dma_start3A_58] : memref<32x2x40x125xi32, #tpu.memory_space<hbm>> -> memref<1x1x40x125xi32, #tpu.memory_space<hbm>>
      %dma_start3A_60 = tpu.memref_squeeze %dma_start3A_59 : memref<1x1x40x125xi32, #tpu.memory_space<hbm>> -> memref<40x125xi32, #tpu.memory_space<hbm>>
      tpu.enqueue_dma source(%dma_start3A_60 : memref<40x125xi32, #tpu.memory_space<hbm>>) target(%arg8 : memref<40x125xi32, #tpu.memory_space<vmem>>) target_semaphore(%run_scoped3A_52 : memref<!tpu.dma_semaphore, #tpu.memory_space<semaphore_mem>>)
      %dma_wait3A = arith.constant 0 : i32
      %dma_wait3A_61 = arith.constant 0 : i32
      %dma_wait3A_62 = tpu.memref_slice %arg4[%add3A, %run_scoped3A_27, %dma_wait3A, %dma_wait3A_61] : memref<32x2x40x125xi32, #tpu.memory_space<hbm>> -> memref<1x1x40x125xi32, #tpu.memory_space<hbm>>
      %dma_wait3A_63 = tpu.memref_squeeze %dma_wait3A_62 : memref<1x1x40x125xi32, #tpu.memory_space<hbm>> -> memref<40x125xi32, #tpu.memory_space<hbm>>
      %dma_wait3A_64 = arith.constant 0 : i32
      %dma_wait3A_65 = arith.constant 0 : i32
      %dma_wait3A_66 = tpu.memref_slice %arg4[%add3A, %run_scoped3A_27, %dma_wait3A_64, %dma_wait3A_65] : memref<32x2x40x125xi32, #tpu.memory_space<hbm>> -> memref<1x1x40x125xi32, #tpu.memory_space<hbm>>
      %dma_wait3A_67 = tpu.memref_squeeze %dma_wait3A_66 : memref<1x1x40x125xi32, #tpu.memory_space<hbm>> -> memref<40x125xi32, #tpu.memory_space<hbm>>
      tpu.wait_dma2 semaphore(%run_scoped3A_52 : memref<!tpu.dma_semaphore, #tpu.memory_space<semaphore_mem>>) src(%dma_wait3A_67 : memref<40x125xi32, #tpu.memory_space<hbm>>) dst(%arg8 : memref<40x125xi32, #tpu.memory_space<vmem>>)
      tpu.yield
    }) : () -> ()
    %dma_start3A_28 = arith.constant 0 : i32
    %dma_start3A_29 = arith.constant 0 : i32
    %dma_start3A_30 = tpu.memref_slice %arg7[%dma_start3A_28, %dma_start3A_29] : memref<40x125xi32, #tpu.memory_space<vmem>> -> memref<1x125xi32, #tpu.memory_space<vmem>>
    %dma_start3A_31 = tpu.memref_squeeze %dma_start3A_30 : memref<1x125xi32, #tpu.memory_space<vmem>> -> memref<125xi32, #tpu.memory_space<vmem>>
    %dma_start3A_32 = arith.constant 0 : i32
    %dma_start3A_33 = arith.constant 0 : i32
    %dma_start3A_34 = tpu.memref_slice %arg2[%dma_start3A_32, %dma_start3A_33] : memref<10000x128xf32, #tpu.memory_space<hbm>> -> memref<10000x128xf32, #tpu.memory_space<hbm>>
    tpu.enqueue_indirect_dma source(%dma_start3A_34 : memref<10000x128xf32, #tpu.memory_space<hbm>>) target(%arg9 : memref<125x128xf32, #tpu.memory_space<vmem>>) offsets(%dma_start3A_31 : memref<125xi32, #tpu.memory_space<vmem>>) semaphore(%arg12 : memref<!tpu.dma_semaphore, #tpu.memory_space<semaphore_mem>>)
    %dma_start3A_35 = arith.constant 1 : i32
    %dma_start3A_36 = arith.constant 0 : i32
    %dma_start3A_37 = tpu.memref_slice %arg7[%dma_start3A_35, %dma_start3A_36] : memref<40x125xi32, #tpu.memory_space<vmem>> -> memref<1x125xi32, #tpu.memory_space<vmem>>
    %dma_start3A_38 = tpu.memref_squeeze %dma_start3A_37 : memref<1x125xi32, #tpu.memory_space<vmem>> -> memref<125xi32, #tpu.memory_space<vmem>>
    %dma_start3A_39 = arith.constant 0 : i32
    %dma_start3A_40 = arith.constant 0 : i32
    %dma_start3A_41 = tpu.memref_slice %arg2[%dma_start3A_39, %dma_start3A_40] : memref<10000x128xf32, #tpu.memory_space<hbm>> -> memref<10000x128xf32, #tpu.memory_space<hbm>>
    tpu.enqueue_indirect_dma source(%dma_start3A_41 : memref<10000x128xf32, #tpu.memory_space<hbm>>) target(%arg10 : memref<125x128xf32, #tpu.memory_space<vmem>>) offsets(%dma_start3A_38 : memref<125xi32, #tpu.memory_space<vmem>>) semaphore(%arg13 : memref<!tpu.dma_semaphore, #tpu.memory_space<semaphore_mem>>)
    %scan3A_42 = arith.constant 0 : i32
    %scan3A_43 = arith.constant 20 : i32
    %scan3A_44 = arith.addi %scan3A_42, %scan3A_43 : i32
    %scan3A_45 = arith.constant 1 : i32
    scf.for %scan3A_52 = %scan3A_42 to %scan3A_44 step %scan3A_45  : i32 {
      %mul3A_53 = arith.constant 2 : i32
      %mul3A_54 = arith.muli %scan3A_52, %mul3A_53 : i32
      %add3A_55 = arith.constant 0 : i32
      %add3A_56 = arith.addi %mul3A_54, %add3A_55 : i32
      %dma_wait3A = arith.constant 0 : i32
      %dma_wait3A_57 = tpu.memref_slice %arg7[%add3A_56, %dma_wait3A] : memref<40x125xi32, #tpu.memory_space<vmem>> -> memref<1x125xi32, #tpu.memory_space<vmem>>
      %dma_wait3A_58 = tpu.memref_squeeze %dma_wait3A_57 : memref<1x125xi32, #tpu.memory_space<vmem>> -> memref<125xi32, #tpu.memory_space<vmem>>
      %dma_wait3A_59 = arith.constant 0 : i32
      %dma_wait3A_60 = arith.constant 0 : i32
      %dma_wait3A_61 = tpu.memref_slice %arg2[%dma_wait3A_59, %dma_wait3A_60] : memref<10000x128xf32, #tpu.memory_space<hbm>> -> memref<10000x128xf32, #tpu.memory_space<hbm>>
      tpu.wait_indirect_dma semaphore(%arg12 : memref<!tpu.dma_semaphore, #tpu.memory_space<semaphore_mem>>) src(%dma_wait3A_61 : memref<10000x128xf32, #tpu.memory_space<hbm>>) dst(%arg9 : memref<125x128xf32, #tpu.memory_space<vmem>>)
      "tpu.region"() ({
        %run_scoped3A_85 = tpu.sem_alloc : memref<!tpu.dma_semaphore, #tpu.memory_space<semaphore_mem>>
        %dma_start3A_86 = arith.constant 0 : i32
        %dma_start3A_87 = tpu.memref_slice %arg8[%add3A_56, %dma_start3A_86] : memref<40x125xi32, #tpu.memory_space<vmem>> -> memref<1x125xi32, #tpu.memory_space<vmem>>
        %dma_start3A_88 = tpu.memref_squeeze %dma_start3A_87 : memref<1x125xi32, #tpu.memory_space<vmem>> -> memref<125xi32, #tpu.memory_space<vmem>>
        %dma_start3A_89 = arith.constant 0 : i32
        %dma_start3A_90 = arith.constant 0 : i32
        %dma_start3A_91 = tpu.memref_slice %arg11[%dma_start3A_89, %dma_start3A_90] : memref<10112x128xf32, #tpu.memory_space<vmem_shared>> -> memref<10112x128xf32, #tpu.memory_space<vmem_shared>>
        tpu.enqueue_indirect_dma source(%arg9 : memref<125x128xf32, #tpu.memory_space<vmem>>) target(%dma_start3A_91 : memref<10112x128xf32, #tpu.memory_space<vmem_shared>>) offsets(%dma_start3A_88 : memref<125xi32, #tpu.memory_space<vmem>>) semaphore(%run_scoped3A_85 : memref<!tpu.dma_semaphore, #tpu.memory_space<semaphore_mem>>) {add = true}
        %dma_wait3A_92 = arith.constant 0 : i32
        %dma_wait3A_93 = tpu.memref_slice %arg8[%add3A_56, %dma_wait3A_92] : memref<40x125xi32, #tpu.memory_space<vmem>> -> memref<1x125xi32, #tpu.memory_space<vmem>>
        %dma_wait3A_94 = tpu.memref_squeeze %dma_wait3A_93 : memref<1x125xi32, #tpu.memory_space<vmem>> -> memref<125xi32, #tpu.memory_space<vmem>>
        %dma_wait3A_95 = arith.constant 0 : i32
        %dma_wait3A_96 = arith.constant 0 : i32
        %dma_wait3A_97 = tpu.memref_slice %arg11[%dma_wait3A_95, %dma_wait3A_96] : memref<10112x128xf32, #tpu.memory_space<vmem_shared>> -> memref<10112x128xf32, #tpu.memory_space<vmem_shared>>
        tpu.wait_indirect_dma semaphore(%run_scoped3A_85 : memref<!tpu.dma_semaphore, #tpu.memory_space<semaphore_mem>>) src(%arg9 : memref<125x128xf32, #tpu.memory_space<vmem>>) dst(%dma_wait3A_97 : memref<10112x128xf32, #tpu.memory_space<vmem_shared>>)
        tpu.yield
      }) : () -> ()
      %add3A_62 = arith.constant 2 : i32
      %add3A_63 = arith.addi %add3A_56, %add3A_62 : i32
      %lt3A = arith.constant 40 : i32
      %lt3A_64 = arith.cmpi slt, %add3A_63, %lt3A : i32
      %convert_element_type3A_65 = arith.extui %lt3A_64 : i1 to i32
      %cond3A_66 = arith.constant 0 : i32
      %cond3A_67 = arith.cmpi ne, %convert_element_type3A_65, %cond3A_66 : i32
      scf.if %cond3A_67 {
        %add3A_85 = arith.constant 2 : i32
        %add3A_86 = arith.addi %add3A_56, %add3A_85 : i32
        %dma_start3A_87 = arith.constant 0 : i32
        %dma_start3A_88 = tpu.memref_slice %arg7[%add3A_86, %dma_start3A_87] : memref<40x125xi32, #tpu.memory_space<vmem>> -> memref<1x125xi32, #tpu.memory_space<vmem>>
        %dma_start3A_89 = tpu.memref_squeeze %dma_start3A_88 : memref<1x125xi32, #tpu.memory_space<vmem>> -> memref<125xi32, #tpu.memory_space<vmem>>
        %dma_start3A_90 = arith.constant 0 : i32
        %dma_start3A_91 = arith.constant 0 : i32
        %dma_start3A_92 = tpu.memref_slice %arg2[%dma_start3A_90, %dma_start3A_91] : memref<10000x128xf32, #tpu.memory_space<hbm>> -> memref<10000x128xf32, #tpu.memory_space<hbm>>
        tpu.enqueue_indirect_dma source(%dma_start3A_92 : memref<10000x128xf32, #tpu.memory_space<hbm>>) target(%arg9 : memref<125x128xf32, #tpu.memory_space<vmem>>) offsets(%dma_start3A_89 : memref<125xi32, #tpu.memory_space<vmem>>) semaphore(%arg12 : memref<!tpu.dma_semaphore, #tpu.memory_space<semaphore_mem>>)
      } else {
      }
      %mul3A_68 = arith.constant 2 : i32
      %mul3A_69 = arith.muli %scan3A_52, %mul3A_68 : i32
      %add3A_70 = arith.constant 1 : i32
      %add3A_71 = arith.addi %mul3A_69, %add3A_70 : i32
      %dma_wait3A_72 = arith.constant 0 : i32
      %dma_wait3A_73 = tpu.memref_slice %arg7[%add3A_71, %dma_wait3A_72] : memref<40x125xi32, #tpu.memory_space<vmem>> -> memref<1x125xi32, #tpu.memory_space<vmem>>
      %dma_wait3A_74 = tpu.memref_squeeze %dma_wait3A_73 : memref<1x125xi32, #tpu.memory_space<vmem>> -> memref<125xi32, #tpu.memory_space<vmem>>
      %dma_wait3A_75 = arith.constant 0 : i32
      %dma_wait3A_76 = arith.constant 0 : i32
      %dma_wait3A_77 = tpu.memref_slice %arg2[%dma_wait3A_75, %dma_wait3A_76] : memref<10000x128xf32, #tpu.memory_space<hbm>> -> memref<10000x128xf32, #tpu.memory_space<hbm>>
      tpu.wait_indirect_dma semaphore(%arg13 : memref<!tpu.dma_semaphore, #tpu.memory_space<semaphore_mem>>) src(%dma_wait3A_77 : memref<10000x128xf32, #tpu.memory_space<hbm>>) dst(%arg10 : memref<125x128xf32, #tpu.memory_space<vmem>>)
      "tpu.region"() ({
        %run_scoped3A_85 = tpu.sem_alloc : memref<!tpu.dma_semaphore, #tpu.memory_space<semaphore_mem>>
        %dma_start3A_86 = arith.constant 0 : i32
        %dma_start3A_87 = tpu.memref_slice %arg8[%add3A_71, %dma_start3A_86] : memref<40x125xi32, #tpu.memory_space<vmem>> -> memref<1x125xi32, #tpu.memory_space<vmem>>
        %dma_start3A_88 = tpu.memref_squeeze %dma_start3A_87 : memref<1x125xi32, #tpu.memory_space<vmem>> -> memref<125xi32, #tpu.memory_space<vmem>>
        %dma_start3A_89 = arith.constant 0 : i32
        %dma_start3A_90 = arith.constant 0 : i32
        %dma_start3A_91 = tpu.memref_slice %arg11[%dma_start3A_89, %dma_start3A_90] : memref<10112x128xf32, #tpu.memory_space<vmem_shared>> -> memref<10112x128xf32, #tpu.memory_space<vmem_shared>>
        tpu.enqueue_indirect_dma source(%arg10 : memref<125x128xf32, #tpu.memory_space<vmem>>) target(%dma_start3A_91 : memref<10112x128xf32, #tpu.memory_space<vmem_shared>>) offsets(%dma_start3A_88 : memref<125xi32, #tpu.memory_space<vmem>>) semaphore(%run_scoped3A_85 : memref<!tpu.dma_semaphore, #tpu.memory_space<semaphore_mem>>) {add = true}
        %dma_wait3A_92 = arith.constant 0 : i32
        %dma_wait3A_93 = tpu.memref_slice %arg8[%add3A_71, %dma_wait3A_92] : memref<40x125xi32, #tpu.memory_space<vmem>> -> memref<1x125xi32, #tpu.memory_space<vmem>>
        %dma_wait3A_94 = tpu.memref_squeeze %dma_wait3A_93 : memref<1x125xi32, #tpu.memory_space<vmem>> -> memref<125xi32, #tpu.memory_space<vmem>>
        %dma_wait3A_95 = arith.constant 0 : i32
        %dma_wait3A_96 = arith.constant 0 : i32
        %dma_wait3A_97 = tpu.memref_slice %arg11[%dma_wait3A_95, %dma_wait3A_96] : memref<10112x128xf32, #tpu.memory_space<vmem_shared>> -> memref<10112x128xf32, #tpu.memory_space<vmem_shared>>
        tpu.wait_indirect_dma semaphore(%run_scoped3A_85 : memref<!tpu.dma_semaphore, #tpu.memory_space<semaphore_mem>>) src(%arg10 : memref<125x128xf32, #tpu.memory_space<vmem>>) dst(%dma_wait3A_97 : memref<10112x128xf32, #tpu.memory_space<vmem_shared>>)
        tpu.yield
      }) : () -> ()
      %add3A_78 = arith.constant 2 : i32
      %add3A_79 = arith.addi %add3A_71, %add3A_78 : i32
      %lt3A_80 = arith.constant 40 : i32
      %lt3A_81 = arith.cmpi slt, %add3A_79, %lt3A_80 : i32
      %convert_element_type3A_82 = arith.extui %lt3A_81 : i1 to i32
      %cond3A_83 = arith.constant 0 : i32
      %cond3A_84 = arith.cmpi ne, %convert_element_type3A_82, %cond3A_83 : i32
      scf.if %cond3A_84 {
        %add3A_85 = arith.constant 2 : i32
        %add3A_86 = arith.addi %add3A_71, %add3A_85 : i32
        %dma_start3A_87 = arith.constant 0 : i32
        %dma_start3A_88 = tpu.memref_slice %arg7[%add3A_86, %dma_start3A_87] : memref<40x125xi32, #tpu.memory_space<vmem>> -> memref<1x125xi32, #tpu.memory_space<vmem>>
        %dma_start3A_89 = tpu.memref_squeeze %dma_start3A_88 : memref<1x125xi32, #tpu.memory_space<vmem>> -> memref<125xi32, #tpu.memory_space<vmem>>
        %dma_start3A_90 = arith.constant 0 : i32
        %dma_start3A_91 = arith.constant 0 : i32
        %dma_start3A_92 = tpu.memref_slice %arg2[%dma_start3A_90, %dma_start3A_91] : memref<10000x128xf32, #tpu.memory_space<hbm>> -> memref<10000x128xf32, #tpu.memory_space<hbm>>
        tpu.enqueue_indirect_dma source(%dma_start3A_92 : memref<10000x128xf32, #tpu.memory_space<hbm>>) target(%arg10 : memref<125x128xf32, #tpu.memory_space<vmem>>) offsets(%dma_start3A_89 : memref<125xi32, #tpu.memory_space<vmem>>) semaphore(%arg13 : memref<!tpu.dma_semaphore, #tpu.memory_space<semaphore_mem>>)
      } else {
      }
    }
    %scan3A_46 = arith.constant 20 : i32
    %barrier3A_47 = arith.constant 0 : index
    tpu.barrier barrier_id(%barrier3A_47)
    %mul3A_48 = arith.constant 632 : i32
    %mul3A_49 = arith.muli %arg1, %mul3A_48 : i32
    %mul3A_50 = arith.constant 632 : i32
    %mul3A_51 = arith.muli %arg1, %mul3A_50 : i32
    "tpu.region"() ({
      %run_scoped3A_52 = tpu.sem_alloc : memref<!tpu.dma_semaphore, #tpu.memory_space<semaphore_mem>>
      %dma_start3A_53 = arith.constant 0 : i32
      %dma_start3A_54 = tpu.memref_slice %arg6[%arg0, %mul3A_51, %dma_start3A_53] : memref<2x10112x128xf32, #tpu.memory_space<hbm>> -> memref<1x632x128xf32, #tpu.memory_space<hbm>>
      %dma_start3A_55 = tpu.memref_squeeze %dma_start3A_54 : memref<1x632x128xf32, #tpu.memory_space<hbm>> -> memref<632x128xf32, #tpu.memory_space<hbm>>
      %dma_start3A_56 = arith.constant 0 : i32
      %dma_start3A_57 = tpu.memref_slice %arg11[%mul3A_49, %dma_start3A_56] : memref<10112x128xf32, #tpu.memory_space<vmem_shared>> -> memref<632x128xf32, #tpu.memory_space<vmem_shared>>
      tpu.enqueue_dma source(%dma_start3A_57 : memref<632x128xf32, #tpu.memory_space<vmem_shared>>) target(%dma_start3A_55 : memref<632x128xf32, #tpu.memory_space<hbm>>) target_semaphore(%run_scoped3A_52 : memref<!tpu.dma_semaphore, #tpu.memory_space<semaphore_mem>>)
      %dma_wait3A = arith.constant 0 : i32
      %dma_wait3A_58 = tpu.memref_slice %arg6[%arg0, %mul3A_51, %dma_wait3A] : memref<2x10112x128xf32, #tpu.memory_space<hbm>> -> memref<1x632x128xf32, #tpu.memory_space<hbm>>
      %dma_wait3A_59 = tpu.memref_squeeze %dma_wait3A_58 : memref<1x632x128xf32, #tpu.memory_space<hbm>> -> memref<632x128xf32, #tpu.memory_space<hbm>>
      %dma_wait3A_60 = arith.constant 0 : i32
      %dma_wait3A_61 = tpu.memref_slice %arg11[%mul3A_49, %dma_wait3A_60] : memref<10112x128xf32, #tpu.memory_space<vmem_shared>> -> memref<632x128xf32, #tpu.memory_space<vmem_shared>>
      tpu.wait_dma2 semaphore(%run_scoped3A_52 : memref<!tpu.dma_semaphore, #tpu.memory_space<semaphore_mem>>) src(%dma_wait3A_61 : memref<632x128xf32, #tpu.memory_space<vmem_shared>>) dst(%dma_wait3A_59 : memref<632x128xf32, #tpu.memory_space<hbm>>)
      tpu.yield
    }) : () -> ()
    return
  }
}

#map = affine_map<(d0, d1) -> (0, 0)>
#map1 = affine_map<(d0, d1) -> (0, 0, 0, 0)>
#map2 = affine_map<(d0, d1) -> (0, 0, 0)>
module attributes {stable_mosaic.version = 14 : i64} {
  func.func @_seg_sum_body(%arg0: i32, %arg1: i32, %arg2: memref<10000x128xf32, #tpu.memory_space<hbm>>, %arg3: memref<32x2x40x125xi32, #tpu.memory_space<hbm>>, %arg4: memref<32x2x40x125xi32, #tpu.memory_space<hbm>>, %arg5: memref<632x128xf32, #tpu.memory_space<hbm>>, %arg6: memref<2x10112x128xf32, #tpu.memory_space<hbm>>, %arg7: memref<40x125xi32, #tpu.memory_space<vmem>>, %arg8: memref<40x125xi32, #tpu.memory_space<vmem>>, %arg9: memref<125x128xf32, #tpu.memory_space<vmem>>, %arg10: memref<125x128xf32, #tpu.memory_space<vmem>>, %arg11: memref<10112x128xf32, #tpu.memory_space<vmem_shared>>, %arg12: memref<!tpu.dma_semaphore, #tpu.memory_space<semaphore_mem>>, %arg13: memref<!tpu.dma_semaphore, #tpu.memory_space<semaphore_mem>>) attributes {dimension_semantics = [#tpu.dimension_semantics<core_parallel>, #tpu.dimension_semantics<subcore_parallel>], iteration_bounds = array<i64: 2, 16>, scalar_prefetch = 0 : i64, scratch_operands = 7 : i64, tpu.core_type = #tpu.core_type<sc_vector_subcore>, window_params = [{transform_indices = #map}, {transform_indices = #map1}, {transform_indices = #map1}, {transform_indices = #map}, {transform_indices = #map2}]} {
    %mul3A = arith.constant 2 : i32
    %mul3A_0 = arith.muli %arg1, %mul3A : i32
    %add3A = arith.addi %mul3A_0, %arg0 : i32
    %run_scoped3A = arith.constant 0 : i32
    "tpu.region"() ({
      %run_scoped3A_52 = tpu.sem_alloc : memref<!tpu.dma_semaphore, #tpu.memory_space<semaphore_mem>>
      %dma_start3A_53 = arith.constant 0 : i32
      %dma_start3A_54 = arith.constant 0 : i32
      %dma_start3A_55 = tpu.memref_slice %arg3[%add3A, %run_scoped3A, %dma_start3A_53, %dma_start3A_54] : memref<32x2x40x125xi32, #tpu.memory_space<hbm>> -> memref<1x1x40x125xi32, #tpu.memory_space<hbm>>
      %dma_start3A_56 = tpu.memref_squeeze %dma_start3A_55 : memref<1x1x40x125xi32, #tpu.memory_space<hbm>> -> memref<40x125xi32, #tpu.memory_space<hbm>>
      %dma_start3A_57 = arith.constant 0 : i32
      %dma_start3A_58 = arith.constant 0 : i32
      %dma_start3A_59 = tpu.memref_slice %arg3[%add3A, %run_scoped3A, %dma_start3A_57, %dma_start3A_58] : memref<32x2x40x125xi32, #tpu.memory_space<hbm>> -> memref<1x1x40x125xi32, #tpu.memory_space<hbm>>
      %dma_start3A_60 = tpu.memref_squeeze %dma_start3A_59 : memref<1x1x40x125xi32, #tpu.memory_space<hbm>> -> memref<40x125xi32, #tpu.memory_space<hbm>>
      tpu.enqueue_dma source(%dma_start3A_60 : memref<40x125xi32, #tpu.memory_space<hbm>>) target(%arg7 : memref<40x125xi32, #tpu.memory_space<vmem>>) target_semaphore(%run_scoped3A_52 : memref<!tpu.dma_semaphore, #tpu.memory_space<semaphore_mem>>)
      %dma_wait3A = arith.constant 0 : i32
      %dma_wait3A_61 = arith.constant 0 : i32
      %dma_wait3A_62 = tpu.memref_slice %arg3[%add3A, %run_scoped3A, %dma_wait3A, %dma_wait3A_61] : memref<32x2x40x125xi32, #tpu.memory_space<hbm>> -> memref<1x1x40x125xi32, #tpu.memory_space<hbm>>
      %dma_wait3A_63 = tpu.memref_squeeze %dma_wait3A_62 : memref<1x1x40x125xi32, #tpu.memory_space<hbm>> -> memref<40x125xi32, #tpu.memory_space<hbm>>
      %dma_wait3A_64 = arith.constant 0 : i32
      %dma_wait3A_65 = arith.constant 0 : i32
      %dma_wait3A_66 = tpu.memref_slice %arg3[%add3A, %run_scoped3A, %dma_wait3A_64, %dma_wait3A_65] : memref<32x2x40x125xi32, #tpu.memory_space<hbm>> -> memref<1x1x40x125xi32, #tpu.memory_space<hbm>>
      %dma_wait3A_67 = tpu.memref_squeeze %dma_wait3A_66 : memref<1x1x40x125xi32, #tpu.memory_space<hbm>> -> memref<40x125xi32, #tpu.memory_space<hbm>>
      tpu.wait_dma2 semaphore(%run_scoped3A_52 : memref<!tpu.dma_semaphore, #tpu.memory_space<semaphore_mem>>) src(%dma_wait3A_67 : memref<40x125xi32, #tpu.memory_space<hbm>>) dst(%arg7 : memref<40x125xi32, #tpu.memory_space<vmem>>)
      tpu.yield
    }) : () -> ()
    %run_scoped3A_1 = arith.constant 0 : i32
    "tpu.region"() ({
      %run_scoped3A_52 = tpu.sem_alloc : memref<!tpu.dma_semaphore, #tpu.memory_space<semaphore_mem>>
      %dma_start3A_53 = arith.constant 0 : i32
      %dma_start3A_54 = arith.constant 0 : i32
      %dma_start3A_55 = tpu.memref_slice %arg4[%add3A, %run_scoped3A_1, %dma_start3A_53, %dma_start3A_54] : memref<32x2x40x125xi32, #tpu.memory_space<hbm>> -> memref<1x1x40x125xi32, #tpu.memory_space<hbm>>
      %dma_start3A_56 = tpu.memref_squeeze %dma_start3A_55 : memref<1x1x40x125xi32, #tpu.memory_space<hbm>> -> memref<40x125xi32, #tpu.memory_space<hbm>>
      %dma_start3A_57 = arith.constant 0 : i32
      %dma_start3A_58 = arith.constant 0 : i32
      %dma_start3A_59 = tpu.memref_slice %arg4[%add3A, %run_scoped3A_1, %dma_start3A_57, %dma_start3A_58] : memref<32x2x40x125xi32, #tpu.memory_space<hbm>> -> memref<1x1x40x125xi32, #tpu.memory_space<hbm>>
      %dma_start3A_60 = tpu.memref_squeeze %dma_start3A_59 : memref<1x1x40x125xi32, #tpu.memory_space<hbm>> -> memref<40x125xi32, #tpu.memory_space<hbm>>
      tpu.enqueue_dma source(%dma_start3A_60 : memref<40x125xi32, #tpu.memory_space<hbm>>) target(%arg8 : memref<40x125xi32, #tpu.memory_space<vmem>>) target_semaphore(%run_scoped3A_52 : memref<!tpu.dma_semaphore, #tpu.memory_space<semaphore_mem>>)
      %dma_wait3A = arith.constant 0 : i32
      %dma_wait3A_61 = arith.constant 0 : i32
      %dma_wait3A_62 = tpu.memref_slice %arg4[%add3A, %run_scoped3A_1, %dma_wait3A, %dma_wait3A_61] : memref<32x2x40x125xi32, #tpu.memory_space<hbm>> -> memref<1x1x40x125xi32, #tpu.memory_space<hbm>>
      %dma_wait3A_63 = tpu.memref_squeeze %dma_wait3A_62 : memref<1x1x40x125xi32, #tpu.memory_space<hbm>> -> memref<40x125xi32, #tpu.memory_space<hbm>>
      %dma_wait3A_64 = arith.constant 0 : i32
      %dma_wait3A_65 = arith.constant 0 : i32
      %dma_wait3A_66 = tpu.memref_slice %arg4[%add3A, %run_scoped3A_1, %dma_wait3A_64, %dma_wait3A_65] : memref<32x2x40x125xi32, #tpu.memory_space<hbm>> -> memref<1x1x40x125xi32, #tpu.memory_space<hbm>>
      %dma_wait3A_67 = tpu.memref_squeeze %dma_wait3A_66 : memref<1x1x40x125xi32, #tpu.memory_space<hbm>> -> memref<40x125xi32, #tpu.memory_space<hbm>>
      tpu.wait_dma2 semaphore(%run_scoped3A_52 : memref<!tpu.dma_semaphore, #tpu.memory_space<semaphore_mem>>) src(%dma_wait3A_67 : memref<40x125xi32, #tpu.memory_space<hbm>>) dst(%arg8 : memref<40x125xi32, #tpu.memory_space<vmem>>)
      tpu.yield
    }) : () -> ()
    %dma_start3A = arith.constant 0 : i32
    %dma_start3A_2 = arith.constant 0 : i32
    %dma_start3A_3 = tpu.memref_slice %arg7[%dma_start3A, %dma_start3A_2] : memref<40x125xi32, #tpu.memory_space<vmem>> -> memref<1x125xi32, #tpu.memory_space<vmem>>
    %dma_start3A_4 = tpu.memref_squeeze %dma_start3A_3 : memref<1x125xi32, #tpu.memory_space<vmem>> -> memref<125xi32, #tpu.memory_space<vmem>>
    %dma_start3A_5 = arith.constant 0 : i32
    %dma_start3A_6 = arith.constant 0 : i32
    %dma_start3A_7 = tpu.memref_slice %arg2[%dma_start3A_5, %dma_start3A_6] : memref<10000x128xf32, #tpu.memory_space<hbm>> -> memref<10000x128xf32, #tpu.memory_space<hbm>>
    tpu.enqueue_indirect_dma source(%dma_start3A_7 : memref<10000x128xf32, #tpu.memory_space<hbm>>) target(%arg9 : memref<125x128xf32, #tpu.memory_space<vmem>>) offsets(%dma_start3A_4 : memref<125xi32, #tpu.memory_space<vmem>>) semaphore(%arg12 : memref<!tpu.dma_semaphore, #tpu.memory_space<semaphore_mem>>)
    %dma_start3A_8 = arith.constant 1 : i32
    %dma_start3A_9 = arith.constant 0 : i32
    %dma_start3A_10 = tpu.memref_slice %arg7[%dma_start3A_8, %dma_start3A_9] : memref<40x125xi32, #tpu.memory_space<vmem>> -> memref<1x125xi32, #tpu.memory_space<vmem>>
    %dma_start3A_11 = tpu.memref_squeeze %dma_start3A_10 : memref<1x125xi32, #tpu.memory_space<vmem>> -> memref<125xi32, #tpu.memory_space<vmem>>
    %dma_start3A_12 = arith.constant 0 : i32
    %dma_start3A_13 = arith.constant 0 : i32
    %dma_start3A_14 = tpu.memref_slice %arg2[%dma_start3A_12, %dma_start3A_13] : memref<10000x128xf32, #tpu.memory_space<hbm>> -> memref<10000x128xf32, #tpu.memory_space<hbm>>
    tpu.enqueue_indirect_dma source(%dma_start3A_14 : memref<10000x128xf32, #tpu.memory_space<hbm>>) target(%arg10 : memref<125x128xf32, #tpu.memory_space<vmem>>) offsets(%dma_start3A_11 : memref<125xi32, #tpu.memory_space<vmem>>) semaphore(%arg13 : memref<!tpu.dma_semaphore, #tpu.memory_space<semaphore_mem>>)
    %eq3A = arith.constant 0 : i32
    %eq3A_15 = arith.cmpi eq, %arg0, %eq3A : i32
    %convert_element_type3A = arith.extui %eq3A_15 : i1 to i32
    %cond3A = arith.constant 0 : i32
    %cond3A_16 = arith.cmpi ne, %convert_element_type3A, %cond3A : i32
    scf.if %cond3A_16 {
      %lt3A = arith.constant 15 : i32
      %lt3A_52 = arith.cmpi slt, %arg1, %lt3A : i32
      %convert_element_type3A_53 = arith.extui %lt3A_52 : i1 to i32
      %cond3A_54 = arith.constant 0 : i32
      %cond3A_55 = arith.cmpi ne, %convert_element_type3A_53, %cond3A_54 : i32
      scf.if %cond3A_55 {
        %mul3A_61 = arith.constant 632 : i32
        %mul3A_62 = arith.muli %arg1, %mul3A_61 : i32
        %mul3A_63 = arith.constant 632 : i32
        %mul3A_64 = arith.muli %arg1, %mul3A_63 : i32
        "tpu.region"() ({
          %run_scoped3A_65 = tpu.sem_alloc : memref<!tpu.dma_semaphore, #tpu.memory_space<semaphore_mem>>
          %dma_start3A_66 = arith.constant 0 : i32
          %dma_start3A_67 = tpu.memref_slice %arg11[%mul3A_64, %dma_start3A_66] : memref<10112x128xf32, #tpu.memory_space<vmem_shared>> -> memref<632x128xf32, #tpu.memory_space<vmem_shared>>
          %dma_start3A_68 = arith.constant 0 : i32
          %dma_start3A_69 = tpu.memref_slice %arg2[%mul3A_62, %dma_start3A_68] : memref<10000x128xf32, #tpu.memory_space<hbm>> -> memref<632x128xf32, #tpu.memory_space<hbm>>
          tpu.enqueue_dma source(%dma_start3A_69 : memref<632x128xf32, #tpu.memory_space<hbm>>) target(%dma_start3A_67 : memref<632x128xf32, #tpu.memory_space<vmem_shared>>) target_semaphore(%run_scoped3A_65 : memref<!tpu.dma_semaphore, #tpu.memory_space<semaphore_mem>>)
          %dma_wait3A = arith.constant 0 : i32
          %dma_wait3A_70 = tpu.memref_slice %arg11[%mul3A_64, %dma_wait3A] : memref<10112x128xf32, #tpu.memory_space<vmem_shared>> -> memref<632x128xf32, #tpu.memory_space<vmem_shared>>
          %dma_wait3A_71 = arith.constant 0 : i32
          %dma_wait3A_72 = tpu.memref_slice %arg2[%mul3A_62, %dma_wait3A_71] : memref<10000x128xf32, #tpu.memory_space<hbm>> -> memref<632x128xf32, #tpu.memory_space<hbm>>
          tpu.wait_dma2 semaphore(%run_scoped3A_65 : memref<!tpu.dma_semaphore, #tpu.memory_space<semaphore_mem>>) src(%dma_wait3A_72 : memref<632x128xf32, #tpu.memory_space<hbm>>) dst(%dma_wait3A_70 : memref<632x128xf32, #tpu.memory_space<vmem_shared>>)
          tpu.yield
        }) : () -> ()
      } else {
      }
      %eq3A_56 = arith.constant 15 : i32
      %eq3A_57 = arith.cmpi eq, %arg1, %eq3A_56 : i32
      %convert_element_type3A_58 = arith.extui %eq3A_57 : i1 to i32
      %cond3A_59 = arith.constant 0 : i32
      %cond3A_60 = arith.cmpi ne, %convert_element_type3A_58, %cond3A_59 : i32
      scf.if %cond3A_60 {
        "tpu.region"() ({
          %run_scoped3A_61 = tpu.sem_alloc : memref<!tpu.dma_semaphore, #tpu.memory_space<semaphore_mem>>
          %dma_start3A_62 = arith.constant 9480 : i32
          %dma_start3A_63 = arith.constant 0 : i32
          %dma_start3A_64 = tpu.memref_slice %arg11[%dma_start3A_62, %dma_start3A_63] : memref<10112x128xf32, #tpu.memory_space<vmem_shared>> -> memref<520x128xf32, #tpu.memory_space<vmem_shared>>
          %dma_start3A_65 = arith.constant 9480 : i32
          %dma_start3A_66 = arith.constant 0 : i32
          %dma_start3A_67 = tpu.memref_slice %arg2[%dma_start3A_65, %dma_start3A_66] : memref<10000x128xf32, #tpu.memory_space<hbm>> -> memref<520x128xf32, #tpu.memory_space<hbm>>
          tpu.enqueue_dma source(%dma_start3A_67 : memref<520x128xf32, #tpu.memory_space<hbm>>) target(%dma_start3A_64 : memref<520x128xf32, #tpu.memory_space<vmem_shared>>) target_semaphore(%run_scoped3A_61 : memref<!tpu.dma_semaphore, #tpu.memory_space<semaphore_mem>>)
          %dma_wait3A = arith.constant 9480 : i32
          %dma_wait3A_68 = arith.constant 0 : i32
          %dma_wait3A_69 = tpu.memref_slice %arg11[%dma_wait3A, %dma_wait3A_68] : memref<10112x128xf32, #tpu.memory_space<vmem_shared>> -> memref<520x128xf32, #tpu.memory_space<vmem_shared>>
          %dma_wait3A_70 = arith.constant 9480 : i32
          %dma_wait3A_71 = arith.constant 0 : i32
          %dma_wait3A_72 = tpu.memref_slice %arg2[%dma_wait3A_70, %dma_wait3A_71] : memref<10000x128xf32, #tpu.memory_space<hbm>> -> memref<520x128xf32, #tpu.memory_space<hbm>>
          tpu.wait_dma2 semaphore(%run_scoped3A_61 : memref<!tpu.dma_semaphore, #tpu.memory_space<semaphore_mem>>) src(%dma_wait3A_72 : memref<520x128xf32, #tpu.memory_space<hbm>>) dst(%dma_wait3A_69 : memref<520x128xf32, #tpu.memory_space<vmem_shared>>)
          tpu.yield
        }) : () -> ()
        "tpu.region"() ({
          %run_scoped3A_61 = tpu.sem_alloc : memref<!tpu.dma_semaphore, #tpu.memory_space<semaphore_mem>>
          %dma_start3A_62 = arith.constant 10000 : i32
          %dma_start3A_63 = arith.constant 0 : i32
          %dma_start3A_64 = tpu.memref_slice %arg11[%dma_start3A_62, %dma_start3A_63] : memref<10112x128xf32, #tpu.memory_space<vmem_shared>> -> memref<112x128xf32, #tpu.memory_space<vmem_shared>>
          %dma_start3A_65 = arith.constant 0 : i32
          %dma_start3A_66 = arith.constant 0 : i32
          %dma_start3A_67 = tpu.memref_slice %arg5[%dma_start3A_65, %dma_start3A_66] : memref<632x128xf32, #tpu.memory_space<hbm>> -> memref<112x128xf32, #tpu.memory_space<hbm>>
          tpu.enqueue_dma source(%dma_start3A_67 : memref<112x128xf32, #tpu.memory_space<hbm>>) target(%dma_start3A_64 : memref<112x128xf32, #tpu.memory_space<vmem_shared>>) target_semaphore(%run_scoped3A_61 : memref<!tpu.dma_semaphore, #tpu.memory_space<semaphore_mem>>)
          %dma_wait3A = arith.constant 10000 : i32
          %dma_wait3A_68 = arith.constant 0 : i32
          %dma_wait3A_69 = tpu.memref_slice %arg11[%dma_wait3A, %dma_wait3A_68] : memref<10112x128xf32, #tpu.memory_space<vmem_shared>> -> memref<112x128xf32, #tpu.memory_space<vmem_shared>>
          %dma_wait3A_70 = arith.constant 0 : i32
          %dma_wait3A_71 = arith.constant 0 : i32
          %dma_wait3A_72 = tpu.memref_slice %arg5[%dma_wait3A_70, %dma_wait3A_71] : memref<632x128xf32, #tpu.memory_space<hbm>> -> memref<112x128xf32, #tpu.memory_space<hbm>>
          tpu.wait_dma2 semaphore(%run_scoped3A_61 : memref<!tpu.dma_semaphore, #tpu.memory_space<semaphore_mem>>) src(%dma_wait3A_72 : memref<112x128xf32, #tpu.memory_space<hbm>>) dst(%dma_wait3A_69 : memref<112x128xf32, #tpu.memory_space<vmem_shared>>)
          tpu.yield
        }) : () -> ()
      } else {
      }
    } else {
    }
    %eq3A_17 = arith.constant 1 : i32
    %eq3A_18 = arith.cmpi eq, %arg0, %eq3A_17 : i32
    %convert_element_type3A_19 = arith.extui %eq3A_18 : i1 to i32
    %cond3A_20 = arith.constant 0 : i32
    %cond3A_21 = arith.cmpi ne, %convert_element_type3A_19, %cond3A_20 : i32
    scf.if %cond3A_21 {
      %mul3A_52 = arith.constant 632 : i32
      %mul3A_53 = arith.muli %arg1, %mul3A_52 : i32
      "tpu.region"() ({
        %run_scoped3A_54 = tpu.sem_alloc : memref<!tpu.dma_semaphore, #tpu.memory_space<semaphore_mem>>
        %dma_start3A_55 = arith.constant 0 : i32
        %dma_start3A_56 = tpu.memref_slice %arg11[%mul3A_53, %dma_start3A_55] : memref<10112x128xf32, #tpu.memory_space<vmem_shared>> -> memref<632x128xf32, #tpu.memory_space<vmem_shared>>
        tpu.enqueue_dma source(%arg5 : memref<632x128xf32, #tpu.memory_space<hbm>>) target(%dma_start3A_56 : memref<632x128xf32, #tpu.memory_space<vmem_shared>>) target_semaphore(%run_scoped3A_54 : memref<!tpu.dma_semaphore, #tpu.memory_space<semaphore_mem>>)
        %dma_wait3A = arith.constant 0 : i32
        %dma_wait3A_57 = tpu.memref_slice %arg11[%mul3A_53, %dma_wait3A] : memref<10112x128xf32, #tpu.memory_space<vmem_shared>> -> memref<632x128xf32, #tpu.memory_space<vmem_shared>>
        tpu.wait_dma2 semaphore(%run_scoped3A_54 : memref<!tpu.dma_semaphore, #tpu.memory_space<semaphore_mem>>) src(%arg5 : memref<632x128xf32, #tpu.memory_space<hbm>>) dst(%dma_wait3A_57 : memref<632x128xf32, #tpu.memory_space<vmem_shared>>)
        tpu.yield
      }) : () -> ()
    } else {
    }
    %barrier3A = arith.constant 0 : index
    tpu.barrier barrier_id(%barrier3A)
    %scan3A = arith.constant 0 : i32
    %scan3A_22 = arith.constant 20 : i32
    %scan3A_23 = arith.addi %scan3A, %scan3A_22 : i32
    %scan3A_24 = arith.constant 1 : i32
    scf.for %scan3A_52 = %scan3A to %scan3A_23 step %scan3A_24  : i32 {
      %mul3A_53 = arith.constant 2 : i32
      %mul3A_54 = arith.muli %scan3A_52, %mul3A_53 : i32
      %add3A_55 = arith.constant 0 : i32
      %add3A_56 = arith.addi %mul3A_54, %add3A_55 : i32
      %dma_wait3A = arith.constant 0 : i32
      %dma_wait3A_57 = tpu.memref_slice %arg7[%add3A_56, %dma_wait3A] : memref<40x125xi32, #tpu.memory_space<vmem>> -> memref<1x125xi32, #tpu.memory_space<vmem>>
      %dma_wait3A_58 = tpu.memref_squeeze %dma_wait3A_57 : memref<1x125xi32, #tpu.memory_space<vmem>> -> memref<125xi32, #tpu.memory_space<vmem>>
      %dma_wait3A_59 = arith.constant 0 : i32
      %dma_wait3A_60 = arith.constant 0 : i32
      %dma_wait3A_61 = tpu.memref_slice %arg2[%dma_wait3A_59, %dma_wait3A_60] : memref<10000x128xf32, #tpu.memory_space<hbm>> -> memref<10000x128xf32, #tpu.memory_space<hbm>>
      tpu.wait_indirect_dma semaphore(%arg12 : memref<!tpu.dma_semaphore, #tpu.memory_space<semaphore_mem>>) src(%dma_wait3A_61 : memref<10000x128xf32, #tpu.memory_space<hbm>>) dst(%arg9 : memref<125x128xf32, #tpu.memory_space<vmem>>)
      "tpu.region"() ({
        %run_scoped3A_85 = tpu.sem_alloc : memref<!tpu.dma_semaphore, #tpu.memory_space<semaphore_mem>>
        %dma_start3A_86 = arith.constant 0 : i32
        %dma_start3A_87 = tpu.memref_slice %arg8[%add3A_56, %dma_start3A_86] : memref<40x125xi32, #tpu.memory_space<vmem>> -> memref<1x125xi32, #tpu.memory_space<vmem>>
        %dma_start3A_88 = tpu.memref_squeeze %dma_start3A_87 : memref<1x125xi32, #tpu.memory_space<vmem>> -> memref<125xi32, #tpu.memory_space<vmem>>
        %dma_start3A_89 = arith.constant 0 : i32
        %dma_start3A_90 = arith.constant 0 : i32
        %dma_start3A_91 = tpu.memref_slice %arg11[%dma_start3A_89, %dma_start3A_90] : memref<10112x128xf32, #tpu.memory_space<vmem_shared>> -> memref<10112x128xf32, #tpu.memory_space<vmem_shared>>
        tpu.enqueue_indirect_dma source(%arg9 : memref<125x128xf32, #tpu.memory_space<vmem>>) target(%dma_start3A_91 : memref<10112x128xf32, #tpu.memory_space<vmem_shared>>) offsets(%dma_start3A_88 : memref<125xi32, #tpu.memory_space<vmem>>) semaphore(%run_scoped3A_85 : memref<!tpu.dma_semaphore, #tpu.memory_space<semaphore_mem>>) {add = true}
        %dma_wait3A_92 = arith.constant 0 : i32
        %dma_wait3A_93 = tpu.memref_slice %arg8[%add3A_56, %dma_wait3A_92] : memref<40x125xi32, #tpu.memory_space<vmem>> -> memref<1x125xi32, #tpu.memory_space<vmem>>
        %dma_wait3A_94 = tpu.memref_squeeze %dma_wait3A_93 : memref<1x125xi32, #tpu.memory_space<vmem>> -> memref<125xi32, #tpu.memory_space<vmem>>
        %dma_wait3A_95 = arith.constant 0 : i32
        %dma_wait3A_96 = arith.constant 0 : i32
        %dma_wait3A_97 = tpu.memref_slice %arg11[%dma_wait3A_95, %dma_wait3A_96] : memref<10112x128xf32, #tpu.memory_space<vmem_shared>> -> memref<10112x128xf32, #tpu.memory_space<vmem_shared>>
        tpu.wait_indirect_dma semaphore(%run_scoped3A_85 : memref<!tpu.dma_semaphore, #tpu.memory_space<semaphore_mem>>) src(%arg9 : memref<125x128xf32, #tpu.memory_space<vmem>>) dst(%dma_wait3A_97 : memref<10112x128xf32, #tpu.memory_space<vmem_shared>>)
        tpu.yield
      }) : () -> ()
      %add3A_62 = arith.constant 2 : i32
      %add3A_63 = arith.addi %add3A_56, %add3A_62 : i32
      %lt3A = arith.constant 40 : i32
      %lt3A_64 = arith.cmpi slt, %add3A_63, %lt3A : i32
      %convert_element_type3A_65 = arith.extui %lt3A_64 : i1 to i32
      %cond3A_66 = arith.constant 0 : i32
      %cond3A_67 = arith.cmpi ne, %convert_element_type3A_65, %cond3A_66 : i32
      scf.if %cond3A_67 {
        %add3A_85 = arith.constant 2 : i32
        %add3A_86 = arith.addi %add3A_56, %add3A_85 : i32
        %dma_start3A_87 = arith.constant 0 : i32
        %dma_start3A_88 = tpu.memref_slice %arg7[%add3A_86, %dma_start3A_87] : memref<40x125xi32, #tpu.memory_space<vmem>> -> memref<1x125xi32, #tpu.memory_space<vmem>>
        %dma_start3A_89 = tpu.memref_squeeze %dma_start3A_88 : memref<1x125xi32, #tpu.memory_space<vmem>> -> memref<125xi32, #tpu.memory_space<vmem>>
        %dma_start3A_90 = arith.constant 0 : i32
        %dma_start3A_91 = arith.constant 0 : i32
        %dma_start3A_92 = tpu.memref_slice %arg2[%dma_start3A_90, %dma_start3A_91] : memref<10000x128xf32, #tpu.memory_space<hbm>> -> memref<10000x128xf32, #tpu.memory_space<hbm>>
        tpu.enqueue_indirect_dma source(%dma_start3A_92 : memref<10000x128xf32, #tpu.memory_space<hbm>>) target(%arg9 : memref<125x128xf32, #tpu.memory_space<vmem>>) offsets(%dma_start3A_89 : memref<125xi32, #tpu.memory_space<vmem>>) semaphore(%arg12 : memref<!tpu.dma_semaphore, #tpu.memory_space<semaphore_mem>>)
      } else {
      }
      %mul3A_68 = arith.constant 2 : i32
      %mul3A_69 = arith.muli %scan3A_52, %mul3A_68 : i32
      %add3A_70 = arith.constant 1 : i32
      %add3A_71 = arith.addi %mul3A_69, %add3A_70 : i32
      %dma_wait3A_72 = arith.constant 0 : i32
      %dma_wait3A_73 = tpu.memref_slice %arg7[%add3A_71, %dma_wait3A_72] : memref<40x125xi32, #tpu.memory_space<vmem>> -> memref<1x125xi32, #tpu.memory_space<vmem>>
      %dma_wait3A_74 = tpu.memref_squeeze %dma_wait3A_73 : memref<1x125xi32, #tpu.memory_space<vmem>> -> memref<125xi32, #tpu.memory_space<vmem>>
      %dma_wait3A_75 = arith.constant 0 : i32
      %dma_wait3A_76 = arith.constant 0 : i32
      %dma_wait3A_77 = tpu.memref_slice %arg2[%dma_wait3A_75, %dma_wait3A_76] : memref<10000x128xf32, #tpu.memory_space<hbm>> -> memref<10000x128xf32, #tpu.memory_space<hbm>>
      tpu.wait_indirect_dma semaphore(%arg13 : memref<!tpu.dma_semaphore, #tpu.memory_space<semaphore_mem>>) src(%dma_wait3A_77 : memref<10000x128xf32, #tpu.memory_space<hbm>>) dst(%arg10 : memref<125x128xf32, #tpu.memory_space<vmem>>)
      "tpu.region"() ({
        %run_scoped3A_85 = tpu.sem_alloc : memref<!tpu.dma_semaphore, #tpu.memory_space<semaphore_mem>>
        %dma_start3A_86 = arith.constant 0 : i32
        %dma_start3A_87 = tpu.memref_slice %arg8[%add3A_71, %dma_start3A_86] : memref<40x125xi32, #tpu.memory_space<vmem>> -> memref<1x125xi32, #tpu.memory_space<vmem>>
        %dma_start3A_88 = tpu.memref_squeeze %dma_start3A_87 : memref<1x125xi32, #tpu.memory_space<vmem>> -> memref<125xi32, #tpu.memory_space<vmem>>
        %dma_start3A_89 = arith.constant 0 : i32
        %dma_start3A_90 = arith.constant 0 : i32
        %dma_start3A_91 = tpu.memref_slice %arg11[%dma_start3A_89, %dma_start3A_90] : memref<10112x128xf32, #tpu.memory_space<vmem_shared>> -> memref<10112x128xf32, #tpu.memory_space<vmem_shared>>
        tpu.enqueue_indirect_dma source(%arg10 : memref<125x128xf32, #tpu.memory_space<vmem>>) target(%dma_start3A_91 : memref<10112x128xf32, #tpu.memory_space<vmem_shared>>) offsets(%dma_start3A_88 : memref<125xi32, #tpu.memory_space<vmem>>) semaphore(%run_scoped3A_85 : memref<!tpu.dma_semaphore, #tpu.memory_space<semaphore_mem>>) {add = true}
        %dma_wait3A_92 = arith.constant 0 : i32
        %dma_wait3A_93 = tpu.memref_slice %arg8[%add3A_71, %dma_wait3A_92] : memref<40x125xi32, #tpu.memory_space<vmem>> -> memref<1x125xi32, #tpu.memory_space<vmem>>
        %dma_wait3A_94 = tpu.memref_squeeze %dma_wait3A_93 : memref<1x125xi32, #tpu.memory_space<vmem>> -> memref<125xi32, #tpu.memory_space<vmem>>
        %dma_wait3A_95 = arith.constant 0 : i32
        %dma_wait3A_96 = arith.constant 0 : i32
        %dma_wait3A_97 = tpu.memref_slice %arg11[%dma_wait3A_95, %dma_wait3A_96] : memref<10112x128xf32, #tpu.memory_space<vmem_shared>> -> memref<10112x128xf32, #tpu.memory_space<vmem_shared>>
        tpu.wait_indirect_dma semaphore(%run_scoped3A_85 : memref<!tpu.dma_semaphore, #tpu.memory_space<semaphore_mem>>) src(%arg10 : memref<125x128xf32, #tpu.memory_space<vmem>>) dst(%dma_wait3A_97 : memref<10112x128xf32, #tpu.memory_space<vmem_shared>>)
        tpu.yield
      }) : () -> ()
      %add3A_78 = arith.constant 2 : i32
      %add3A_79 = arith.addi %add3A_71, %add3A_78 : i32
      %lt3A_80 = arith.constant 40 : i32
      %lt3A_81 = arith.cmpi slt, %add3A_79, %lt3A_80 : i32
      %convert_element_type3A_82 = arith.extui %lt3A_81 : i1 to i32
      %cond3A_83 = arith.constant 0 : i32
      %cond3A_84 = arith.cmpi ne, %convert_element_type3A_82, %cond3A_83 : i32
      scf.if %cond3A_84 {
        %add3A_85 = arith.constant 2 : i32
        %add3A_86 = arith.addi %add3A_71, %add3A_85 : i32
        %dma_start3A_87 = arith.constant 0 : i32
        %dma_start3A_88 = tpu.memref_slice %arg7[%add3A_86, %dma_start3A_87] : memref<40x125xi32, #tpu.memory_space<vmem>> -> memref<1x125xi32, #tpu.memory_space<vmem>>
        %dma_start3A_89 = tpu.memref_squeeze %dma_start3A_88 : memref<1x125xi32, #tpu.memory_space<vmem>> -> memref<125xi32, #tpu.memory_space<vmem>>
        %dma_start3A_90 = arith.constant 0 : i32
        %dma_start3A_91 = arith.constant 0 : i32
        %dma_start3A_92 = tpu.memref_slice %arg2[%dma_start3A_90, %dma_start3A_91] : memref<10000x128xf32, #tpu.memory_space<hbm>> -> memref<10000x128xf32, #tpu.memory_space<hbm>>
        tpu.enqueue_indirect_dma source(%dma_start3A_92 : memref<10000x128xf32, #tpu.memory_space<hbm>>) target(%arg10 : memref<125x128xf32, #tpu.memory_space<vmem>>) offsets(%dma_start3A_89 : memref<125xi32, #tpu.memory_space<vmem>>) semaphore(%arg13 : memref<!tpu.dma_semaphore, #tpu.memory_space<semaphore_mem>>)
      } else {
      }
    }
    %scan3A_25 = arith.constant 20 : i32
    %run_scoped3A_26 = arith.constant 1 : i32
    "tpu.region"() ({
      %run_scoped3A_52 = tpu.sem_alloc : memref<!tpu.dma_semaphore, #tpu.memory_space<semaphore_mem>>
      %dma_start3A_53 = arith.constant 0 : i32
      %dma_start3A_54 = arith.constant 0 : i32
      %dma_start3A_55 = tpu.memref_slice %arg3[%add3A, %run_scoped3A_26, %dma_start3A_53, %dma_start3A_54] : memref<32x2x40x125xi32, #tpu.memory_space<hbm>> -> memref<1x1x40x125xi32, #tpu.memory_space<hbm>>
      %dma_start3A_56 = tpu.memref_squeeze %dma_start3A_55 : memref<1x1x40x125xi32, #tpu.memory_space<hbm>> -> memref<40x125xi32, #tpu.memory_space<hbm>>
      %dma_start3A_57 = arith.constant 0 : i32
      %dma_start3A_58 = arith.constant 0 : i32
      %dma_start3A_59 = tpu.memref_slice %arg3[%add3A, %run_scoped3A_26, %dma_start3A_57, %dma_start3A_58] : memref<32x2x40x125xi32, #tpu.memory_space<hbm>> -> memref<1x1x40x125xi32, #tpu.memory_space<hbm>>
      %dma_start3A_60 = tpu.memref_squeeze %dma_start3A_59 : memref<1x1x40x125xi32, #tpu.memory_space<hbm>> -> memref<40x125xi32, #tpu.memory_space<hbm>>
      tpu.enqueue_dma source(%dma_start3A_60 : memref<40x125xi32, #tpu.memory_space<hbm>>) target(%arg7 : memref<40x125xi32, #tpu.memory_space<vmem>>) target_semaphore(%run_scoped3A_52 : memref<!tpu.dma_semaphore, #tpu.memory_space<semaphore_mem>>)
      %dma_wait3A = arith.constant 0 : i32
      %dma_wait3A_61 = arith.constant 0 : i32
      %dma_wait3A_62 = tpu.memref_slice %arg3[%add3A, %run_scoped3A_26, %dma_wait3A, %dma_wait3A_61] : memref<32x2x40x125xi32, #tpu.memory_space<hbm>> -> memref<1x1x40x125xi32, #tpu.memory_space<hbm>>
      %dma_wait3A_63 = tpu.memref_squeeze %dma_wait3A_62 : memref<1x1x40x125xi32, #tpu.memory_space<hbm>> -> memref<40x125xi32, #tpu.memory_space<hbm>>
      %dma_wait3A_64 = arith.constant 0 : i32
      %dma_wait3A_65 = arith.constant 0 : i32
      %dma_wait3A_66 = tpu.memref_slice %arg3[%add3A, %run_scoped3A_26, %dma_wait3A_64, %dma_wait3A_65] : memref<32x2x40x125xi32, #tpu.memory_space<hbm>> -> memref<1x1x40x125xi32, #tpu.memory_space<hbm>>
      %dma_wait3A_67 = tpu.memref_squeeze %dma_wait3A_66 : memref<1x1x40x125xi32, #tpu.memory_space<hbm>> -> memref<40x125xi32, #tpu.memory_space<hbm>>
      tpu.wait_dma2 semaphore(%run_scoped3A_52 : memref<!tpu.dma_semaphore, #tpu.memory_space<semaphore_mem>>) src(%dma_wait3A_67 : memref<40x125xi32, #tpu.memory_space<hbm>>) dst(%arg7 : memref<40x125xi32, #tpu.memory_space<vmem>>)
      tpu.yield
    }) : () -> ()
    %run_scoped3A_27 = arith.constant 1 : i32
    "tpu.region"() ({
      %run_scoped3A_52 = tpu.sem_alloc : memref<!tpu.dma_semaphore, #tpu.memory_space<semaphore_mem>>
      %dma_start3A_53 = arith.constant 0 : i32
      %dma_start3A_54 = arith.constant 0 : i32
      %dma_start3A_55 = tpu.memref_slice %arg4[%add3A, %run_scoped3A_27, %dma_start3A_53, %dma_start3A_54] : memref<32x2x40x125xi32, #tpu.memory_space<hbm>> -> memref<1x1x40x125xi32, #tpu.memory_space<hbm>>
      %dma_start3A_56 = tpu.memref_squeeze %dma_start3A_55 : memref<1x1x40x125xi32, #tpu.memory_space<hbm>> -> memref<40x125xi32, #tpu.memory_space<hbm>>
      %dma_start3A_57 = arith.constant 0 : i32
      %dma_start3A_58 = arith.constant 0 : i32
      %dma_start3A_59 = tpu.memref_slice %arg4[%add3A, %run_scoped3A_27, %dma_start3A_57, %dma_start3A_58] : memref<32x2x40x125xi32, #tpu.memory_space<hbm>> -> memref<1x1x40x125xi32, #tpu.memory_space<hbm>>
      %dma_start3A_60 = tpu.memref_squeeze %dma_start3A_59 : memref<1x1x40x125xi32, #tpu.memory_space<hbm>> -> memref<40x125xi32, #tpu.memory_space<hbm>>
      tpu.enqueue_dma source(%dma_start3A_60 : memref<40x125xi32, #tpu.memory_space<hbm>>) target(%arg8 : memref<40x125xi32, #tpu.memory_space<vmem>>) target_semaphore(%run_scoped3A_52 : memref<!tpu.dma_semaphore, #tpu.memory_space<semaphore_mem>>)
      %dma_wait3A = arith.constant 0 : i32
      %dma_wait3A_61 = arith.constant 0 : i32
      %dma_wait3A_62 = tpu.memref_slice %arg4[%add3A, %run_scoped3A_27, %dma_wait3A, %dma_wait3A_61] : memref<32x2x40x125xi32, #tpu.memory_space<hbm>> -> memref<1x1x40x125xi32, #tpu.memory_space<hbm>>
      %dma_wait3A_63 = tpu.memref_squeeze %dma_wait3A_62 : memref<1x1x40x125xi32, #tpu.memory_space<hbm>> -> memref<40x125xi32, #tpu.memory_space<hbm>>
      %dma_wait3A_64 = arith.constant 0 : i32
      %dma_wait3A_65 = arith.constant 0 : i32
      %dma_wait3A_66 = tpu.memref_slice %arg4[%add3A, %run_scoped3A_27, %dma_wait3A_64, %dma_wait3A_65] : memref<32x2x40x125xi32, #tpu.memory_space<hbm>> -> memref<1x1x40x125xi32, #tpu.memory_space<hbm>>
      %dma_wait3A_67 = tpu.memref_squeeze %dma_wait3A_66 : memref<1x1x40x125xi32, #tpu.memory_space<hbm>> -> memref<40x125xi32, #tpu.memory_space<hbm>>
      tpu.wait_dma2 semaphore(%run_scoped3A_52 : memref<!tpu.dma_semaphore, #tpu.memory_space<semaphore_mem>>) src(%dma_wait3A_67 : memref<40x125xi32, #tpu.memory_space<hbm>>) dst(%arg8 : memref<40x125xi32, #tpu.memory_space<vmem>>)
      tpu.yield
    }) : () -> ()
    %dma_start3A_28 = arith.constant 0 : i32
    %dma_start3A_29 = arith.constant 0 : i32
    %dma_start3A_30 = tpu.memref_slice %arg7[%dma_start3A_28, %dma_start3A_29] : memref<40x125xi32, #tpu.memory_space<vmem>> -> memref<1x125xi32, #tpu.memory_space<vmem>>
    %dma_start3A_31 = tpu.memref_squeeze %dma_start3A_30 : memref<1x125xi32, #tpu.memory_space<vmem>> -> memref<125xi32, #tpu.memory_space<vmem>>
    %dma_start3A_32 = arith.constant 0 : i32
    %dma_start3A_33 = arith.constant 0 : i32
    %dma_start3A_34 = tpu.memref_slice %arg2[%dma_start3A_32, %dma_start3A_33] : memref<10000x128xf32, #tpu.memory_space<hbm>> -> memref<10000x128xf32, #tpu.memory_space<hbm>>
    tpu.enqueue_indirect_dma source(%dma_start3A_34 : memref<10000x128xf32, #tpu.memory_space<hbm>>) target(%arg9 : memref<125x128xf32, #tpu.memory_space<vmem>>) offsets(%dma_start3A_31 : memref<125xi32, #tpu.memory_space<vmem>>) semaphore(%arg12 : memref<!tpu.dma_semaphore, #tpu.memory_space<semaphore_mem>>)
    %dma_start3A_35 = arith.constant 1 : i32
    %dma_start3A_36 = arith.constant 0 : i32
    %dma_start3A_37 = tpu.memref_slice %arg7[%dma_start3A_35, %dma_start3A_36] : memref<40x125xi32, #tpu.memory_space<vmem>> -> memref<1x125xi32, #tpu.memory_space<vmem>>
    %dma_start3A_38 = tpu.memref_squeeze %dma_start3A_37 : memref<1x125xi32, #tpu.memory_space<vmem>> -> memref<125xi32, #tpu.memory_space<vmem>>
    %dma_start3A_39 = arith.constant 0 : i32
    %dma_start3A_40 = arith.constant 0 : i32
    %dma_start3A_41 = tpu.memref_slice %arg2[%dma_start3A_39, %dma_start3A_40] : memref<10000x128xf32, #tpu.memory_space<hbm>> -> memref<10000x128xf32, #tpu.memory_space<hbm>>
    tpu.enqueue_indirect_dma source(%dma_start3A_41 : memref<10000x128xf32, #tpu.memory_space<hbm>>) target(%arg10 : memref<125x128xf32, #tpu.memory_space<vmem>>) offsets(%dma_start3A_38 : memref<125xi32, #tpu.memory_space<vmem>>) semaphore(%arg13 : memref<!tpu.dma_semaphore, #tpu.memory_space<semaphore_mem>>)
    %scan3A_42 = arith.constant 0 : i32
    %scan3A_43 = arith.constant 20 : i32
    %scan3A_44 = arith.addi %scan3A_42, %scan3A_43 : i32
    %scan3A_45 = arith.constant 1 : i32
    scf.for %scan3A_52 = %scan3A_42 to %scan3A_44 step %scan3A_45  : i32 {
      %mul3A_53 = arith.constant 2 : i32
      %mul3A_54 = arith.muli %scan3A_52, %mul3A_53 : i32
      %add3A_55 = arith.constant 0 : i32
      %add3A_56 = arith.addi %mul3A_54, %add3A_55 : i32
      %dma_wait3A = arith.constant 0 : i32
      %dma_wait3A_57 = tpu.memref_slice %arg7[%add3A_56, %dma_wait3A] : memref<40x125xi32, #tpu.memory_space<vmem>> -> memref<1x125xi32, #tpu.memory_space<vmem>>
      %dma_wait3A_58 = tpu.memref_squeeze %dma_wait3A_57 : memref<1x125xi32, #tpu.memory_space<vmem>> -> memref<125xi32, #tpu.memory_space<vmem>>
      %dma_wait3A_59 = arith.constant 0 : i32
      %dma_wait3A_60 = arith.constant 0 : i32
      %dma_wait3A_61 = tpu.memref_slice %arg2[%dma_wait3A_59, %dma_wait3A_60] : memref<10000x128xf32, #tpu.memory_space<hbm>> -> memref<10000x128xf32, #tpu.memory_space<hbm>>
      tpu.wait_indirect_dma semaphore(%arg12 : memref<!tpu.dma_semaphore, #tpu.memory_space<semaphore_mem>>) src(%dma_wait3A_61 : memref<10000x128xf32, #tpu.memory_space<hbm>>) dst(%arg9 : memref<125x128xf32, #tpu.memory_space<vmem>>)
      "tpu.region"() ({
        %run_scoped3A_85 = tpu.sem_alloc : memref<!tpu.dma_semaphore, #tpu.memory_space<semaphore_mem>>
        %dma_start3A_86 = arith.constant 0 : i32
        %dma_start3A_87 = tpu.memref_slice %arg8[%add3A_56, %dma_start3A_86] : memref<40x125xi32, #tpu.memory_space<vmem>> -> memref<1x125xi32, #tpu.memory_space<vmem>>
        %dma_start3A_88 = tpu.memref_squeeze %dma_start3A_87 : memref<1x125xi32, #tpu.memory_space<vmem>> -> memref<125xi32, #tpu.memory_space<vmem>>
        %dma_start3A_89 = arith.constant 0 : i32
        %dma_start3A_90 = arith.constant 0 : i32
        %dma_start3A_91 = tpu.memref_slice %arg11[%dma_start3A_89, %dma_start3A_90] : memref<10112x128xf32, #tpu.memory_space<vmem_shared>> -> memref<10112x128xf32, #tpu.memory_space<vmem_shared>>
        tpu.enqueue_indirect_dma source(%arg9 : memref<125x128xf32, #tpu.memory_space<vmem>>) target(%dma_start3A_91 : memref<10112x128xf32, #tpu.memory_space<vmem_shared>>) offsets(%dma_start3A_88 : memref<125xi32, #tpu.memory_space<vmem>>) semaphore(%run_scoped3A_85 : memref<!tpu.dma_semaphore, #tpu.memory_space<semaphore_mem>>) {add = true}
        %dma_wait3A_92 = arith.constant 0 : i32
        %dma_wait3A_93 = tpu.memref_slice %arg8[%add3A_56, %dma_wait3A_92] : memref<40x125xi32, #tpu.memory_space<vmem>> -> memref<1x125xi32, #tpu.memory_space<vmem>>
        %dma_wait3A_94 = tpu.memref_squeeze %dma_wait3A_93 : memref<1x125xi32, #tpu.memory_space<vmem>> -> memref<125xi32, #tpu.memory_space<vmem>>
        %dma_wait3A_95 = arith.constant 0 : i32
        %dma_wait3A_96 = arith.constant 0 : i32
        %dma_wait3A_97 = tpu.memref_slice %arg11[%dma_wait3A_95, %dma_wait3A_96] : memref<10112x128xf32, #tpu.memory_space<vmem_shared>> -> memref<10112x128xf32, #tpu.memory_space<vmem_shared>>
        tpu.wait_indirect_dma semaphore(%run_scoped3A_85 : memref<!tpu.dma_semaphore, #tpu.memory_space<semaphore_mem>>) src(%arg9 : memref<125x128xf32, #tpu.memory_space<vmem>>) dst(%dma_wait3A_97 : memref<10112x128xf32, #tpu.memory_space<vmem_shared>>)
        tpu.yield
      }) : () -> ()
      %add3A_62 = arith.constant 2 : i32
      %add3A_63 = arith.addi %add3A_56, %add3A_62 : i32
      %lt3A = arith.constant 40 : i32
      %lt3A_64 = arith.cmpi slt, %add3A_63, %lt3A : i32
      %convert_element_type3A_65 = arith.extui %lt3A_64 : i1 to i32
      %cond3A_66 = arith.constant 0 : i32
      %cond3A_67 = arith.cmpi ne, %convert_element_type3A_65, %cond3A_66 : i32
      scf.if %cond3A_67 {
        %add3A_85 = arith.constant 2 : i32
        %add3A_86 = arith.addi %add3A_56, %add3A_85 : i32
        %dma_start3A_87 = arith.constant 0 : i32
        %dma_start3A_88 = tpu.memref_slice %arg7[%add3A_86, %dma_start3A_87] : memref<40x125xi32, #tpu.memory_space<vmem>> -> memref<1x125xi32, #tpu.memory_space<vmem>>
        %dma_start3A_89 = tpu.memref_squeeze %dma_start3A_88 : memref<1x125xi32, #tpu.memory_space<vmem>> -> memref<125xi32, #tpu.memory_space<vmem>>
        %dma_start3A_90 = arith.constant 0 : i32
        %dma_start3A_91 = arith.constant 0 : i32
        %dma_start3A_92 = tpu.memref_slice %arg2[%dma_start3A_90, %dma_start3A_91] : memref<10000x128xf32, #tpu.memory_space<hbm>> -> memref<10000x128xf32, #tpu.memory_space<hbm>>
        tpu.enqueue_indirect_dma source(%dma_start3A_92 : memref<10000x128xf32, #tpu.memory_space<hbm>>) target(%arg9 : memref<125x128xf32, #tpu.memory_space<vmem>>) offsets(%dma_start3A_89 : memref<125xi32, #tpu.memory_space<vmem>>) semaphore(%arg12 : memref<!tpu.dma_semaphore, #tpu.memory_space<semaphore_mem>>)
      } else {
      }
      %mul3A_68 = arith.constant 2 : i32
      %mul3A_69 = arith.muli %scan3A_52, %mul3A_68 : i32
      %add3A_70 = arith.constant 1 : i32
      %add3A_71 = arith.addi %mul3A_69, %add3A_70 : i32
      %dma_wait3A_72 = arith.constant 0 : i32
      %dma_wait3A_73 = tpu.memref_slice %arg7[%add3A_71, %dma_wait3A_72] : memref<40x125xi32, #tpu.memory_space<vmem>> -> memref<1x125xi32, #tpu.memory_space<vmem>>
      %dma_wait3A_74 = tpu.memref_squeeze %dma_wait3A_73 : memref<1x125xi32, #tpu.memory_space<vmem>> -> memref<125xi32, #tpu.memory_space<vmem>>
      %dma_wait3A_75 = arith.constant 0 : i32
      %dma_wait3A_76 = arith.constant 0 : i32
      %dma_wait3A_77 = tpu.memref_slice %arg2[%dma_wait3A_75, %dma_wait3A_76] : memref<10000x128xf32, #tpu.memory_space<hbm>> -> memref<10000x128xf32, #tpu.memory_space<hbm>>
      tpu.wait_indirect_dma semaphore(%arg13 : memref<!tpu.dma_semaphore, #tpu.memory_space<semaphore_mem>>) src(%dma_wait3A_77 : memref<10000x128xf32, #tpu.memory_space<hbm>>) dst(%arg10 : memref<125x128xf32, #tpu.memory_space<vmem>>)
      "tpu.region"() ({
        %run_scoped3A_85 = tpu.sem_alloc : memref<!tpu.dma_semaphore, #tpu.memory_space<semaphore_mem>>
        %dma_start3A_86 = arith.constant 0 : i32
        %dma_start3A_87 = tpu.memref_slice %arg8[%add3A_71, %dma_start3A_86] : memref<40x125xi32, #tpu.memory_space<vmem>> -> memref<1x125xi32, #tpu.memory_space<vmem>>
        %dma_start3A_88 = tpu.memref_squeeze %dma_start3A_87 : memref<1x125xi32, #tpu.memory_space<vmem>> -> memref<125xi32, #tpu.memory_space<vmem>>
        %dma_start3A_89 = arith.constant 0 : i32
        %dma_start3A_90 = arith.constant 0 : i32
        %dma_start3A_91 = tpu.memref_slice %arg11[%dma_start3A_89, %dma_start3A_90] : memref<10112x128xf32, #tpu.memory_space<vmem_shared>> -> memref<10112x128xf32, #tpu.memory_space<vmem_shared>>
        tpu.enqueue_indirect_dma source(%arg10 : memref<125x128xf32, #tpu.memory_space<vmem>>) target(%dma_start3A_91 : memref<10112x128xf32, #tpu.memory_space<vmem_shared>>) offsets(%dma_start3A_88 : memref<125xi32, #tpu.memory_space<vmem>>) semaphore(%run_scoped3A_85 : memref<!tpu.dma_semaphore, #tpu.memory_space<semaphore_mem>>) {add = true}
        %dma_wait3A_92 = arith.constant 0 : i32
        %dma_wait3A_93 = tpu.memref_slice %arg8[%add3A_71, %dma_wait3A_92] : memref<40x125xi32, #tpu.memory_space<vmem>> -> memref<1x125xi32, #tpu.memory_space<vmem>>
        %dma_wait3A_94 = tpu.memref_squeeze %dma_wait3A_93 : memref<1x125xi32, #tpu.memory_space<vmem>> -> memref<125xi32, #tpu.memory_space<vmem>>
        %dma_wait3A_95 = arith.constant 0 : i32
        %dma_wait3A_96 = arith.constant 0 : i32
        %dma_wait3A_97 = tpu.memref_slice %arg11[%dma_wait3A_95, %dma_wait3A_96] : memref<10112x128xf32, #tpu.memory_space<vmem_shared>> -> memref<10112x128xf32, #tpu.memory_space<vmem_shared>>
        tpu.wait_indirect_dma semaphore(%run_scoped3A_85 : memref<!tpu.dma_semaphore, #tpu.memory_space<semaphore_mem>>) src(%arg10 : memref<125x128xf32, #tpu.memory_space<vmem>>) dst(%dma_wait3A_97 : memref<10112x128xf32, #tpu.memory_space<vmem_shared>>)
        tpu.yield
      }) : () -> ()
      %add3A_78 = arith.constant 2 : i32
      %add3A_79 = arith.addi %add3A_71, %add3A_78 : i32
      %lt3A_80 = arith.constant 40 : i32
      %lt3A_81 = arith.cmpi slt, %add3A_79, %lt3A_80 : i32
      %convert_element_type3A_82 = arith.extui %lt3A_81 : i1 to i32
      %cond3A_83 = arith.constant 0 : i32
      %cond3A_84 = arith.cmpi ne, %convert_element_type3A_82, %cond3A_83 : i32
      scf.if %cond3A_84 {
        %add3A_85 = arith.constant 2 : i32
        %add3A_86 = arith.addi %add3A_71, %add3A_85 : i32
        %dma_start3A_87 = arith.constant 0 : i32
        %dma_start3A_88 = tpu.memref_slice %arg7[%add3A_86, %dma_start3A_87] : memref<40x125xi32, #tpu.memory_space<vmem>> -> memref<1x125xi32, #tpu.memory_space<vmem>>
        %dma_start3A_89 = tpu.memref_squeeze %dma_start3A_88 : memref<1x125xi32, #tpu.memory_space<vmem>> -> memref<125xi32, #tpu.memory_space<vmem>>
        %dma_start3A_90 = arith.constant 0 : i32
        %dma_start3A_91 = arith.constant 0 : i32
        %dma_start3A_92 = tpu.memref_slice %arg2[%dma_start3A_90, %dma_start3A_91] : memref<10000x128xf32, #tpu.memory_space<hbm>> -> memref<10000x128xf32, #tpu.memory_space<hbm>>
        tpu.enqueue_indirect_dma source(%dma_start3A_92 : memref<10000x128xf32, #tpu.memory_space<hbm>>) target(%arg10 : memref<125x128xf32, #tpu.memory_space<vmem>>) offsets(%dma_start3A_89 : memref<125xi32, #tpu.memory_space<vmem>>) semaphore(%arg13 : memref<!tpu.dma_semaphore, #tpu.memory_space<semaphore_mem>>)
      } else {
      }
    }
    %scan3A_46 = arith.constant 20 : i32
    %barrier3A_47 = arith.constant 0 : index
    tpu.barrier barrier_id(%barrier3A_47)
    %mul3A_48 = arith.constant 632 : i32
    %mul3A_49 = arith.muli %arg1, %mul3A_48 : i32
    %mul3A_50 = arith.constant 632 : i32
    %mul3A_51 = arith.muli %arg1, %mul3A_50 : i32
    "tpu.region"() ({
      %run_scoped3A_52 = tpu.sem_alloc : memref<!tpu.dma_semaphore, #tpu.memory_space<semaphore_mem>>
      %dma_start3A_53 = arith.constant 0 : i32
      %dma_start3A_54 = tpu.memref_slice %arg6[%arg0, %mul3A_51, %dma_start3A_53] : memref<2x10112x128xf32, #tpu.memory_space<hbm>> -> memref<1x632x128xf32, #tpu.memory_space<hbm>>
      %dma_start3A_55 = tpu.memref_squeeze %dma_start3A_54 : memref<1x632x128xf32, #tpu.memory_space<hbm>> -> memref<632x128xf32, #tpu.memory_space<hbm>>
      %dma_start3A_56 = arith.constant 0 : i32
      %dma_start3A_57 = tpu.memref_slice %arg11[%mul3A_49, %dma_start3A_56] : memref<10112x128xf32, #tpu.memory_space<vmem_shared>> -> memref<632x128xf32, #tpu.memory_space<vmem_shared>>
      tpu.enqueue_dma source(%dma_start3A_57 : memref<632x128xf32, #tpu.memory_space<vmem_shared>>) target(%dma_start3A_55 : memref<632x128xf32, #tpu.memory_space<hbm>>) target_semaphore(%run_scoped3A_52 : memref<!tpu.dma_semaphore, #tpu.memory_space<semaphore_mem>>)
      %dma_wait3A = arith.constant 0 : i32
      %dma_wait3A_58 = tpu.memref_slice %arg6[%arg0, %mul3A_51, %dma_wait3A] : memref<2x10112x128xf32, #tpu.memory_space<hbm>> -> memref<1x632x128xf32, #tpu.memory_space<hbm>>
      %dma_wait3A_59 = tpu.memref_squeeze %dma_wait3A_58 : memref<1x632x128xf32, #tpu.memory_space<hbm>> -> memref<632x128xf32, #tpu.memory_space<hbm>>
      %dma_wait3A_60 = arith.constant 0 : i32
      %dma_wait3A_61 = tpu.memref_slice %arg11[%mul3A_49, %dma_wait3A_60] : memref<10112x128xf32, #tpu.memory_space<vmem_shared>> -> memref<632x128xf32, #tpu.memory_space<vmem_shared>>
      tpu.wait_dma2 semaphore(%run_scoped3A_52 : memref<!tpu.dma_semaphore, #tpu.memory_space<semaphore_mem>>) src(%dma_wait3A_61 : memref<632x128xf32, #tpu.memory_space<vmem_shared>>) dst(%dma_wait3A_59 : memref<632x128xf32, #tpu.memory_space<hbm>>)
      tpu.yield
    }) : () -> ()
    return
  }
}

module attributes {stable_mosaic.version = 14 : i64} {
  func.func @_mlp_body(%arg0: i32, %arg1: memref<1x2000x128xf32, #tpu.memory_space<vmem>>, %arg2: memref<1x2000x128xf32, #tpu.memory_space<vmem>>, %arg3: memref<128x128xf32, #tpu.memory_space<vmem>>, %arg4: memref<1x128xf32, #tpu.memory_space<vmem>>, %arg5: memref<128x128xf32, #tpu.memory_space<vmem>>, %arg6: memref<1x128xf32, #tpu.memory_space<vmem>>, %arg7: memref<2000x128xf32, #tpu.memory_space<vmem>>) attributes {dimension_semantics = [#tpu.dimension_semantics<arbitrary>], iteration_bounds = array<i64: 5>, scalar_prefetch = 0 : i64, scratch_operands = 0 : i64, tpu.core_type = #tpu.core_type<tc>, window_params = [{transform_indices = @transform_0, window_bounds = array<i64: 1, 2000, 128>}, {transform_indices = @transform_1, window_bounds = array<i64: 1, 2000, 128>}, {pipeline_mode = #tpu.pipeline_mode<synchronous>, transform_indices = @transform_2, window_bounds = array<i64: 128, 128>}, {pipeline_mode = #tpu.pipeline_mode<synchronous>, transform_indices = @transform_3, window_bounds = array<i64: 1, 128>}, {pipeline_mode = #tpu.pipeline_mode<synchronous>, transform_indices = @transform_4, window_bounds = array<i64: 128, 128>}, {pipeline_mode = #tpu.pipeline_mode<synchronous>, transform_indices = @transform_5, window_bounds = array<i64: 1, 128>}, {transform_indices = @transform_6, window_bounds = array<i64: 2000, 128>}]} {
    %get3A = arith.constant 0 : index
    %get3A_0 = arith.constant 0 : index
    %get3A_1 = arith.constant 0 : index
    %get3A_2 = vector.load %arg1[%get3A, %get3A_0, %get3A_1] : memref<1x2000x128xf32, #tpu.memory_space<vmem>>, vector<1x2000x128xf32>
    %get3A_3 = vector.shape_cast %get3A_2 : vector<1x2000x128xf32> to vector<2000x128xf32>
    %get3A_4 = arith.constant 0 : index
    %get3A_5 = arith.constant 0 : index
    %get3A_6 = arith.constant 0 : index
    %get3A_7 = vector.load %arg2[%get3A_4, %get3A_5, %get3A_6] : memref<1x2000x128xf32, #tpu.memory_space<vmem>>, vector<1x2000x128xf32>
    %get3A_8 = vector.shape_cast %get3A_7 : vector<1x2000x128xf32> to vector<2000x128xf32>
    %add3A = arith.addf %get3A_3, %get3A_8 : vector<2000x128xf32>
    %get3A_9 = arith.constant 0 : index
    %get3A_10 = arith.constant 0 : index
    %get3A_11 = vector.load %arg3[%get3A_9, %get3A_10] : memref<128x128xf32, #tpu.memory_space<vmem>>, vector<128x128xf32>
    %dot_general3A = arith.constant dense<0.000000e+00> : vector<2000x128xf32>
    %dot_general3A_12 = tpu.matmul %add3A, %get3A_11, %dot_general3A {dimension_numbers = #tpu.dot_dimension_numbers<[1], [0], [0], [1], [0, 0, 1, 1], [], []>, transpose_lhs_hint = false} : vector<2000x128xf32>, vector<128x128xf32>, vector<2000x128xf32> -> vector<2000x128xf32>
    %get3A_13 = arith.constant 0 : index
    %get3A_14 = arith.constant 0 : index
    %get3A_15 = vector.load %arg4[%get3A_13, %get3A_14] : memref<1x128xf32, #tpu.memory_space<vmem>>, vector<1x128xf32>
    %add3A_16 = vector.broadcast %get3A_15 : vector<1x128xf32> to vector<2000x128xf32>
    %add3A_17 = arith.addf %dot_general3A_12, %add3A_16 : vector<2000x128xf32>
    %max3A = arith.constant 0.000000e+00 : f32
    %max3A_18 = vector.broadcast %max3A : f32 to vector<2000x128xf32>
    %max3A_19 = arith.maximumf %add3A_17, %max3A_18 : vector<2000x128xf32>
    %get3A_20 = arith.constant 0 : index
    %get3A_21 = arith.constant 0 : index
    %get3A_22 = vector.load %arg5[%get3A_20, %get3A_21] : memref<128x128xf32, #tpu.memory_space<vmem>>, vector<128x128xf32>
    %dot_general3A_23 = arith.constant dense<0.000000e+00> : vector<2000x128xf32>
    %dot_general3A_24 = tpu.matmul %max3A_19, %get3A_22, %dot_general3A_23 {dimension_numbers = #tpu.dot_dimension_numbers<[1], [0], [0], [1], [0, 0, 1, 1], [], []>, transpose_lhs_hint = false} : vector<2000x128xf32>, vector<128x128xf32>, vector<2000x128xf32> -> vector<2000x128xf32>
    %get3A_25 = arith.constant 0 : index
    %get3A_26 = arith.constant 0 : index
    %get3A_27 = vector.load %arg6[%get3A_25, %get3A_26] : memref<1x128xf32, #tpu.memory_space<vmem>>, vector<1x128xf32>
    %add3A_28 = vector.broadcast %get3A_27 : vector<1x128xf32> to vector<2000x128xf32>
    %add3A_29 = arith.addf %dot_general3A_24, %add3A_28 : vector<2000x128xf32>
    %max3A_30 = arith.constant 0.000000e+00 : f32
    %max3A_31 = vector.broadcast %max3A_30 : f32 to vector<2000x128xf32>
    %max3A_32 = arith.maximumf %add3A_29, %max3A_31 : vector<2000x128xf32>
    %swap3A = arith.constant 0 : index
    %swap3A_33 = arith.constant 0 : index
    %swap3A_34 = vector.load %arg7[%swap3A, %swap3A_33] : memref<2000x128xf32, #tpu.memory_space<vmem>>, vector<2000x128xf32>
    tpu.vector_store %arg7[%swap3A, %swap3A_33], %max3A_32 {strides = array<i32>} : memref<2000x128xf32, #tpu.memory_space<vmem>>, vector<2000x128xf32>,
    return
  }
  func.func @transform_0(%arg0: i32) -> (i32, i32, i32) {
    %c0_i32 = arith.constant 0 : i32
    %c0_i32_0 = arith.constant 0 : i32
    %c0_i32_1 = arith.constant 0 : i32
    return %c0_i32, %arg0, %c0_i32_0 : i32, i32, i32
  }
  func.func @transform_1(%arg0: i32) -> (i32, i32, i32) {
    %c1_i32 = arith.constant 1 : i32
    %c0_i32 = arith.constant 0 : i32
    %c0_i32_0 = arith.constant 0 : i32
    return %c1_i32, %arg0, %c0_i32 : i32, i32, i32
  }
  func.func @transform_2(%arg0: i32) -> (i32, i32) {
    %c0_i32 = arith.constant 0 : i32
    %c0_i32_0 = arith.constant 0 : i32
    %c0_i32_1 = arith.constant 0 : i32
    return %c0_i32, %c0_i32_0 : i32, i32
  }
  func.func @transform_3(%arg0: i32) -> (i32, i32) {
    %c0_i32 = arith.constant 0 : i32
    %c0_i32_0 = arith.constant 0 : i32
    %c0_i32_1 = arith.constant 0 : i32
    return %c0_i32, %c0_i32_0 : i32, i32
  }
  func.func @transform_4(%arg0: i32) -> (i32, i32) {
    %c0_i32 = arith.constant 0 : i32
    %c0_i32_0 = arith.constant 0 : i32
    %c0_i32_1 = arith.constant 0 : i32
    return %c0_i32, %c0_i32_0 : i32, i32
  }
  func.func @transform_5(%arg0: i32) -> (i32, i32) {
    %c0_i32 = arith.constant 0 : i32
    %c0_i32_0 = arith.constant 0 : i32
    %c0_i32_1 = arith.constant 0 : i32
    return %c0_i32, %c0_i32_0 : i32, i32
  }
  func.func @transform_6(%arg0: i32) -> (i32, i32) {
    %c0_i32 = arith.constant 0 : i32
    %c0_i32_0 = arith.constant 0 : i32
    return %arg0, %c0_i32 : i32, i32
  }
}

module attributes {stable_mosaic.version = 14 : i64} {
  func.func @_mlp_pool_body(%arg0: i32, %arg1: memref<1x2000x128xf32, #tpu.memory_space<vmem>>, %arg2: memref<1x2000x128xf32, #tpu.memory_space<vmem>>, %arg3: memref<128x128xf32, #tpu.memory_space<vmem>>, %arg4: memref<1x128xf32, #tpu.memory_space<vmem>>, %arg5: memref<128x128xf32, #tpu.memory_space<vmem>>, %arg6: memref<1x128xf32, #tpu.memory_space<vmem>>, %arg7: memref<128x128xf32, #tpu.memory_space<vmem>>, %arg8: memref<1x128xf32, #tpu.memory_space<vmem>>, %arg9: memref<2000x1xi32, #tpu.memory_space<vmem>>, %arg10: memref<128x128xf32, #tpu.memory_space<vmem>>, %arg11: memref<128x128xf32, #tpu.memory_space<vmem>>, %arg12: memref<128x128xf32, #tpu.memory_space<vmem>>) attributes {dimension_semantics = [#tpu.dimension_semantics<arbitrary>], iteration_bounds = array<i64: 5>, scalar_prefetch = 0 : i64, scratch_operands = 2 : i64, tpu.core_type = #tpu.core_type<tc>, window_params = [{transform_indices = @transform_0, window_bounds = array<i64: 1, 2000, 128>}, {transform_indices = @transform_1, window_bounds = array<i64: 1, 2000, 128>}, {pipeline_mode = #tpu.pipeline_mode<synchronous>, transform_indices = @transform_2, window_bounds = array<i64: 128, 128>}, {pipeline_mode = #tpu.pipeline_mode<synchronous>, transform_indices = @transform_3, window_bounds = array<i64: 1, 128>}, {pipeline_mode = #tpu.pipeline_mode<synchronous>, transform_indices = @transform_4, window_bounds = array<i64: 128, 128>}, {pipeline_mode = #tpu.pipeline_mode<synchronous>, transform_indices = @transform_5, window_bounds = array<i64: 1, 128>}, {pipeline_mode = #tpu.pipeline_mode<synchronous>, transform_indices = @transform_6, window_bounds = array<i64: 128, 128>}, {pipeline_mode = #tpu.pipeline_mode<synchronous>, transform_indices = @transform_7, window_bounds = array<i64: 1, 128>}, {transform_indices = @transform_8, window_bounds = array<i64: 2000, 1>}, {pipeline_mode = #tpu.pipeline_mode<synchronous>, transform_indices = @transform_9, window_bounds = array<i64: 128, 128>}]} {
    %eq3A = arith.constant 0 : i32
    %eq3A_0 = arith.cmpi eq, %arg0, %eq3A : i32
    %convert_element_type3A = arith.extui %eq3A_0 : i1 to i32
    %cond3A = arith.constant 0 : i32
    %cond3A_1 = arith.cmpi ne, %convert_element_type3A, %cond3A : i32
    scf.if %cond3A_1 {
      %broadcast_in_dim3A_73 = arith.constant 0.000000e+00 : f32
      %broadcast_in_dim3A_74 = vector.broadcast %broadcast_in_dim3A_73 : f32 to vector<128x128xf32>
      %swap3A_75 = arith.constant 0 : index
      %swap3A_76 = arith.constant 0 : index
      %swap3A_77 = vector.load %arg11[%swap3A_75, %swap3A_76] : memref<128x128xf32, #tpu.memory_space<vmem>>, vector<128x128xf32>
      tpu.vector_store %arg11[%swap3A_75, %swap3A_76], %broadcast_in_dim3A_74 {strides = array<i32>} : memref<128x128xf32, #tpu.memory_space<vmem>>, vector<128x128xf32>,
      %broadcast_in_dim3A_78 = arith.constant 0.000000e+00 : f32
      %broadcast_in_dim3A_79 = vector.broadcast %broadcast_in_dim3A_78 : f32 to vector<128x128xf32>
      %swap3A_80 = arith.constant 0 : index
      %swap3A_81 = arith.constant 0 : index
      %swap3A_82 = vector.load %arg12[%swap3A_80, %swap3A_81] : memref<128x128xf32, #tpu.memory_space<vmem>>, vector<128x128xf32>
      tpu.vector_store %arg12[%swap3A_80, %swap3A_81], %broadcast_in_dim3A_79 {strides = array<i32>} : memref<128x128xf32, #tpu.memory_space<vmem>>, vector<128x128xf32>,
    } else {
    }
    %get3A = arith.constant 0 : index
    %get3A_2 = arith.constant 0 : index
    %get3A_3 = arith.constant 0 : index
    %get3A_4 = vector.load %arg1[%get3A, %get3A_2, %get3A_3] : memref<1x2000x128xf32, #tpu.memory_space<vmem>>, vector<1x2000x128xf32>
    %get3A_5 = vector.shape_cast %get3A_4 : vector<1x2000x128xf32> to vector<2000x128xf32>
    %get3A_6 = arith.constant 0 : index
    %get3A_7 = arith.constant 0 : index
    %get3A_8 = arith.constant 0 : index
    %get3A_9 = vector.load %arg2[%get3A_6, %get3A_7, %get3A_8] : memref<1x2000x128xf32, #tpu.memory_space<vmem>>, vector<1x2000x128xf32>
    %get3A_10 = vector.shape_cast %get3A_9 : vector<1x2000x128xf32> to vector<2000x128xf32>
    %add3A = arith.addf %get3A_5, %get3A_10 : vector<2000x128xf32>
    %get3A_11 = arith.constant 0 : index
    %get3A_12 = arith.constant 0 : index
    %get3A_13 = vector.load %arg3[%get3A_11, %get3A_12] : memref<128x128xf32, #tpu.memory_space<vmem>>, vector<128x128xf32>
    %dot_general3A = arith.constant dense<0.000000e+00> : vector<2000x128xf32>
    %dot_general3A_14 = tpu.matmul %add3A, %get3A_13, %dot_general3A {dimension_numbers = #tpu.dot_dimension_numbers<[1], [0], [0], [1], [0, 0, 1, 1], [], []>, transpose_lhs_hint = false} : vector<2000x128xf32>, vector<128x128xf32>, vector<2000x128xf32> -> vector<2000x128xf32>
    %get3A_15 = arith.constant 0 : index
    %get3A_16 = arith.constant 0 : index
    %get3A_17 = vector.load %arg4[%get3A_15, %get3A_16] : memref<1x128xf32, #tpu.memory_space<vmem>>, vector<1x128xf32>
    %add3A_18 = vector.broadcast %get3A_17 : vector<1x128xf32> to vector<2000x128xf32>
    %add3A_19 = arith.addf %dot_general3A_14, %add3A_18 : vector<2000x128xf32>
    %max3A = arith.constant 0.000000e+00 : f32
    %max3A_20 = vector.broadcast %max3A : f32 to vector<2000x128xf32>
    %max3A_21 = arith.maximumf %add3A_19, %max3A_20 : vector<2000x128xf32>
    %get3A_22 = arith.constant 0 : index
    %get3A_23 = arith.constant 0 : index
    %get3A_24 = vector.load %arg5[%get3A_22, %get3A_23] : memref<128x128xf32, #tpu.memory_space<vmem>>, vector<128x128xf32>
    %dot_general3A_25 = arith.constant dense<0.000000e+00> : vector<2000x128xf32>
    %dot_general3A_26 = tpu.matmul %max3A_21, %get3A_24, %dot_general3A_25 {dimension_numbers = #tpu.dot_dimension_numbers<[1], [0], [0], [1], [0, 0, 1, 1], [], []>, transpose_lhs_hint = false} : vector<2000x128xf32>, vector<128x128xf32>, vector<2000x128xf32> -> vector<2000x128xf32>
    %get3A_27 = arith.constant 0 : index
    %get3A_28 = arith.constant 0 : index
    %get3A_29 = vector.load %arg6[%get3A_27, %get3A_28] : memref<1x128xf32, #tpu.memory_space<vmem>>, vector<1x128xf32>
    %add3A_30 = vector.broadcast %get3A_29 : vector<1x128xf32> to vector<2000x128xf32>
    %add3A_31 = arith.addf %dot_general3A_26, %add3A_30 : vector<2000x128xf32>
    %get3A_32 = arith.constant 0 : index
    %get3A_33 = arith.constant 0 : index
    %get3A_34 = vector.load %arg7[%get3A_32, %get3A_33] : memref<128x128xf32, #tpu.memory_space<vmem>>, vector<128x128xf32>
    %dot_general3A_35 = arith.constant dense<0.000000e+00> : vector<2000x128xf32>
    %dot_general3A_36 = tpu.matmul %add3A_31, %get3A_34, %dot_general3A_35 {dimension_numbers = #tpu.dot_dimension_numbers<[1], [0], [0], [1], [0, 0, 1, 1], [], []>, transpose_lhs_hint = false} : vector<2000x128xf32>, vector<128x128xf32>, vector<2000x128xf32> -> vector<2000x128xf32>
    %get3A_37 = arith.constant 0 : index
    %get3A_38 = arith.constant 0 : index
    %get3A_39 = vector.load %arg8[%get3A_37, %get3A_38] : memref<1x128xf32, #tpu.memory_space<vmem>>, vector<1x128xf32>
    %add3A_40 = vector.broadcast %get3A_39 : vector<1x128xf32> to vector<2000x128xf32>
    %add3A_41 = arith.addf %dot_general3A_36, %add3A_40 : vector<2000x128xf32>
    %iota3A = tpu.iota {dimensions = array<i32: 1>} : vector<2000x128xi32>
    %get3A_42 = arith.constant 0 : index
    %get3A_43 = arith.constant 0 : index
    %get3A_44 = vector.load %arg9[%get3A_42, %get3A_43] : memref<2000x1xi32, #tpu.memory_space<vmem>>, vector<2000x1xi32>
    %eq3A_45 = vector.broadcast %get3A_44 : vector<2000x1xi32> to vector<2000x128xi32>
    %eq3A_46 = arith.cmpi eq, %eq3A_45, %iota3A : vector<2000x128xi32>
    %jit3A = arith.constant 1.000000e+00 : f32
    %jit3A_47 = arith.constant 0.000000e+00 : f32
    %broadcast_in_dim3A = vector.broadcast %jit3A : f32 to vector<2000x128xf32>
    %broadcast_in_dim3A_48 = vector.broadcast %jit3A_47 : f32 to vector<2000x128xf32>
    %select_n3A = arith.select %eq3A_46, %broadcast_in_dim3A, %broadcast_in_dim3A_48 : vector<2000x128xi1>, vector<2000x128xf32>
    %get3A_49 = arith.constant 0 : index
    %get3A_50 = arith.constant 0 : index
    %get3A_51 = vector.load %arg11[%get3A_49, %get3A_50] : memref<128x128xf32, #tpu.memory_space<vmem>>, vector<128x128xf32>
    %dot_general3A_52 = arith.constant dense<0.000000e+00> : vector<128x128xf32>
    %dot_general3A_53 = tpu.matmul %select_n3A, %add3A_41, %dot_general3A_52 {dimension_numbers = #tpu.dot_dimension_numbers<[0], [0], [1], [1], [0, 1, 1, 1], [], []>, transpose_lhs_hint = false} : vector<2000x128xf32>, vector<2000x128xf32>, vector<128x128xf32> -> vector<128x128xf32>
    %add3A_54 = arith.addf %get3A_51, %dot_general3A_53 : vector<128x128xf32>
    %swap3A = arith.constant 0 : index
    %swap3A_55 = arith.constant 0 : index
    %swap3A_56 = vector.load %arg11[%swap3A, %swap3A_55] : memref<128x128xf32, #tpu.memory_space<vmem>>, vector<128x128xf32>
    tpu.vector_store %arg11[%swap3A, %swap3A_55], %add3A_54 {strides = array<i32>} : memref<128x128xf32, #tpu.memory_space<vmem>>, vector<128x128xf32>,
    %get3A_57 = arith.constant 0 : index
    %get3A_58 = arith.constant 0 : index
    %get3A_59 = vector.load %arg12[%get3A_57, %get3A_58] : memref<128x128xf32, #tpu.memory_space<vmem>>, vector<128x128xf32>
    %broadcast_in_dim3A_60 = arith.constant 1.000000e+00 : f32
    %broadcast_in_dim3A_61 = vector.broadcast %broadcast_in_dim3A_60 : f32 to vector<2000x128xf32>
    %dot_general3A_62 = arith.constant dense<0.000000e+00> : vector<128x128xf32>
    %dot_general3A_63 = tpu.matmul %select_n3A, %broadcast_in_dim3A_61, %dot_general3A_62 {dimension_numbers = #tpu.dot_dimension_numbers<[0], [0], [1], [1], [0, 1, 1, 1], [], []>, transpose_lhs_hint = false} : vector<2000x128xf32>, vector<2000x128xf32>, vector<128x128xf32> -> vector<128x128xf32>
    %add3A_64 = arith.addf %get3A_59, %dot_general3A_63 : vector<128x128xf32>
    %swap3A_65 = arith.constant 0 : index
    %swap3A_66 = arith.constant 0 : index
    %swap3A_67 = vector.load %arg12[%swap3A_65, %swap3A_66] : memref<128x128xf32, #tpu.memory_space<vmem>>, vector<128x128xf32>
    tpu.vector_store %arg12[%swap3A_65, %swap3A_66], %add3A_64 {strides = array<i32>} : memref<128x128xf32, #tpu.memory_space<vmem>>, vector<128x128xf32>,
    %eq3A_68 = arith.constant 4 : i32
    %eq3A_69 = arith.cmpi eq, %arg0, %eq3A_68 : i32
    %convert_element_type3A_70 = arith.extui %eq3A_69 : i1 to i32
    %cond3A_71 = arith.constant 0 : i32
    %cond3A_72 = arith.cmpi ne, %convert_element_type3A_70, %cond3A_71 : i32
    scf.if %cond3A_72 {
      %get3A_73 = arith.constant 0 : index
      %get3A_74 = arith.constant 0 : index
      %get3A_75 = vector.load %arg11[%get3A_73, %get3A_74] : memref<128x128xf32, #tpu.memory_space<vmem>>, vector<128x128xf32>
      %get3A_76 = arith.constant 0 : index
      %get3A_77 = arith.constant 0 : index
      %get3A_78 = vector.load %arg12[%get3A_76, %get3A_77] : memref<128x128xf32, #tpu.memory_space<vmem>>, vector<128x128xf32>
      %max3A_79 = arith.constant 1.000000e+00 : f32
      %max3A_80 = vector.broadcast %max3A_79 : f32 to vector<128x128xf32>
      %max3A_81 = arith.maximumf %get3A_78, %max3A_80 : vector<128x128xf32>
      %div3A = arith.divf %get3A_75, %max3A_81 : vector<128x128xf32>
      %swap3A_82 = arith.constant 0 : index
      %swap3A_83 = arith.constant 0 : index
      %swap3A_84 = vector.load %arg10[%swap3A_82, %swap3A_83] : memref<128x128xf32, #tpu.memory_space<vmem>>, vector<128x128xf32>
      tpu.vector_store %arg10[%swap3A_82, %swap3A_83], %div3A {strides = array<i32>} : memref<128x128xf32, #tpu.memory_space<vmem>>, vector<128x128xf32>,
    } else {
    }
    return
  }
  func.func @transform_0(%arg0: i32) -> (i32, i32, i32) {
    %c0_i32 = arith.constant 0 : i32
    %c0_i32_0 = arith.constant 0 : i32
    %c0_i32_1 = arith.constant 0 : i32
    return %c0_i32, %arg0, %c0_i32_0 : i32, i32, i32
  }
  func.func @transform_1(%arg0: i32) -> (i32, i32, i32) {
    %c1_i32 = arith.constant 1 : i32
    %c0_i32 = arith.constant 0 : i32
    %c0_i32_0 = arith.constant 0 : i32
    return %c1_i32, %arg0, %c0_i32 : i32, i32, i32
  }
  func.func @transform_2(%arg0: i32) -> (i32, i32) {
    %c0_i32 = arith.constant 0 : i32
    %c0_i32_0 = arith.constant 0 : i32
    %c0_i32_1 = arith.constant 0 : i32
    return %c0_i32, %c0_i32_0 : i32, i32
  }
  func.func @transform_3(%arg0: i32) -> (i32, i32) {
    %c0_i32 = arith.constant 0 : i32
    %c0_i32_0 = arith.constant 0 : i32
    %c0_i32_1 = arith.constant 0 : i32
    return %c0_i32, %c0_i32_0 : i32, i32
  }
  func.func @transform_4(%arg0: i32) -> (i32, i32) {
    %c0_i32 = arith.constant 0 : i32
    %c0_i32_0 = arith.constant 0 : i32
    %c0_i32_1 = arith.constant 0 : i32
    return %c0_i32, %c0_i32_0 : i32, i32
  }
  func.func @transform_5(%arg0: i32) -> (i32, i32) {
    %c0_i32 = arith.constant 0 : i32
    %c0_i32_0 = arith.constant 0 : i32
    %c0_i32_1 = arith.constant 0 : i32
    return %c0_i32, %c0_i32_0 : i32, i32
  }
  func.func @transform_6(%arg0: i32) -> (i32, i32) {
    %c0_i32 = arith.constant 0 : i32
    %c0_i32_0 = arith.constant 0 : i32
    %c0_i32_1 = arith.constant 0 : i32
    return %c0_i32, %c0_i32_0 : i32, i32
  }
  func.func @transform_7(%arg0: i32) -> (i32, i32) {
    %c0_i32 = arith.constant 0 : i32
    %c0_i32_0 = arith.constant 0 : i32
    %c0_i32_1 = arith.constant 0 : i32
    return %c0_i32, %c0_i32_0 : i32, i32
  }
  func.func @transform_8(%arg0: i32) -> (i32, i32) {
    %c0_i32 = arith.constant 0 : i32
    %c0_i32_0 = arith.constant 0 : i32
    return %arg0, %c0_i32 : i32, i32
  }
  func.func @transform_9(%arg0: i32) -> (i32, i32) {
    %c0_i32 = arith.constant 0 : i32
    %c0_i32_0 = arith.constant 0 : i32
    %c0_i32_1 = arith.constant 0 : i32
    return %c0_i32, %c0_i32_0 : i32, i32
  }
}

</mosaic_0001>

<sc_bundles>
// kernel: kernel.12.cloned.1.call-start
scs
__scs_entry_jumppad:
0x0: {  	(pc) =	sbr.rel $0x88, $3  }
0x1: {  	(tag) =	ssettag $0x0;
	lr =	simm.s32 $0x1  }
0x2: {  	[smem:$0x3F97] =	sst lr;
	_ =	strace $0xD0000000  }
0x3: {  	_ = 	snop  }
0x4: {  	_ = 	snop  }
0x5: {  	_ = 	snop  }
0x6: {  	_ = 	snop  }
0x7: {  	_ = 	snop  }
__scs_overlays_trampoline_lowered:
0x8: {  	[smem:$0x3FA6] =	sst s0  }
0x9: {  	[smem:$0x3FA7] =	sst s1  }
0xa: {  	[smem:$0x3FA8] =	sst s2  }
0xb: {  	[smem:$0x3FA9] =	sst s3  }
0xc: {  	[smem:$0x3FAA] =	sst s4  }
0xd: {  	[smem:$0x3FAB] =	sst s5  }
0xe: {  	[smem:$0x3FAC] =	sst s6  }
0xf: {  	[smem:$0x3FAD] =	sst s7  }
0x10: {  	[smem:$0x3FAE] =	sst s8  }
0x11: {  	[smem:$0x3FAF] =	sst s9;
	s0 =	simm.s32 @!p0 $0x0  }
0x12: {  	s1 =	sld [smem:$0x3F95];
	s0 =	simm.s32 @p0 $0x1  }
0x13: {  	[smem:$0x3FB0] =	sst s0;
	s0 =	simm.s32 @!p1 $0x0  }
0x14: {  	s2 =	sld [smem:$0x3F94];
	s0 =	simm.s32 @p1 $0x1  }
0x15: {  	[smem:$0x3FB1] =	sst s0;
	s0 =	simm.s32 @!p2 $0x0  }
0x16: {  	s3 =	sld [smem:$0x3FDB];
	s0 =	simm.s32 @p2 $0x1  }
0x17: {  	s4 =	simm.s32 $0x1BF5;
	[smem:$0x3FB3] =	sst s0  }
0x18: {  	s0 =	sld [smem:$0x3F96];
	_ =	swait.ge [sflag:s4], $0x0  }
0x19: {  	s7 =	sld [smem:$0x3F97]  }
0x1a: {  	s8 =	sadd.s32 $0xFFFFE003, lr  }
0x1b: {  	s9 =	sadd.s32 $0xFFFFFEF7, lr;
	s5 =	simm.s32 $0xFFFFFFFF;
	p2 =	slt.u32 s8, $0xFFFFF086  }
0x1c: {  	p1 =	slt.u32 s9, $0xF7A;
	s5 =	simm.s32 @!p2 $0x0  }
0x1d: {  	s5 =	simm.s32 @p1 $0x1;
	p0 =	seq.s32 s7, s2  }
0x1e: {  	s7 =	smul.u32 @!p0 $0xF7A, s2;
	p2 =	seq.s32 @!p0 s5, $0x0  }
0x1f: {  	s9 =	smul.u32 $0xF7A, s1;
	s8 =	simm.s32 @!p0 $0x1BF5;
	p2 =	por !p2, p0  }
0x20: {  	[sflag:s8] =	ssyncset.s32 @!p0 $0xFFFFF086;
	s6 =	sadd.s32 @!p0 s3, s7;
	s7 =	simm.s32 @!p0 $0x108  }
0x21: {  	s3 =	sadd.s32 s3, s9;
	s6 =	sadd.s32 @!p0 $0x88, s6;
	s7 =	simm.s32 @p2 $0x1082  }
0x22: {  	[simem:s7], [sflag:s8] =	dma.local @!p0 [hbm:s6], $0xF7A  }
0x23: {  	s9 =	sor.u32 $0xD0000000, s2;
	s6 =	simm.s32 $0x108;
	_ =	swait.ge @!p0 [sflag:s8], $0x0  }
0x24: {  	s3 =	sadd.s32 $0x88, s3;
	s6 =	simm.s32 @!p1 $0x1082;
	[sflag:s4] =	ssyncset.s32 $0xFFFFF086  }
0x25: {  	[simem:s6], [sflag:s4] =	dma.local [hbm:s3], $0xF7A  }
0x26: {  	[smem:$0x3F97] =	sst s1;
	(tag) =	ssettag s2;
	_ =	strace s9  }
0x27: {  	s1 =	sld [smem:$0x3FA7]  }
0x28: {  	s2 =	sld [smem:$0x3FA8]  }
0x29: {  	s4 =	sld [smem:$0x3FAA]  }
0x2a: {  	p0 =	seq.s32 s5, $0x0;
	s5 =	sld [smem:$0x3FAB]  }
0x2b: {  	s6 =	sld [smem:$0x3FAC]  }
0x2c: {  	s7 =	sld [smem:$0x3FAD]  }
0x2d: {  	s3 =	simm.s32 $0x108;
	s8 =	sld [smem:$0x3FAE]  }
0x2e: {  	s3 =	simm.s32 @!p0 $0x1082;
	s9 =	sld [smem:$0x3FAF]  }
0x2f: {  	lr =	sadd.s32 s0, s3;
	s0 =	sld [smem:$0x3FA6]  }
0x30: {  	s3 =	sld [smem:$0x3FA9]  }
0x31: {  	[smem:$0x3FB2] =	sst s10  }
0x32: {  	s10 =	sld [smem:$0x3FB0];
	_ =	sdelay $0x3  }
0x33: {  	p0 =	seq.s32 s10, $0x1;
	s10 =	sld [smem:$0x3FB2];
	_ =	sdelay $0x3  }
0x34: {  	[smem:$0x3FB2] =	sst s10  }
0x35: {  	s10 =	sld [smem:$0x3FB1];
	_ =	sdelay $0x3  }
0x36: {  	p1 =	seq.s32 s10, $0x1;
	s10 =	sld [smem:$0x3FB2];
	_ =	sdelay $0x3  }
0x37: {  	[smem:$0x3FB2] =	sst s10  }
0x38: {  	s10 =	sld [smem:$0x3FB3]  }
0x39: {  	_ = 	snop;
	(pc) =	sbr.ind lr, $3  }
0x3a: {  	_ = 	snop  }
0x3b: {  	_ = 	snop  }
0x3c: {  	p2 =	seq.s32 s10, $0x1;
	s10 =	sld [smem:$0x3FB2]  }
0x3d: {  	_ =	shalt  }
0x3e: {  	_ =	shalt  }
0x3f: {  	_ =	shalt  }
0x40: {  	_ =	shalt  }
0x41: {  	_ =	shalt  }
0x42: {  	_ =	shalt  }
0x43: {  	_ =	shalt  }
0x44: {  	_ =	shalt  }
0x45: {  	_ =	shalt  }
0x46: {  	_ =	shalt  }
0x47: {  	_ =	shalt  }
0x48: {  	_ =	shalt  }
0x49: {  	_ =	shalt  }
0x4a: {  	_ =	shalt  }
0x4b: {  	_ =	shalt  }
0x4c: {  	_ =	shalt  }
0x4d: {  	_ =	shalt  }
0x4e: {  	_ =	shalt  }
0x4f: {  	_ =	shalt  }
0x50: {  	_ =	shalt  }
0x51: {  	_ =	shalt  }
0x52: {  	_ =	shalt  }
0x53: {  	_ =	shalt  }
0x54: {  	_ =	shalt  }
0x55: {  	_ =	shalt  }
0x56: {  	_ =	shalt  }
0x57: {  	_ =	shalt  }
0x58: {  	_ =	shalt  }
0x59: {  	_ =	shalt  }
0x5a: {  	_ =	shalt  }
0x5b: {  	_ =	shalt  }
0x5c: {  	_ =	shalt  }
0x5d: {  	_ =	shalt  }
0x5e: {  	_ =	shalt  }
0x5f: {  	_ =	shalt  }
0x60: {  	_ =	shalt  }
0x61: {  	_ =	shalt  }
0x62: {  	_ =	shalt  }
0x63: {  	_ =	shalt  }
0x64: {  	_ =	shalt  }
0x65: {  	_ =	shalt  }
0x66: {  	_ =	shalt  }
0x67: {  	_ =	shalt  }
0x68: {  	_ =	shalt  }
0x69: {  	_ =	shalt  }
0x6a: {  	_ =	shalt  }
0x6b: {  	_ =	shalt  }
0x6c: {  	_ =	shalt  }
0x6d: {  	_ =	shalt  }
0x6e: {  	_ =	shalt  }
0x6f: {  	_ =	shalt  }
0x70: {  	_ =	shalt  }
0x71: {  	_ =	shalt  }
0x72: {  	_ =	shalt  }
0x73: {  	_ =	shalt  }
0x74: {  	_ =	shalt  }
0x75: {  	_ =	shalt  }
0x76: {  	_ =	shalt  }
0x77: {  	_ =	shalt  }
0x78: {  	_ =	shalt  }
0x79: {  	_ =	shalt  }
0x7a: {  	_ =	shalt  }
0x7b: {  	_ =	shalt  }
0x7c: {  	_ =	shalt  }
0x7d: {  	_ =	shalt  }
0x7e: {  	_ =	shalt  }
0x7f: {  	_ =	shalt  }
0x80: {  	_ =	shalt  }
0x81: {  	_ =	shalt  }
0x82: {  	_ =	shalt  }
0x83: {  	_ =	shalt  }
0x84: {  	_ =	shalt  }
0x85: {  	_ =	shalt  }
0x86: {  	_ =	shalt  }
0x87: {  	_ =	shalt  }
.Lfunc_end0:
.L_simem_size_0:
called_computation_lowered:
.L_overlay_start_0:
0x88: {  	s2 =	sld [smem:$0x3FD9]  }
0x89: {  	s3 =	sld [smem:$0x3FFE];
	_ =	sdelay $0x1  }
0x8a: {  	s1 =	srdreg.scid  }
0x8b: {  	s0 =	sand.u32 $0x1, s1  }
0x8c: {  	s17 =	sshll.u32 s0, $0xA;
	s2 =	sadd.s32 s3, s2  }
0x8d: {  	s2 =	sadd.s32 s2, s17  }
0x8e: {  	[smem:$0x3FBE] =	sst s2  }
0x8f: {  	_ = 	snop  }
0x90: {  	s2 =	sld [smem:$0x3FC9];
	(tm) =	ssettm $0x1  }
0x91: {  	s18 =	sld [smem:$0x3FFB];
	_ =	sdelay $0x3  }
0x92: {  	_ =	strace s18  }
0x93: {  	s3 =	sld [smem:$0x3FFC];
	_ =	sdelay $0x3  }
0x94: {  	_ =	strace s3  }
0x95: {  	s3 =	sld [smem:$0x3FFD];
	_ =	sdelay $0x3  }
0x96: {  	_ =	strace s3  }
0x97: {  	_ =	strace $0x8FFFFFFF  }
0x98: {  	s19 =	sld [smem:$0x3FDB];
	_ =	sdelay $0x1  }
0x99: {  	s4 =	simm.s32 $_scs_section_size  }
0x9a: {  	s5 =	simm.s32 $_size__tile_overlayer_lowered;
	s6 =	simm.s32 $_tile_overlayer_lowered  }
0x9b: {  	s22 =	simm.s32 $0x1BFF;
	s21 =	sshll.u32 s6, $0x1;
	s3 =	sadd.s32 s4, s19  }
0x9c: {  	s7 =	simm.s32 $0x0;
	s20 =	sshll.u32 s5, $0x1;
	s5 =	sadd.s32 s21, s3  }
0x9d: {  	[timem:s7], [sflag:s22] =	dma.local [hbm:s5], s20  }
0x9e: {  	_ =	swait.ge [sflag:s22], s20  }
0x9f: {  	s4 =	ssub.s32 $0x0, s20;
	[sflag:s22] =	ssyncset.done $0x0  }
0xa0: {  	[sflag:s22] =	ssyncadd.s32 s4;
	_ =	sdelay $0x1  }
0xa1: {  	s23 =	simm.s32 $0x1B8B  }
0xa2: {  	_ =	swait.ge [sflag:s23], $0x1  }
0xa3: {  	[sflag:s23] =	ssyncset.done $0x0  }
0xa4: {  	s25 =	simm.s32 $0x1B8E;
	s24 =	sld [smem:$0x3FFE];
	[sflag:s23] =	ssyncadd.s32 $0xFFFFFFFF  }
0xa5: {  	s26 =	simm.s32 $execute0_lowered;
	[smem:$0x3FD2] =	sst s25  }
0xa6: {  	s5 =	sshll.u32 s26, $0x1;
	_ =	strace $0x80000046;
	[dreg:$0x1] =	wrdreg $0xFFFFFFFF  }
0xa7: {  	s28 =	simm.s32 $_size_execute0_lowered;
	s3 =	sadd.s32 s3, s5;
	[dreg:$0x0] =	wrdreg $0x0  }
0xa8: {  	s5 =	sshll.u32 s28, $0x1;
	[dreg:$0x2] =	wrdreg s3  }
0xa9: {  	[dreg:$0x3] =	wrdreg s5  }
0xaa: {  	[dreg:$0x4] =	wrdreg $0xC0  }
0xab: {  	_ =	task [dreg:s7], $0x5FFFF  }
0xac: {  	[dreg:$0x1] =	wrdreg $0xFFFFFFFF  }
0xad: {  	[dreg:$0x0] =	wrdreg $0x60  }
0xae: {  	[dreg:$0x2] =	wrdreg s2  }
0xaf: {  	[dreg:$0x3] =	wrdreg s24  }
0xb0: {  	[dreg:$0x4] =	wrdreg $0xA8000  }
0xb1: {  	[dreg:$0x5] =	wrdreg $0x9  }
0xb2: {  	_ =	task.clear_ibuf [dreg:s7], $0x6FFFF;
	_ =	strace $0x90000046  }
0xb3: {  	s29 =	simm.s32 $0x9;
	_ =	strace $0x80000048  }
0xb4: {  	_ =	swait.ge [sflag:s29], $0x1  }
0xb5: {  	[sflag:s29] =	ssyncadd.s32 $0xFFFFFFFF  }
0xb6: {  	_ =	strace $0x90000048  }
0xb7: {  	_ =	sfence  }
0xb8: {  	s30 =	sld [smem:$0x0];
	_ =	sdelay $0x2  }
0xb9: {  	s31 =	sshll.u32 s1, $0xD;
	s1 =	sshrl.u32 s1, $0x2  }
0xba: {  	s3 =	sand.u32 $0x4000, s31;
	s1 =	sadd.s32 s1, s30  }
0xbb: {  	s0 =	sor.u32 s3, s0;
	s1 =	sshll.u32 s1, $0x11  }
0xbc: {  	s0 =	sor.u32 s1, s0  }
0xbd: {  	s0 =	sadd.s32 $0x8F2B, s0  }
0xbe: {  	[sflag:s0] =	ssyncadd.remote.s32 $0x1  }
0xbf: {  	_ =	sfence.sel $0xFFFF  }
0xc0: {  	[dreg:$0x0] =	wrdreg $0xFFFFFFFF;
	(pc) =	sbr.abs _section_cstart, $3  }
0xc1: {  	[dreg:$0x1] =	wrdreg $0xFFFFFFFF  }
0xc2: {  	_ =	task.clear_ibuf [dreg:s7], $0x2FFFF;
	_ =	strace $0x9FFFFFFF  }
0xc3: {  	(tm) =	ssettm $0x7FFFFFFF  }
tec
execute0_lowered:
.L_overlay_start_1:
0x0: {  	(tag) =	ssettag $0x1  }
0x1: {  	s1 =	rddreg [dreg:$0x0]  }
0x2: {  	s6 =	rddreg [dreg:$0x1]  }
0x3: {  	s2 =	rddreg [dreg:$0x2]  }
0x4: {  	s0 =	rddreg [dreg:$0x3];
	s4 =	simm.s32 $0x0;
	s3 =	srdreg.scid  }
0x5: {  	s17 =	simm.s32 $0x7D;
	s18 =	simm.s32 $0x2800;
	s19 =	simm.s32 $0x80  }
0x6: {  	s20 =	simm.s32 $0x6800;
	s23 =	simm.s32 $0x1;
	s28 =	simm.s32 $0x0  }
0x7: {  	[smem:$0x7FF] =	sst s4;
	s8 =	sand.u32 $0x1, s3;
	s3 =	stileid.u32  }
0x8: {  	s11 =	sadd.s32 $0x4400, s6;
	s21 =	sadd.s32 $0x128400, s2;
	s7 =	smul.u32 $0x13C000, s8  }
0x9: {  	s12 =	sadd.s32 $0xE400, s6;
	s22 =	sadd.s32 $0x138800, s2;
	s9 =	smul.u32 $0x13C00, s3  }
0xa: {  	s5 =	sadd.s32 $0x18400, s6;
	_ =	strace $0x80000047;
	s14 =	smul.u32 $0x4F000, s3  }
0xb: {  	s10 =	sshll.u32 s3, $0x1;
	s25 =	ssub.s32 $0x2, s8;
	s29 =	smul.u32 $0x2780, s3  }
0xc: {  	p0 =	seq.s32 s8, $0x1;
	s24 =	sor.u32 s8, s10;
	s26 =	sshrl.u32 s25, $0x1  }
0xd: {  	s10 =	sadd.s32 $0x25080, s1;
	p2 =	seq.s32 @!p0 s3, $0xF;
	s7 =	sadd.s32 s9, s7  }
0xe: {  	s9 =	smul.u32 $0x2800, s24;
	s15 =	ssub.s32 s25, s26;
	s30 =	sshrl.u32 s14, $0x2  }
0xf: {  	p1 =	por !p2, p0;
	p2 =	por p2, p0;
	s24 =	simm.s32 $0x2  }
0x10: {  	s25 =	simm.s32 $0x2700;
	s26 =	simm.s32 $0x2780;
	s7 =	sshrl.u32 s7, $0x3  }
0x11: {  	s8 =	sadd.s32 s30, s2;
	s14 =	smax.u32 s15, $0x1;
	s15 =	simm.s32 $0x3  }
0x12: {  	s21 =	sshrl.u32 @!p1 s21, $0x3;
	s22 =	sshrl.u32 @!p1 s22, $0x3;
	s16 =	sshrl.u32 s9, $0x3  }
0x13: {  	s13 =	sadd.s32 s7, s6;
	s9 =	sadd.s32 s1, s29;
	s6 =	sadd.s32 s11, s16  }
0x14: {  	s7 =	sadd.s32 s12, s16;
	s31 =	sadd.s32 $0x280, s16;
	s13 =	sadd.s32 $0x1AC00, s13  }
0x15: {  	s16 =	simm.s32 $0x1400;
	s11 =	sadd.s32 s11, s31;
	s12 =	sadd.s32 s12, s31  }
.LBB2_1:
0x16: {  	[tilespmem:s4], [sflag:$0x3] =	stream.linear.gather [hbm4b:s6+s4], $0x1400, $0x38;
	[tilespmem:$0x1E400] =	vst v63  }
0x17: {  	_ =	swait.ge [sflag:s15], $0x1400  }
0x18: {  	[sflag:s15] =	ssyncset.done $0x0  }
0x19: {  	[sflag:s15] =	ssyncadd.s32 $0xFFFFEC00  }
0x1a: {  	[tilespmem:s16], [sflag:$0x3] =	stream.linear.gather [hbm4b:s7+s4], $0x1400, $0x38;
	[tilespmem:$0x1E400] =	vst v63  }
0x1b: {  	_ =	swait.ge [sflag:s15], $0x1400  }
0x1c: {  	[sflag:s15] =	ssyncset.done $0x0  }
0x1d: {  	s29 =	sshll.u32 @p0 s3, $0x6;
	[sflag:s15] =	ssyncadd.s32 $0xFFFFEC00  }
0x1e: {  	[tilespmem:s18], [sflag:$0x1] =	stream.indirect.gather [hbm4b:s1+s17], $0x80, s4, s17, $0xb8;
	[tilespmem:$0x1E400] =	vst v63  }
0x1f: {  	s30 =	sshrl.u32 @p0 s8, $0x3;
	s29 =	sor.u32 @p0 $0x1C03, s29  }
0x20: {  	[tilespmem:s20], [sflag:$0x2] =	stream.indirect.gather [hbm4b:s1+s17], $0x80, s19, s17, $0xb8;
	[tilespmem:$0x1E400] =	vst v63  }
0x21: {  	[spmem:s30], [sflag:s29] =	dma.local @p0 [hbm:s5], $0x2780  }
0x22: {  	s29 =	simm.s32 @p0 $0x3  }
0x23: {  	_ =	swait.ge @p0 [sflag:s29], $0x2780  }
0x24: {  	[sflag:s29] =	ssyncset.done @p0 $0x0  }
0x25: {  	s30 =	simm.s32 @!p1 $0x3;
	[sflag:s29] =	ssyncadd.s32 @p0 $0xFFFFD880;
	s29 =	simm.s32 @!p1 $0x1FC3  }
0x26: {  	[spmem:s21], [sflag:s29] =	dma.local @!p1 [hbm:s10], $0x2080  }
0x27: {  	_ =	swait.ge @!p1 [sflag:s30], $0x2080  }
0x28: {  	[sflag:s30] =	ssyncset.done @!p1 $0x0  }
0x29: {  	[sflag:s30] =	ssyncadd.s32 @!p1 $0xFFFFDF80  }
0x2a: {  	[spmem:s22], [sflag:s29] =	dma.local @!p1 [hbm:s5], $0x700  }
0x2b: {  	_ =	swait.ge @!p1 [sflag:s30], $0x700  }
0x2c: {  	s29 =	sshll.u32 @!p2 s3, $0x6;
	[sflag:s30] =	ssyncset.done @!p1 $0x0  }
0x2d: {  	s29 =	sor.u32 @!p2 $0x1C03, s29;
	[sflag:s30] =	ssyncadd.s32 @!p1 $0xFFFFF900;
	s30 =	sshrl.u32 @!p2 s8, $0x3  }
0x2e: {  	[spmem:s30], [sflag:s29] =	dma.local @!p2 [hbm:s9], $0x2780  }
0x2f: {  	s29 =	simm.s32 @!p2 $0x3  }
0x30: {  	_ =	swait.ge @!p2 [sflag:s29], $0x2780  }
0x31: {  	[sflag:s29] =	ssyncset.done @!p2 $0x0  }
0x32: {  	[sflag:s29] =	ssyncadd.s32 @!p2 $0xFFFFD880  }
0x33: {  	[bflag:$0x0] =	sbarrier.arrive $0xFFFF  }
0x34: {  	_ =	swait.ge [sflag:s23], $0x3E80  }
0x35: {  	[sflag:s23] =	ssyncset.done $0x0  }
0x36: {  	s29 =	simm.s32 $0x1400;
	[sflag:s23] =	ssyncadd.s32 $0xFFFFC180  }
0x37: {  	[spmem:s2] =	stream.indirect.scatter.add.f32 [tilespmem:s18], [sflag:$0x3], $0x80, s29, s17, $0xb8;
	[tilespmem:$0x1E400] =	vst v63  }
0x38: {  	_ =	swait.ge [sflag:s15], $0x3E80  }
0x39: {  	[sflag:s15] =	ssyncset.done $0x0  }
0x3a: {  	s29 =	simm.s32 $0x100;
	[sflag:s15] =	ssyncadd.s32 $0xFFFFC180  }
0x3b: {  	[tilespmem:s18], [sflag:$0x1] =	stream.indirect.gather [hbm4b:s1+s17], $0x80, s29, s17, $0xb8;
	[tilespmem:$0x1E400] =	vst v63  }
0x3c: {  	_ =	swait.ge [sflag:s24], $0x3E80  }
0x3d: {  	[sflag:s24] =	ssyncset.done $0x0  }
0x3e: {  	s29 =	simm.s32 $0x1480;
	[sflag:s24] =	ssyncadd.s32 $0xFFFFC180  }
0x3f: {  	[spmem:s2] =	stream.indirect.scatter.add.f32 [tilespmem:s20], [sflag:$0x3], $0x80, s29, s17, $0xb8;
	[tilespmem:$0x1E400] =	vst v63  }
0x40: {  	_ =	swait.ge [sflag:s15], $0x3E80  }
0x41: {  	[sflag:s15] =	ssyncset.done $0x0  }
0x42: {  	s30 =	simm.s32 $0x180;
	s29 =	simm.s32 $0x400;
	[sflag:s15] =	ssyncadd.s32 $0xFFFFC180  }
.LBB2_2:
0x43: {  	[tilespmem:s20], [sflag:$0x2] =	stream.indirect.gather [hbm4b:s1+s17], $0x80, s30, s17, $0xb8;
	[tilespmem:$0x1E400] =	vst v63  }
0x44: {  	s30 =	smov.u32 s29  }
0x45: {  	p3 =	sne.s32 s29, $0x4800;
	s29 =	sadd.s32 $0x400, s29;
	_ =	swait.ge [sflag:s23], $0x3E80  }
0x46: {  	s30 =	sshra.s32 s30, $0x2;
	[sflag:s23] =	ssyncset.done $0x0  }
0x47: {  	s31 =	sadd.s32 $0x1400, s30;
	[sflag:s23] =	ssyncadd.s32 $0xFFFFC180  }
0x48: {  	[spmem:s2] =	stream.indirect.scatter.add.f32 [tilespmem:s18], [sflag:$0x3], $0x80, s31, s17, $0xb8;
	[tilespmem:$0x1E400] =	vst v63  }
0x49: {  	_ =	swait.ge [sflag:s15], $0x3E80  }
0x4a: {  	[sflag:s15] =	ssyncset.done $0x0  }
0x4b: {  	s31 =	sadd.s32 $0x100, s30;
	[sflag:s15] =	ssyncadd.s32 $0xFFFFC180  }
0x4c: {  	[tilespmem:s18], [sflag:$0x1] =	stream.indirect.gather [hbm4b:s1+s17], $0x80, s31, s17, $0xb8;
	[tilespmem:$0x1E400] =	vst v63  }
0x4d: {  	_ =	swait.ge [sflag:s24], $0x3E80  }
0x4e: {  	[sflag:s24] =	ssyncset.done $0x0  }
.Ltmp0:
0x4f: {  	s31 =	sadd.s32 $0x1480, s30;
	[sflag:s24] =	ssyncadd.s32 $0xFFFFC180;
	(pc) =	sbr.rel @p3 .LBB2_2-.Ltmp0, $4  }
0x50: {  	[spmem:s2] =	stream.indirect.scatter.add.f32 [tilespmem:s20], [sflag:$0x3], $0x80, s31, s17, $0xb8;
	[tilespmem:$0x1E400] =	vst v63  }
0x51: {  	_ =	swait.ge [sflag:s15], $0x3E80  }
0x52: {  	[sflag:s15] =	ssyncset.done $0x0  }
0x53: {  	s30 =	sadd.s32 $0x180, s30;
	[sflag:s15] =	ssyncadd.s32 $0xFFFFC180  }
0x54: {  	[tilespmem:s20], [sflag:$0x2] =	stream.indirect.gather [hbm4b:s1+s17], $0x80, s30, s17, $0xb8;
	[tilespmem:$0x1E400] =	vst v63  }
0x55: {  	_ =	swait.ge [sflag:s23], $0x3E80  }
0x56: {  	[sflag:s23] =	ssyncset.done $0x0  }
0x57: {  	[sflag:s23] =	ssyncadd.s32 $0xFFFFC180  }
0x58: {  	[spmem:s2] =	stream.indirect.scatter.add.f32 [tilespmem:s18], [sflag:$0x3], $0x80, s25, s17, $0xb8;
	[tilespmem:$0x1E400] =	vst v63  }
0x59: {  	_ =	swait.ge [sflag:s15], $0x3E80  }
0x5a: {  	[sflag:s15] =	ssyncset.done $0x0  }
0x5b: {  	[sflag:s15] =	ssyncadd.s32 $0xFFFFC180  }
0x5c: {  	_ =	swait.ge [sflag:s24], $0x3E80  }
0x5d: {  	[sflag:s24] =	ssyncset.done $0x0  }
0x5e: {  	[sflag:s24] =	ssyncadd.s32 $0xFFFFC180  }
0x5f: {  	[spmem:s2] =	stream.indirect.scatter.add.f32 [tilespmem:s20], [sflag:$0x3], $0x80, s26, s17, $0xb8;
	[tilespmem:$0x1E400] =	vst v63  }
0x60: {  	_ =	swait.ge [sflag:s15], $0x3E80  }
0x61: {  	[sflag:s15] =	ssyncset.done $0x0  }
0x62: {  	s29 =	simm.s32 $0x0;
	[sflag:s15] =	ssyncadd.s32 $0xFFFFC180  }
0x63: {  	[tilespmem:s29], [sflag:$0x3] =	stream.linear.gather [hbm4b:s11+s29], $0x1400, $0x38;
	[tilespmem:$0x1E400] =	vst v63  }
0x64: {  	_ =	swait.ge [sflag:s15], $0x1400  }
0x65: {  	[sflag:s15] =	ssyncset.done $0x0  }
0x66: {  	[sflag:s15] =	ssyncadd.s32 $0xFFFFEC00  }
0x67: {  	[tilespmem:s16], [sflag:$0x3] =	stream.linear.gather [hbm4b:s12+s29], $0x1400, $0x38;
	[tilespmem:$0x1E400] =	vst v63  }
0x68: {  	_ =	swait.ge [sflag:s15], $0x1400  }
0x69: {  	[sflag:s15] =	ssyncset.done $0x0  }
0x6a: {  	[sflag:s15] =	ssyncadd.s32 $0xFFFFEC00  }
0x6b: {  	[tilespmem:s18], [sflag:$0x1] =	stream.indirect.gather [hbm4b:s1+s17], $0x80, s29, s17, $0xb8;
	[tilespmem:$0x1E400] =	vst v63  }
0x6c: {  	_ = 	snop  }
0x6d: {  	[tilespmem:s20], [sflag:$0x2] =	stream.indirect.gather [hbm4b:s1+s17], $0x80, s19, s17, $0xb8;
	[tilespmem:$0x1E400] =	vst v63  }
0x6e: {  	_ =	swait.ge [sflag:s23], $0x3E80  }
0x6f: {  	[sflag:s23] =	ssyncset.done $0x0  }
0x70: {  	s29 =	simm.s32 $0x1400;
	[sflag:s23] =	ssyncadd.s32 $0xFFFFC180  }
0x71: {  	[spmem:s2] =	stream.indirect.scatter.add.f32 [tilespmem:s18], [sflag:$0x3], $0x80, s29, s17, $0xb8;
	[tilespmem:$0x1E400] =	vst v63  }
0x72: {  	_ =	swait.ge [sflag:s15], $0x3E80  }
0x73: {  	[sflag:s15] =	ssyncset.done $0x0  }
0x74: {  	s29 =	simm.s32 $0x100;
	[sflag:s15] =	ssyncadd.s32 $0xFFFFC180  }
0x75: {  	[tilespmem:s18], [sflag:$0x1] =	stream.indirect.gather [hbm4b:s1+s17], $0x80, s29, s17, $0xb8;
	[tilespmem:$0x1E400] =	vst v63  }
0x76: {  	_ =	swait.ge [sflag:s24], $0x3E80  }
0x77: {  	[sflag:s24] =	ssyncset.done $0x0  }
0x78: {  	s29 =	simm.s32 $0x1480;
	[sflag:s24] =	ssyncadd.s32 $0xFFFFC180  }
0x79: {  	[spmem:s2] =	stream.indirect.scatter.add.f32 [tilespmem:s20], [sflag:$0x3], $0x80, s29, s17, $0xb8;
	[tilespmem:$0x1E400] =	vst v63  }
0x7a: {  	_ =	swait.ge [sflag:s15], $0x3E80  }
0x7b: {  	[sflag:s15] =	ssyncset.done $0x0  }
0x7c: {  	s30 =	simm.s32 $0x180;
	s29 =	simm.s32 $0x400;
	[sflag:s15] =	ssyncadd.s32 $0xFFFFC180  }
.LBB2_4:
0x7d: {  	[tilespmem:s20], [sflag:$0x2] =	stream.indirect.gather [hbm4b:s1+s17], $0x80, s30, s17, $0xb8;
	[tilespmem:$0x1E400] =	vst v63  }
0x7e: {  	s30 =	smov.u32 s29  }
0x7f: {  	p3 =	sne.s32 s29, $0x4800;
	s29 =	sadd.s32 $0x400, s29;
	_ =	swait.ge [sflag:s23], $0x3E80  }
0x80: {  	s30 =	sshra.s32 s30, $0x2;
	[sflag:s23] =	ssyncset.done $0x0  }
0x81: {  	s31 =	sadd.s32 $0x1400, s30;
	[sflag:s23] =	ssyncadd.s32 $0xFFFFC180  }
0x82: {  	[spmem:s2] =	stream.indirect.scatter.add.f32 [tilespmem:s18], [sflag:$0x3], $0x80, s31, s17, $0xb8;
	[tilespmem:$0x1E400] =	vst v63  }
0x83: {  	_ =	swait.ge [sflag:s15], $0x3E80  }
0x84: {  	[sflag:s15] =	ssyncset.done $0x0  }
0x85: {  	s31 =	sadd.s32 $0x100, s30;
	[sflag:s15] =	ssyncadd.s32 $0xFFFFC180  }
0x86: {  	[tilespmem:s18], [sflag:$0x1] =	stream.indirect.gather [hbm4b:s1+s17], $0x80, s31, s17, $0xb8;
	[tilespmem:$0x1E400] =	vst v63  }
0x87: {  	_ =	swait.ge [sflag:s24], $0x3E80  }
0x88: {  	[sflag:s24] =	ssyncset.done $0x0  }
.Ltmp1:
0x89: {  	s31 =	sadd.s32 $0x1480, s30;
	[sflag:s24] =	ssyncadd.s32 $0xFFFFC180;
	(pc) =	sbr.rel @p3 .LBB2_4-.Ltmp1, $4  }
0x8a: {  	[spmem:s2] =	stream.indirect.scatter.add.f32 [tilespmem:s20], [sflag:$0x3], $0x80, s31, s17, $0xb8;
	[tilespmem:$0x1E400] =	vst v63  }
0x8b: {  	_ =	swait.ge [sflag:s15], $0x3E80  }
0x8c: {  	[sflag:s15] =	ssyncset.done $0x0  }
0x8d: {  	s30 =	sadd.s32 $0x180, s30;
	[sflag:s15] =	ssyncadd.s32 $0xFFFFC180  }
0x8e: {  	[tilespmem:s20], [sflag:$0x2] =	stream.indirect.gather [hbm4b:s1+s17], $0x80, s30, s17, $0xb8;
	[tilespmem:$0x1E400] =	vst v63  }
0x8f: {  	_ =	swait.ge [sflag:s23], $0x3E80  }
0x90: {  	[sflag:s23] =	ssyncset.done $0x0  }
0x91: {  	[sflag:s23] =	ssyncadd.s32 $0xFFFFC180  }
0x92: {  	[spmem:s2] =	stream.indirect.scatter.add.f32 [tilespmem:s18], [sflag:$0x3], $0x80, s25, s17, $0xb8;
	[tilespmem:$0x1E400] =	vst v63  }
0x93: {  	_ =	swait.ge [sflag:s15], $0x3E80  }
0x94: {  	[sflag:s15] =	ssyncset.done $0x0  }
0x95: {  	[sflag:s15] =	ssyncadd.s32 $0xFFFFC180  }
0x96: {  	_ =	swait.ge [sflag:s24], $0x3E80  }
0x97: {  	[sflag:s24] =	ssyncset.done $0x0  }
0x98: {  	[sflag:s24] =	ssyncadd.s32 $0xFFFFC180  }
0x99: {  	[spmem:s2] =	stream.indirect.scatter.add.f32 [tilespmem:s20], [sflag:$0x3], $0x80, s26, s17, $0xb8;
	[tilespmem:$0x1E400] =	vst v63  }
0x9a: {  	_ =	swait.ge [sflag:s15], $0x3E80  }
0x9b: {  	s29 =	sshll.u32 s3, $0x6;
	s28 =	sadd.s32 $0x1, s28;
	[sflag:s15] =	ssyncset.done $0x0  }
0x9c: {  	s31 =	sshrl.u32 s8, $0x3;
	p3 =	sne.s32 s28, s14;
	[sflag:s15] =	ssyncadd.s32 $0xFFFFC180  }
.Ltmp2:
0x9d: {  	s29 =	sor.u32 $0x1C03, s29;
	[bflag:$0x0] =	sbarrier.arrive $0xFFFF;
	(pc) =	sbr.rel @p3 .LBB2_1-.Ltmp2, $4  }
0x9e: {  	[hbm:s13], [sflag:s29] =	dma.local [spmem:s31], $0x2780  }
0x9f: {  	_ =	swait.ge [sflag:s15], $0x2780  }
0xa0: {  	[sflag:s15] =	ssyncset.done $0x0  }
0xa1: {  	[sflag:s15] =	ssyncadd.s32 $0xFFFFD880  }
0xa2: {  	_ =	sfence.sel $0x180000  }
0xa3: {  	[bflag:$0x0] =	sbarrier.arrive $0xFFFF  }
0xa4: {  	p0 =	sne.s32 s3, $0x0;
	_ =	strace $0x90000047  }
0xa5: {  	s0 =	sadd.s32 @!p0 $0x100000, s0;
	[bflag:$0x2] =	sbarrier.arrive $0xFFFF  }
0xa6: {  	[sflag:s0] =	ssyncadd.tile.s32 @!p0 $0x1;
	_ =	shalt  }
.Lfunc_end2:
_tile_overlayer_lowered:
.L_overlay_start_2:
0xa7: {  	(tag) =	ssettag $0x2  }
0xa8: {  	s0 =	rddreg [dreg:$0x0];
	s2 =	stileid.u32  }
0xa9: {  	s1 =	rddreg [dreg:$0x1];
	p0 =	sne.s32 s2, $0x0  }
0xaa: {  	s3 =	rddreg [dreg:$0x2];
	[bflag:$0x3] =	sbarrier.arrive $0xFFFF;
	s2 =	simm.s32 @!p0 $0x1C03  }
0xab: {  	[timem:s3], [sflag:s2] =	dma.local @!p0 [hbm:s0], s1  }
0xac: {  	s0 =	simm.s32 @!p0 $0x3  }
0xad: {  	_ =	swait.ge @!p0 [sflag:s0], s1  }
0xae: {  	s1 =	ssub.s32 @!p0 $0x0, s1;
	[sflag:s0] =	ssyncset.done @!p0 $0x0  }
0xaf: {  	[sflag:s0] =	ssyncadd.s32 @!p0 s1  }
0xb0: {  	[bflag:$0x3] =	sbarrier.arrive $0xFFFF  }
0xb1: {  	_ =	shalt  }

// kernel: kernel.15.cloned.1.call-start
scs
__scs_entry_jumppad:
0x0: {  	(pc) =	sbr.rel $0x88, $3  }
0x1: {  	(tag) =	ssettag $0x0;
	lr =	simm.s32 $0x1  }
0x2: {  	[smem:$0x3F97] =	sst lr;
	_ =	strace $0xD0000000  }
0x3: {  	_ = 	snop  }
0x4: {  	_ = 	snop  }
0x5: {  	_ = 	snop  }
0x6: {  	_ = 	snop  }
0x7: {  	_ = 	snop  }
__scs_overlays_trampoline_lowered:
0x8: {  	[smem:$0x3FA6] =	sst s0  }
0x9: {  	[smem:$0x3FA7] =	sst s1  }
0xa: {  	[smem:$0x3FA8] =	sst s2  }
0xb: {  	[smem:$0x3FA9] =	sst s3  }
0xc: {  	[smem:$0x3FAA] =	sst s4  }
0xd: {  	[smem:$0x3FAB] =	sst s5  }
0xe: {  	[smem:$0x3FAC] =	sst s6  }
0xf: {  	[smem:$0x3FAD] =	sst s7  }
0x10: {  	[smem:$0x3FAE] =	sst s8  }
0x11: {  	[smem:$0x3FAF] =	sst s9;
	s0 =	simm.s32 @!p0 $0x0  }
0x12: {  	s1 =	sld [smem:$0x3F95];
	s0 =	simm.s32 @p0 $0x1  }
0x13: {  	[smem:$0x3FB0] =	sst s0;
	s0 =	simm.s32 @!p1 $0x0  }
0x14: {  	s2 =	sld [smem:$0x3F94];
	s0 =	simm.s32 @p1 $0x1  }
0x15: {  	[smem:$0x3FB1] =	sst s0;
	s0 =	simm.s32 @!p2 $0x0  }
0x16: {  	s3 =	sld [smem:$0x3FDB];
	s0 =	simm.s32 @p2 $0x1  }
0x17: {  	s4 =	simm.s32 $0x1BF5;
	[smem:$0x3FB3] =	sst s0  }
0x18: {  	s0 =	sld [smem:$0x3F96];
	_ =	swait.ge [sflag:s4], $0x0  }
0x19: {  	s7 =	sld [smem:$0x3F97]  }
0x1a: {  	s8 =	sadd.s32 $0xFFFFE003, lr  }
0x1b: {  	s9 =	sadd.s32 $0xFFFFFEF7, lr;
	s5 =	simm.s32 $0xFFFFFFFF;
	p2 =	slt.u32 s8, $0xFFFFF086  }
0x1c: {  	p1 =	slt.u32 s9, $0xF7A;
	s5 =	simm.s32 @!p2 $0x0  }
0x1d: {  	s5 =	simm.s32 @p1 $0x1;
	p0 =	seq.s32 s7, s2  }
0x1e: {  	s7 =	smul.u32 @!p0 $0xF7A, s2;
	p2 =	seq.s32 @!p0 s5, $0x0  }
0x1f: {  	s9 =	smul.u32 $0xF7A, s1;
	s8 =	simm.s32 @!p0 $0x1BF5;
	p2 =	por !p2, p0  }
0x20: {  	[sflag:s8] =	ssyncset.s32 @!p0 $0xFFFFF086;
	s6 =	sadd.s32 @!p0 s3, s7;
	s7 =	simm.s32 @!p0 $0x108  }
0x21: {  	s3 =	sadd.s32 s3, s9;
	s6 =	sadd.s32 @!p0 $0x88, s6;
	s7 =	simm.s32 @p2 $0x1082  }
0x22: {  	[simem:s7], [sflag:s8] =	dma.local @!p0 [hbm:s6], $0xF7A  }
0x23: {  	s9 =	sor.u32 $0xD0000000, s2;
	s6 =	simm.s32 $0x108;
	_ =	swait.ge @!p0 [sflag:s8], $0x0  }
0x24: {  	s3 =	sadd.s32 $0x88, s3;
	s6 =	simm.s32 @!p1 $0x1082;
	[sflag:s4] =	ssyncset.s32 $0xFFFFF086  }
0x25: {  	[simem:s6], [sflag:s4] =	dma.local [hbm:s3], $0xF7A  }
0x26: {  	[smem:$0x3F97] =	sst s1;
	(tag) =	ssettag s2;
	_ =	strace s9  }
0x27: {  	s1 =	sld [smem:$0x3FA7]  }
0x28: {  	s2 =	sld [smem:$0x3FA8]  }
0x29: {  	s4 =	sld [smem:$0x3FAA]  }
0x2a: {  	p0 =	seq.s32 s5, $0x0;
	s5 =	sld [smem:$0x3FAB]  }
0x2b: {  	s6 =	sld [smem:$0x3FAC]  }
0x2c: {  	s7 =	sld [smem:$0x3FAD]  }
0x2d: {  	s3 =	simm.s32 $0x108;
	s8 =	sld [smem:$0x3FAE]  }
0x2e: {  	s3 =	simm.s32 @!p0 $0x1082;
	s9 =	sld [smem:$0x3FAF]  }
0x2f: {  	lr =	sadd.s32 s0, s3;
	s0 =	sld [smem:$0x3FA6]  }
0x30: {  	s3 =	sld [smem:$0x3FA9]  }
0x31: {  	[smem:$0x3FB2] =	sst s10  }
0x32: {  	s10 =	sld [smem:$0x3FB0];
	_ =	sdelay $0x3  }
0x33: {  	p0 =	seq.s32 s10, $0x1;
	s10 =	sld [smem:$0x3FB2];
	_ =	sdelay $0x3  }
0x34: {  	[smem:$0x3FB2] =	sst s10  }
0x35: {  	s10 =	sld [smem:$0x3FB1];
	_ =	sdelay $0x3  }
0x36: {  	p1 =	seq.s32 s10, $0x1;
	s10 =	sld [smem:$0x3FB2];
	_ =	sdelay $0x3  }
0x37: {  	[smem:$0x3FB2] =	sst s10  }
0x38: {  	s10 =	sld [smem:$0x3FB3]  }
0x39: {  	_ = 	snop;
	(pc) =	sbr.ind lr, $3  }
0x3a: {  	_ = 	snop  }
0x3b: {  	_ = 	snop  }
0x3c: {  	p2 =	seq.s32 s10, $0x1;
	s10 =	sld [smem:$0x3FB2]  }
0x3d: {  	_ =	shalt  }
0x3e: {  	_ =	shalt  }
0x3f: {  	_ =	shalt  }
0x40: {  	_ =	shalt  }
0x41: {  	_ =	shalt  }
0x42: {  	_ =	shalt  }
0x43: {  	_ =	shalt  }
0x44: {  	_ =	shalt  }
0x45: {  	_ =	shalt  }
0x46: {  	_ =	shalt  }
0x47: {  	_ =	shalt  }
0x48: {  	_ =	shalt  }
0x49: {  	_ =	shalt  }
0x4a: {  	_ =	shalt  }
0x4b: {  	_ =	shalt  }
0x4c: {  	_ =	shalt  }
0x4d: {  	_ =	shalt  }
0x4e: {  	_ =	shalt  }
0x4f: {  	_ =	shalt  }
0x50: {  	_ =	shalt  }
0x51: {  	_ =	shalt  }
0x52: {  	_ =	shalt  }
0x53: {  	_ =	shalt  }
0x54: {  	_ =	shalt  }
0x55: {  	_ =	shalt  }
0x56: {  	_ =	shalt  }
0x57: {  	_ =	shalt  }
0x58: {  	_ =	shalt  }
0x59: {  	_ =	shalt  }
0x5a: {  	_ =	shalt  }
0x5b: {  	_ =	shalt  }
0x5c: {  	_ =	shalt  }
0x5d: {  	_ =	shalt  }
0x5e: {  	_ =	shalt  }
0x5f: {  	_ =	shalt  }
0x60: {  	_ =	shalt  }
0x61: {  	_ =	shalt  }
0x62: {  	_ =	shalt  }
0x63: {  	_ =	shalt  }
0x64: {  	_ =	shalt  }
0x65: {  	_ =	shalt  }
0x66: {  	_ =	shalt  }
0x67: {  	_ =	shalt  }
0x68: {  	_ =	shalt  }
0x69: {  	_ =	shalt  }
0x6a: {  	_ =	shalt  }
0x6b: {  	_ =	shalt  }
0x6c: {  	_ =	shalt  }
0x6d: {  	_ =	shalt  }
0x6e: {  	_ =	shalt  }
0x6f: {  	_ =	shalt  }
0x70: {  	_ =	shalt  }
0x71: {  	_ =	shalt  }
0x72: {  	_ =	shalt  }
0x73: {  	_ =	shalt  }
0x74: {  	_ =	shalt  }
0x75: {  	_ =	shalt  }
0x76: {  	_ =	shalt  }
0x77: {  	_ =	shalt  }
0x78: {  	_ =	shalt  }
0x79: {  	_ =	shalt  }
0x7a: {  	_ =	shalt  }
0x7b: {  	_ =	shalt  }
0x7c: {  	_ =	shalt  }
0x7d: {  	_ =	shalt  }
0x7e: {  	_ =	shalt  }
0x7f: {  	_ =	shalt  }
0x80: {  	_ =	shalt  }
0x81: {  	_ =	shalt  }
0x82: {  	_ =	shalt  }
0x83: {  	_ =	shalt  }
0x84: {  	_ =	shalt  }
0x85: {  	_ =	shalt  }
0x86: {  	_ =	shalt  }
0x87: {  	_ =	shalt  }
.Lfunc_end0:
.L_simem_size_0:
called_computation.1_lowered:
.L_overlay_start_0:
0x88: {  	s2 =	sld [smem:$0x3FD9]  }
0x89: {  	s3 =	sld [smem:$0x3FFE];
	_ =	sdelay $0x1  }
0x8a: {  	s1 =	srdreg.scid  }
0x8b: {  	s0 =	sand.u32 $0x1, s1  }
0x8c: {  	s16 =	sshll.u32 s0, $0xA;
	s2 =	sadd.s32 s3, s2  }
0x8d: {  	s2 =	sadd.s32 s2, s16  }
0x8e: {  	[smem:$0x3FBE] =	sst s2  }
0x8f: {  	_ = 	snop  }
0x90: {  	(tm) =	ssettm $0x1  }
0x91: {  	s17 =	sld [smem:$0x3FFB];
	_ =	sdelay $0x3  }
0x92: {  	_ =	strace s17  }
0x93: {  	s2 =	sld [smem:$0x3FFC];
	_ =	sdelay $0x3  }
0x94: {  	_ =	strace s2  }
0x95: {  	s2 =	sld [smem:$0x3FFD];
	_ =	sdelay $0x3  }
0x96: {  	_ =	strace s2  }
0x97: {  	_ =	strace $0x8FFFFFFF  }
0x98: {  	s18 =	sld [smem:$0x3FDB];
	_ =	sdelay $0x1  }
0x99: {  	s19 =	simm.s32 $_scs_section_size  }
0x9a: {  	s4 =	simm.s32 $_size__tile_overlayer_lowered;
	s5 =	simm.s32 $_tile_overlayer_lowered  }
0x9b: {  	s22 =	simm.s32 $0x1BFF;
	s21 =	sshll.u32 s5, $0x1;
	s2 =	sadd.s32 s19, s18  }
0x9c: {  	s6 =	simm.s32 $0x0;
	s20 =	sshll.u32 s4, $0x1;
	s4 =	sadd.s32 s21, s2  }
0x9d: {  	[timem:s6], [sflag:s22] =	dma.local [hbm:s4], s20  }
0x9e: {  	_ =	swait.ge [sflag:s22], s20  }
0x9f: {  	s3 =	ssub.s32 $0x0, s20;
	[sflag:s22] =	ssyncset.done $0x0  }
0xa0: {  	[sflag:s22] =	ssyncadd.s32 s3;
	_ =	sdelay $0x1  }
0xa1: {  	s23 =	simm.s32 $0x1B8B  }
0xa2: {  	_ =	swait.ge [sflag:s23], $0x1  }
0xa3: {  	[sflag:s23] =	ssyncset.done $0x0  }
0xa4: {  	s25 =	simm.s32 $0x1B8E;
	s24 =	sld [smem:$0x3FFE];
	[sflag:s23] =	ssyncadd.s32 $0xFFFFFFFF  }
0xa5: {  	s26 =	simm.s32 $execute0_lowered;
	[smem:$0x3FD2] =	sst s25  }
0xa6: {  	s4 =	sshll.u32 s26, $0x1;
	_ =	strace $0x80000049;
	[dreg:$0x1] =	wrdreg $0xFFFFFFFF  }
0xa7: {  	s28 =	simm.s32 $_size_execute0_lowered;
	s2 =	sadd.s32 s2, s4;
	[dreg:$0x0] =	wrdreg $0x0  }
0xa8: {  	s4 =	sshll.u32 s28, $0x1;
	[dreg:$0x2] =	wrdreg s2  }
0xa9: {  	[dreg:$0x3] =	wrdreg s4  }
0xaa: {  	[dreg:$0x4] =	wrdreg $0xC0  }
0xab: {  	_ =	task [dreg:s6], $0x5FFFF  }
0xac: {  	[dreg:$0x1] =	wrdreg $0xFFFFFFFF  }
0xad: {  	[dreg:$0x0] =	wrdreg $0x60  }
0xae: {  	[dreg:$0x2] =	wrdreg s24  }
0xaf: {  	[dreg:$0x3] =	wrdreg $0xA8000  }
0xb0: {  	[dreg:$0x4] =	wrdreg $0x9  }
0xb1: {  	_ =	task.clear_ibuf [dreg:s6], $0x5FFFF;
	_ =	strace $0x90000049  }
0xb2: {  	s29 =	simm.s32 $0x9;
	_ =	strace $0x8000004B  }
0xb3: {  	_ =	swait.ge [sflag:s29], $0x1  }
0xb4: {  	[sflag:s29] =	ssyncadd.s32 $0xFFFFFFFF  }
0xb5: {  	_ =	strace $0x9000004B  }
0xb6: {  	_ =	sfence  }
0xb7: {  	s30 =	sld [smem:$0x0];
	_ =	sdelay $0x2  }
0xb8: {  	s31 =	sshll.u32 s1, $0xD;
	s1 =	sshrl.u32 s1, $0x2  }
0xb9: {  	s3 =	sand.u32 $0x4000, s31;
	s1 =	sadd.s32 s1, s30  }
0xba: {  	s0 =	sor.u32 s3, s0;
	s1 =	sshll.u32 s1, $0x11  }
0xbb: {  	s0 =	sor.u32 s1, s0  }
0xbc: {  	s0 =	sadd.s32 $0x8F2B, s0  }
0xbd: {  	[sflag:s0] =	ssyncadd.remote.s32 $0x1  }
0xbe: {  	_ =	sfence.sel $0xFFFF  }
0xbf: {  	[dreg:$0x0] =	wrdreg $0xFFFFFFFF;
	(pc) =	sbr.abs _section_cstart, $3  }
0xc0: {  	[dreg:$0x1] =	wrdreg $0xFFFFFFFF  }
0xc1: {  	_ =	task.clear_ibuf [dreg:s6], $0x2FFFF;
	_ =	strace $0x9FFFFFFF  }
0xc2: {  	(tm) =	ssettm $0x7FFFFFFF  }
0xc3: {  	_ =	shalt  }
tec
execute0_lowered:
.L_overlay_start_1:
0x0: {  	(tag) =	ssettag $0x1  }
0x1: {  	s10 =	rddreg [dreg:$0x0]  }
0x2: {  	s1 =	rddreg [dreg:$0x1]  }
0x3: {  	s0 =	rddreg [dreg:$0x2]  }
0x4: {  	s3 =	simm.s32 $0x0;
	s2 =	srdreg.scid;
	s17 =	simm.s32 $0x7D  }
0x5: {  	s18 =	simm.s32 $0x2800;
	s19 =	simm.s32 $0x80;
	s20 =	simm.s32 $0x6800  }
0x6: {  	s23 =	simm.s32 $0x1;
	s24 =	simm.s32 $0x2;
	s28 =	simm.s32 $0x0  }
0x7: {  	[smem:$0x7FF] =	sst s3;
	s8 =	sand.u32 $0x1, s2;
	s2 =	stileid.u32  }
0x8: {  	s4 =	sadd.s32 $0x1AC00, s10;
	s11 =	sadd.s32 $0x4400, s10;
	s21 =	sadd.s32 $0x128400, s1  }
0x9: {  	s12 =	sadd.s32 $0xE400, s10;
	s22 =	sadd.s32 $0x138800, s1;
	s6 =	smul.u32 $0x13C000, s8  }
0xa: {  	s5 =	sadd.s32 $0x18400, s10;
	_ =	strace $0x8000004A;
	s7 =	smul.u32 $0x13C00, s2  }
0xb: {  	s9 =	sshll.u32 s2, $0x1;
	s26 =	ssub.s32 $0x2, s8;
	s14 =	smul.u32 $0x4F000, s2  }
0xc: {  	s30 =	smul.u32 $0x2780, s2;
	p0 =	seq.s32 s8, $0x1;
	s25 =	sor.u32 s8, s9  }
0xd: {  	s29 =	sshrl.u32 s26, $0x1;
	p2 =	seq.s32 @!p0 s2, $0xF;
	s6 =	sadd.s32 s7, s6  }
0xe: {  	s7 =	smul.u32 $0x2800, s25;
	s15 =	ssub.s32 s26, s29;
	s14 =	sshrl.u32 s14, $0x2  }
0xf: {  	s9 =	sadd.s32 s4, s30;
	p1 =	por !p2, p0;
	p2 =	por p2, p0  }
0x10: {  	s25 =	simm.s32 $0x2700;
	s26 =	simm.s32 $0x2780;
	s6 =	sshrl.u32 s6, $0x3  }
0x11: {  	s8 =	sadd.s32 s14, s1;
	s14 =	smax.u32 s15, $0x1;
	s15 =	simm.s32 $0x3  }
0x12: {  	s21 =	sshrl.u32 @!p1 s21, $0x3;
	s22 =	sshrl.u32 @!p1 s22, $0x3;
	s16 =	sshrl.u32 s7, $0x3  }
0x13: {  	s13 =	sadd.s32 s6, s10;
	s10 =	sadd.s32 $0x3FC80, s10;
	s6 =	sadd.s32 s11, s16  }
0x14: {  	s7 =	sadd.s32 s12, s16;
	s31 =	sadd.s32 $0x280, s16;
	s13 =	sadd.s32 $0x41E00, s13  }
0x15: {  	s16 =	simm.s32 $0x1400;
	s11 =	sadd.s32 s11, s31;
	s12 =	sadd.s32 s12, s31  }
.LBB2_1:
0x16: {  	[tilespmem:s3], [sflag:$0x3] =	stream.linear.gather [hbm4b:s6+s3], $0x1400, $0x38;
	[tilespmem:$0x1E400] =	vst v63  }
0x17: {  	_ =	swait.ge [sflag:s15], $0x1400  }
0x18: {  	[sflag:s15] =	ssyncset.done $0x0  }
0x19: {  	[sflag:s15] =	ssyncadd.s32 $0xFFFFEC00  }
0x1a: {  	[tilespmem:s16], [sflag:$0x3] =	stream.linear.gather [hbm4b:s7+s3], $0x1400, $0x38;
	[tilespmem:$0x1E400] =	vst v63  }
0x1b: {  	_ =	swait.ge [sflag:s15], $0x1400  }
0x1c: {  	[sflag:s15] =	ssyncset.done $0x0  }
0x1d: {  	s29 =	sshll.u32 @p0 s2, $0x6;
	[sflag:s15] =	ssyncadd.s32 $0xFFFFEC00  }
0x1e: {  	[tilespmem:s18], [sflag:$0x1] =	stream.indirect.gather [hbm4b:s4+s17], $0x80, s3, s17, $0xb8;
	[tilespmem:$0x1E400] =	vst v63  }
0x1f: {  	s30 =	sshrl.u32 @p0 s8, $0x3;
	s29 =	sor.u32 @p0 $0x1C03, s29  }
0x20: {  	[tilespmem:s20], [sflag:$0x2] =	stream.indirect.gather [hbm4b:s4+s17], $0x80, s19, s17, $0xb8;
	[tilespmem:$0x1E400] =	vst v63  }
0x21: {  	[spmem:s30], [sflag:s29] =	dma.local @p0 [hbm:s5], $0x2780  }
0x22: {  	s29 =	simm.s32 @p0 $0x3  }
0x23: {  	_ =	swait.ge @p0 [sflag:s29], $0x2780  }
0x24: {  	[sflag:s29] =	ssyncset.done @p0 $0x0  }
0x25: {  	s30 =	simm.s32 @!p1 $0x3;
	[sflag:s29] =	ssyncadd.s32 @p0 $0xFFFFD880;
	s29 =	simm.s32 @!p1 $0x1FC3  }
0x26: {  	[spmem:s21], [sflag:s29] =	dma.local @!p1 [hbm:s10], $0x2080  }
0x27: {  	_ =	swait.ge @!p1 [sflag:s30], $0x2080  }
0x28: {  	[sflag:s30] =	ssyncset.done @!p1 $0x0  }
0x29: {  	[sflag:s30] =	ssyncadd.s32 @!p1 $0xFFFFDF80  }
0x2a: {  	[spmem:s22], [sflag:s29] =	dma.local @!p1 [hbm:s5], $0x700  }
0x2b: {  	_ =	swait.ge @!p1 [sflag:s30], $0x700  }
0x2c: {  	s29 =	sshll.u32 @!p2 s2, $0x6;
	[sflag:s30] =	ssyncset.done @!p1 $0x0  }
0x2d: {  	s29 =	sor.u32 @!p2 $0x1C03, s29;
	[sflag:s30] =	ssyncadd.s32 @!p1 $0xFFFFF900;
	s30 =	sshrl.u32 @!p2 s8, $0x3  }
0x2e: {  	[spmem:s30], [sflag:s29] =	dma.local @!p2 [hbm:s9], $0x2780  }
0x2f: {  	s29 =	simm.s32 @!p2 $0x3  }
0x30: {  	_ =	swait.ge @!p2 [sflag:s29], $0x2780  }
0x31: {  	[sflag:s29] =	ssyncset.done @!p2 $0x0  }
0x32: {  	[sflag:s29] =	ssyncadd.s32 @!p2 $0xFFFFD880  }
0x33: {  	[bflag:$0x0] =	sbarrier.arrive $0xFFFF  }
0x34: {  	_ =	swait.ge [sflag:s23], $0x3E80  }
0x35: {  	[sflag:s23] =	ssyncset.done $0x0  }
0x36: {  	s29 =	simm.s32 $0x1400;
	[sflag:s23] =	ssyncadd.s32 $0xFFFFC180  }
0x37: {  	[spmem:s1] =	stream.indirect.scatter.add.f32 [tilespmem:s18], [sflag:$0x3], $0x80, s29, s17, $0xb8;
	[tilespmem:$0x1E400] =	vst v63  }
0x38: {  	_ =	swait.ge [sflag:s15], $0x3E80  }
0x39: {  	[sflag:s15] =	ssyncset.done $0x0  }
0x3a: {  	s29 =	simm.s32 $0x100;
	[sflag:s15] =	ssyncadd.s32 $0xFFFFC180  }
0x3b: {  	[tilespmem:s18], [sflag:$0x1] =	stream.indirect.gather [hbm4b:s4+s17], $0x80, s29, s17, $0xb8;
	[tilespmem:$0x1E400] =	vst v63  }
0x3c: {  	_ =	swait.ge [sflag:s24], $0x3E80  }
0x3d: {  	[sflag:s24] =	ssyncset.done $0x0  }
0x3e: {  	s29 =	simm.s32 $0x1480;
	[sflag:s24] =	ssyncadd.s32 $0xFFFFC180  }
0x3f: {  	[spmem:s1] =	stream.indirect.scatter.add.f32 [tilespmem:s20], [sflag:$0x3], $0x80, s29, s17, $0xb8;
	[tilespmem:$0x1E400] =	vst v63  }
0x40: {  	_ =	swait.ge [sflag:s15], $0x3E80  }
0x41: {  	[sflag:s15] =	ssyncset.done $0x0  }
0x42: {  	s30 =	simm.s32 $0x180;
	s29 =	simm.s32 $0x400;
	[sflag:s15] =	ssyncadd.s32 $0xFFFFC180  }
.LBB2_2:
0x43: {  	[tilespmem:s20], [sflag:$0x2] =	stream.indirect.gather [hbm4b:s4+s17], $0x80, s30, s17, $0xb8;
	[tilespmem:$0x1E400] =	vst v63  }
0x44: {  	s30 =	smov.u32 s29  }
0x45: {  	p3 =	sne.s32 s29, $0x4800;
	s29 =	sadd.s32 $0x400, s29;
	_ =	swait.ge [sflag:s23], $0x3E80  }
0x46: {  	s30 =	sshra.s32 s30, $0x2;
	[sflag:s23] =	ssyncset.done $0x0  }
0x47: {  	s31 =	sadd.s32 $0x1400, s30;
	[sflag:s23] =	ssyncadd.s32 $0xFFFFC180  }
0x48: {  	[spmem:s1] =	stream.indirect.scatter.add.f32 [tilespmem:s18], [sflag:$0x3], $0x80, s31, s17, $0xb8;
	[tilespmem:$0x1E400] =	vst v63  }
0x49: {  	_ =	swait.ge [sflag:s15], $0x3E80  }
0x4a: {  	[sflag:s15] =	ssyncset.done $0x0  }
0x4b: {  	s31 =	sadd.s32 $0x100, s30;
	[sflag:s15] =	ssyncadd.s32 $0xFFFFC180  }
0x4c: {  	[tilespmem:s18], [sflag:$0x1] =	stream.indirect.gather [hbm4b:s4+s17], $0x80, s31, s17, $0xb8;
	[tilespmem:$0x1E400] =	vst v63  }
0x4d: {  	_ =	swait.ge [sflag:s24], $0x3E80  }
0x4e: {  	[sflag:s24] =	ssyncset.done $0x0  }
.Ltmp0:
0x4f: {  	s31 =	sadd.s32 $0x1480, s30;
	[sflag:s24] =	ssyncadd.s32 $0xFFFFC180;
	(pc) =	sbr.rel @p3 .LBB2_2-.Ltmp0, $4  }
0x50: {  	[spmem:s1] =	stream.indirect.scatter.add.f32 [tilespmem:s20], [sflag:$0x3], $0x80, s31, s17, $0xb8;
	[tilespmem:$0x1E400] =	vst v63  }
0x51: {  	_ =	swait.ge [sflag:s15], $0x3E80  }
0x52: {  	[sflag:s15] =	ssyncset.done $0x0  }
0x53: {  	s30 =	sadd.s32 $0x180, s30;
	[sflag:s15] =	ssyncadd.s32 $0xFFFFC180  }
0x54: {  	[tilespmem:s20], [sflag:$0x2] =	stream.indirect.gather [hbm4b:s4+s17], $0x80, s30, s17, $0xb8;
	[tilespmem:$0x1E400] =	vst v63  }
0x55: {  	_ =	swait.ge [sflag:s23], $0x3E80  }
0x56: {  	[sflag:s23] =	ssyncset.done $0x0  }
0x57: {  	[sflag:s23] =	ssyncadd.s32 $0xFFFFC180  }
0x58: {  	[spmem:s1] =	stream.indirect.scatter.add.f32 [tilespmem:s18], [sflag:$0x3], $0x80, s25, s17, $0xb8;
	[tilespmem:$0x1E400] =	vst v63  }
0x59: {  	_ =	swait.ge [sflag:s15], $0x3E80  }
0x5a: {  	[sflag:s15] =	ssyncset.done $0x0  }
0x5b: {  	[sflag:s15] =	ssyncadd.s32 $0xFFFFC180  }
0x5c: {  	_ =	swait.ge [sflag:s24], $0x3E80  }
0x5d: {  	[sflag:s24] =	ssyncset.done $0x0  }
0x5e: {  	[sflag:s24] =	ssyncadd.s32 $0xFFFFC180  }
0x5f: {  	[spmem:s1] =	stream.indirect.scatter.add.f32 [tilespmem:s20], [sflag:$0x3], $0x80, s26, s17, $0xb8;
	[tilespmem:$0x1E400] =	vst v63  }
0x60: {  	_ =	swait.ge [sflag:s15], $0x3E80  }
0x61: {  	[sflag:s15] =	ssyncset.done $0x0  }
0x62: {  	s29 =	simm.s32 $0x0;
	[sflag:s15] =	ssyncadd.s32 $0xFFFFC180  }
0x63: {  	[tilespmem:s29], [sflag:$0x3] =	stream.linear.gather [hbm4b:s11+s29], $0x1400, $0x38;
	[tilespmem:$0x1E400] =	vst v63  }
0x64: {  	_ =	swait.ge [sflag:s15], $0x1400  }
0x65: {  	[sflag:s15] =	ssyncset.done $0x0  }
0x66: {  	[sflag:s15] =	ssyncadd.s32 $0xFFFFEC00  }
0x67: {  	[tilespmem:s16], [sflag:$0x3] =	stream.linear.gather [hbm4b:s12+s29], $0x1400, $0x38;
	[tilespmem:$0x1E400] =	vst v63  }
0x68: {  	_ =	swait.ge [sflag:s15], $0x1400  }
0x69: {  	[sflag:s15] =	ssyncset.done $0x0  }
0x6a: {  	[sflag:s15] =	ssyncadd.s32 $0xFFFFEC00  }
0x6b: {  	[tilespmem:s18], [sflag:$0x1] =	stream.indirect.gather [hbm4b:s4+s17], $0x80, s29, s17, $0xb8;
	[tilespmem:$0x1E400] =	vst v63  }
0x6c: {  	_ = 	snop  }
0x6d: {  	[tilespmem:s20], [sflag:$0x2] =	stream.indirect.gather [hbm4b:s4+s17], $0x80, s19, s17, $0xb8;
	[tilespmem:$0x1E400] =	vst v63  }
0x6e: {  	_ =	swait.ge [sflag:s23], $0x3E80  }
0x6f: {  	[sflag:s23] =	ssyncset.done $0x0  }
0x70: {  	s29 =	simm.s32 $0x1400;
	[sflag:s23] =	ssyncadd.s32 $0xFFFFC180  }
0x71: {  	[spmem:s1] =	stream.indirect.scatter.add.f32 [tilespmem:s18], [sflag:$0x3], $0x80, s29, s17, $0xb8;
	[tilespmem:$0x1E400] =	vst v63  }
0x72: {  	_ =	swait.ge [sflag:s15], $0x3E80  }
0x73: {  	[sflag:s15] =	ssyncset.done $0x0  }
0x74: {  	s29 =	simm.s32 $0x100;
	[sflag:s15] =	ssyncadd.s32 $0xFFFFC180  }
0x75: {  	[tilespmem:s18], [sflag:$0x1] =	stream.indirect.gather [hbm4b:s4+s17], $0x80, s29, s17, $0xb8;
	[tilespmem:$0x1E400] =	vst v63  }
0x76: {  	_ =	swait.ge [sflag:s24], $0x3E80  }
0x77: {  	[sflag:s24] =	ssyncset.done $0x0  }
0x78: {  	s29 =	simm.s32 $0x1480;
	[sflag:s24] =	ssyncadd.s32 $0xFFFFC180  }
0x79: {  	[spmem:s1] =	stream.indirect.scatter.add.f32 [tilespmem:s20], [sflag:$0x3], $0x80, s29, s17, $0xb8;
	[tilespmem:$0x1E400] =	vst v63  }
0x7a: {  	_ =	swait.ge [sflag:s15], $0x3E80  }
0x7b: {  	[sflag:s15] =	ssyncset.done $0x0  }
0x7c: {  	s30 =	simm.s32 $0x180;
	s29 =	simm.s32 $0x400;
	[sflag:s15] =	ssyncadd.s32 $0xFFFFC180  }
.LBB2_4:
0x7d: {  	[tilespmem:s20], [sflag:$0x2] =	stream.indirect.gather [hbm4b:s4+s17], $0x80, s30, s17, $0xb8;
	[tilespmem:$0x1E400] =	vst v63  }
0x7e: {  	s30 =	smov.u32 s29  }
0x7f: {  	p3 =	sne.s32 s29, $0x4800;
	s29 =	sadd.s32 $0x400, s29;
	_ =	swait.ge [sflag:s23], $0x3E80  }
0x80: {  	s30 =	sshra.s32 s30, $0x2;
	[sflag:s23] =	ssyncset.done $0x0  }
0x81: {  	s31 =	sadd.s32 $0x1400, s30;
	[sflag:s23] =	ssyncadd.s32 $0xFFFFC180  }
0x82: {  	[spmem:s1] =	stream.indirect.scatter.add.f32 [tilespmem:s18], [sflag:$0x3], $0x80, s31, s17, $0xb8;
	[tilespmem:$0x1E400] =	vst v63  }
0x83: {  	_ =	swait.ge [sflag:s15], $0x3E80  }
0x84: {  	[sflag:s15] =	ssyncset.done $0x0  }
0x85: {  	s31 =	sadd.s32 $0x100, s30;
	[sflag:s15] =	ssyncadd.s32 $0xFFFFC180  }
0x86: {  	[tilespmem:s18], [sflag:$0x1] =	stream.indirect.gather [hbm4b:s4+s17], $0x80, s31, s17, $0xb8;
	[tilespmem:$0x1E400] =	vst v63  }
0x87: {  	_ =	swait.ge [sflag:s24], $0x3E80  }
0x88: {  	[sflag:s24] =	ssyncset.done $0x0  }
.Ltmp1:
0x89: {  	s31 =	sadd.s32 $0x1480, s30;
	[sflag:s24] =	ssyncadd.s32 $0xFFFFC180;
	(pc) =	sbr.rel @p3 .LBB2_4-.Ltmp1, $4  }
0x8a: {  	[spmem:s1] =	stream.indirect.scatter.add.f32 [tilespmem:s20], [sflag:$0x3], $0x80, s31, s17, $0xb8;
	[tilespmem:$0x1E400] =	vst v63  }
0x8b: {  	_ =	swait.ge [sflag:s15], $0x3E80  }
0x8c: {  	[sflag:s15] =	ssyncset.done $0x0  }
0x8d: {  	s30 =	sadd.s32 $0x180, s30;
	[sflag:s15] =	ssyncadd.s32 $0xFFFFC180  }
0x8e: {  	[tilespmem:s20], [sflag:$0x2] =	stream.indirect.gather [hbm4b:s4+s17], $0x80, s30, s17, $0xb8;
	[tilespmem:$0x1E400] =	vst v63  }
0x8f: {  	_ =	swait.ge [sflag:s23], $0x3E80  }
0x90: {  	[sflag:s23] =	ssyncset.done $0x0  }
0x91: {  	[sflag:s23] =	ssyncadd.s32 $0xFFFFC180  }
0x92: {  	[spmem:s1] =	stream.indirect.scatter.add.f32 [tilespmem:s18], [sflag:$0x3], $0x80, s25, s17, $0xb8;
	[tilespmem:$0x1E400] =	vst v63  }
0x93: {  	_ =	swait.ge [sflag:s15], $0x3E80  }
0x94: {  	[sflag:s15] =	ssyncset.done $0x0  }
0x95: {  	[sflag:s15] =	ssyncadd.s32 $0xFFFFC180  }
0x96: {  	_ =	swait.ge [sflag:s24], $0x3E80  }
0x97: {  	[sflag:s24] =	ssyncset.done $0x0  }
0x98: {  	[sflag:s24] =	ssyncadd.s32 $0xFFFFC180  }
0x99: {  	[spmem:s1] =	stream.indirect.scatter.add.f32 [tilespmem:s20], [sflag:$0x3], $0x80, s26, s17, $0xb8;
	[tilespmem:$0x1E400] =	vst v63  }
0x9a: {  	_ =	swait.ge [sflag:s15], $0x3E80  }
0x9b: {  	s29 =	sshll.u32 s2, $0x6;
	s28 =	sadd.s32 $0x1, s28;
	[sflag:s15] =	ssyncset.done $0x0  }
0x9c: {  	s31 =	sshrl.u32 s8, $0x3;
	p3 =	sne.s32 s28, s14;
	[sflag:s15] =	ssyncadd.s32 $0xFFFFC180  }
.Ltmp2:
0x9d: {  	s29 =	sor.u32 $0x1C03, s29;
	[bflag:$0x0] =	sbarrier.arrive $0xFFFF;
	(pc) =	sbr.rel @p3 .LBB2_1-.Ltmp2, $4  }
0x9e: {  	[hbm:s13], [sflag:s29] =	dma.local [spmem:s31], $0x2780  }
0x9f: {  	_ =	swait.ge [sflag:s15], $0x2780  }
0xa0: {  	[sflag:s15] =	ssyncset.done $0x0  }
0xa1: {  	[sflag:s15] =	ssyncadd.s32 $0xFFFFD880  }
0xa2: {  	_ =	sfence.sel $0x180000  }
0xa3: {  	[bflag:$0x0] =	sbarrier.arrive $0xFFFF  }
0xa4: {  	p0 =	sne.s32 s2, $0x0;
	_ =	strace $0x9000004A  }
0xa5: {  	s0 =	sadd.s32 @!p0 $0x100000, s0;
	[bflag:$0x2] =	sbarrier.arrive $0xFFFF  }
0xa6: {  	[sflag:s0] =	ssyncadd.tile.s32 @!p0 $0x1;
	_ =	shalt  }
.Lfunc_end2:
_tile_overlayer_lowered:
.L_overlay_start_2:
0xa7: {  	(tag) =	ssettag $0x2  }
0xa8: {  	s0 =	rddreg [dreg:$0x0];
	s2 =	stileid.u32  }
0xa9: {  	s1 =	rddreg [dreg:$0x1];
	p0 =	sne.s32 s2, $0x0  }
0xaa: {  	s3 =	rddreg [dreg:$0x2];
	[bflag:$0x3] =	sbarrier.arrive $0xFFFF;
	s2 =	simm.s32 @!p0 $0x1C03  }
0xab: {  	[timem:s3], [sflag:s2] =	dma.local @!p0 [hbm:s0], s1  }
0xac: {  	s0 =	simm.s32 @!p0 $0x3  }
0xad: {  	_ =	swait.ge @!p0 [sflag:s0], s1  }
0xae: {  	s1 =	ssub.s32 @!p0 $0x0, s1;
	[sflag:s0] =	ssyncset.done @!p0 $0x0  }
0xaf: {  	[sflag:s0] =	ssyncadd.s32 @!p0 s1  }
0xb0: {  	[bflag:$0x3] =	sbarrier.arrive $0xFFFF  }
0xb1: {  	_ =	shalt  }

// kernel: kernel.18.cloned.1.call-start
scs
__scs_entry_jumppad:
0x0: {  	(pc) =	sbr.rel $0x88, $3  }
0x1: {  	(tag) =	ssettag $0x0;
	lr =	simm.s32 $0x1  }
0x2: {  	[smem:$0x3F97] =	sst lr;
	_ =	strace $0xD0000000  }
0x3: {  	_ = 	snop  }
0x4: {  	_ = 	snop  }
0x5: {  	_ = 	snop  }
0x6: {  	_ = 	snop  }
0x7: {  	_ = 	snop  }
__scs_overlays_trampoline_lowered:
0x8: {  	[smem:$0x3FA6] =	sst s0  }
0x9: {  	[smem:$0x3FA7] =	sst s1  }
0xa: {  	[smem:$0x3FA8] =	sst s2  }
0xb: {  	[smem:$0x3FA9] =	sst s3  }
0xc: {  	[smem:$0x3FAA] =	sst s4  }
0xd: {  	[smem:$0x3FAB] =	sst s5  }
0xe: {  	[smem:$0x3FAC] =	sst s6  }
0xf: {  	[smem:$0x3FAD] =	sst s7  }
0x10: {  	[smem:$0x3FAE] =	sst s8  }
0x11: {  	[smem:$0x3FAF] =	sst s9;
	s0 =	simm.s32 @!p0 $0x0  }
0x12: {  	s1 =	sld [smem:$0x3F95];
	s0 =	simm.s32 @p0 $0x1  }
0x13: {  	[smem:$0x3FB0] =	sst s0;
	s0 =	simm.s32 @!p1 $0x0  }
0x14: {  	s2 =	sld [smem:$0x3F94];
	s0 =	simm.s32 @p1 $0x1  }
0x15: {  	[smem:$0x3FB1] =	sst s0;
	s0 =	simm.s32 @!p2 $0x0  }
0x16: {  	s3 =	sld [smem:$0x3FDB];
	s0 =	simm.s32 @p2 $0x1  }
0x17: {  	s4 =	simm.s32 $0x1BF5;
	[smem:$0x3FB3] =	sst s0  }
0x18: {  	s0 =	sld [smem:$0x3F96];
	_ =	swait.ge [sflag:s4], $0x0  }
0x19: {  	s7 =	sld [smem:$0x3F97]  }
0x1a: {  	s8 =	sadd.s32 $0xFFFFE003, lr  }
0x1b: {  	s9 =	sadd.s32 $0xFFFFFEF7, lr;
	s5 =	simm.s32 $0xFFFFFFFF;
	p2 =	slt.u32 s8, $0xFFFFF086  }
0x1c: {  	p1 =	slt.u32 s9, $0xF7A;
	s5 =	simm.s32 @!p2 $0x0  }
0x1d: {  	s5 =	simm.s32 @p1 $0x1;
	p0 =	seq.s32 s7, s2  }
0x1e: {  	s7 =	smul.u32 @!p0 $0xF7A, s2;
	p2 =	seq.s32 @!p0 s5, $0x0  }
0x1f: {  	s9 =	smul.u32 $0xF7A, s1;
	s8 =	simm.s32 @!p0 $0x1BF5;
	p2 =	por !p2, p0  }
0x20: {  	[sflag:s8] =	ssyncset.s32 @!p0 $0xFFFFF086;
	s6 =	sadd.s32 @!p0 s3, s7;
	s7 =	simm.s32 @!p0 $0x108  }
0x21: {  	s3 =	sadd.s32 s3, s9;
	s6 =	sadd.s32 @!p0 $0x88, s6;
	s7 =	simm.s32 @p2 $0x1082  }
0x22: {  	[simem:s7], [sflag:s8] =	dma.local @!p0 [hbm:s6], $0xF7A  }
0x23: {  	s9 =	sor.u32 $0xD0000000, s2;
	s6 =	simm.s32 $0x108;
	_ =	swait.ge @!p0 [sflag:s8], $0x0  }
0x24: {  	s3 =	sadd.s32 $0x88, s3;
	s6 =	simm.s32 @!p1 $0x1082;
	[sflag:s4] =	ssyncset.s32 $0xFFFFF086  }
0x25: {  	[simem:s6], [sflag:s4] =	dma.local [hbm:s3], $0xF7A  }
0x26: {  	[smem:$0x3F97] =	sst s1;
	(tag) =	ssettag s2;
	_ =	strace s9  }
0x27: {  	s1 =	sld [smem:$0x3FA7]  }
0x28: {  	s2 =	sld [smem:$0x3FA8]  }
0x29: {  	s4 =	sld [smem:$0x3FAA]  }
0x2a: {  	p0 =	seq.s32 s5, $0x0;
	s5 =	sld [smem:$0x3FAB]  }
0x2b: {  	s6 =	sld [smem:$0x3FAC]  }
0x2c: {  	s7 =	sld [smem:$0x3FAD]  }
0x2d: {  	s3 =	simm.s32 $0x108;
	s8 =	sld [smem:$0x3FAE]  }
0x2e: {  	s3 =	simm.s32 @!p0 $0x1082;
	s9 =	sld [smem:$0x3FAF]  }
0x2f: {  	lr =	sadd.s32 s0, s3;
	s0 =	sld [smem:$0x3FA6]  }
0x30: {  	s3 =	sld [smem:$0x3FA9]  }
0x31: {  	[smem:$0x3FB2] =	sst s10  }
0x32: {  	s10 =	sld [smem:$0x3FB0];
	_ =	sdelay $0x3  }
0x33: {  	p0 =	seq.s32 s10, $0x1;
	s10 =	sld [smem:$0x3FB2];
	_ =	sdelay $0x3  }
0x34: {  	[smem:$0x3FB2] =	sst s10  }
0x35: {  	s10 =	sld [smem:$0x3FB1];
	_ =	sdelay $0x3  }
0x36: {  	p1 =	seq.s32 s10, $0x1;
	s10 =	sld [smem:$0x3FB2];
	_ =	sdelay $0x3  }
0x37: {  	[smem:$0x3FB2] =	sst s10  }
0x38: {  	s10 =	sld [smem:$0x3FB3]  }
0x39: {  	_ = 	snop;
	(pc) =	sbr.ind lr, $3  }
0x3a: {  	_ = 	snop  }
0x3b: {  	_ = 	snop  }
0x3c: {  	p2 =	seq.s32 s10, $0x1;
	s10 =	sld [smem:$0x3FB2]  }
0x3d: {  	_ =	shalt  }
0x3e: {  	_ =	shalt  }
0x3f: {  	_ =	shalt  }
0x40: {  	_ =	shalt  }
0x41: {  	_ =	shalt  }
0x42: {  	_ =	shalt  }
0x43: {  	_ =	shalt  }
0x44: {  	_ =	shalt  }
0x45: {  	_ =	shalt  }
0x46: {  	_ =	shalt  }
0x47: {  	_ =	shalt  }
0x48: {  	_ =	shalt  }
0x49: {  	_ =	shalt  }
0x4a: {  	_ =	shalt  }
0x4b: {  	_ =	shalt  }
0x4c: {  	_ =	shalt  }
0x4d: {  	_ =	shalt  }
0x4e: {  	_ =	shalt  }
0x4f: {  	_ =	shalt  }
0x50: {  	_ =	shalt  }
0x51: {  	_ =	shalt  }
0x52: {  	_ =	shalt  }
0x53: {  	_ =	shalt  }
0x54: {  	_ =	shalt  }
0x55: {  	_ =	shalt  }
0x56: {  	_ =	shalt  }
0x57: {  	_ =	shalt  }
0x58: {  	_ =	shalt  }
0x59: {  	_ =	shalt  }
0x5a: {  	_ =	shalt  }
0x5b: {  	_ =	shalt  }
0x5c: {  	_ =	shalt  }
0x5d: {  	_ =	shalt  }
0x5e: {  	_ =	shalt  }
0x5f: {  	_ =	shalt  }
0x60: {  	_ =	shalt  }
0x61: {  	_ =	shalt  }
0x62: {  	_ =	shalt  }
0x63: {  	_ =	shalt  }
0x64: {  	_ =	shalt  }
0x65: {  	_ =	shalt  }
0x66: {  	_ =	shalt  }
0x67: {  	_ =	shalt  }
0x68: {  	_ =	shalt  }
0x69: {  	_ =	shalt  }
0x6a: {  	_ =	shalt  }
0x6b: {  	_ =	shalt  }
0x6c: {  	_ =	shalt  }
0x6d: {  	_ =	shalt  }
0x6e: {  	_ =	shalt  }
0x6f: {  	_ =	shalt  }
0x70: {  	_ =	shalt  }
0x71: {  	_ =	shalt  }
0x72: {  	_ =	shalt  }
0x73: {  	_ =	shalt  }
0x74: {  	_ =	shalt  }
0x75: {  	_ =	shalt  }
0x76: {  	_ =	shalt  }
0x77: {  	_ =	shalt  }
0x78: {  	_ =	shalt  }
0x79: {  	_ =	shalt  }
0x7a: {  	_ =	shalt  }
0x7b: {  	_ =	shalt  }
0x7c: {  	_ =	shalt  }
0x7d: {  	_ =	shalt  }
0x7e: {  	_ =	shalt  }
0x7f: {  	_ =	shalt  }
0x80: {  	_ =	shalt  }
0x81: {  	_ =	shalt  }
0x82: {  	_ =	shalt  }
0x83: {  	_ =	shalt  }
0x84: {  	_ =	shalt  }
0x85: {  	_ =	shalt  }
0x86: {  	_ =	shalt  }
0x87: {  	_ =	shalt  }
.Lfunc_end0:
.L_simem_size_0:
called_computation.2_lowered:
.L_overlay_start_0:
0x88: {  	s2 =	sld [smem:$0x3FD9]  }
0x89: {  	s3 =	sld [smem:$0x3FFE];
	_ =	sdelay $0x1  }
0x8a: {  	s1 =	srdreg.scid  }
0x8b: {  	s0 =	sand.u32 $0x1, s1  }
0x8c: {  	s16 =	sshll.u32 s0, $0xA;
	s2 =	sadd.s32 s3, s2  }
0x8d: {  	s2 =	sadd.s32 s2, s16  }
0x8e: {  	[smem:$0x3FBE] =	sst s2  }
0x8f: {  	_ = 	snop  }
0x90: {  	(tm) =	ssettm $0x1  }
0x91: {  	s17 =	sld [smem:$0x3FFB];
	_ =	sdelay $0x3  }
0x92: {  	_ =	strace s17  }
0x93: {  	s2 =	sld [smem:$0x3FFC];
	_ =	sdelay $0x3  }
0x94: {  	_ =	strace s2  }
0x95: {  	s2 =	sld [smem:$0x3FFD];
	_ =	sdelay $0x3  }
0x96: {  	_ =	strace s2  }
0x97: {  	_ =	strace $0x8FFFFFFF  }
0x98: {  	s18 =	sld [smem:$0x3FDB];
	_ =	sdelay $0x1  }
0x99: {  	s19 =	simm.s32 $_scs_section_size  }
0x9a: {  	s4 =	simm.s32 $_size__tile_overlayer_lowered;
	s5 =	simm.s32 $_tile_overlayer_lowered  }
0x9b: {  	s22 =	simm.s32 $0x1BFF;
	s21 =	sshll.u32 s5, $0x1;
	s2 =	sadd.s32 s19, s18  }
0x9c: {  	s6 =	simm.s32 $0x0;
	s20 =	sshll.u32 s4, $0x1;
	s4 =	sadd.s32 s21, s2  }
0x9d: {  	[timem:s6], [sflag:s22] =	dma.local [hbm:s4], s20  }
0x9e: {  	_ =	swait.ge [sflag:s22], s20  }
0x9f: {  	s3 =	ssub.s32 $0x0, s20;
	[sflag:s22] =	ssyncset.done $0x0  }
0xa0: {  	[sflag:s22] =	ssyncadd.s32 s3;
	_ =	sdelay $0x1  }
0xa1: {  	s23 =	simm.s32 $0x1B8B  }
0xa2: {  	_ =	swait.ge [sflag:s23], $0x1  }
0xa3: {  	[sflag:s23] =	ssyncset.done $0x0  }
0xa4: {  	s25 =	simm.s32 $0x1B8E;
	s24 =	sld [smem:$0x3FFE];
	[sflag:s23] =	ssyncadd.s32 $0xFFFFFFFF  }
0xa5: {  	s26 =	simm.s32 $execute0_lowered;
	[smem:$0x3FD2] =	sst s25  }
0xa6: {  	s4 =	sshll.u32 s26, $0x1;
	_ =	strace $0x8000004C;
	[dreg:$0x1] =	wrdreg $0xFFFFFFFF  }
0xa7: {  	s28 =	simm.s32 $_size_execute0_lowered;
	s2 =	sadd.s32 s2, s4;
	[dreg:$0x0] =	wrdreg $0x0  }
0xa8: {  	s4 =	sshll.u32 s28, $0x1;
	[dreg:$0x2] =	wrdreg s2  }
0xa9: {  	[dreg:$0x3] =	wrdreg s4  }
0xaa: {  	[dreg:$0x4] =	wrdreg $0xC0  }
0xab: {  	_ =	task [dreg:s6], $0x5FFFF  }
0xac: {  	[dreg:$0x1] =	wrdreg $0xFFFFFFFF  }
0xad: {  	[dreg:$0x0] =	wrdreg $0x60  }
0xae: {  	[dreg:$0x2] =	wrdreg s24  }
0xaf: {  	[dreg:$0x3] =	wrdreg $0xA8000  }
0xb0: {  	[dreg:$0x4] =	wrdreg $0x9  }
0xb1: {  	_ =	task.clear_ibuf [dreg:s6], $0x5FFFF;
	_ =	strace $0x9000004C  }
0xb2: {  	s29 =	simm.s32 $0x9;
	_ =	strace $0x8000004E  }
0xb3: {  	_ =	swait.ge [sflag:s29], $0x1  }
0xb4: {  	[sflag:s29] =	ssyncadd.s32 $0xFFFFFFFF  }
0xb5: {  	_ =	strace $0x9000004E  }
0xb6: {  	_ =	sfence  }
0xb7: {  	s30 =	sld [smem:$0x0];
	_ =	sdelay $0x2  }
0xb8: {  	s31 =	sshll.u32 s1, $0xD;
	s1 =	sshrl.u32 s1, $0x2  }
0xb9: {  	s3 =	sand.u32 $0x4000, s31;
	s1 =	sadd.s32 s1, s30  }
0xba: {  	s0 =	sor.u32 s3, s0;
	s1 =	sshll.u32 s1, $0x11  }
0xbb: {  	s0 =	sor.u32 s1, s0  }
0xbc: {  	s0 =	sadd.s32 $0x8F2B, s0  }
0xbd: {  	[sflag:s0] =	ssyncadd.remote.s32 $0x1  }
0xbe: {  	_ =	sfence.sel $0xFFFF  }
0xbf: {  	[dreg:$0x0] =	wrdreg $0xFFFFFFFF;
	(pc) =	sbr.abs _section_cstart, $3  }
0xc0: {  	[dreg:$0x1] =	wrdreg $0xFFFFFFFF  }
0xc1: {  	_ =	task.clear_ibuf [dreg:s6], $0x2FFFF;
	_ =	strace $0x9FFFFFFF  }
0xc2: {  	(tm) =	ssettm $0x7FFFFFFF  }
0xc3: {  	_ =	shalt  }
tec
execute0_lowered:
.L_overlay_start_1:
0x0: {  	(tag) =	ssettag $0x1  }
0x1: {  	s10 =	rddreg [dreg:$0x0]  }
0x2: {  	s1 =	rddreg [dreg:$0x1]  }
0x3: {  	s0 =	rddreg [dreg:$0x2]  }
0x4: {  	s3 =	simm.s32 $0x0;
	s2 =	srdreg.scid;
	s17 =	simm.s32 $0x7D  }
0x5: {  	s18 =	simm.s32 $0x2800;
	s19 =	simm.s32 $0x80;
	s20 =	simm.s32 $0x6800  }
0x6: {  	s23 =	simm.s32 $0x1;
	s24 =	simm.s32 $0x2;
	s28 =	simm.s32 $0x0  }
0x7: {  	[smem:$0x7FF] =	sst s3;
	s8 =	sand.u32 $0x1, s2;
	s2 =	stileid.u32  }
0x8: {  	s4 =	sadd.s32 $0x1AC00, s10;
	s11 =	sadd.s32 $0x4400, s10;
	s21 =	sadd.s32 $0x128400, s1  }
0x9: {  	s12 =	sadd.s32 $0xE400, s10;
	s22 =	sadd.s32 $0x138800, s1;
	s6 =	smul.u32 $0x13C000, s8  }
0xa: {  	s5 =	sadd.s32 $0x18400, s10;
	_ =	strace $0x8000004D;
	s7 =	smul.u32 $0x13C00, s2  }
0xb: {  	s9 =	sshll.u32 s2, $0x1;
	s26 =	ssub.s32 $0x2, s8;
	s14 =	smul.u32 $0x4F000, s2  }
0xc: {  	s30 =	smul.u32 $0x2780, s2;
	p0 =	seq.s32 s8, $0x1;
	s25 =	sor.u32 s8, s9  }
0xd: {  	s29 =	sshrl.u32 s26, $0x1;
	p2 =	seq.s32 @!p0 s2, $0xF;
	s6 =	sadd.s32 s7, s6  }
0xe: {  	s7 =	smul.u32 $0x2800, s25;
	s15 =	ssub.s32 s26, s29;
	s14 =	sshrl.u32 s14, $0x2  }
0xf: {  	s9 =	sadd.s32 s4, s30;
	p1 =	por !p2, p0;
	p2 =	por p2, p0  }
0x10: {  	s25 =	simm.s32 $0x2700;
	s26 =	simm.s32 $0x2780;
	s6 =	sshrl.u32 s6, $0x3  }
0x11: {  	s8 =	sadd.s32 s14, s1;
	s14 =	smax.u32 s15, $0x1;
	s15 =	simm.s32 $0x3  }
0x12: {  	s21 =	sshrl.u32 @!p1 s21, $0x3;
	s22 =	sshrl.u32 @!p1 s22, $0x3;
	s16 =	sshrl.u32 s7, $0x3  }
0x13: {  	s13 =	sadd.s32 s6, s10;
	s10 =	sadd.s32 $0x3FC80, s10;
	s6 =	sadd.s32 s11, s16  }
0x14: {  	s7 =	sadd.s32 s12, s16;
	s31 =	sadd.s32 $0x280, s16;
	s13 =	sadd.s32 $0x41E00, s13  }
0x15: {  	s16 =	simm.s32 $0x1400;
	s11 =	sadd.s32 s11, s31;
	s12 =	sadd.s32 s12, s31  }
.LBB2_1:
0x16: {  	[tilespmem:s3], [sflag:$0x3] =	stream.linear.gather [hbm4b:s6+s3], $0x1400, $0x38;
	[tilespmem:$0x1E400] =	vst v63  }
0x17: {  	_ =	swait.ge [sflag:s15], $0x1400  }
0x18: {  	[sflag:s15] =	ssyncset.done $0x0  }
0x19: {  	[sflag:s15] =	ssyncadd.s32 $0xFFFFEC00  }
0x1a: {  	[tilespmem:s16], [sflag:$0x3] =	stream.linear.gather [hbm4b:s7+s3], $0x1400, $0x38;
	[tilespmem:$0x1E400] =	vst v63  }
0x1b: {  	_ =	swait.ge [sflag:s15], $0x1400  }
0x1c: {  	[sflag:s15] =	ssyncset.done $0x0  }
0x1d: {  	s29 =	sshll.u32 @p0 s2, $0x6;
	[sflag:s15] =	ssyncadd.s32 $0xFFFFEC00  }
0x1e: {  	[tilespmem:s18], [sflag:$0x1] =	stream.indirect.gather [hbm4b:s4+s17], $0x80, s3, s17, $0xb8;
	[tilespmem:$0x1E400] =	vst v63  }
0x1f: {  	s30 =	sshrl.u32 @p0 s8, $0x3;
	s29 =	sor.u32 @p0 $0x1C03, s29  }
0x20: {  	[tilespmem:s20], [sflag:$0x2] =	stream.indirect.gather [hbm4b:s4+s17], $0x80, s19, s17, $0xb8;
	[tilespmem:$0x1E400] =	vst v63  }
0x21: {  	[spmem:s30], [sflag:s29] =	dma.local @p0 [hbm:s5], $0x2780  }
0x22: {  	s29 =	simm.s32 @p0 $0x3  }
0x23: {  	_ =	swait.ge @p0 [sflag:s29], $0x2780  }
0x24: {  	[sflag:s29] =	ssyncset.done @p0 $0x0  }
0x25: {  	s30 =	simm.s32 @!p1 $0x3;
	[sflag:s29] =	ssyncadd.s32 @p0 $0xFFFFD880;
	s29 =	simm.s32 @!p1 $0x1FC3  }
0x26: {  	[spmem:s21], [sflag:s29] =	dma.local @!p1 [hbm:s10], $0x2080  }
0x27: {  	_ =	swait.ge @!p1 [sflag:s30], $0x2080  }
0x28: {  	[sflag:s30] =	ssyncset.done @!p1 $0x0  }
0x29: {  	[sflag:s30] =	ssyncadd.s32 @!p1 $0xFFFFDF80  }
0x2a: {  	[spmem:s22], [sflag:s29] =	dma.local @!p1 [hbm:s5], $0x700  }
0x2b: {  	_ =	swait.ge @!p1 [sflag:s30], $0x700  }
0x2c: {  	s29 =	sshll.u32 @!p2 s2, $0x6;
	[sflag:s30] =	ssyncset.done @!p1 $0x0  }
0x2d: {  	s29 =	sor.u32 @!p2 $0x1C03, s29;
	[sflag:s30] =	ssyncadd.s32 @!p1 $0xFFFFF900;
	s30 =	sshrl.u32 @!p2 s8, $0x3  }
0x2e: {  	[spmem:s30], [sflag:s29] =	dma.local @!p2 [hbm:s9], $0x2780  }
0x2f: {  	s29 =	simm.s32 @!p2 $0x3  }
0x30: {  	_ =	swait.ge @!p2 [sflag:s29], $0x2780  }
0x31: {  	[sflag:s29] =	ssyncset.done @!p2 $0x0  }
0x32: {  	[sflag:s29] =	ssyncadd.s32 @!p2 $0xFFFFD880  }
0x33: {  	[bflag:$0x0] =	sbarrier.arrive $0xFFFF  }
0x34: {  	_ =	swait.ge [sflag:s23], $0x3E80  }
0x35: {  	[sflag:s23] =	ssyncset.done $0x0  }
0x36: {  	s29 =	simm.s32 $0x1400;
	[sflag:s23] =	ssyncadd.s32 $0xFFFFC180  }
0x37: {  	[spmem:s1] =	stream.indirect.scatter.add.f32 [tilespmem:s18], [sflag:$0x3], $0x80, s29, s17, $0xb8;
	[tilespmem:$0x1E400] =	vst v63  }
0x38: {  	_ =	swait.ge [sflag:s15], $0x3E80  }
0x39: {  	[sflag:s15] =	ssyncset.done $0x0  }
0x3a: {  	s29 =	simm.s32 $0x100;
	[sflag:s15] =	ssyncadd.s32 $0xFFFFC180  }
0x3b: {  	[tilespmem:s18], [sflag:$0x1] =	stream.indirect.gather [hbm4b:s4+s17], $0x80, s29, s17, $0xb8;
	[tilespmem:$0x1E400] =	vst v63  }
0x3c: {  	_ =	swait.ge [sflag:s24], $0x3E80  }
0x3d: {  	[sflag:s24] =	ssyncset.done $0x0  }
0x3e: {  	s29 =	simm.s32 $0x1480;
	[sflag:s24] =	ssyncadd.s32 $0xFFFFC180  }
0x3f: {  	[spmem:s1] =	stream.indirect.scatter.add.f32 [tilespmem:s20], [sflag:$0x3], $0x80, s29, s17, $0xb8;
	[tilespmem:$0x1E400] =	vst v63  }
0x40: {  	_ =	swait.ge [sflag:s15], $0x3E80  }
0x41: {  	[sflag:s15] =	ssyncset.done $0x0  }
0x42: {  	s30 =	simm.s32 $0x180;
	s29 =	simm.s32 $0x400;
	[sflag:s15] =	ssyncadd.s32 $0xFFFFC180  }
.LBB2_2:
0x43: {  	[tilespmem:s20], [sflag:$0x2] =	stream.indirect.gather [hbm4b:s4+s17], $0x80, s30, s17, $0xb8;
	[tilespmem:$0x1E400] =	vst v63  }
0x44: {  	s30 =	smov.u32 s29  }
0x45: {  	p3 =	sne.s32 s29, $0x4800;
	s29 =	sadd.s32 $0x400, s29;
	_ =	swait.ge [sflag:s23], $0x3E80  }
0x46: {  	s30 =	sshra.s32 s30, $0x2;
	[sflag:s23] =	ssyncset.done $0x0  }
0x47: {  	s31 =	sadd.s32 $0x1400, s30;
	[sflag:s23] =	ssyncadd.s32 $0xFFFFC180  }
0x48: {  	[spmem:s1] =	stream.indirect.scatter.add.f32 [tilespmem:s18], [sflag:$0x3], $0x80, s31, s17, $0xb8;
	[tilespmem:$0x1E400] =	vst v63  }
0x49: {  	_ =	swait.ge [sflag:s15], $0x3E80  }
0x4a: {  	[sflag:s15] =	ssyncset.done $0x0  }
0x4b: {  	s31 =	sadd.s32 $0x100, s30;
	[sflag:s15] =	ssyncadd.s32 $0xFFFFC180  }
0x4c: {  	[tilespmem:s18], [sflag:$0x1] =	stream.indirect.gather [hbm4b:s4+s17], $0x80, s31, s17, $0xb8;
	[tilespmem:$0x1E400] =	vst v63  }
0x4d: {  	_ =	swait.ge [sflag:s24], $0x3E80  }
0x4e: {  	[sflag:s24] =	ssyncset.done $0x0  }
.Ltmp0:
0x4f: {  	s31 =	sadd.s32 $0x1480, s30;
	[sflag:s24] =	ssyncadd.s32 $0xFFFFC180;
	(pc) =	sbr.rel @p3 .LBB2_2-.Ltmp0, $4  }
0x50: {  	[spmem:s1] =	stream.indirect.scatter.add.f32 [tilespmem:s20], [sflag:$0x3], $0x80, s31, s17, $0xb8;
	[tilespmem:$0x1E400] =	vst v63  }
0x51: {  	_ =	swait.ge [sflag:s15], $0x3E80  }
0x52: {  	[sflag:s15] =	ssyncset.done $0x0  }
0x53: {  	s30 =	sadd.s32 $0x180, s30;
	[sflag:s15] =	ssyncadd.s32 $0xFFFFC180  }
0x54: {  	[tilespmem:s20], [sflag:$0x2] =	stream.indirect.gather [hbm4b:s4+s17], $0x80, s30, s17, $0xb8;
	[tilespmem:$0x1E400] =	vst v63  }
0x55: {  	_ =	swait.ge [sflag:s23], $0x3E80  }
0x56: {  	[sflag:s23] =	ssyncset.done $0x0  }
0x57: {  	[sflag:s23] =	ssyncadd.s32 $0xFFFFC180  }
0x58: {  	[spmem:s1] =	stream.indirect.scatter.add.f32 [tilespmem:s18], [sflag:$0x3], $0x80, s25, s17, $0xb8;
	[tilespmem:$0x1E400] =	vst v63  }
0x59: {  	_ =	swait.ge [sflag:s15], $0x3E80  }
0x5a: {  	[sflag:s15] =	ssyncset.done $0x0  }
0x5b: {  	[sflag:s15] =	ssyncadd.s32 $0xFFFFC180  }
0x5c: {  	_ =	swait.ge [sflag:s24], $0x3E80  }
0x5d: {  	[sflag:s24] =	ssyncset.done $0x0  }
0x5e: {  	[sflag:s24] =	ssyncadd.s32 $0xFFFFC180  }
0x5f: {  	[spmem:s1] =	stream.indirect.scatter.add.f32 [tilespmem:s20], [sflag:$0x3], $0x80, s26, s17, $0xb8;
	[tilespmem:$0x1E400] =	vst v63  }
0x60: {  	_ =	swait.ge [sflag:s15], $0x3E80  }
0x61: {  	[sflag:s15] =	ssyncset.done $0x0  }
0x62: {  	s29 =	simm.s32 $0x0;
	[sflag:s15] =	ssyncadd.s32 $0xFFFFC180  }
0x63: {  	[tilespmem:s29], [sflag:$0x3] =	stream.linear.gather [hbm4b:s11+s29], $0x1400, $0x38;
	[tilespmem:$0x1E400] =	vst v63  }
0x64: {  	_ =	swait.ge [sflag:s15], $0x1400  }
0x65: {  	[sflag:s15] =	ssyncset.done $0x0  }
0x66: {  	[sflag:s15] =	ssyncadd.s32 $0xFFFFEC00  }
0x67: {  	[tilespmem:s16], [sflag:$0x3] =	stream.linear.gather [hbm4b:s12+s29], $0x1400, $0x38;
	[tilespmem:$0x1E400] =	vst v63  }
0x68: {  	_ =	swait.ge [sflag:s15], $0x1400  }
0x69: {  	[sflag:s15] =	ssyncset.done $0x0  }
0x6a: {  	[sflag:s15] =	ssyncadd.s32 $0xFFFFEC00  }
0x6b: {  	[tilespmem:s18], [sflag:$0x1] =	stream.indirect.gather [hbm4b:s4+s17], $0x80, s29, s17, $0xb8;
	[tilespmem:$0x1E400] =	vst v63  }
0x6c: {  	_ = 	snop  }
0x6d: {  	[tilespmem:s20], [sflag:$0x2] =	stream.indirect.gather [hbm4b:s4+s17], $0x80, s19, s17, $0xb8;
	[tilespmem:$0x1E400] =	vst v63  }
0x6e: {  	_ =	swait.ge [sflag:s23], $0x3E80  }
0x6f: {  	[sflag:s23] =	ssyncset.done $0x0  }
0x70: {  	s29 =	simm.s32 $0x1400;
	[sflag:s23] =	ssyncadd.s32 $0xFFFFC180  }
0x71: {  	[spmem:s1] =	stream.indirect.scatter.add.f32 [tilespmem:s18], [sflag:$0x3], $0x80, s29, s17, $0xb8;
	[tilespmem:$0x1E400] =	vst v63  }
0x72: {  	_ =	swait.ge [sflag:s15], $0x3E80  }
0x73: {  	[sflag:s15] =	ssyncset.done $0x0  }
0x74: {  	s29 =	simm.s32 $0x100;
	[sflag:s15] =	ssyncadd.s32 $0xFFFFC180  }
0x75: {  	[tilespmem:s18], [sflag:$0x1] =	stream.indirect.gather [hbm4b:s4+s17], $0x80, s29, s17, $0xb8;
	[tilespmem:$0x1E400] =	vst v63  }
0x76: {  	_ =	swait.ge [sflag:s24], $0x3E80  }
0x77: {  	[sflag:s24] =	ssyncset.done $0x0  }
0x78: {  	s29 =	simm.s32 $0x1480;
	[sflag:s24] =	ssyncadd.s32 $0xFFFFC180  }
0x79: {  	[spmem:s1] =	stream.indirect.scatter.add.f32 [tilespmem:s20], [sflag:$0x3], $0x80, s29, s17, $0xb8;
	[tilespmem:$0x1E400] =	vst v63  }
0x7a: {  	_ =	swait.ge [sflag:s15], $0x3E80  }
0x7b: {  	[sflag:s15] =	ssyncset.done $0x0  }
0x7c: {  	s30 =	simm.s32 $0x180;
	s29 =	simm.s32 $0x400;
	[sflag:s15] =	ssyncadd.s32 $0xFFFFC180  }
.LBB2_4:
0x7d: {  	[tilespmem:s20], [sflag:$0x2] =	stream.indirect.gather [hbm4b:s4+s17], $0x80, s30, s17, $0xb8;
	[tilespmem:$0x1E400] =	vst v63  }
0x7e: {  	s30 =	smov.u32 s29  }
0x7f: {  	p3 =	sne.s32 s29, $0x4800;
	s29 =	sadd.s32 $0x400, s29;
	_ =	swait.ge [sflag:s23], $0x3E80  }
0x80: {  	s30 =	sshra.s32 s30, $0x2;
	[sflag:s23] =	ssyncset.done $0x0  }
0x81: {  	s31 =	sadd.s32 $0x1400, s30;
	[sflag:s23] =	ssyncadd.s32 $0xFFFFC180  }
0x82: {  	[spmem:s1] =	stream.indirect.scatter.add.f32 [tilespmem:s18], [sflag:$0x3], $0x80, s31, s17, $0xb8;
	[tilespmem:$0x1E400] =	vst v63  }
0x83: {  	_ =	swait.ge [sflag:s15], $0x3E80  }
0x84: {  	[sflag:s15] =	ssyncset.done $0x0  }
0x85: {  	s31 =	sadd.s32 $0x100, s30;
	[sflag:s15] =	ssyncadd.s32 $0xFFFFC180  }
0x86: {  	[tilespmem:s18], [sflag:$0x1] =	stream.indirect.gather [hbm4b:s4+s17], $0x80, s31, s17, $0xb8;
	[tilespmem:$0x1E400] =	vst v63  }
0x87: {  	_ =	swait.ge [sflag:s24], $0x3E80  }
0x88: {  	[sflag:s24] =	ssyncset.done $0x0  }
.Ltmp1:
0x89: {  	s31 =	sadd.s32 $0x1480, s30;
	[sflag:s24] =	ssyncadd.s32 $0xFFFFC180;
	(pc) =	sbr.rel @p3 .LBB2_4-.Ltmp1, $4  }
0x8a: {  	[spmem:s1] =	stream.indirect.scatter.add.f32 [tilespmem:s20], [sflag:$0x3], $0x80, s31, s17, $0xb8;
	[tilespmem:$0x1E400] =	vst v63  }
0x8b: {  	_ =	swait.ge [sflag:s15], $0x3E80  }
0x8c: {  	[sflag:s15] =	ssyncset.done $0x0  }
0x8d: {  	s30 =	sadd.s32 $0x180, s30;
	[sflag:s15] =	ssyncadd.s32 $0xFFFFC180  }
0x8e: {  	[tilespmem:s20], [sflag:$0x2] =	stream.indirect.gather [hbm4b:s4+s17], $0x80, s30, s17, $0xb8;
	[tilespmem:$0x1E400] =	vst v63  }
0x8f: {  	_ =	swait.ge [sflag:s23], $0x3E80  }
0x90: {  	[sflag:s23] =	ssyncset.done $0x0  }
0x91: {  	[sflag:s23] =	ssyncadd.s32 $0xFFFFC180  }
0x92: {  	[spmem:s1] =	stream.indirect.scatter.add.f32 [tilespmem:s18], [sflag:$0x3], $0x80, s25, s17, $0xb8;
	[tilespmem:$0x1E400] =	vst v63  }
0x93: {  	_ =	swait.ge [sflag:s15], $0x3E80  }
0x94: {  	[sflag:s15] =	ssyncset.done $0x0  }
0x95: {  	[sflag:s15] =	ssyncadd.s32 $0xFFFFC180  }
0x96: {  	_ =	swait.ge [sflag:s24], $0x3E80  }
0x97: {  	[sflag:s24] =	ssyncset.done $0x0  }
0x98: {  	[sflag:s24] =	ssyncadd.s32 $0xFFFFC180  }
0x99: {  	[spmem:s1] =	stream.indirect.scatter.add.f32 [tilespmem:s20], [sflag:$0x3], $0x80, s26, s17, $0xb8;
	[tilespmem:$0x1E400] =	vst v63  }
0x9a: {  	_ =	swait.ge [sflag:s15], $0x3E80  }
0x9b: {  	s29 =	sshll.u32 s2, $0x6;
	s28 =	sadd.s32 $0x1, s28;
	[sflag:s15] =	ssyncset.done $0x0  }
0x9c: {  	s31 =	sshrl.u32 s8, $0x3;
	p3 =	sne.s32 s28, s14;
	[sflag:s15] =	ssyncadd.s32 $0xFFFFC180  }
.Ltmp2:
0x9d: {  	s29 =	sor.u32 $0x1C03, s29;
	[bflag:$0x0] =	sbarrier.arrive $0xFFFF;
	(pc) =	sbr.rel @p3 .LBB2_1-.Ltmp2, $4  }
0x9e: {  	[hbm:s13], [sflag:s29] =	dma.local [spmem:s31], $0x2780  }
0x9f: {  	_ =	swait.ge [sflag:s15], $0x2780  }
0xa0: {  	[sflag:s15] =	ssyncset.done $0x0  }
0xa1: {  	[sflag:s15] =	ssyncadd.s32 $0xFFFFD880  }
0xa2: {  	_ =	sfence.sel $0x180000  }
0xa3: {  	[bflag:$0x0] =	sbarrier.arrive $0xFFFF  }
0xa4: {  	p0 =	sne.s32 s2, $0x0;
	_ =	strace $0x9000004D  }
0xa5: {  	s0 =	sadd.s32 @!p0 $0x100000, s0;
	[bflag:$0x2] =	sbarrier.arrive $0xFFFF  }
0xa6: {  	[sflag:s0] =	ssyncadd.tile.s32 @!p0 $0x1;
	_ =	shalt  }
.Lfunc_end2:
_tile_overlayer_lowered:
.L_overlay_start_2:
0xa7: {  	(tag) =	ssettag $0x2  }
0xa8: {  	s0 =	rddreg [dreg:$0x0];
	s2 =	stileid.u32  }
0xa9: {  	s1 =	rddreg [dreg:$0x1];
	p0 =	sne.s32 s2, $0x0  }
0xaa: {  	s3 =	rddreg [dreg:$0x2];
	[bflag:$0x3] =	sbarrier.arrive $0xFFFF;
	s2 =	simm.s32 @!p0 $0x1C03  }
0xab: {  	[timem:s3], [sflag:s2] =	dma.local @!p0 [hbm:s0], s1  }
0xac: {  	s0 =	simm.s32 @!p0 $0x3  }
0xad: {  	_ =	swait.ge @!p0 [sflag:s0], s1  }
0xae: {  	s1 =	ssub.s32 @!p0 $0x0, s1;
	[sflag:s0] =	ssyncset.done @!p0 $0x0  }
0xaf: {  	[sflag:s0] =	ssyncadd.s32 @!p0 s1  }
0xb0: {  	[bflag:$0x3] =	sbarrier.arrive $0xFFFF  }
0xb1: {  	_ =	shalt  }

// kernel: kernel.21.cloned.1.call-start
scs
__scs_entry_jumppad:
0x0: {  	(pc) =	sbr.rel $0x88, $3  }
0x1: {  	(tag) =	ssettag $0x0;
	lr =	simm.s32 $0x1  }
0x2: {  	[smem:$0x3F97] =	sst lr;
	_ =	strace $0xD0000000  }
0x3: {  	_ = 	snop  }
0x4: {  	_ = 	snop  }
0x5: {  	_ = 	snop  }
0x6: {  	_ = 	snop  }
0x7: {  	_ = 	snop  }
__scs_overlays_trampoline_lowered:
0x8: {  	[smem:$0x3FA6] =	sst s0  }
0x9: {  	[smem:$0x3FA7] =	sst s1  }
0xa: {  	[smem:$0x3FA8] =	sst s2  }
0xb: {  	[smem:$0x3FA9] =	sst s3  }
0xc: {  	[smem:$0x3FAA] =	sst s4  }
0xd: {  	[smem:$0x3FAB] =	sst s5  }
0xe: {  	[smem:$0x3FAC] =	sst s6  }
0xf: {  	[smem:$0x3FAD] =	sst s7  }
0x10: {  	[smem:$0x3FAE] =	sst s8  }
0x11: {  	[smem:$0x3FAF] =	sst s9;
	s0 =	simm.s32 @!p0 $0x0  }
0x12: {  	s1 =	sld [smem:$0x3F95];
	s0 =	simm.s32 @p0 $0x1  }
0x13: {  	[smem:$0x3FB0] =	sst s0;
	s0 =	simm.s32 @!p1 $0x0  }
0x14: {  	s2 =	sld [smem:$0x3F94];
	s0 =	simm.s32 @p1 $0x1  }
0x15: {  	[smem:$0x3FB1] =	sst s0;
	s0 =	simm.s32 @!p2 $0x0  }
0x16: {  	s3 =	sld [smem:$0x3FDB];
	s0 =	simm.s32 @p2 $0x1  }
0x17: {  	s4 =	simm.s32 $0x1BF5;
	[smem:$0x3FB3] =	sst s0  }
0x18: {  	s0 =	sld [smem:$0x3F96];
	_ =	swait.ge [sflag:s4], $0x0  }
0x19: {  	s7 =	sld [smem:$0x3F97]  }
0x1a: {  	s8 =	sadd.s32 $0xFFFFE003, lr  }
0x1b: {  	s9 =	sadd.s32 $0xFFFFFEF7, lr;
	s5 =	simm.s32 $0xFFFFFFFF;
	p2 =	slt.u32 s8, $0xFFFFF086  }
0x1c: {  	p1 =	slt.u32 s9, $0xF7A;
	s5 =	simm.s32 @!p2 $0x0  }
0x1d: {  	s5 =	simm.s32 @p1 $0x1;
	p0 =	seq.s32 s7, s2  }
0x1e: {  	s7 =	smul.u32 @!p0 $0xF7A, s2;
	p2 =	seq.s32 @!p0 s5, $0x0  }
0x1f: {  	s9 =	smul.u32 $0xF7A, s1;
	s8 =	simm.s32 @!p0 $0x1BF5;
	p2 =	por !p2, p0  }
0x20: {  	[sflag:s8] =	ssyncset.s32 @!p0 $0xFFFFF086;
	s6 =	sadd.s32 @!p0 s3, s7;
	s7 =	simm.s32 @!p0 $0x108  }
0x21: {  	s3 =	sadd.s32 s3, s9;
	s6 =	sadd.s32 @!p0 $0x88, s6;
	s7 =	simm.s32 @p2 $0x1082  }
0x22: {  	[simem:s7], [sflag:s8] =	dma.local @!p0 [hbm:s6], $0xF7A  }
0x23: {  	s9 =	sor.u32 $0xD0000000, s2;
	s6 =	simm.s32 $0x108;
	_ =	swait.ge @!p0 [sflag:s8], $0x0  }
0x24: {  	s3 =	sadd.s32 $0x88, s3;
	s6 =	simm.s32 @!p1 $0x1082;
	[sflag:s4] =	ssyncset.s32 $0xFFFFF086  }
0x25: {  	[simem:s6], [sflag:s4] =	dma.local [hbm:s3], $0xF7A  }
0x26: {  	[smem:$0x3F97] =	sst s1;
	(tag) =	ssettag s2;
	_ =	strace s9  }
0x27: {  	s1 =	sld [smem:$0x3FA7]  }
0x28: {  	s2 =	sld [smem:$0x3FA8]  }
0x29: {  	s4 =	sld [smem:$0x3FAA]  }
0x2a: {  	p0 =	seq.s32 s5, $0x0;
	s5 =	sld [smem:$0x3FAB]  }
0x2b: {  	s6 =	sld [smem:$0x3FAC]  }
0x2c: {  	s7 =	sld [smem:$0x3FAD]  }
0x2d: {  	s3 =	simm.s32 $0x108;
	s8 =	sld [smem:$0x3FAE]  }
0x2e: {  	s3 =	simm.s32 @!p0 $0x1082;
	s9 =	sld [smem:$0x3FAF]  }
0x2f: {  	lr =	sadd.s32 s0, s3;
	s0 =	sld [smem:$0x3FA6]  }
0x30: {  	s3 =	sld [smem:$0x3FA9]  }
0x31: {  	[smem:$0x3FB2] =	sst s10  }
0x32: {  	s10 =	sld [smem:$0x3FB0];
	_ =	sdelay $0x3  }
0x33: {  	p0 =	seq.s32 s10, $0x1;
	s10 =	sld [smem:$0x3FB2];
	_ =	sdelay $0x3  }
0x34: {  	[smem:$0x3FB2] =	sst s10  }
0x35: {  	s10 =	sld [smem:$0x3FB1];
	_ =	sdelay $0x3  }
0x36: {  	p1 =	seq.s32 s10, $0x1;
	s10 =	sld [smem:$0x3FB2];
	_ =	sdelay $0x3  }
0x37: {  	[smem:$0x3FB2] =	sst s10  }
0x38: {  	s10 =	sld [smem:$0x3FB3]  }
0x39: {  	_ = 	snop;
	(pc) =	sbr.ind lr, $3  }
0x3a: {  	_ = 	snop  }
0x3b: {  	_ = 	snop  }
0x3c: {  	p2 =	seq.s32 s10, $0x1;
	s10 =	sld [smem:$0x3FB2]  }
0x3d: {  	_ =	shalt  }
0x3e: {  	_ =	shalt  }
0x3f: {  	_ =	shalt  }
0x40: {  	_ =	shalt  }
0x41: {  	_ =	shalt  }
0x42: {  	_ =	shalt  }
0x43: {  	_ =	shalt  }
0x44: {  	_ =	shalt  }
0x45: {  	_ =	shalt  }
0x46: {  	_ =	shalt  }
0x47: {  	_ =	shalt  }
0x48: {  	_ =	shalt  }
0x49: {  	_ =	shalt  }
0x4a: {  	_ =	shalt  }
0x4b: {  	_ =	shalt  }
0x4c: {  	_ =	shalt  }
0x4d: {  	_ =	shalt  }
0x4e: {  	_ =	shalt  }
0x4f: {  	_ =	shalt  }
0x50: {  	_ =	shalt  }
0x51: {  	_ =	shalt  }
0x52: {  	_ =	shalt  }
0x53: {  	_ =	shalt  }
0x54: {  	_ =	shalt  }
0x55: {  	_ =	shalt  }
0x56: {  	_ =	shalt  }
0x57: {  	_ =	shalt  }
0x58: {  	_ =	shalt  }
0x59: {  	_ =	shalt  }
0x5a: {  	_ =	shalt  }
0x5b: {  	_ =	shalt  }
0x5c: {  	_ =	shalt  }
0x5d: {  	_ =	shalt  }
0x5e: {  	_ =	shalt  }
0x5f: {  	_ =	shalt  }
0x60: {  	_ =	shalt  }
0x61: {  	_ =	shalt  }
0x62: {  	_ =	shalt  }
0x63: {  	_ =	shalt  }
0x64: {  	_ =	shalt  }
0x65: {  	_ =	shalt  }
0x66: {  	_ =	shalt  }
0x67: {  	_ =	shalt  }
0x68: {  	_ =	shalt  }
0x69: {  	_ =	shalt  }
0x6a: {  	_ =	shalt  }
0x6b: {  	_ =	shalt  }
0x6c: {  	_ =	shalt  }
0x6d: {  	_ =	shalt  }
0x6e: {  	_ =	shalt  }
0x6f: {  	_ =	shalt  }
0x70: {  	_ =	shalt  }
0x71: {  	_ =	shalt  }
0x72: {  	_ =	shalt  }
0x73: {  	_ =	shalt  }
0x74: {  	_ =	shalt  }
0x75: {  	_ =	shalt  }
0x76: {  	_ =	shalt  }
0x77: {  	_ =	shalt  }
0x78: {  	_ =	shalt  }
0x79: {  	_ =	shalt  }
0x7a: {  	_ =	shalt  }
0x7b: {  	_ =	shalt  }
0x7c: {  	_ =	shalt  }
0x7d: {  	_ =	shalt  }
0x7e: {  	_ =	shalt  }
0x7f: {  	_ =	shalt  }
0x80: {  	_ =	shalt  }
0x81: {  	_ =	shalt  }
0x82: {  	_ =	shalt  }
0x83: {  	_ =	shalt  }
0x84: {  	_ =	shalt  }
0x85: {  	_ =	shalt  }
0x86: {  	_ =	shalt  }
0x87: {  	_ =	shalt  }
.Lfunc_end0:
.L_simem_size_0:
called_computation.3_lowered:
.L_overlay_start_0:
0x88: {  	s2 =	sld [smem:$0x3FD9]  }
0x89: {  	s3 =	sld [smem:$0x3FFE];
	_ =	sdelay $0x1  }
0x8a: {  	s1 =	srdreg.scid  }
0x8b: {  	s0 =	sand.u32 $0x1, s1  }
0x8c: {  	s16 =	sshll.u32 s0, $0xA;
	s2 =	sadd.s32 s3, s2  }
0x8d: {  	s2 =	sadd.s32 s2, s16  }
0x8e: {  	[smem:$0x3FBE] =	sst s2  }
0x8f: {  	_ = 	snop  }
0x90: {  	(tm) =	ssettm $0x1  }
0x91: {  	s17 =	sld [smem:$0x3FFB];
	_ =	sdelay $0x3  }
0x92: {  	_ =	strace s17  }
0x93: {  	s2 =	sld [smem:$0x3FFC];
	_ =	sdelay $0x3  }
0x94: {  	_ =	strace s2  }
0x95: {  	s2 =	sld [smem:$0x3FFD];
	_ =	sdelay $0x3  }
0x96: {  	_ =	strace s2  }
0x97: {  	_ =	strace $0x8FFFFFFF  }
0x98: {  	s18 =	sld [smem:$0x3FDB];
	_ =	sdelay $0x1  }
0x99: {  	s19 =	simm.s32 $_scs_section_size  }
0x9a: {  	s4 =	simm.s32 $_size__tile_overlayer_lowered;
	s5 =	simm.s32 $_tile_overlayer_lowered  }
0x9b: {  	s22 =	simm.s32 $0x1BFF;
	s21 =	sshll.u32 s5, $0x1;
	s2 =	sadd.s32 s19, s18  }
0x9c: {  	s6 =	simm.s32 $0x0;
	s20 =	sshll.u32 s4, $0x1;
	s4 =	sadd.s32 s21, s2  }
0x9d: {  	[timem:s6], [sflag:s22] =	dma.local [hbm:s4], s20  }
0x9e: {  	_ =	swait.ge [sflag:s22], s20  }
0x9f: {  	s3 =	ssub.s32 $0x0, s20;
	[sflag:s22] =	ssyncset.done $0x0  }
0xa0: {  	[sflag:s22] =	ssyncadd.s32 s3;
	_ =	sdelay $0x1  }
0xa1: {  	s23 =	simm.s32 $0x1B8B  }
0xa2: {  	_ =	swait.ge [sflag:s23], $0x1  }
0xa3: {  	[sflag:s23] =	ssyncset.done $0x0  }
0xa4: {  	s25 =	simm.s32 $0x1B8E;
	s24 =	sld [smem:$0x3FFE];
	[sflag:s23] =	ssyncadd.s32 $0xFFFFFFFF  }
0xa5: {  	s26 =	simm.s32 $execute0_lowered;
	[smem:$0x3FD2] =	sst s25  }
0xa6: {  	s4 =	sshll.u32 s26, $0x1;
	_ =	strace $0x8000004F;
	[dreg:$0x1] =	wrdreg $0xFFFFFFFF  }
0xa7: {  	s28 =	simm.s32 $_size_execute0_lowered;
	s2 =	sadd.s32 s2, s4;
	[dreg:$0x0] =	wrdreg $0x0  }
0xa8: {  	s4 =	sshll.u32 s28, $0x1;
	[dreg:$0x2] =	wrdreg s2  }
0xa9: {  	[dreg:$0x3] =	wrdreg s4  }
0xaa: {  	[dreg:$0x4] =	wrdreg $0xC0  }
0xab: {  	_ =	task [dreg:s6], $0x5FFFF  }
0xac: {  	[dreg:$0x1] =	wrdreg $0xFFFFFFFF  }
0xad: {  	[dreg:$0x0] =	wrdreg $0x60  }
0xae: {  	[dreg:$0x2] =	wrdreg s24  }
0xaf: {  	[dreg:$0x3] =	wrdreg $0xA8000  }
0xb0: {  	[dreg:$0x4] =	wrdreg $0x9  }
0xb1: {  	_ =	task.clear_ibuf [dreg:s6], $0x5FFFF;
	_ =	strace $0x9000004F  }
0xb2: {  	s29 =	simm.s32 $0x9;
	_ =	strace $0x80000051  }
0xb3: {  	_ =	swait.ge [sflag:s29], $0x1  }
0xb4: {  	[sflag:s29] =	ssyncadd.s32 $0xFFFFFFFF  }
0xb5: {  	_ =	strace $0x90000051  }
0xb6: {  	_ =	sfence  }
0xb7: {  	s30 =	sld [smem:$0x0];
	_ =	sdelay $0x2  }
0xb8: {  	s31 =	sshll.u32 s1, $0xD;
	s1 =	sshrl.u32 s1, $0x2  }
0xb9: {  	s3 =	sand.u32 $0x4000, s31;
	s1 =	sadd.s32 s1, s30  }
0xba: {  	s0 =	sor.u32 s3, s0;
	s1 =	sshll.u32 s1, $0x11  }
0xbb: {  	s0 =	sor.u32 s1, s0  }
0xbc: {  	s0 =	sadd.s32 $0x8F2B, s0  }
0xbd: {  	[sflag:s0] =	ssyncadd.remote.s32 $0x1  }
0xbe: {  	_ =	sfence.sel $0xFFFF  }
0xbf: {  	[dreg:$0x0] =	wrdreg $0xFFFFFFFF;
	(pc) =	sbr.abs _section_cstart, $3  }
0xc0: {  	[dreg:$0x1] =	wrdreg $0xFFFFFFFF  }
0xc1: {  	_ =	task.clear_ibuf [dreg:s6], $0x2FFFF;
	_ =	strace $0x9FFFFFFF  }
0xc2: {  	(tm) =	ssettm $0x7FFFFFFF  }
0xc3: {  	_ =	shalt  }
tec
execute0_lowered:
.L_overlay_start_1:
0x0: {  	(tag) =	ssettag $0x1  }
0x1: {  	s10 =	rddreg [dreg:$0x0]  }
0x2: {  	s1 =	rddreg [dreg:$0x1]  }
0x3: {  	s0 =	rddreg [dreg:$0x2]  }
0x4: {  	s3 =	simm.s32 $0x0;
	s2 =	srdreg.scid;
	s17 =	simm.s32 $0x7D  }
0x5: {  	s18 =	simm.s32 $0x2800;
	s19 =	simm.s32 $0x80;
	s20 =	simm.s32 $0x6800  }
0x6: {  	s23 =	simm.s32 $0x1;
	s24 =	simm.s32 $0x2;
	s28 =	simm.s32 $0x0  }
0x7: {  	[smem:$0x7FF] =	sst s3;
	s8 =	sand.u32 $0x1, s2;
	s2 =	stileid.u32  }
0x8: {  	s4 =	sadd.s32 $0x1AC00, s10;
	s11 =	sadd.s32 $0x4400, s10;
	s21 =	sadd.s32 $0x128400, s1  }
0x9: {  	s12 =	sadd.s32 $0xE400, s10;
	s22 =	sadd.s32 $0x138800, s1;
	s6 =	smul.u32 $0x13C000, s8  }
0xa: {  	s5 =	sadd.s32 $0x18400, s10;
	_ =	strace $0x80000050;
	s7 =	smul.u32 $0x13C00, s2  }
0xb: {  	s9 =	sshll.u32 s2, $0x1;
	s26 =	ssub.s32 $0x2, s8;
	s14 =	smul.u32 $0x4F000, s2  }
0xc: {  	s30 =	smul.u32 $0x2780, s2;
	p0 =	seq.s32 s8, $0x1;
	s25 =	sor.u32 s8, s9  }
0xd: {  	s29 =	sshrl.u32 s26, $0x1;
	p2 =	seq.s32 @!p0 s2, $0xF;
	s6 =	sadd.s32 s7, s6  }
0xe: {  	s7 =	smul.u32 $0x2800, s25;
	s15 =	ssub.s32 s26, s29;
	s14 =	sshrl.u32 s14, $0x2  }
0xf: {  	s9 =	sadd.s32 s4, s30;
	p1 =	por !p2, p0;
	p2 =	por p2, p0  }
0x10: {  	s25 =	simm.s32 $0x2700;
	s26 =	simm.s32 $0x2780;
	s6 =	sshrl.u32 s6, $0x3  }
0x11: {  	s8 =	sadd.s32 s14, s1;
	s14 =	smax.u32 s15, $0x1;
	s15 =	simm.s32 $0x3  }
0x12: {  	s21 =	sshrl.u32 @!p1 s21, $0x3;
	s22 =	sshrl.u32 @!p1 s22, $0x3;
	s16 =	sshrl.u32 s7, $0x3  }
0x13: {  	s13 =	sadd.s32 s6, s10;
	s10 =	sadd.s32 $0x3FC80, s10;
	s6 =	sadd.s32 s11, s16  }
0x14: {  	s7 =	sadd.s32 s12, s16;
	s31 =	sadd.s32 $0x280, s16;
	s13 =	sadd.s32 $0x41E00, s13  }
0x15: {  	s16 =	simm.s32 $0x1400;
	s11 =	sadd.s32 s11, s31;
	s12 =	sadd.s32 s12, s31  }
.LBB2_1:
0x16: {  	[tilespmem:s3], [sflag:$0x3] =	stream.linear.gather [hbm4b:s6+s3], $0x1400, $0x38;
	[tilespmem:$0x1E400] =	vst v63  }
0x17: {  	_ =	swait.ge [sflag:s15], $0x1400  }
0x18: {  	[sflag:s15] =	ssyncset.done $0x0  }
0x19: {  	[sflag:s15] =	ssyncadd.s32 $0xFFFFEC00  }
0x1a: {  	[tilespmem:s16], [sflag:$0x3] =	stream.linear.gather [hbm4b:s7+s3], $0x1400, $0x38;
	[tilespmem:$0x1E400] =	vst v63  }
0x1b: {  	_ =	swait.ge [sflag:s15], $0x1400  }
0x1c: {  	[sflag:s15] =	ssyncset.done $0x0  }
0x1d: {  	s29 =	sshll.u32 @p0 s2, $0x6;
	[sflag:s15] =	ssyncadd.s32 $0xFFFFEC00  }
0x1e: {  	[tilespmem:s18], [sflag:$0x1] =	stream.indirect.gather [hbm4b:s4+s17], $0x80, s3, s17, $0xb8;
	[tilespmem:$0x1E400] =	vst v63  }
0x1f: {  	s30 =	sshrl.u32 @p0 s8, $0x3;
	s29 =	sor.u32 @p0 $0x1C03, s29  }
0x20: {  	[tilespmem:s20], [sflag:$0x2] =	stream.indirect.gather [hbm4b:s4+s17], $0x80, s19, s17, $0xb8;
	[tilespmem:$0x1E400] =	vst v63  }
0x21: {  	[spmem:s30], [sflag:s29] =	dma.local @p0 [hbm:s5], $0x2780  }
0x22: {  	s29 =	simm.s32 @p0 $0x3  }
0x23: {  	_ =	swait.ge @p0 [sflag:s29], $0x2780  }
0x24: {  	[sflag:s29] =	ssyncset.done @p0 $0x0  }
0x25: {  	s30 =	simm.s32 @!p1 $0x3;
	[sflag:s29] =	ssyncadd.s32 @p0 $0xFFFFD880;
	s29 =	simm.s32 @!p1 $0x1FC3  }
0x26: {  	[spmem:s21], [sflag:s29] =	dma.local @!p1 [hbm:s10], $0x2080  }
0x27: {  	_ =	swait.ge @!p1 [sflag:s30], $0x2080  }
0x28: {  	[sflag:s30] =	ssyncset.done @!p1 $0x0  }
0x29: {  	[sflag:s30] =	ssyncadd.s32 @!p1 $0xFFFFDF80  }
0x2a: {  	[spmem:s22], [sflag:s29] =	dma.local @!p1 [hbm:s5], $0x700  }
0x2b: {  	_ =	swait.ge @!p1 [sflag:s30], $0x700  }
0x2c: {  	s29 =	sshll.u32 @!p2 s2, $0x6;
	[sflag:s30] =	ssyncset.done @!p1 $0x0  }
0x2d: {  	s29 =	sor.u32 @!p2 $0x1C03, s29;
	[sflag:s30] =	ssyncadd.s32 @!p1 $0xFFFFF900;
	s30 =	sshrl.u32 @!p2 s8, $0x3  }
0x2e: {  	[spmem:s30], [sflag:s29] =	dma.local @!p2 [hbm:s9], $0x2780  }
0x2f: {  	s29 =	simm.s32 @!p2 $0x3  }
0x30: {  	_ =	swait.ge @!p2 [sflag:s29], $0x2780  }
0x31: {  	[sflag:s29] =	ssyncset.done @!p2 $0x0  }
0x32: {  	[sflag:s29] =	ssyncadd.s32 @!p2 $0xFFFFD880  }
0x33: {  	[bflag:$0x0] =	sbarrier.arrive $0xFFFF  }
0x34: {  	_ =	swait.ge [sflag:s23], $0x3E80  }
0x35: {  	[sflag:s23] =	ssyncset.done $0x0  }
0x36: {  	s29 =	simm.s32 $0x1400;
	[sflag:s23] =	ssyncadd.s32 $0xFFFFC180  }
0x37: {  	[spmem:s1] =	stream.indirect.scatter.add.f32 [tilespmem:s18], [sflag:$0x3], $0x80, s29, s17, $0xb8;
	[tilespmem:$0x1E400] =	vst v63  }
0x38: {  	_ =	swait.ge [sflag:s15], $0x3E80  }
0x39: {  	[sflag:s15] =	ssyncset.done $0x0  }
0x3a: {  	s29 =	simm.s32 $0x100;
	[sflag:s15] =	ssyncadd.s32 $0xFFFFC180  }
0x3b: {  	[tilespmem:s18], [sflag:$0x1] =	stream.indirect.gather [hbm4b:s4+s17], $0x80, s29, s17, $0xb8;
	[tilespmem:$0x1E400] =	vst v63  }
0x3c: {  	_ =	swait.ge [sflag:s24], $0x3E80  }
0x3d: {  	[sflag:s24] =	ssyncset.done $0x0  }
0x3e: {  	s29 =	simm.s32 $0x1480;
	[sflag:s24] =	ssyncadd.s32 $0xFFFFC180  }
0x3f: {  	[spmem:s1] =	stream.indirect.scatter.add.f32 [tilespmem:s20], [sflag:$0x3], $0x80, s29, s17, $0xb8;
	[tilespmem:$0x1E400] =	vst v63  }
0x40: {  	_ =	swait.ge [sflag:s15], $0x3E80  }
0x41: {  	[sflag:s15] =	ssyncset.done $0x0  }
0x42: {  	s30 =	simm.s32 $0x180;
	s29 =	simm.s32 $0x400;
	[sflag:s15] =	ssyncadd.s32 $0xFFFFC180  }
.LBB2_2:
0x43: {  	[tilespmem:s20], [sflag:$0x2] =	stream.indirect.gather [hbm4b:s4+s17], $0x80, s30, s17, $0xb8;
	[tilespmem:$0x1E400] =	vst v63  }
0x44: {  	s30 =	smov.u32 s29  }
0x45: {  	p3 =	sne.s32 s29, $0x4800;
	s29 =	sadd.s32 $0x400, s29;
	_ =	swait.ge [sflag:s23], $0x3E80  }
0x46: {  	s30 =	sshra.s32 s30, $0x2;
	[sflag:s23] =	ssyncset.done $0x0  }
0x47: {  	s31 =	sadd.s32 $0x1400, s30;
	[sflag:s23] =	ssyncadd.s32 $0xFFFFC180  }
0x48: {  	[spmem:s1] =	stream.indirect.scatter.add.f32 [tilespmem:s18], [sflag:$0x3], $0x80, s31, s17, $0xb8;
	[tilespmem:$0x1E400] =	vst v63  }
0x49: {  	_ =	swait.ge [sflag:s15], $0x3E80  }
0x4a: {  	[sflag:s15] =	ssyncset.done $0x0  }
0x4b: {  	s31 =	sadd.s32 $0x100, s30;
	[sflag:s15] =	ssyncadd.s32 $0xFFFFC180  }
0x4c: {  	[tilespmem:s18], [sflag:$0x1] =	stream.indirect.gather [hbm4b:s4+s17], $0x80, s31, s17, $0xb8;
	[tilespmem:$0x1E400] =	vst v63  }
0x4d: {  	_ =	swait.ge [sflag:s24], $0x3E80  }
0x4e: {  	[sflag:s24] =	ssyncset.done $0x0  }
.Ltmp0:
0x4f: {  	s31 =	sadd.s32 $0x1480, s30;
	[sflag:s24] =	ssyncadd.s32 $0xFFFFC180;
	(pc) =	sbr.rel @p3 .LBB2_2-.Ltmp0, $4  }
0x50: {  	[spmem:s1] =	stream.indirect.scatter.add.f32 [tilespmem:s20], [sflag:$0x3], $0x80, s31, s17, $0xb8;
	[tilespmem:$0x1E400] =	vst v63  }
0x51: {  	_ =	swait.ge [sflag:s15], $0x3E80  }
0x52: {  	[sflag:s15] =	ssyncset.done $0x0  }
0x53: {  	s30 =	sadd.s32 $0x180, s30;
	[sflag:s15] =	ssyncadd.s32 $0xFFFFC180  }
0x54: {  	[tilespmem:s20], [sflag:$0x2] =	stream.indirect.gather [hbm4b:s4+s17], $0x80, s30, s17, $0xb8;
	[tilespmem:$0x1E400] =	vst v63  }
0x55: {  	_ =	swait.ge [sflag:s23], $0x3E80  }
0x56: {  	[sflag:s23] =	ssyncset.done $0x0  }
0x57: {  	[sflag:s23] =	ssyncadd.s32 $0xFFFFC180  }
0x58: {  	[spmem:s1] =	stream.indirect.scatter.add.f32 [tilespmem:s18], [sflag:$0x3], $0x80, s25, s17, $0xb8;
	[tilespmem:$0x1E400] =	vst v63  }
0x59: {  	_ =	swait.ge [sflag:s15], $0x3E80  }
0x5a: {  	[sflag:s15] =	ssyncset.done $0x0  }
0x5b: {  	[sflag:s15] =	ssyncadd.s32 $0xFFFFC180  }
0x5c: {  	_ =	swait.ge [sflag:s24], $0x3E80  }
0x5d: {  	[sflag:s24] =	ssyncset.done $0x0  }
0x5e: {  	[sflag:s24] =	ssyncadd.s32 $0xFFFFC180  }
0x5f: {  	[spmem:s1] =	stream.indirect.scatter.add.f32 [tilespmem:s20], [sflag:$0x3], $0x80, s26, s17, $0xb8;
	[tilespmem:$0x1E400] =	vst v63  }
0x60: {  	_ =	swait.ge [sflag:s15], $0x3E80  }
0x61: {  	[sflag:s15] =	ssyncset.done $0x0  }
0x62: {  	s29 =	simm.s32 $0x0;
	[sflag:s15] =	ssyncadd.s32 $0xFFFFC180  }
0x63: {  	[tilespmem:s29], [sflag:$0x3] =	stream.linear.gather [hbm4b:s11+s29], $0x1400, $0x38;
	[tilespmem:$0x1E400] =	vst v63  }
0x64: {  	_ =	swait.ge [sflag:s15], $0x1400  }
0x65: {  	[sflag:s15] =	ssyncset.done $0x0  }
0x66: {  	[sflag:s15] =	ssyncadd.s32 $0xFFFFEC00  }
0x67: {  	[tilespmem:s16], [sflag:$0x3] =	stream.linear.gather [hbm4b:s12+s29], $0x1400, $0x38;
	[tilespmem:$0x1E400] =	vst v63  }
0x68: {  	_ =	swait.ge [sflag:s15], $0x1400  }
0x69: {  	[sflag:s15] =	ssyncset.done $0x0  }
0x6a: {  	[sflag:s15] =	ssyncadd.s32 $0xFFFFEC00  }
0x6b: {  	[tilespmem:s18], [sflag:$0x1] =	stream.indirect.gather [hbm4b:s4+s17], $0x80, s29, s17, $0xb8;
	[tilespmem:$0x1E400] =	vst v63  }
0x6c: {  	_ = 	snop  }
0x6d: {  	[tilespmem:s20], [sflag:$0x2] =	stream.indirect.gather [hbm4b:s4+s17], $0x80, s19, s17, $0xb8;
	[tilespmem:$0x1E400] =	vst v63  }
0x6e: {  	_ =	swait.ge [sflag:s23], $0x3E80  }
0x6f: {  	[sflag:s23] =	ssyncset.done $0x0  }
0x70: {  	s29 =	simm.s32 $0x1400;
	[sflag:s23] =	ssyncadd.s32 $0xFFFFC180  }
0x71: {  	[spmem:s1] =	stream.indirect.scatter.add.f32 [tilespmem:s18], [sflag:$0x3], $0x80, s29, s17, $0xb8;
	[tilespmem:$0x1E400] =	vst v63  }
0x72: {  	_ =	swait.ge [sflag:s15], $0x3E80  }
0x73: {  	[sflag:s15] =	ssyncset.done $0x0  }
0x74: {  	s29 =	simm.s32 $0x100;
	[sflag:s15] =	ssyncadd.s32 $0xFFFFC180  }
0x75: {  	[tilespmem:s18], [sflag:$0x1] =	stream.indirect.gather [hbm4b:s4+s17], $0x80, s29, s17, $0xb8;
	[tilespmem:$0x1E400] =	vst v63  }
0x76: {  	_ =	swait.ge [sflag:s24], $0x3E80  }
0x77: {  	[sflag:s24] =	ssyncset.done $0x0  }
0x78: {  	s29 =	simm.s32 $0x1480;
	[sflag:s24] =	ssyncadd.s32 $0xFFFFC180  }
0x79: {  	[spmem:s1] =	stream.indirect.scatter.add.f32 [tilespmem:s20], [sflag:$0x3], $0x80, s29, s17, $0xb8;
	[tilespmem:$0x1E400] =	vst v63  }
0x7a: {  	_ =	swait.ge [sflag:s15], $0x3E80  }
0x7b: {  	[sflag:s15] =	ssyncset.done $0x0  }
0x7c: {  	s30 =	simm.s32 $0x180;
	s29 =	simm.s32 $0x400;
	[sflag:s15] =	ssyncadd.s32 $0xFFFFC180  }
.LBB2_4:
0x7d: {  	[tilespmem:s20], [sflag:$0x2] =	stream.indirect.gather [hbm4b:s4+s17], $0x80, s30, s17, $0xb8;
	[tilespmem:$0x1E400] =	vst v63  }
0x7e: {  	s30 =	smov.u32 s29  }
0x7f: {  	p3 =	sne.s32 s29, $0x4800;
	s29 =	sadd.s32 $0x400, s29;
	_ =	swait.ge [sflag:s23], $0x3E80  }
0x80: {  	s30 =	sshra.s32 s30, $0x2;
	[sflag:s23] =	ssyncset.done $0x0  }
0x81: {  	s31 =	sadd.s32 $0x1400, s30;
	[sflag:s23] =	ssyncadd.s32 $0xFFFFC180  }
0x82: {  	[spmem:s1] =	stream.indirect.scatter.add.f32 [tilespmem:s18], [sflag:$0x3], $0x80, s31, s17, $0xb8;
	[tilespmem:$0x1E400] =	vst v63  }
0x83: {  	_ =	swait.ge [sflag:s15], $0x3E80  }
0x84: {  	[sflag:s15] =	ssyncset.done $0x0  }
0x85: {  	s31 =	sadd.s32 $0x100, s30;
	[sflag:s15] =	ssyncadd.s32 $0xFFFFC180  }
0x86: {  	[tilespmem:s18], [sflag:$0x1] =	stream.indirect.gather [hbm4b:s4+s17], $0x80, s31, s17, $0xb8;
	[tilespmem:$0x1E400] =	vst v63  }
0x87: {  	_ =	swait.ge [sflag:s24], $0x3E80  }
0x88: {  	[sflag:s24] =	ssyncset.done $0x0  }
.Ltmp1:
0x89: {  	s31 =	sadd.s32 $0x1480, s30;
	[sflag:s24] =	ssyncadd.s32 $0xFFFFC180;
	(pc) =	sbr.rel @p3 .LBB2_4-.Ltmp1, $4  }
0x8a: {  	[spmem:s1] =	stream.indirect.scatter.add.f32 [tilespmem:s20], [sflag:$0x3], $0x80, s31, s17, $0xb8;
	[tilespmem:$0x1E400] =	vst v63  }
0x8b: {  	_ =	swait.ge [sflag:s15], $0x3E80  }
0x8c: {  	[sflag:s15] =	ssyncset.done $0x0  }
0x8d: {  	s30 =	sadd.s32 $0x180, s30;
	[sflag:s15] =	ssyncadd.s32 $0xFFFFC180  }
0x8e: {  	[tilespmem:s20], [sflag:$0x2] =	stream.indirect.gather [hbm4b:s4+s17], $0x80, s30, s17, $0xb8;
	[tilespmem:$0x1E400] =	vst v63  }
0x8f: {  	_ =	swait.ge [sflag:s23], $0x3E80  }
0x90: {  	[sflag:s23] =	ssyncset.done $0x0  }
0x91: {  	[sflag:s23] =	ssyncadd.s32 $0xFFFFC180  }
0x92: {  	[spmem:s1] =	stream.indirect.scatter.add.f32 [tilespmem:s18], [sflag:$0x3], $0x80, s25, s17, $0xb8;
	[tilespmem:$0x1E400] =	vst v63  }
0x93: {  	_ =	swait.ge [sflag:s15], $0x3E80  }
0x94: {  	[sflag:s15] =	ssyncset.done $0x0  }
0x95: {  	[sflag:s15] =	ssyncadd.s32 $0xFFFFC180  }
0x96: {  	_ =	swait.ge [sflag:s24], $0x3E80  }
0x97: {  	[sflag:s24] =	ssyncset.done $0x0  }
0x98: {  	[sflag:s24] =	ssyncadd.s32 $0xFFFFC180  }
0x99: {  	[spmem:s1] =	stream.indirect.scatter.add.f32 [tilespmem:s20], [sflag:$0x3], $0x80, s26, s17, $0xb8;
	[tilespmem:$0x1E400] =	vst v63  }
0x9a: {  	_ =	swait.ge [sflag:s15], $0x3E80  }
0x9b: {  	s29 =	sshll.u32 s2, $0x6;
	s28 =	sadd.s32 $0x1, s28;
	[sflag:s15] =	ssyncset.done $0x0  }
0x9c: {  	s31 =	sshrl.u32 s8, $0x3;
	p3 =	sne.s32 s28, s14;
	[sflag:s15] =	ssyncadd.s32 $0xFFFFC180  }
.Ltmp2:
0x9d: {  	s29 =	sor.u32 $0x1C03, s29;
	[bflag:$0x0] =	sbarrier.arrive $0xFFFF;
	(pc) =	sbr.rel @p3 .LBB2_1-.Ltmp2, $4  }
0x9e: {  	[hbm:s13], [sflag:s29] =	dma.local [spmem:s31], $0x2780  }
0x9f: {  	_ =	swait.ge [sflag:s15], $0x2780  }
0xa0: {  	[sflag:s15] =	ssyncset.done $0x0  }
0xa1: {  	[sflag:s15] =	ssyncadd.s32 $0xFFFFD880  }
0xa2: {  	_ =	sfence.sel $0x180000  }
0xa3: {  	[bflag:$0x0] =	sbarrier.arrive $0xFFFF  }
0xa4: {  	p0 =	sne.s32 s2, $0x0;
	_ =	strace $0x90000050  }
0xa5: {  	s0 =	sadd.s32 @!p0 $0x100000, s0;
	[bflag:$0x2] =	sbarrier.arrive $0xFFFF  }
0xa6: {  	[sflag:s0] =	ssyncadd.tile.s32 @!p0 $0x1;
	_ =	shalt  }
.Lfunc_end2:
_tile_overlayer_lowered:
.L_overlay_start_2:
0xa7: {  	(tag) =	ssettag $0x2  }
0xa8: {  	s0 =	rddreg [dreg:$0x0];
	s2 =	stileid.u32  }
0xa9: {  	s1 =	rddreg [dreg:$0x1];
	p0 =	sne.s32 s2, $0x0  }
0xaa: {  	s3 =	rddreg [dreg:$0x2];
	[bflag:$0x3] =	sbarrier.arrive $0xFFFF;
	s2 =	simm.s32 @!p0 $0x1C03  }
0xab: {  	[timem:s3], [sflag:s2] =	dma.local @!p0 [hbm:s0], s1  }
0xac: {  	s0 =	simm.s32 @!p0 $0x3  }
0xad: {  	_ =	swait.ge @!p0 [sflag:s0], s1  }
0xae: {  	s1 =	ssub.s32 @!p0 $0x0, s1;
	[sflag:s0] =	ssyncset.done @!p0 $0x0  }
0xaf: {  	[sflag:s0] =	ssyncadd.s32 @!p0 s1  }
0xb0: {  	[bflag:$0x3] =	sbarrier.arrive $0xFFFF  }
0xb1: {  	_ =	shalt  }

// kernel: kernel.24.cloned.1.call-start
scs
__scs_entry_jumppad:
0x0: {  	(pc) =	sbr.rel $0x88, $3  }
0x1: {  	(tag) =	ssettag $0x0;
	lr =	simm.s32 $0x1  }
0x2: {  	[smem:$0x3F97] =	sst lr;
	_ =	strace $0xD0000000  }
0x3: {  	_ = 	snop  }
0x4: {  	_ = 	snop  }
0x5: {  	_ = 	snop  }
0x6: {  	_ = 	snop  }
0x7: {  	_ = 	snop  }
__scs_overlays_trampoline_lowered:
0x8: {  	[smem:$0x3FA6] =	sst s0  }
0x9: {  	[smem:$0x3FA7] =	sst s1  }
0xa: {  	[smem:$0x3FA8] =	sst s2  }
0xb: {  	[smem:$0x3FA9] =	sst s3  }
0xc: {  	[smem:$0x3FAA] =	sst s4  }
0xd: {  	[smem:$0x3FAB] =	sst s5  }
0xe: {  	[smem:$0x3FAC] =	sst s6  }
0xf: {  	[smem:$0x3FAD] =	sst s7  }
0x10: {  	[smem:$0x3FAE] =	sst s8  }
0x11: {  	[smem:$0x3FAF] =	sst s9;
	s0 =	simm.s32 @!p0 $0x0  }
0x12: {  	s1 =	sld [smem:$0x3F95];
	s0 =	simm.s32 @p0 $0x1  }
0x13: {  	[smem:$0x3FB0] =	sst s0;
	s0 =	simm.s32 @!p1 $0x0  }
0x14: {  	s2 =	sld [smem:$0x3F94];
	s0 =	simm.s32 @p1 $0x1  }
0x15: {  	[smem:$0x3FB1] =	sst s0;
	s0 =	simm.s32 @!p2 $0x0  }
0x16: {  	s3 =	sld [smem:$0x3FDB];
	s0 =	simm.s32 @p2 $0x1  }
0x17: {  	s4 =	simm.s32 $0x1BF5;
	[smem:$0x3FB3] =	sst s0  }
0x18: {  	s0 =	sld [smem:$0x3F96];
	_ =	swait.ge [sflag:s4], $0x0  }
0x19: {  	s7 =	sld [smem:$0x3F97]  }
0x1a: {  	s8 =	sadd.s32 $0xFFFFE003, lr  }
0x1b: {  	s9 =	sadd.s32 $0xFFFFFEF7, lr;
	s5 =	simm.s32 $0xFFFFFFFF;
	p2 =	slt.u32 s8, $0xFFFFF086  }
0x1c: {  	p1 =	slt.u32 s9, $0xF7A;
	s5 =	simm.s32 @!p2 $0x0  }
0x1d: {  	s5 =	simm.s32 @p1 $0x1;
	p0 =	seq.s32 s7, s2  }
0x1e: {  	s7 =	smul.u32 @!p0 $0xF7A, s2;
	p2 =	seq.s32 @!p0 s5, $0x0  }
0x1f: {  	s9 =	smul.u32 $0xF7A, s1;
	s8 =	simm.s32 @!p0 $0x1BF5;
	p2 =	por !p2, p0  }
0x20: {  	[sflag:s8] =	ssyncset.s32 @!p0 $0xFFFFF086;
	s6 =	sadd.s32 @!p0 s3, s7;
	s7 =	simm.s32 @!p0 $0x108  }
0x21: {  	s3 =	sadd.s32 s3, s9;
	s6 =	sadd.s32 @!p0 $0x88, s6;
	s7 =	simm.s32 @p2 $0x1082  }
0x22: {  	[simem:s7], [sflag:s8] =	dma.local @!p0 [hbm:s6], $0xF7A  }
0x23: {  	s9 =	sor.u32 $0xD0000000, s2;
	s6 =	simm.s32 $0x108;
	_ =	swait.ge @!p0 [sflag:s8], $0x0  }
0x24: {  	s3 =	sadd.s32 $0x88, s3;
	s6 =	simm.s32 @!p1 $0x1082;
	[sflag:s4] =	ssyncset.s32 $0xFFFFF086  }
0x25: {  	[simem:s6], [sflag:s4] =	dma.local [hbm:s3], $0xF7A  }
0x26: {  	[smem:$0x3F97] =	sst s1;
	(tag) =	ssettag s2;
	_ =	strace s9  }
0x27: {  	s1 =	sld [smem:$0x3FA7]  }
0x28: {  	s2 =	sld [smem:$0x3FA8]  }
0x29: {  	s4 =	sld [smem:$0x3FAA]  }
0x2a: {  	p0 =	seq.s32 s5, $0x0;
	s5 =	sld [smem:$0x3FAB]  }
0x2b: {  	s6 =	sld [smem:$0x3FAC]  }
0x2c: {  	s7 =	sld [smem:$0x3FAD]  }
0x2d: {  	s3 =	simm.s32 $0x108;
	s8 =	sld [smem:$0x3FAE]  }
0x2e: {  	s3 =	simm.s32 @!p0 $0x1082;
	s9 =	sld [smem:$0x3FAF]  }
0x2f: {  	lr =	sadd.s32 s0, s3;
	s0 =	sld [smem:$0x3FA6]  }
0x30: {  	s3 =	sld [smem:$0x3FA9]  }
0x31: {  	[smem:$0x3FB2] =	sst s10  }
0x32: {  	s10 =	sld [smem:$0x3FB0];
	_ =	sdelay $0x3  }
0x33: {  	p0 =	seq.s32 s10, $0x1;
	s10 =	sld [smem:$0x3FB2];
	_ =	sdelay $0x3  }
0x34: {  	[smem:$0x3FB2] =	sst s10  }
0x35: {  	s10 =	sld [smem:$0x3FB1];
	_ =	sdelay $0x3  }
0x36: {  	p1 =	seq.s32 s10, $0x1;
	s10 =	sld [smem:$0x3FB2];
	_ =	sdelay $0x3  }
0x37: {  	[smem:$0x3FB2] =	sst s10  }
0x38: {  	s10 =	sld [smem:$0x3FB3]  }
0x39: {  	_ = 	snop;
	(pc) =	sbr.ind lr, $3  }
0x3a: {  	_ = 	snop  }
0x3b: {  	_ = 	snop  }
0x3c: {  	p2 =	seq.s32 s10, $0x1;
	s10 =	sld [smem:$0x3FB2]  }
0x3d: {  	_ =	shalt  }
0x3e: {  	_ =	shalt  }
0x3f: {  	_ =	shalt  }
0x40: {  	_ =	shalt  }
0x41: {  	_ =	shalt  }
0x42: {  	_ =	shalt  }
0x43: {  	_ =	shalt  }
0x44: {  	_ =	shalt  }
0x45: {  	_ =	shalt  }
0x46: {  	_ =	shalt  }
0x47: {  	_ =	shalt  }
0x48: {  	_ =	shalt  }
0x49: {  	_ =	shalt  }
0x4a: {  	_ =	shalt  }
0x4b: {  	_ =	shalt  }
0x4c: {  	_ =	shalt  }
0x4d: {  	_ =	shalt  }
0x4e: {  	_ =	shalt  }
0x4f: {  	_ =	shalt  }
0x50: {  	_ =	shalt  }
0x51: {  	_ =	shalt  }
0x52: {  	_ =	shalt  }
0x53: {  	_ =	shalt  }
0x54: {  	_ =	shalt  }
0x55: {  	_ =	shalt  }
0x56: {  	_ =	shalt  }
0x57: {  	_ =	shalt  }
0x58: {  	_ =	shalt  }
0x59: {  	_ =	shalt  }
0x5a: {  	_ =	shalt  }
0x5b: {  	_ =	shalt  }
0x5c: {  	_ =	shalt  }
0x5d: {  	_ =	shalt  }
0x5e: {  	_ =	shalt  }
0x5f: {  	_ =	shalt  }
0x60: {  	_ =	shalt  }
0x61: {  	_ =	shalt  }
0x62: {  	_ =	shalt  }
0x63: {  	_ =	shalt  }
0x64: {  	_ =	shalt  }
0x65: {  	_ =	shalt  }
0x66: {  	_ =	shalt  }
0x67: {  	_ =	shalt  }
0x68: {  	_ =	shalt  }
0x69: {  	_ =	shalt  }
0x6a: {  	_ =	shalt  }
0x6b: {  	_ =	shalt  }
0x6c: {  	_ =	shalt  }
0x6d: {  	_ =	shalt  }
0x6e: {  	_ =	shalt  }
0x6f: {  	_ =	shalt  }
0x70: {  	_ =	shalt  }
0x71: {  	_ =	shalt  }
0x72: {  	_ =	shalt  }
0x73: {  	_ =	shalt  }
0x74: {  	_ =	shalt  }
0x75: {  	_ =	shalt  }
0x76: {  	_ =	shalt  }
0x77: {  	_ =	shalt  }
0x78: {  	_ =	shalt  }
0x79: {  	_ =	shalt  }
0x7a: {  	_ =	shalt  }
0x7b: {  	_ =	shalt  }
0x7c: {  	_ =	shalt  }
0x7d: {  	_ =	shalt  }
0x7e: {  	_ =	shalt  }
0x7f: {  	_ =	shalt  }
0x80: {  	_ =	shalt  }
0x81: {  	_ =	shalt  }
0x82: {  	_ =	shalt  }
0x83: {  	_ =	shalt  }
0x84: {  	_ =	shalt  }
0x85: {  	_ =	shalt  }
0x86: {  	_ =	shalt  }
0x87: {  	_ =	shalt  }
.Lfunc_end0:
.L_simem_size_0:
called_computation.4_lowered:
.L_overlay_start_0:
0x88: {  	s2 =	sld [smem:$0x3FD9]  }
0x89: {  	s3 =	sld [smem:$0x3FFE];
	_ =	sdelay $0x1  }
0x8a: {  	s1 =	srdreg.scid  }
0x8b: {  	s0 =	sand.u32 $0x1, s1  }
0x8c: {  	s16 =	sshll.u32 s0, $0xA;
	s2 =	sadd.s32 s3, s2  }
0x8d: {  	s2 =	sadd.s32 s2, s16  }
0x8e: {  	[smem:$0x3FBE] =	sst s2  }
0x8f: {  	_ = 	snop  }
0x90: {  	(tm) =	ssettm $0x1  }
0x91: {  	s17 =	sld [smem:$0x3FFB];
	_ =	sdelay $0x3  }
0x92: {  	_ =	strace s17  }
0x93: {  	s2 =	sld [smem:$0x3FFC];
	_ =	sdelay $0x3  }
0x94: {  	_ =	strace s2  }
0x95: {  	s2 =	sld [smem:$0x3FFD];
	_ =	sdelay $0x3  }
0x96: {  	_ =	strace s2  }
0x97: {  	_ =	strace $0x8FFFFFFF  }
0x98: {  	s18 =	sld [smem:$0x3FDB];
	_ =	sdelay $0x1  }
0x99: {  	s19 =	simm.s32 $_scs_section_size  }
0x9a: {  	s4 =	simm.s32 $_size__tile_overlayer_lowered;
	s5 =	simm.s32 $_tile_overlayer_lowered  }
0x9b: {  	s22 =	simm.s32 $0x1BFF;
	s21 =	sshll.u32 s5, $0x1;
	s2 =	sadd.s32 s19, s18  }
0x9c: {  	s6 =	simm.s32 $0x0;
	s20 =	sshll.u32 s4, $0x1;
	s4 =	sadd.s32 s21, s2  }
0x9d: {  	[timem:s6], [sflag:s22] =	dma.local [hbm:s4], s20  }
0x9e: {  	_ =	swait.ge [sflag:s22], s20  }
0x9f: {  	s3 =	ssub.s32 $0x0, s20;
	[sflag:s22] =	ssyncset.done $0x0  }
0xa0: {  	[sflag:s22] =	ssyncadd.s32 s3;
	_ =	sdelay $0x1  }
0xa1: {  	s23 =	simm.s32 $0x1B8B  }
0xa2: {  	_ =	swait.ge [sflag:s23], $0x1  }
0xa3: {  	[sflag:s23] =	ssyncset.done $0x0  }
0xa4: {  	s25 =	simm.s32 $0x1B8E;
	s24 =	sld [smem:$0x3FFE];
	[sflag:s23] =	ssyncadd.s32 $0xFFFFFFFF  }
0xa5: {  	s26 =	simm.s32 $execute0_lowered;
	[smem:$0x3FD2] =	sst s25  }
0xa6: {  	s4 =	sshll.u32 s26, $0x1;
	_ =	strace $0x80000052;
	[dreg:$0x1] =	wrdreg $0xFFFFFFFF  }
0xa7: {  	s28 =	simm.s32 $_size_execute0_lowered;
	s2 =	sadd.s32 s2, s4;
	[dreg:$0x0] =	wrdreg $0x0  }
0xa8: {  	s4 =	sshll.u32 s28, $0x1;
	[dreg:$0x2] =	wrdreg s2  }
0xa9: {  	[dreg:$0x3] =	wrdreg s4  }
0xaa: {  	[dreg:$0x4] =	wrdreg $0xC0  }
0xab: {  	_ =	task [dreg:s6], $0x5FFFF  }
0xac: {  	[dreg:$0x1] =	wrdreg $0xFFFFFFFF  }
0xad: {  	[dreg:$0x0] =	wrdreg $0x60  }
0xae: {  	[dreg:$0x2] =	wrdreg s24  }
0xaf: {  	[dreg:$0x3] =	wrdreg $0xA8000  }
0xb0: {  	[dreg:$0x4] =	wrdreg $0x9  }
0xb1: {  	_ =	task.clear_ibuf [dreg:s6], $0x5FFFF;
	_ =	strace $0x90000052  }
0xb2: {  	s29 =	simm.s32 $0x9;
	_ =	strace $0x80000054  }
0xb3: {  	_ =	swait.ge [sflag:s29], $0x1  }
0xb4: {  	[sflag:s29] =	ssyncadd.s32 $0xFFFFFFFF  }
0xb5: {  	_ =	strace $0x90000054  }
0xb6: {  	_ =	sfence  }
0xb7: {  	s30 =	sld [smem:$0x0];
	_ =	sdelay $0x2  }
0xb8: {  	s31 =	sshll.u32 s1, $0xD;
	s1 =	sshrl.u32 s1, $0x2  }
0xb9: {  	s3 =	sand.u32 $0x4000, s31;
	s1 =	sadd.s32 s1, s30  }
0xba: {  	s0 =	sor.u32 s3, s0;
	s1 =	sshll.u32 s1, $0x11  }
0xbb: {  	s0 =	sor.u32 s1, s0  }
0xbc: {  	s0 =	sadd.s32 $0x8F2B, s0  }
0xbd: {  	[sflag:s0] =	ssyncadd.remote.s32 $0x1  }
0xbe: {  	_ =	sfence.sel $0xFFFF  }
0xbf: {  	[dreg:$0x0] =	wrdreg $0xFFFFFFFF;
	(pc) =	sbr.abs _section_cstart, $3  }
0xc0: {  	[dreg:$0x1] =	wrdreg $0xFFFFFFFF  }
0xc1: {  	_ =	task.clear_ibuf [dreg:s6], $0x2FFFF;
	_ =	strace $0x9FFFFFFF  }
0xc2: {  	(tm) =	ssettm $0x7FFFFFFF  }
0xc3: {  	_ =	shalt  }
tec
execute0_lowered:
.L_overlay_start_1:
0x0: {  	(tag) =	ssettag $0x1  }
0x1: {  	s10 =	rddreg [dreg:$0x0]  }
0x2: {  	s1 =	rddreg [dreg:$0x1]  }
0x3: {  	s0 =	rddreg [dreg:$0x2]  }
0x4: {  	s3 =	simm.s32 $0x0;
	s2 =	srdreg.scid;
	s17 =	simm.s32 $0x7D  }
0x5: {  	s18 =	simm.s32 $0x2800;
	s19 =	simm.s32 $0x80;
	s20 =	simm.s32 $0x6800  }
0x6: {  	s23 =	simm.s32 $0x1;
	s24 =	simm.s32 $0x2;
	s28 =	simm.s32 $0x0  }
0x7: {  	[smem:$0x7FF] =	sst s3;
	s8 =	sand.u32 $0x1, s2;
	s2 =	stileid.u32  }
0x8: {  	s4 =	sadd.s32 $0x1AC00, s10;
	s11 =	sadd.s32 $0x4400, s10;
	s21 =	sadd.s32 $0x128400, s1  }
0x9: {  	s12 =	sadd.s32 $0xE400, s10;
	s22 =	sadd.s32 $0x138800, s1;
	s6 =	smul.u32 $0x13C000, s8  }
0xa: {  	s5 =	sadd.s32 $0x18400, s10;
	_ =	strace $0x80000053;
	s7 =	smul.u32 $0x13C00, s2  }
0xb: {  	s9 =	sshll.u32 s2, $0x1;
	s26 =	ssub.s32 $0x2, s8;
	s14 =	smul.u32 $0x4F000, s2  }
0xc: {  	s30 =	smul.u32 $0x2780, s2;
	p0 =	seq.s32 s8, $0x1;
	s25 =	sor.u32 s8, s9  }
0xd: {  	s29 =	sshrl.u32 s26, $0x1;
	p2 =	seq.s32 @!p0 s2, $0xF;
	s6 =	sadd.s32 s7, s6  }
0xe: {  	s7 =	smul.u32 $0x2800, s25;
	s15 =	ssub.s32 s26, s29;
	s14 =	sshrl.u32 s14, $0x2  }
0xf: {  	s9 =	sadd.s32 s4, s30;
	p1 =	por !p2, p0;
	p2 =	por p2, p0  }
0x10: {  	s25 =	simm.s32 $0x2700;
	s26 =	simm.s32 $0x2780;
	s6 =	sshrl.u32 s6, $0x3  }
0x11: {  	s8 =	sadd.s32 s14, s1;
	s14 =	smax.u32 s15, $0x1;
	s15 =	simm.s32 $0x3  }
0x12: {  	s21 =	sshrl.u32 @!p1 s21, $0x3;
	s22 =	sshrl.u32 @!p1 s22, $0x3;
	s16 =	sshrl.u32 s7, $0x3  }
0x13: {  	s13 =	sadd.s32 s6, s10;
	s10 =	sadd.s32 $0x3FC80, s10;
	s6 =	sadd.s32 s11, s16  }
0x14: {  	s7 =	sadd.s32 s12, s16;
	s31 =	sadd.s32 $0x280, s16;
	s13 =	sadd.s32 $0x41E00, s13  }
0x15: {  	s16 =	simm.s32 $0x1400;
	s11 =	sadd.s32 s11, s31;
	s12 =	sadd.s32 s12, s31  }
.LBB2_1:
0x16: {  	[tilespmem:s3], [sflag:$0x3] =	stream.linear.gather [hbm4b:s6+s3], $0x1400, $0x38;
	[tilespmem:$0x1E400] =	vst v63  }
0x17: {  	_ =	swait.ge [sflag:s15], $0x1400  }
0x18: {  	[sflag:s15] =	ssyncset.done $0x0  }
0x19: {  	[sflag:s15] =	ssyncadd.s32 $0xFFFFEC00  }
0x1a: {  	[tilespmem:s16], [sflag:$0x3] =	stream.linear.gather [hbm4b:s7+s3], $0x1400, $0x38;
	[tilespmem:$0x1E400] =	vst v63  }
0x1b: {  	_ =	swait.ge [sflag:s15], $0x1400  }
0x1c: {  	[sflag:s15] =	ssyncset.done $0x0  }
0x1d: {  	s29 =	sshll.u32 @p0 s2, $0x6;
	[sflag:s15] =	ssyncadd.s32 $0xFFFFEC00  }
0x1e: {  	[tilespmem:s18], [sflag:$0x1] =	stream.indirect.gather [hbm4b:s4+s17], $0x80, s3, s17, $0xb8;
	[tilespmem:$0x1E400] =	vst v63  }
0x1f: {  	s30 =	sshrl.u32 @p0 s8, $0x3;
	s29 =	sor.u32 @p0 $0x1C03, s29  }
0x20: {  	[tilespmem:s20], [sflag:$0x2] =	stream.indirect.gather [hbm4b:s4+s17], $0x80, s19, s17, $0xb8;
	[tilespmem:$0x1E400] =	vst v63  }
0x21: {  	[spmem:s30], [sflag:s29] =	dma.local @p0 [hbm:s5], $0x2780  }
0x22: {  	s29 =	simm.s32 @p0 $0x3  }
0x23: {  	_ =	swait.ge @p0 [sflag:s29], $0x2780  }
0x24: {  	[sflag:s29] =	ssyncset.done @p0 $0x0  }
0x25: {  	s30 =	simm.s32 @!p1 $0x3;
	[sflag:s29] =	ssyncadd.s32 @p0 $0xFFFFD880;
	s29 =	simm.s32 @!p1 $0x1FC3  }
0x26: {  	[spmem:s21], [sflag:s29] =	dma.local @!p1 [hbm:s10], $0x2080  }
0x27: {  	_ =	swait.ge @!p1 [sflag:s30], $0x2080  }
0x28: {  	[sflag:s30] =	ssyncset.done @!p1 $0x0  }
0x29: {  	[sflag:s30] =	ssyncadd.s32 @!p1 $0xFFFFDF80  }
0x2a: {  	[spmem:s22], [sflag:s29] =	dma.local @!p1 [hbm:s5], $0x700  }
0x2b: {  	_ =	swait.ge @!p1 [sflag:s30], $0x700  }
0x2c: {  	s29 =	sshll.u32 @!p2 s2, $0x6;
	[sflag:s30] =	ssyncset.done @!p1 $0x0  }
0x2d: {  	s29 =	sor.u32 @!p2 $0x1C03, s29;
	[sflag:s30] =	ssyncadd.s32 @!p1 $0xFFFFF900;
	s30 =	sshrl.u32 @!p2 s8, $0x3  }
0x2e: {  	[spmem:s30], [sflag:s29] =	dma.local @!p2 [hbm:s9], $0x2780  }
0x2f: {  	s29 =	simm.s32 @!p2 $0x3  }
0x30: {  	_ =	swait.ge @!p2 [sflag:s29], $0x2780  }
0x31: {  	[sflag:s29] =	ssyncset.done @!p2 $0x0  }
0x32: {  	[sflag:s29] =	ssyncadd.s32 @!p2 $0xFFFFD880  }
0x33: {  	[bflag:$0x0] =	sbarrier.arrive $0xFFFF  }
0x34: {  	_ =	swait.ge [sflag:s23], $0x3E80  }
0x35: {  	[sflag:s23] =	ssyncset.done $0x0  }
0x36: {  	s29 =	simm.s32 $0x1400;
	[sflag:s23] =	ssyncadd.s32 $0xFFFFC180  }
0x37: {  	[spmem:s1] =	stream.indirect.scatter.add.f32 [tilespmem:s18], [sflag:$0x3], $0x80, s29, s17, $0xb8;
	[tilespmem:$0x1E400] =	vst v63  }
0x38: {  	_ =	swait.ge [sflag:s15], $0x3E80  }
0x39: {  	[sflag:s15] =	ssyncset.done $0x0  }
0x3a: {  	s29 =	simm.s32 $0x100;
	[sflag:s15] =	ssyncadd.s32 $0xFFFFC180  }
0x3b: {  	[tilespmem:s18], [sflag:$0x1] =	stream.indirect.gather [hbm4b:s4+s17], $0x80, s29, s17, $0xb8;
	[tilespmem:$0x1E400] =	vst v63  }
0x3c: {  	_ =	swait.ge [sflag:s24], $0x3E80  }
0x3d: {  	[sflag:s24] =	ssyncset.done $0x0  }
0x3e: {  	s29 =	simm.s32 $0x1480;
	[sflag:s24] =	ssyncadd.s32 $0xFFFFC180  }
0x3f: {  	[spmem:s1] =	stream.indirect.scatter.add.f32 [tilespmem:s20], [sflag:$0x3], $0x80, s29, s17, $0xb8;
	[tilespmem:$0x1E400] =	vst v63  }
0x40: {  	_ =	swait.ge [sflag:s15], $0x3E80  }
0x41: {  	[sflag:s15] =	ssyncset.done $0x0  }
0x42: {  	s30 =	simm.s32 $0x180;
	s29 =	simm.s32 $0x400;
	[sflag:s15] =	ssyncadd.s32 $0xFFFFC180  }
.LBB2_2:
0x43: {  	[tilespmem:s20], [sflag:$0x2] =	stream.indirect.gather [hbm4b:s4+s17], $0x80, s30, s17, $0xb8;
	[tilespmem:$0x1E400] =	vst v63  }
0x44: {  	s30 =	smov.u32 s29  }
0x45: {  	p3 =	sne.s32 s29, $0x4800;
	s29 =	sadd.s32 $0x400, s29;
	_ =	swait.ge [sflag:s23], $0x3E80  }
0x46: {  	s30 =	sshra.s32 s30, $0x2;
	[sflag:s23] =	ssyncset.done $0x0  }
0x47: {  	s31 =	sadd.s32 $0x1400, s30;
	[sflag:s23] =	ssyncadd.s32 $0xFFFFC180  }
0x48: {  	[spmem:s1] =	stream.indirect.scatter.add.f32 [tilespmem:s18], [sflag:$0x3], $0x80, s31, s17, $0xb8;
	[tilespmem:$0x1E400] =	vst v63  }
0x49: {  	_ =	swait.ge [sflag:s15], $0x3E80  }
0x4a: {  	[sflag:s15] =	ssyncset.done $0x0  }
0x4b: {  	s31 =	sadd.s32 $0x100, s30;
	[sflag:s15] =	ssyncadd.s32 $0xFFFFC180  }
0x4c: {  	[tilespmem:s18], [sflag:$0x1] =	stream.indirect.gather [hbm4b:s4+s17], $0x80, s31, s17, $0xb8;
	[tilespmem:$0x1E400] =	vst v63  }
0x4d: {  	_ =	swait.ge [sflag:s24], $0x3E80  }
0x4e: {  	[sflag:s24] =	ssyncset.done $0x0  }
.Ltmp0:
0x4f: {  	s31 =	sadd.s32 $0x1480, s30;
	[sflag:s24] =	ssyncadd.s32 $0xFFFFC180;
	(pc) =	sbr.rel @p3 .LBB2_2-.Ltmp0, $4  }
0x50: {  	[spmem:s1] =	stream.indirect.scatter.add.f32 [tilespmem:s20], [sflag:$0x3], $0x80, s31, s17, $0xb8;
	[tilespmem:$0x1E400] =	vst v63  }
0x51: {  	_ =	swait.ge [sflag:s15], $0x3E80  }
0x52: {  	[sflag:s15] =	ssyncset.done $0x0  }
0x53: {  	s30 =	sadd.s32 $0x180, s30;
	[sflag:s15] =	ssyncadd.s32 $0xFFFFC180  }
0x54: {  	[tilespmem:s20], [sflag:$0x2] =	stream.indirect.gather [hbm4b:s4+s17], $0x80, s30, s17, $0xb8;
	[tilespmem:$0x1E400] =	vst v63  }
0x55: {  	_ =	swait.ge [sflag:s23], $0x3E80  }
0x56: {  	[sflag:s23] =	ssyncset.done $0x0  }
0x57: {  	[sflag:s23] =	ssyncadd.s32 $0xFFFFC180  }
0x58: {  	[spmem:s1] =	stream.indirect.scatter.add.f32 [tilespmem:s18], [sflag:$0x3], $0x80, s25, s17, $0xb8;
	[tilespmem:$0x1E400] =	vst v63  }
0x59: {  	_ =	swait.ge [sflag:s15], $0x3E80  }
0x5a: {  	[sflag:s15] =	ssyncset.done $0x0  }
0x5b: {  	[sflag:s15] =	ssyncadd.s32 $0xFFFFC180  }
0x5c: {  	_ =	swait.ge [sflag:s24], $0x3E80  }
0x5d: {  	[sflag:s24] =	ssyncset.done $0x0  }
0x5e: {  	[sflag:s24] =	ssyncadd.s32 $0xFFFFC180  }
0x5f: {  	[spmem:s1] =	stream.indirect.scatter.add.f32 [tilespmem:s20], [sflag:$0x3], $0x80, s26, s17, $0xb8;
	[tilespmem:$0x1E400] =	vst v63  }
0x60: {  	_ =	swait.ge [sflag:s15], $0x3E80  }
0x61: {  	[sflag:s15] =	ssyncset.done $0x0  }
0x62: {  	s29 =	simm.s32 $0x0;
	[sflag:s15] =	ssyncadd.s32 $0xFFFFC180  }
0x63: {  	[tilespmem:s29], [sflag:$0x3] =	stream.linear.gather [hbm4b:s11+s29], $0x1400, $0x38;
	[tilespmem:$0x1E400] =	vst v63  }
0x64: {  	_ =	swait.ge [sflag:s15], $0x1400  }
0x65: {  	[sflag:s15] =	ssyncset.done $0x0  }
0x66: {  	[sflag:s15] =	ssyncadd.s32 $0xFFFFEC00  }
0x67: {  	[tilespmem:s16], [sflag:$0x3] =	stream.linear.gather [hbm4b:s12+s29], $0x1400, $0x38;
	[tilespmem:$0x1E400] =	vst v63  }
0x68: {  	_ =	swait.ge [sflag:s15], $0x1400  }
0x69: {  	[sflag:s15] =	ssyncset.done $0x0  }
0x6a: {  	[sflag:s15] =	ssyncadd.s32 $0xFFFFEC00  }
0x6b: {  	[tilespmem:s18], [sflag:$0x1] =	stream.indirect.gather [hbm4b:s4+s17], $0x80, s29, s17, $0xb8;
	[tilespmem:$0x1E400] =	vst v63  }
0x6c: {  	_ = 	snop  }
0x6d: {  	[tilespmem:s20], [sflag:$0x2] =	stream.indirect.gather [hbm4b:s4+s17], $0x80, s19, s17, $0xb8;
	[tilespmem:$0x1E400] =	vst v63  }
0x6e: {  	_ =	swait.ge [sflag:s23], $0x3E80  }
0x6f: {  	[sflag:s23] =	ssyncset.done $0x0  }
0x70: {  	s29 =	simm.s32 $0x1400;
	[sflag:s23] =	ssyncadd.s32 $0xFFFFC180  }
0x71: {  	[spmem:s1] =	stream.indirect.scatter.add.f32 [tilespmem:s18], [sflag:$0x3], $0x80, s29, s17, $0xb8;
	[tilespmem:$0x1E400] =	vst v63  }
0x72: {  	_ =	swait.ge [sflag:s15], $0x3E80  }
0x73: {  	[sflag:s15] =	ssyncset.done $0x0  }
0x74: {  	s29 =	simm.s32 $0x100;
	[sflag:s15] =	ssyncadd.s32 $0xFFFFC180  }
0x75: {  	[tilespmem:s18], [sflag:$0x1] =	stream.indirect.gather [hbm4b:s4+s17], $0x80, s29, s17, $0xb8;
	[tilespmem:$0x1E400] =	vst v63  }
0x76: {  	_ =	swait.ge [sflag:s24], $0x3E80  }
0x77: {  	[sflag:s24] =	ssyncset.done $0x0  }
0x78: {  	s29 =	simm.s32 $0x1480;
	[sflag:s24] =	ssyncadd.s32 $0xFFFFC180  }
0x79: {  	[spmem:s1] =	stream.indirect.scatter.add.f32 [tilespmem:s20], [sflag:$0x3], $0x80, s29, s17, $0xb8;
	[tilespmem:$0x1E400] =	vst v63  }
0x7a: {  	_ =	swait.ge [sflag:s15], $0x3E80  }
0x7b: {  	[sflag:s15] =	ssyncset.done $0x0  }
0x7c: {  	s30 =	simm.s32 $0x180;
	s29 =	simm.s32 $0x400;
	[sflag:s15] =	ssyncadd.s32 $0xFFFFC180  }
.LBB2_4:
0x7d: {  	[tilespmem:s20], [sflag:$0x2] =	stream.indirect.gather [hbm4b:s4+s17], $0x80, s30, s17, $0xb8;
	[tilespmem:$0x1E400] =	vst v63  }
0x7e: {  	s30 =	smov.u32 s29  }
0x7f: {  	p3 =	sne.s32 s29, $0x4800;
	s29 =	sadd.s32 $0x400, s29;
	_ =	swait.ge [sflag:s23], $0x3E80  }
0x80: {  	s30 =	sshra.s32 s30, $0x2;
	[sflag:s23] =	ssyncset.done $0x0  }
0x81: {  	s31 =	sadd.s32 $0x1400, s30;
	[sflag:s23] =	ssyncadd.s32 $0xFFFFC180  }
0x82: {  	[spmem:s1] =	stream.indirect.scatter.add.f32 [tilespmem:s18], [sflag:$0x3], $0x80, s31, s17, $0xb8;
	[tilespmem:$0x1E400] =	vst v63  }
0x83: {  	_ =	swait.ge [sflag:s15], $0x3E80  }
0x84: {  	[sflag:s15] =	ssyncset.done $0x0  }
0x85: {  	s31 =	sadd.s32 $0x100, s30;
	[sflag:s15] =	ssyncadd.s32 $0xFFFFC180  }
0x86: {  	[tilespmem:s18], [sflag:$0x1] =	stream.indirect.gather [hbm4b:s4+s17], $0x80, s31, s17, $0xb8;
	[tilespmem:$0x1E400] =	vst v63  }
0x87: {  	_ =	swait.ge [sflag:s24], $0x3E80  }
0x88: {  	[sflag:s24] =	ssyncset.done $0x0  }
.Ltmp1:
0x89: {  	s31 =	sadd.s32 $0x1480, s30;
	[sflag:s24] =	ssyncadd.s32 $0xFFFFC180;
	(pc) =	sbr.rel @p3 .LBB2_4-.Ltmp1, $4  }
0x8a: {  	[spmem:s1] =	stream.indirect.scatter.add.f32 [tilespmem:s20], [sflag:$0x3], $0x80, s31, s17, $0xb8;
	[tilespmem:$0x1E400] =	vst v63  }
0x8b: {  	_ =	swait.ge [sflag:s15], $0x3E80  }
0x8c: {  	[sflag:s15] =	ssyncset.done $0x0  }
0x8d: {  	s30 =	sadd.s32 $0x180, s30;
	[sflag:s15] =	ssyncadd.s32 $0xFFFFC180  }
0x8e: {  	[tilespmem:s20], [sflag:$0x2] =	stream.indirect.gather [hbm4b:s4+s17], $0x80, s30, s17, $0xb8;
	[tilespmem:$0x1E400] =	vst v63  }
0x8f: {  	_ =	swait.ge [sflag:s23], $0x3E80  }
0x90: {  	[sflag:s23] =	ssyncset.done $0x0  }
0x91: {  	[sflag:s23] =	ssyncadd.s32 $0xFFFFC180  }
0x92: {  	[spmem:s1] =	stream.indirect.scatter.add.f32 [tilespmem:s18], [sflag:$0x3], $0x80, s25, s17, $0xb8;
	[tilespmem:$0x1E400] =	vst v63  }
0x93: {  	_ =	swait.ge [sflag:s15], $0x3E80  }
0x94: {  	[sflag:s15] =	ssyncset.done $0x0  }
0x95: {  	[sflag:s15] =	ssyncadd.s32 $0xFFFFC180  }
0x96: {  	_ =	swait.ge [sflag:s24], $0x3E80  }
0x97: {  	[sflag:s24] =	ssyncset.done $0x0  }
0x98: {  	[sflag:s24] =	ssyncadd.s32 $0xFFFFC180  }
0x99: {  	[spmem:s1] =	stream.indirect.scatter.add.f32 [tilespmem:s20], [sflag:$0x3], $0x80, s26, s17, $0xb8;
	[tilespmem:$0x1E400] =	vst v63  }
0x9a: {  	_ =	swait.ge [sflag:s15], $0x3E80  }
0x9b: {  	s29 =	sshll.u32 s2, $0x6;
	s28 =	sadd.s32 $0x1, s28;
	[sflag:s15] =	ssyncset.done $0x0  }
0x9c: {  	s31 =	sshrl.u32 s8, $0x3;
	p3 =	sne.s32 s28, s14;
	[sflag:s15] =	ssyncadd.s32 $0xFFFFC180  }
.Ltmp2:
0x9d: {  	s29 =	sor.u32 $0x1C03, s29;
	[bflag:$0x0] =	sbarrier.arrive $0xFFFF;
	(pc) =	sbr.rel @p3 .LBB2_1-.Ltmp2, $4  }
0x9e: {  	[hbm:s13], [sflag:s29] =	dma.local [spmem:s31], $0x2780  }
0x9f: {  	_ =	swait.ge [sflag:s15], $0x2780  }
0xa0: {  	[sflag:s15] =	ssyncset.done $0x0  }
0xa1: {  	[sflag:s15] =	ssyncadd.s32 $0xFFFFD880  }
0xa2: {  	_ =	sfence.sel $0x180000  }
0xa3: {  	[bflag:$0x0] =	sbarrier.arrive $0xFFFF  }
0xa4: {  	p0 =	sne.s32 s2, $0x0;
	_ =	strace $0x90000053  }
0xa5: {  	s0 =	sadd.s32 @!p0 $0x100000, s0;
	[bflag:$0x2] =	sbarrier.arrive $0xFFFF  }
0xa6: {  	[sflag:s0] =	ssyncadd.tile.s32 @!p0 $0x1;
	_ =	shalt  }
.Lfunc_end2:
_tile_overlayer_lowered:
.L_overlay_start_2:
0xa7: {  	(tag) =	ssettag $0x2  }
0xa8: {  	s0 =	rddreg [dreg:$0x0];
	s2 =	stileid.u32  }
0xa9: {  	s1 =	rddreg [dreg:$0x1];
	p0 =	sne.s32 s2, $0x0  }
0xaa: {  	s3 =	rddreg [dreg:$0x2];
	[bflag:$0x3] =	sbarrier.arrive $0xFFFF;
	s2 =	simm.s32 @!p0 $0x1C03  }
0xab: {  	[timem:s3], [sflag:s2] =	dma.local @!p0 [hbm:s0], s1  }
0xac: {  	s0 =	simm.s32 @!p0 $0x3  }
0xad: {  	_ =	swait.ge @!p0 [sflag:s0], s1  }
0xae: {  	s1 =	ssub.s32 @!p0 $0x0, s1;
	[sflag:s0] =	ssyncset.done @!p0 $0x0  }
0xaf: {  	[sflag:s0] =	ssyncadd.s32 @!p0 s1  }
0xb0: {  	[bflag:$0x3] =	sbarrier.arrive $0xFFFF  }
0xb1: {  	_ =	shalt  }

</sc_bundles>
